<compile_context>
chip_gen: v7x
topology: tpu7x:2x2x1
jax: 0.10.2.dev20260603
libtpu: 0.0.44.dev20260713+nightly
codegen_flags: <defaults>
</compile_context>

<pallas_src>
import functools

import jax
import jax.numpy as jnp
from jax import lax
from jax.experimental import pallas as pl
from jax.experimental.pallas import tpu as pltpu
from jax.experimental.pallas import tpu_sc as plsc

N = 10000
E = 160000
F = 256
NCLASS = 64

NC = 2
NS = 16
LANES = 16

RPT = 320
NPH = NS * RPT
NPAD = NC * NPH
K = 32
CPB = 48
MB = CPB * K
EPAD = E + 2 * MB
ER = EPAD // K


def _segsum_body(x_hbm, adj_hbm, row_hbm, col_hbm, bounds_hbm, out_hbm,
                 acc, colv, roww, adjv, rows_a, rows_b, rows_c, bnd,
                 sem_a, sem_b, sem_c):
    c = lax.axis_index("c")
    s = lax.axis_index("s")
    wid = c * NS + s
    nbase = wid * RPT

    pltpu.sync_copy(bounds_hbm, bnd)
    lo_e = plsc.load_gather(bnd, [jnp.full((LANES,), wid, jnp.int32)])[0]
    hi_e = plsc.load_gather(bnd, [jnp.full((LANES,), wid + 1, jnp.int32)])[0]

    def _zero(r, carry):
        for j in range(F // LANES):
            acc[r, pl.ds(j * LANES, LANES)] = jnp.zeros((LANES,), jnp.float32)
        return carry
    lax.fori_loop(0, RPT, _zero, 0)

    startrow = (lo_e // K) // 8 * 8
    nblocks = (jnp.maximum(hi_e - startrow * K, 0) + MB - 1) // MB

    bufs = ((rows_a, sem_a), (rows_b, sem_b), (rows_c, sem_c))

    def _block(m, carry):
        brow = startrow + m * CPB
        pltpu.sync_copy(col_hbm.at[pl.ds(brow, CPB)], colv)
        pltpu.sync_copy(row_hbm.at[pl.ds(brow, CPB)], roww)
        pltpu.sync_copy(adj_hbm.at[pl.ds(brow, CPB)], adjv)
        def _mask(q, carry2):
            ebase = (brow + q) * K
            for j in range(K // LANES):
                eid = ebase + j * LANES + lax.iota(jnp.int32, LANES)
                w = adjv[q, pl.ds(j * LANES, LANES)]
                valid = (eid >= lo_e) & (eid < hi_e)
                adjv[q, pl.ds(j * LANES, LANES)] = jnp.where(valid, w, 0.0)
            return carry2
        lax.fori_loop(0, CPB, _mask, 0)

        lane_iota = lax.iota(jnp.int32, LANES)
        for pr in range(2):
            pltpu.async_copy(x_hbm.at[colv.at[pr]], bufs[pr][0], bufs[pr][1])

        def _pair(p, carry2):
            for b in range(3):
                q = p * 3 + b
                buf, sem = bufs[b]
                nbuf, nsem = bufs[(b + 2) % 3]
                pltpu.make_async_copy(x_hbm.at[colv.at[q]], buf, sem).wait()

                @pl.when(q + 2 < CPB)
                def _start_next():
                    pltpu.async_copy(x_hbm.at[colv.at[q + 2]], nbuf, nsem)

                _buf = buf

                @plsc.parallel_loop(0, K, step=1, unroll=2)
                def _acc_edge(e):
                    qv = jnp.full((LANES,), q, jnp.int32)
                    ev = jnp.full((LANES,), e, jnp.int32)
                    w16 = plsc.load_gather(adjv, [qv, ev])
                    dst16 = plsc.load_gather(roww, [qv, ev])
                    vs = [_buf[e, pl.ds(j * LANES, LANES)]
                          for j in range(F // LANES)]
                    for j in range(F // LANES):
                        plsc.addupdate_scatter(
                            acc, [dst16, j * LANES + lane_iota], vs[j] * w16)
            return carry2
        lax.fori_loop(0, CPB // 3, _pair, 0)
        return carry
    lax.fori_loop(0, nblocks, _block, 0)

    pltpu.sync_copy(acc, out_hbm.at[pl.ds(nbase, RPT)])


def _sc_segsum(x, adj_p, row_p, col_p, bounds):
    mesh = plsc.VectorSubcoreMesh(core_axis_name="c", subcore_axis_name="s")
    fn = pl.kernel(
        _segsum_body,
        out_type=jax.ShapeDtypeStruct((NPAD, F), jnp.float32),
        mesh=mesh,
        scratch_types=[
            pltpu.VMEM((RPT, F), jnp.float32),
            pltpu.VMEM((CPB, K), jnp.int32),
            pltpu.VMEM((CPB, K), jnp.int32),
            pltpu.VMEM((CPB, K), jnp.float32),
            pltpu.VMEM((K, F), jnp.float32),
            pltpu.VMEM((K, F), jnp.float32),
            pltpu.VMEM((K, F), jnp.float32),
            pltpu.VMEM((64,), jnp.int32),
            pltpu.SemaphoreType.DMA,
            pltpu.SemaphoreType.DMA,
            pltpu.SemaphoreType.DMA,
        ],
        compiler_params=pltpu.CompilerParams(needs_layout_passes=False),
    )
    return fn(x, adj_p, row_p, col_p, bounds)


BM = 2000


def _tc_layer_body(beta_ref, x_ref, agg_ref, ws_ref, bs_ref, wn_ref, bn_ref, o_ref):
    hs = jnp.dot(x_ref[...], ws_ref[...], preferred_element_type=jnp.float32)
    hs = jnp.maximum(hs + bs_ref[...], 0.0)
    hn = jnp.dot(agg_ref[...], wn_ref[...], preferred_element_type=jnp.float32)
    hn = jnp.maximum(hn + bn_ref[...], 0.0)
    b = jax.nn.sigmoid(beta_ref[0, 0])
    o_ref[...] = b * hs + (1.0 - b) * hn


def _tc_layer(beta_p, x, agg, Ws, bs, Wn, bn):
    return pl.pallas_call(
        _tc_layer_body,
        grid=(N // BM,),
        in_specs=[
            pl.BlockSpec((1, 1), lambda i: (0, 0)),
            pl.BlockSpec((BM, F), lambda i: (i, 0)),
            pl.BlockSpec((BM, F), lambda i: (i, 0)),
            pl.BlockSpec((F, F), lambda i: (0, 0)),
            pl.BlockSpec((1, F), lambda i: (0, 0)),
            pl.BlockSpec((F, F), lambda i: (0, 0)),
            pl.BlockSpec((1, F), lambda i: (0, 0)),
        ],
        out_specs=pl.BlockSpec((BM, F), lambda i: (i, 0)),
        out_shape=jax.ShapeDtypeStruct((N, F), jnp.float32),
    )(beta_p, x, agg, Ws, bs, Wn, bn)


def _tc_final_body(beta_ref, x_ref, agg_ref, ws_ref, bs_ref, wn_ref, bn_ref,
                   wc_ref, bc_ref, o_ref):
    hs = jnp.dot(x_ref[...], ws_ref[...], preferred_element_type=jnp.float32)
    hs = jnp.maximum(hs + bs_ref[...], 0.0)
    hn = jnp.dot(agg_ref[...], wn_ref[...], preferred_element_type=jnp.float32)
    hn = jnp.maximum(hn + bn_ref[...], 0.0)
    b = jax.nn.sigmoid(beta_ref[0, 0])
    hp = b * hs + (1.0 - b) * hn
    logits = jnp.dot(hp, wc_ref[...], preferred_element_type=jnp.float32) + bc_ref[...]
    m = jnp.max(logits, axis=1, keepdims=True)
    lse = jnp.log(jnp.sum(jnp.exp(logits - m), axis=1, keepdims=True)) + m
    o_ref[...] = logits - lse


def _tc_final(beta_p, x, agg, Ws, bs, Wn, bn, Wc, bc):
    return pl.pallas_call(
        _tc_final_body,
        grid=(N // BM,),
        in_specs=[
            pl.BlockSpec((1, 1), lambda i: (0, 0)),
            pl.BlockSpec((BM, F), lambda i: (i, 0)),
            pl.BlockSpec((BM, F), lambda i: (i, 0)),
            pl.BlockSpec((F, F), lambda i: (0, 0)),
            pl.BlockSpec((1, F), lambda i: (0, 0)),
            pl.BlockSpec((F, F), lambda i: (0, 0)),
            pl.BlockSpec((1, F), lambda i: (0, 0)),
            pl.BlockSpec((F, NCLASS), lambda i: (0, 0)),
            pl.BlockSpec((1, NCLASS), lambda i: (0, 0)),
        ],
        out_specs=pl.BlockSpec((BM, NCLASS), lambda i: (i, 0)),
        out_shape=jax.ShapeDtypeStruct((N, NCLASS), jnp.float32),
    )(beta_p, x, agg, Ws, bs, Wn, bn, Wc, bc)


def kernel(feat, adj, row, col,
           W_self_0, b_self_0, W_neigh_0, b_neigh_0, beta_0,
           W_self_1, b_self_1, W_neigh_1, b_neigh_1, beta_1,
           W_cls, b_cls):
    row = row.astype(jnp.int32)
    col = col.astype(jnp.int32)
    npad = EPAD - E
    adj_p = jnp.concatenate([adj, jnp.zeros((npad,), jnp.float32)]).reshape(ER, K)
    row_p = (jnp.concatenate([row, jnp.full((npad,), NPAD - 1, jnp.int32)])
             % RPT).reshape(ER, K)
    col_p = jnp.concatenate([col, jnp.zeros((npad,), jnp.int32)]).reshape(ER, K)
    node_bounds = jnp.arange(NC * NS + 1, dtype=jnp.int32) * RPT
    bounds = jnp.searchsorted(row, node_bounds).astype(jnp.int32)
    bounds = jnp.concatenate(
        [bounds, jnp.full((64 - bounds.shape[0],), E, jnp.int32)])

    bs0 = b_self_0.reshape(1, F)
    bn0 = b_neigh_0.reshape(1, F)
    bs1 = b_self_1.reshape(1, F)
    bn1 = b_neigh_1.reshape(1, F)
    bc = b_cls.reshape(1, NCLASS)
    be0 = beta_0.reshape(1, 1)
    be1 = beta_1.reshape(1, 1)

    agg0 = _sc_segsum(feat, adj_p, row_p, col_p, bounds)
    x1 = _tc_layer(be0, feat, agg0, W_self_0, bs0, W_neigh_0, bn0)
    agg1 = _sc_segsum(x1, adj_p, row_p, col_p, bounds)
    return _tc_final(be1, x1, agg1, W_self_1, bs1, W_neigh_1, bn1, W_cls, bc)

# --- scband reference (transcript-rebuilt; emitter-appended) ---
"""Pipeline reference for scband-gcnh-68178310857474 (READ-ONLY COPY).

The authoritative reference and input builder live on the scoring server;
editing this copy changes nothing except your own understanding.
"""

import jax, jax.numpy as jnp
import numpy as np

N = 10000
E = 160000
NFEAT = 256
NHID = 256
NCLASS = 64


def _xavier(key, fan_in, fan_out):
    limit = np.sqrt(6.0 / (fan_in + fan_out))
    return jax.random.uniform(key, (fan_in, fan_out), dtype=jnp.float32, minval=-limit, maxval=limit)


def setup_inputs(seed: int = 0) -> dict:
    key = jax.random.key(seed)
    ks = jax.random.split(key, 12)
    feat = jax.random.normal(ks[0], (N, NFEAT), dtype=jnp.float32)
    adj = jax.random.uniform(ks[1], (E,), dtype=jnp.float32)  # sparse adjacency edge weights
    row = jnp.sort(jax.random.randint(ks[2], (E,), 0, N, dtype=jnp.int64))  # dst nodes (segment ids)
    col = jax.random.randint(ks[3], (E,), 0, N, dtype=jnp.int64)            # src nodes (gather ids)
    inp = {
        "feat": feat,
        "adj": adj,
        "row": row,
        "col": col,
        "W_self_0": _xavier(ks[4], NFEAT, NHID),
        "b_self_0": jnp.full((NHID,), 0.01, dtype=jnp.float32),
        "W_neigh_0": _xavier(ks[5], NFEAT, NHID),
        "b_neigh_0": jnp.full((NHID,), 0.01, dtype=jnp.float32),
        "beta_0": jnp.zeros((), dtype=jnp.float32),
        "W_self_1": _xavier(ks[6], NHID, NHID),
        "b_self_1": jnp.full((NHID,), 0.01, dtype=jnp.float32),
        "W_neigh_1": _xavier(ks[7], NHID, NHID),
        "b_neigh_1": jnp.full((NHID,), 0.01, dtype=jnp.float32),
        "beta_1": jnp.zeros((), dtype=jnp.float32),
        "W_cls": _xavier(ks[8], NHID, NCLASS),
        "b_cls": jnp.full((NCLASS,), 0.01, dtype=jnp.float32),
    }
    return inp


def reference(feat, adj, row, col,
              W_self_0, b_self_0, W_neigh_0, b_neigh_0, beta_0,
              W_self_1, b_self_1, W_neigh_1, b_neigh_1, beta_1,
              W_cls, b_cls):
    # GCNH (eval mode: dropout is identity). Per layer:
    #   h_self  = relu(x @ W_self + b_self)
    #   h_neigh = relu(segment_sum(adj_w * x[col], row) @ W_neigh + b_neigh)
    #   beta    = sigmoid(beta_param)  (scalar per layer)
    #   x       = beta * h_self + (1 - beta) * h_neigh
    layers = [
        (W_self_0, b_self_0, W_neigh_0, b_neigh_0, beta_0),
        (W_self_1, b_self_1, W_neigh_1, b_neigh_1, beta_1),
    ]
    hp = feat
    for (W_s, b_s, W_n, b_n, beta_p) in layers:
        h_self = jax.nn.relu(hp @ W_s + b_s)
        msgs = adj[:, None] * jnp.take(hp, col, axis=0)          # gather src features, weight by edge
        agg = jax.ops.segment_sum(msgs, row, num_segments=N)     # scatter-add to dst nodes
        h_neigh = jax.nn.relu(agg @ W_n + b_n)
        beta = jax.nn.sigmoid(beta_p)
        hp = beta * h_self + (1.0 - beta) * h_neigh
    logits = hp @ W_cls + b_cls
    return jax.nn.log_softmax(logits, axis=1)

if __name__ == "__main__":
    import jax
    _d = setup_inputs()
    print(jax.jit(kernel)(*tuple(_d.values())))

</pallas_src>

<mosaic_0001>
#map = affine_map<(d0, d1) -> (0, 0)>
#map1 = affine_map<(d0, d1) -> (0)>
module attributes {stable_mosaic.version = 14 : i64} {
  func.func @_segsum_body(%arg0: i32, %arg1: i32, %arg2: memref<10000x256xf32, #tpu.memory_space<hbm>>, %arg3: memref<5096x32xf32, #tpu.memory_space<hbm>>, %arg4: memref<5096x32xi32, #tpu.memory_space<hbm>>, %arg5: memref<5096x32xi32, #tpu.memory_space<hbm>>, %arg6: memref<64xi32, #tpu.memory_space<hbm>>, %arg7: memref<10240x256xf32, #tpu.memory_space<hbm>>, %arg8: memref<320x256xf32, #tpu.memory_space<vmem>>, %arg9: memref<48x32xi32, #tpu.memory_space<vmem>>, %arg10: memref<48x32xi32, #tpu.memory_space<vmem>>, %arg11: memref<48x32xf32, #tpu.memory_space<vmem>>, %arg12: memref<32x256xf32, #tpu.memory_space<vmem>>, %arg13: memref<32x256xf32, #tpu.memory_space<vmem>>, %arg14: memref<32x256xf32, #tpu.memory_space<vmem>>, %arg15: memref<64xi32, #tpu.memory_space<vmem>>, %arg16: memref<!tpu.dma_semaphore, #tpu.memory_space<semaphore_mem>>, %arg17: memref<!tpu.dma_semaphore, #tpu.memory_space<semaphore_mem>>, %arg18: memref<!tpu.dma_semaphore, #tpu.memory_space<semaphore_mem>>) attributes {dimension_semantics = [#tpu.dimension_semantics<core_parallel>, #tpu.dimension_semantics<subcore_parallel>], iteration_bounds = array<i64: 2, 16>, scalar_prefetch = 0 : i64, scratch_operands = 11 : i64, tpu.core_type = #tpu.core_type<sc_vector_subcore>, window_params = [{transform_indices = #map}, {transform_indices = #map}, {transform_indices = #map}, {transform_indices = #map}, {transform_indices = #map1}, {transform_indices = #map}]} {
    %mul3A = arith.constant 16 : i32
    %mul3A_0 = arith.muli %arg0, %mul3A : i32
    %add3A = arith.addi %mul3A_0, %arg1 : i32
    %mul3A_1 = arith.constant 320 : i32
    %mul3A_2 = arith.muli %add3A, %mul3A_1 : i32
    "tpu.region"() ({
      %run_scoped3A = tpu.sem_alloc : memref<!tpu.dma_semaphore, #tpu.memory_space<semaphore_mem>>
      tpu.enqueue_dma source(%arg6 : memref<64xi32, #tpu.memory_space<hbm>>) target(%arg15 : memref<64xi32, #tpu.memory_space<vmem>>) target_semaphore(%run_scoped3A : memref<!tpu.dma_semaphore, #tpu.memory_space<semaphore_mem>>)
      tpu.wait_dma2 semaphore(%run_scoped3A : memref<!tpu.dma_semaphore, #tpu.memory_space<semaphore_mem>>) src(%arg6 : memref<64xi32, #tpu.memory_space<hbm>>) dst(%arg15 : memref<64xi32, #tpu.memory_space<vmem>>)
      tpu.yield
    }) : () -> ()
    %broadcast_in_dim3A = vector.broadcast %add3A : i32 to vector<16xi32>
    %gather3A = tpu.vector_load_idx %arg15[%broadcast_in_dim3A] : memref<64xi32, #tpu.memory_space<vmem>>[vector<16xi32>], vector<16xi32>,
    %slice3A = vector.extract_strided_slice %gather3A {offsets = [0], sizes = [1], strides = [1]} : vector<16xi32> to vector<1xi32>
    %squeeze3A = vector.extract %slice3A[0] : i32 from vector<1xi32>
    %add3A_3 = arith.constant 1 : i32
    %add3A_4 = arith.addi %add3A, %add3A_3 : i32
    %broadcast_in_dim3A_5 = vector.broadcast %add3A_4 : i32 to vector<16xi32>
    %gather3A_6 = tpu.vector_load_idx %arg15[%broadcast_in_dim3A_5] : memref<64xi32, #tpu.memory_space<vmem>>[vector<16xi32>], vector<16xi32>,
    %slice3A_7 = vector.extract_strided_slice %gather3A_6 {offsets = [0], sizes = [1], strides = [1]} : vector<16xi32> to vector<1xi32>
    %squeeze3A_8 = vector.extract %slice3A_7[0] : i32 from vector<1xi32>
    %scan3A = arith.constant 0 : i32
    %scan3A_9 = arith.constant 0 : i32
    %scan3A_10 = arith.constant 320 : i32
    %scan3A_11 = arith.addi %scan3A_9, %scan3A_10 : i32
    %scan3A_12 = arith.constant 1 : i32
    scf.for %scan3A_97 = %scan3A_9 to %scan3A_11 step %scan3A_12  : i32 {
      %broadcast_in_dim3A_98 = arith.constant 0.000000e+00 : f32
      %broadcast_in_dim3A_99 = vector.broadcast %broadcast_in_dim3A_98 : f32 to vector<16xf32>
      %swap3A = arith.index_cast %scan3A_97 : i32 to index
      %swap3A_100 = arith.constant 0 : index
      %swap3A_101 = tpu.vector_load %arg8[%swap3A, %swap3A_100] {strides = array<i32>} : memref<320x256xf32, #tpu.memory_space<vmem>>, vector<16xf32>,
      tpu.vector_store %arg8[%swap3A, %swap3A_100], %broadcast_in_dim3A_99 {strides = array<i32>} : memref<320x256xf32, #tpu.memory_space<vmem>>, vector<16xf32>,
      %broadcast_in_dim3A_102 = arith.constant 0.000000e+00 : f32
      %broadcast_in_dim3A_103 = vector.broadcast %broadcast_in_dim3A_102 : f32 to vector<16xf32>
      %swap3A_104 = arith.index_cast %scan3A_97 : i32 to index
      %swap3A_105 = arith.constant 16 : index
      %swap3A_106 = tpu.vector_load %arg8[%swap3A_104, %swap3A_105] {strides = array<i32>} : memref<320x256xf32, #tpu.memory_space<vmem>>, vector<16xf32>,
      tpu.vector_store %arg8[%swap3A_104, %swap3A_105], %broadcast_in_dim3A_103 {strides = array<i32>} : memref<320x256xf32, #tpu.memory_space<vmem>>, vector<16xf32>,
      %broadcast_in_dim3A_107 = arith.constant 0.000000e+00 : f32
      %broadcast_in_dim3A_108 = vector.broadcast %broadcast_in_dim3A_107 : f32 to vector<16xf32>
      %swap3A_109 = arith.index_cast %scan3A_97 : i32 to index
      %swap3A_110 = arith.constant 32 : index
      %swap3A_111 = tpu.vector_load %arg8[%swap3A_109, %swap3A_110] {strides = array<i32>} : memref<320x256xf32, #tpu.memory_space<vmem>>, vector<16xf32>,
      tpu.vector_store %arg8[%swap3A_109, %swap3A_110], %broadcast_in_dim3A_108 {strides = array<i32>} : memref<320x256xf32, #tpu.memory_space<vmem>>, vector<16xf32>,
      %broadcast_in_dim3A_112 = arith.constant 0.000000e+00 : f32
      %broadcast_in_dim3A_113 = vector.broadcast %broadcast_in_dim3A_112 : f32 to vector<16xf32>
      %swap3A_114 = arith.index_cast %scan3A_97 : i32 to index
      %swap3A_115 = arith.constant 48 : index
      %swap3A_116 = tpu.vector_load %arg8[%swap3A_114, %swap3A_115] {strides = array<i32>} : memref<320x256xf32, #tpu.memory_space<vmem>>, vector<16xf32>,
      tpu.vector_store %arg8[%swap3A_114, %swap3A_115], %broadcast_in_dim3A_113 {strides = array<i32>} : memref<320x256xf32, #tpu.memory_space<vmem>>, vector<16xf32>,
      %broadcast_in_dim3A_117 = arith.constant 0.000000e+00 : f32
      %broadcast_in_dim3A_118 = vector.broadcast %broadcast_in_dim3A_117 : f32 to vector<16xf32>
      %swap3A_119 = arith.index_cast %scan3A_97 : i32 to index
      %swap3A_120 = arith.constant 64 : index
      %swap3A_121 = tpu.vector_load %arg8[%swap3A_119, %swap3A_120] {strides = array<i32>} : memref<320x256xf32, #tpu.memory_space<vmem>>, vector<16xf32>,
      tpu.vector_store %arg8[%swap3A_119, %swap3A_120], %broadcast_in_dim3A_118 {strides = array<i32>} : memref<320x256xf32, #tpu.memory_space<vmem>>, vector<16xf32>,
      %broadcast_in_dim3A_122 = arith.constant 0.000000e+00 : f32
      %broadcast_in_dim3A_123 = vector.broadcast %broadcast_in_dim3A_122 : f32 to vector<16xf32>
      %swap3A_124 = arith.index_cast %scan3A_97 : i32 to index
      %swap3A_125 = arith.constant 80 : index
      %swap3A_126 = tpu.vector_load %arg8[%swap3A_124, %swap3A_125] {strides = array<i32>} : memref<320x256xf32, #tpu.memory_space<vmem>>, vector<16xf32>,
      tpu.vector_store %arg8[%swap3A_124, %swap3A_125], %broadcast_in_dim3A_123 {strides = array<i32>} : memref<320x256xf32, #tpu.memory_space<vmem>>, vector<16xf32>,
      %broadcast_in_dim3A_127 = arith.constant 0.000000e+00 : f32
      %broadcast_in_dim3A_128 = vector.broadcast %broadcast_in_dim3A_127 : f32 to vector<16xf32>
      %swap3A_129 = arith.index_cast %scan3A_97 : i32 to index
      %swap3A_130 = arith.constant 96 : index
      %swap3A_131 = tpu.vector_load %arg8[%swap3A_129, %swap3A_130] {strides = array<i32>} : memref<320x256xf32, #tpu.memory_space<vmem>>, vector<16xf32>,
      tpu.vector_store %arg8[%swap3A_129, %swap3A_130], %broadcast_in_dim3A_128 {strides = array<i32>} : memref<320x256xf32, #tpu.memory_space<vmem>>, vector<16xf32>,
      %broadcast_in_dim3A_132 = arith.constant 0.000000e+00 : f32
      %broadcast_in_dim3A_133 = vector.broadcast %broadcast_in_dim3A_132 : f32 to vector<16xf32>
      %swap3A_134 = arith.index_cast %scan3A_97 : i32 to index
      %swap3A_135 = arith.constant 112 : index
      %swap3A_136 = tpu.vector_load %arg8[%swap3A_134, %swap3A_135] {strides = array<i32>} : memref<320x256xf32, #tpu.memory_space<vmem>>, vector<16xf32>,
      tpu.vector_store %arg8[%swap3A_134, %swap3A_135], %broadcast_in_dim3A_133 {strides = array<i32>} : memref<320x256xf32, #tpu.memory_space<vmem>>, vector<16xf32>,
      %broadcast_in_dim3A_137 = arith.constant 0.000000e+00 : f32
      %broadcast_in_dim3A_138 = vector.broadcast %broadcast_in_dim3A_137 : f32 to vector<16xf32>
      %swap3A_139 = arith.index_cast %scan3A_97 : i32 to index
      %swap3A_140 = arith.constant 128 : index
      %swap3A_141 = tpu.vector_load %arg8[%swap3A_139, %swap3A_140] {strides = array<i32>} : memref<320x256xf32, #tpu.memory_space<vmem>>, vector<16xf32>,
      tpu.vector_store %arg8[%swap3A_139, %swap3A_140], %broadcast_in_dim3A_138 {strides = array<i32>} : memref<320x256xf32, #tpu.memory_space<vmem>>, vector<16xf32>,
      %broadcast_in_dim3A_142 = arith.constant 0.000000e+00 : f32
      %broadcast_in_dim3A_143 = vector.broadcast %broadcast_in_dim3A_142 : f32 to vector<16xf32>
      %swap3A_144 = arith.index_cast %scan3A_97 : i32 to index
      %swap3A_145 = arith.constant 144 : index
      %swap3A_146 = tpu.vector_load %arg8[%swap3A_144, %swap3A_145] {strides = array<i32>} : memref<320x256xf32, #tpu.memory_space<vmem>>, vector<16xf32>,
      tpu.vector_store %arg8[%swap3A_144, %swap3A_145], %broadcast_in_dim3A_143 {strides = array<i32>} : memref<320x256xf32, #tpu.memory_space<vmem>>, vector<16xf32>,
      %broadcast_in_dim3A_147 = arith.constant 0.000000e+00 : f32
      %broadcast_in_dim3A_148 = vector.broadcast %broadcast_in_dim3A_147 : f32 to vector<16xf32>
      %swap3A_149 = arith.index_cast %scan3A_97 : i32 to index
      %swap3A_150 = arith.constant 160 : index
      %swap3A_151 = tpu.vector_load %arg8[%swap3A_149, %swap3A_150] {strides = array<i32>} : memref<320x256xf32, #tpu.memory_space<vmem>>, vector<16xf32>,
      tpu.vector_store %arg8[%swap3A_149, %swap3A_150], %broadcast_in_dim3A_148 {strides = array<i32>} : memref<320x256xf32, #tpu.memory_space<vmem>>, vector<16xf32>,
      %broadcast_in_dim3A_152 = arith.constant 0.000000e+00 : f32
      %broadcast_in_dim3A_153 = vector.broadcast %broadcast_in_dim3A_152 : f32 to vector<16xf32>
      %swap3A_154 = arith.index_cast %scan3A_97 : i32 to index
      %swap3A_155 = arith.constant 176 : index
      %swap3A_156 = tpu.vector_load %arg8[%swap3A_154, %swap3A_155] {strides = array<i32>} : memref<320x256xf32, #tpu.memory_space<vmem>>, vector<16xf32>,
      tpu.vector_store %arg8[%swap3A_154, %swap3A_155], %broadcast_in_dim3A_153 {strides = array<i32>} : memref<320x256xf32, #tpu.memory_space<vmem>>, vector<16xf32>,
      %broadcast_in_dim3A_157 = arith.constant 0.000000e+00 : f32
      %broadcast_in_dim3A_158 = vector.broadcast %broadcast_in_dim3A_157 : f32 to vector<16xf32>
      %swap3A_159 = arith.index_cast %scan3A_97 : i32 to index
      %swap3A_160 = arith.constant 192 : index
      %swap3A_161 = tpu.vector_load %arg8[%swap3A_159, %swap3A_160] {strides = array<i32>} : memref<320x256xf32, #tpu.memory_space<vmem>>, vector<16xf32>,
      tpu.vector_store %arg8[%swap3A_159, %swap3A_160], %broadcast_in_dim3A_158 {strides = array<i32>} : memref<320x256xf32, #tpu.memory_space<vmem>>, vector<16xf32>,
      %broadcast_in_dim3A_162 = arith.constant 0.000000e+00 : f32
      %broadcast_in_dim3A_163 = vector.broadcast %broadcast_in_dim3A_162 : f32 to vector<16xf32>
      %swap3A_164 = arith.index_cast %scan3A_97 : i32 to index
      %swap3A_165 = arith.constant 208 : index
      %swap3A_166 = tpu.vector_load %arg8[%swap3A_164, %swap3A_165] {strides = array<i32>} : memref<320x256xf32, #tpu.memory_space<vmem>>, vector<16xf32>,
      tpu.vector_store %arg8[%swap3A_164, %swap3A_165], %broadcast_in_dim3A_163 {strides = array<i32>} : memref<320x256xf32, #tpu.memory_space<vmem>>, vector<16xf32>,
      %broadcast_in_dim3A_167 = arith.constant 0.000000e+00 : f32
      %broadcast_in_dim3A_168 = vector.broadcast %broadcast_in_dim3A_167 : f32 to vector<16xf32>
      %swap3A_169 = arith.index_cast %scan3A_97 : i32 to index
      %swap3A_170 = arith.constant 224 : index
      %swap3A_171 = tpu.vector_load %arg8[%swap3A_169, %swap3A_170] {strides = array<i32>} : memref<320x256xf32, #tpu.memory_space<vmem>>, vector<16xf32>,
      tpu.vector_store %arg8[%swap3A_169, %swap3A_170], %broadcast_in_dim3A_168 {strides = array<i32>} : memref<320x256xf32, #tpu.memory_space<vmem>>, vector<16xf32>,
      %broadcast_in_dim3A_172 = arith.constant 0.000000e+00 : f32
      %broadcast_in_dim3A_173 = vector.broadcast %broadcast_in_dim3A_172 : f32 to vector<16xf32>
      %swap3A_174 = arith.index_cast %scan3A_97 : i32 to index
      %swap3A_175 = arith.constant 240 : index
      %swap3A_176 = tpu.vector_load %arg8[%swap3A_174, %swap3A_175] {strides = array<i32>} : memref<320x256xf32, #tpu.memory_space<vmem>>, vector<16xf32>,
      tpu.vector_store %arg8[%swap3A_174, %swap3A_175], %broadcast_in_dim3A_173 {strides = array<i32>} : memref<320x256xf32, #tpu.memory_space<vmem>>, vector<16xf32>,
    }
    %scan3A_13 = arith.constant 320 : i32
    %jit3A = arith.constant 32 : i32
    %div3A = arith.divsi %squeeze3A, %jit3A : i32
    %sign3A = arith.constant 0 : i32
    %sign3A_14 = arith.cmpi sgt, %squeeze3A, %sign3A : i32
    %sign3A_15 = arith.extui %sign3A_14 : i1 to i32
    %sign3A_16 = arith.constant 0 : i32
    %sign3A_17 = arith.cmpi slt, %squeeze3A, %sign3A_16 : i32
    %sign3A_18 = arith.extui %sign3A_17 : i1 to i32
    %sign3A_19 = arith.subi %sign3A_15, %sign3A_18 : i32
    %sign3A_20 = arith.constant 0 : i32
    %sign3A_21 = arith.cmpi sgt, %jit3A, %sign3A_20 : i32
    %sign3A_22 = arith.extui %sign3A_21 : i1 to i32
    %sign3A_23 = arith.constant 0 : i32
    %sign3A_24 = arith.cmpi slt, %jit3A, %sign3A_23 : i32
    %sign3A_25 = arith.extui %sign3A_24 : i1 to i32
    %sign3A_26 = arith.subi %sign3A_22, %sign3A_25 : i32
    %ne3A = arith.cmpi ne, %sign3A_19, %sign3A_26 : i32
    %rem3A = arith.remsi %squeeze3A, %jit3A : i32
    %ne3A_27 = arith.constant 0 : i32
    %ne3A_28 = arith.cmpi ne, %rem3A, %ne3A_27 : i32
    %and3A = arith.andi %ne3A, %ne3A_28 : i1
    %sub3A = arith.constant 1 : i32
    %sub3A_29 = arith.subi %div3A, %sub3A : i32
    %select_n3A = arith.select %and3A, %sub3A_29, %div3A : i32
    %jit3A_30 = arith.constant 8 : i32
    %div3A_31 = arith.divsi %select_n3A, %jit3A_30 : i32
    %sign3A_32 = arith.constant 0 : i32
    %sign3A_33 = arith.cmpi sgt, %select_n3A, %sign3A_32 : i32
    %sign3A_34 = arith.extui %sign3A_33 : i1 to i32
    %sign3A_35 = arith.constant 0 : i32
    %sign3A_36 = arith.cmpi slt, %select_n3A, %sign3A_35 : i32
    %sign3A_37 = arith.extui %sign3A_36 : i1 to i32
    %sign3A_38 = arith.subi %sign3A_34, %sign3A_37 : i32
    %sign3A_39 = arith.constant 0 : i32
    %sign3A_40 = arith.cmpi sgt, %jit3A_30, %sign3A_39 : i32
    %sign3A_41 = arith.extui %sign3A_40 : i1 to i32
    %sign3A_42 = arith.constant 0 : i32
    %sign3A_43 = arith.cmpi slt, %jit3A_30, %sign3A_42 : i32
    %sign3A_44 = arith.extui %sign3A_43 : i1 to i32
    %sign3A_45 = arith.subi %sign3A_41, %sign3A_44 : i32
    %ne3A_46 = arith.cmpi ne, %sign3A_38, %sign3A_45 : i32
    %rem3A_47 = arith.remsi %select_n3A, %jit3A_30 : i32
    %ne3A_48 = arith.constant 0 : i32
    %ne3A_49 = arith.cmpi ne, %rem3A_47, %ne3A_48 : i32
    %and3A_50 = arith.andi %ne3A_46, %ne3A_49 : i1
    %sub3A_51 = arith.constant 1 : i32
    %sub3A_52 = arith.subi %div3A_31, %sub3A_51 : i32
    %select_n3A_53 = arith.select %and3A_50, %sub3A_52, %div3A_31 : i32
    %mul3A_54 = arith.constant 8 : i32
    %mul3A_55 = arith.muli %select_n3A_53, %mul3A_54 : i32
    %mul3A_56 = arith.constant 32 : i32
    %mul3A_57 = arith.muli %mul3A_55, %mul3A_56 : i32
    %sub3A_58 = arith.subi %squeeze3A_8, %mul3A_57 : i32
    %max3A = arith.constant 0 : i32
    %max3A_59 = arith.maxsi %sub3A_58, %max3A : i32
    %add3A_60 = arith.constant 1536 : i32
    %add3A_61 = arith.addi %max3A_59, %add3A_60 : i32
    %sub3A_62 = arith.constant 1 : i32
    %sub3A_63 = arith.subi %add3A_61, %sub3A_62 : i32
    %jit3A_64 = arith.constant 1536 : i32
    %div3A_65 = arith.divsi %sub3A_63, %jit3A_64 : i32
    %sign3A_66 = arith.constant 0 : i32
    %sign3A_67 = arith.cmpi sgt, %sub3A_63, %sign3A_66 : i32
    %sign3A_68 = arith.extui %sign3A_67 : i1 to i32
    %sign3A_69 = arith.constant 0 : i32
    %sign3A_70 = arith.cmpi slt, %sub3A_63, %sign3A_69 : i32
    %sign3A_71 = arith.extui %sign3A_70 : i1 to i32
    %sign3A_72 = arith.subi %sign3A_68, %sign3A_71 : i32
    %sign3A_73 = arith.constant 0 : i32
    %sign3A_74 = arith.cmpi sgt, %jit3A_64, %sign3A_73 : i32
    %sign3A_75 = arith.extui %sign3A_74 : i1 to i32
    %sign3A_76 = arith.constant 0 : i32
    %sign3A_77 = arith.cmpi slt, %jit3A_64, %sign3A_76 : i32
    %sign3A_78 = arith.extui %sign3A_77 : i1 to i32
    %sign3A_79 = arith.subi %sign3A_75, %sign3A_78 : i32
    %ne3A_80 = arith.cmpi ne, %sign3A_72, %sign3A_79 : i32
    %rem3A_81 = arith.remsi %sub3A_63, %jit3A_64 : i32
    %ne3A_82 = arith.constant 0 : i32
    %ne3A_83 = arith.cmpi ne, %rem3A_81, %ne3A_82 : i32
    %and3A_84 = arith.andi %ne3A_80, %ne3A_83 : i1
    %sub3A_85 = arith.constant 1 : i32
    %sub3A_86 = arith.subi %div3A_65, %sub3A_85 : i32
    %select_n3A_87 = arith.select %and3A_84, %sub3A_86, %div3A_65 : i32
    %while3A = arith.constant 0 : i32
    %while3A_88 = arith.constant 0 : i32
    %while3A_89 = arith.subi %select_n3A_87, %while3A_88 : i32
    %while3A_90 = arith.addi %while3A_88, %while3A_89 : i32
    %while3A_91 = arith.constant 1 : i32
    %while3A_92 = arith.divsi %while3A_89, %while3A_91 : i32
    %while3A_93 = arith.muli %while3A_92, %while3A_91 : i32
    %while3A_94 = arith.addi %while3A_88, %while3A_93 : i32
    %while3A_95 = arith.constant 1 : i32
    scf.for %while3A_97 = %while3A_88 to %while3A_94 step %while3A_95  : i32 {
      %mul3A_98 = arith.constant 48 : i32
      %mul3A_99 = arith.muli %while3A_97, %mul3A_98 : i32
      %add3A_100 = arith.addi %mul3A_55, %mul3A_99 : i32
      "tpu.region"() ({
        %run_scoped3A = tpu.sem_alloc : memref<!tpu.dma_semaphore, #tpu.memory_space<semaphore_mem>>
        %dma_start3A_126 = arith.constant 0 : i32
        %dma_start3A_127 = tpu.memref_slice %arg5[%add3A_100, %dma_start3A_126] : memref<5096x32xi32, #tpu.memory_space<hbm>> -> memref<48x32xi32, #tpu.memory_space<hbm>>
        %dma_start3A_128 = arith.constant 0 : i32
        %dma_start3A_129 = tpu.memref_slice %arg5[%add3A_100, %dma_start3A_128] : memref<5096x32xi32, #tpu.memory_space<hbm>> -> memref<48x32xi32, #tpu.memory_space<hbm>>
        tpu.enqueue_dma source(%dma_start3A_129 : memref<48x32xi32, #tpu.memory_space<hbm>>) target(%arg9 : memref<48x32xi32, #tpu.memory_space<vmem>>) target_semaphore(%run_scoped3A : memref<!tpu.dma_semaphore, #tpu.memory_space<semaphore_mem>>)
        %dma_wait3A = arith.constant 0 : i32
        %dma_wait3A_130 = tpu.memref_slice %arg5[%add3A_100, %dma_wait3A] : memref<5096x32xi32, #tpu.memory_space<hbm>> -> memref<48x32xi32, #tpu.memory_space<hbm>>
        %dma_wait3A_131 = arith.constant 0 : i32
        %dma_wait3A_132 = tpu.memref_slice %arg5[%add3A_100, %dma_wait3A_131] : memref<5096x32xi32, #tpu.memory_space<hbm>> -> memref<48x32xi32, #tpu.memory_space<hbm>>
        tpu.wait_dma2 semaphore(%run_scoped3A : memref<!tpu.dma_semaphore, #tpu.memory_space<semaphore_mem>>) src(%dma_wait3A_132 : memref<48x32xi32, #tpu.memory_space<hbm>>) dst(%arg9 : memref<48x32xi32, #tpu.memory_space<vmem>>)
        tpu.yield
      }) : () -> ()
      "tpu.region"() ({
        %run_scoped3A = tpu.sem_alloc : memref<!tpu.dma_semaphore, #tpu.memory_space<semaphore_mem>>
        %dma_start3A_126 = arith.constant 0 : i32
        %dma_start3A_127 = tpu.memref_slice %arg4[%add3A_100, %dma_start3A_126] : memref<5096x32xi32, #tpu.memory_space<hbm>> -> memref<48x32xi32, #tpu.memory_space<hbm>>
        %dma_start3A_128 = arith.constant 0 : i32
        %dma_start3A_129 = tpu.memref_slice %arg4[%add3A_100, %dma_start3A_128] : memref<5096x32xi32, #tpu.memory_space<hbm>> -> memref<48x32xi32, #tpu.memory_space<hbm>>
        tpu.enqueue_dma source(%dma_start3A_129 : memref<48x32xi32, #tpu.memory_space<hbm>>) target(%arg10 : memref<48x32xi32, #tpu.memory_space<vmem>>) target_semaphore(%run_scoped3A : memref<!tpu.dma_semaphore, #tpu.memory_space<semaphore_mem>>)
        %dma_wait3A = arith.constant 0 : i32
        %dma_wait3A_130 = tpu.memref_slice %arg4[%add3A_100, %dma_wait3A] : memref<5096x32xi32, #tpu.memory_space<hbm>> -> memref<48x32xi32, #tpu.memory_space<hbm>>
        %dma_wait3A_131 = arith.constant 0 : i32
        %dma_wait3A_132 = tpu.memref_slice %arg4[%add3A_100, %dma_wait3A_131] : memref<5096x32xi32, #tpu.memory_space<hbm>> -> memref<48x32xi32, #tpu.memory_space<hbm>>
        tpu.wait_dma2 semaphore(%run_scoped3A : memref<!tpu.dma_semaphore, #tpu.memory_space<semaphore_mem>>) src(%dma_wait3A_132 : memref<48x32xi32, #tpu.memory_space<hbm>>) dst(%arg10 : memref<48x32xi32, #tpu.memory_space<vmem>>)
        tpu.yield
      }) : () -> ()
      "tpu.region"() ({
        %run_scoped3A = tpu.sem_alloc : memref<!tpu.dma_semaphore, #tpu.memory_space<semaphore_mem>>
        %dma_start3A_126 = arith.constant 0 : i32
        %dma_start3A_127 = tpu.memref_slice %arg3[%add3A_100, %dma_start3A_126] : memref<5096x32xf32, #tpu.memory_space<hbm>> -> memref<48x32xf32, #tpu.memory_space<hbm>>
        %dma_start3A_128 = arith.constant 0 : i32
        %dma_start3A_129 = tpu.memref_slice %arg3[%add3A_100, %dma_start3A_128] : memref<5096x32xf32, #tpu.memory_space<hbm>> -> memref<48x32xf32, #tpu.memory_space<hbm>>
        tpu.enqueue_dma source(%dma_start3A_129 : memref<48x32xf32, #tpu.memory_space<hbm>>) target(%arg11 : memref<48x32xf32, #tpu.memory_space<vmem>>) target_semaphore(%run_scoped3A : memref<!tpu.dma_semaphore, #tpu.memory_space<semaphore_mem>>)
        %dma_wait3A = arith.constant 0 : i32
        %dma_wait3A_130 = tpu.memref_slice %arg3[%add3A_100, %dma_wait3A] : memref<5096x32xf32, #tpu.memory_space<hbm>> -> memref<48x32xf32, #tpu.memory_space<hbm>>
        %dma_wait3A_131 = arith.constant 0 : i32
        %dma_wait3A_132 = tpu.memref_slice %arg3[%add3A_100, %dma_wait3A_131] : memref<5096x32xf32, #tpu.memory_space<hbm>> -> memref<48x32xf32, #tpu.memory_space<hbm>>
        tpu.wait_dma2 semaphore(%run_scoped3A : memref<!tpu.dma_semaphore, #tpu.memory_space<semaphore_mem>>) src(%dma_wait3A_132 : memref<48x32xf32, #tpu.memory_space<hbm>>) dst(%arg11 : memref<48x32xf32, #tpu.memory_space<vmem>>)
        tpu.yield
      }) : () -> ()
      %scan3A_101 = arith.constant 0 : i32
      %scan3A_102 = arith.constant 0 : i32
      %scan3A_103 = arith.constant 48 : i32
      %scan3A_104 = arith.addi %scan3A_102, %scan3A_103 : i32
      %scan3A_105 = arith.constant 1 : i32
      scf.for %scan3A_126 = %scan3A_102 to %scan3A_104 step %scan3A_105  : i32 {
        %add3A_127 = arith.addi %add3A_100, %scan3A_126 : i32
        %mul3A_128 = arith.constant 32 : i32
        %mul3A_129 = arith.muli %add3A_127, %mul3A_128 : i32
        %add3A_130 = arith.constant 0 : i32
        %add3A_131 = arith.addi %mul3A_129, %add3A_130 : i32
        %iota3A_132 = tpu.iota {dimensions = array<i32: 0>} : vector<16xi32>
        %add3A_133 = vector.broadcast %add3A_131 : i32 to vector<16xi32>
        %add3A_134 = arith.addi %add3A_133, %iota3A_132 : vector<16xi32>
        %get3A = arith.index_cast %scan3A_126 : i32 to index
        %get3A_135 = arith.constant 0 : index
        %get3A_136 = tpu.vector_load %arg11[%get3A, %get3A_135] {strides = array<i32>} : memref<48x32xf32, #tpu.memory_space<vmem>>, vector<16xf32>,
        %ge3A = vector.broadcast %squeeze3A : i32 to vector<16xi32>
        %ge3A_137 = arith.cmpi sge, %add3A_134, %ge3A : vector<16xi32>
        %lt3A = vector.broadcast %squeeze3A_8 : i32 to vector<16xi32>
        %lt3A_138 = arith.cmpi slt, %add3A_134, %lt3A : vector<16xi32>
        %and3A_139 = arith.andi %ge3A_137, %lt3A_138 : vector<16xi1>
        %jit3A_140 = arith.constant 0.000000e+00 : f32
        %broadcast_in_dim3A_141 = vector.broadcast %jit3A_140 : f32 to vector<16xf32>
        %select_n3A_142 = arith.select %and3A_139, %get3A_136, %broadcast_in_dim3A_141 : vector<16xi1>, vector<16xf32>
        %swap3A = arith.index_cast %scan3A_126 : i32 to index
        %swap3A_143 = arith.constant 0 : index
        %swap3A_144 = tpu.vector_load %arg11[%swap3A, %swap3A_143] {strides = array<i32>} : memref<48x32xf32, #tpu.memory_space<vmem>>, vector<16xf32>,
        tpu.vector_store %arg11[%swap3A, %swap3A_143], %select_n3A_142 {strides = array<i32>} : memref<48x32xf32, #tpu.memory_space<vmem>>, vector<16xf32>,
        %add3A_145 = arith.constant 16 : i32
        %add3A_146 = arith.addi %mul3A_129, %add3A_145 : i32
        %iota3A_147 = tpu.iota {dimensions = array<i32: 0>} : vector<16xi32>
        %add3A_148 = vector.broadcast %add3A_146 : i32 to vector<16xi32>
        %add3A_149 = arith.addi %add3A_148, %iota3A_147 : vector<16xi32>
        %get3A_150 = arith.index_cast %scan3A_126 : i32 to index
        %get3A_151 = arith.constant 16 : index
        %get3A_152 = tpu.vector_load %arg11[%get3A_150, %get3A_151] {strides = array<i32>} : memref<48x32xf32, #tpu.memory_space<vmem>>, vector<16xf32>,
        %ge3A_153 = vector.broadcast %squeeze3A : i32 to vector<16xi32>
        %ge3A_154 = arith.cmpi sge, %add3A_149, %ge3A_153 : vector<16xi32>
        %lt3A_155 = vector.broadcast %squeeze3A_8 : i32 to vector<16xi32>
        %lt3A_156 = arith.cmpi slt, %add3A_149, %lt3A_155 : vector<16xi32>
        %and3A_157 = arith.andi %ge3A_154, %lt3A_156 : vector<16xi1>
        %jit3A_158 = arith.constant 0.000000e+00 : f32
        %broadcast_in_dim3A_159 = vector.broadcast %jit3A_158 : f32 to vector<16xf32>
        %select_n3A_160 = arith.select %and3A_157, %get3A_152, %broadcast_in_dim3A_159 : vector<16xi1>, vector<16xf32>
        %swap3A_161 = arith.index_cast %scan3A_126 : i32 to index
        %swap3A_162 = arith.constant 16 : index
        %swap3A_163 = tpu.vector_load %arg11[%swap3A_161, %swap3A_162] {strides = array<i32>} : memref<48x32xf32, #tpu.memory_space<vmem>>, vector<16xf32>,
        tpu.vector_store %arg11[%swap3A_161, %swap3A_162], %select_n3A_160 {strides = array<i32>} : memref<48x32xf32, #tpu.memory_space<vmem>>, vector<16xf32>,
      }
      %scan3A_106 = arith.constant 48 : i32
      %iota3A = tpu.iota {dimensions = array<i32: 0>} : vector<16xi32>
      %dma_start3A = arith.constant 0 : i32
      %dma_start3A_107 = arith.constant 0 : i32
      %dma_start3A_108 = tpu.memref_slice %arg9[%dma_start3A, %dma_start3A_107] : memref<48x32xi32, #tpu.memory_space<vmem>> -> memref<1x32xi32, #tpu.memory_space<vmem>>
      %dma_start3A_109 = tpu.memref_squeeze %dma_start3A_108 : memref<1x32xi32, #tpu.memory_space<vmem>> -> memref<32xi32, #tpu.memory_space<vmem>>
      %dma_start3A_110 = arith.constant 0 : i32
      %dma_start3A_111 = arith.constant 0 : i32
      %dma_start3A_112 = tpu.memref_slice %arg2[%dma_start3A_110, %dma_start3A_111] : memref<10000x256xf32, #tpu.memory_space<hbm>> -> memref<10000x256xf32, #tpu.memory_space<hbm>>
      tpu.enqueue_indirect_dma source(%dma_start3A_112 : memref<10000x256xf32, #tpu.memory_space<hbm>>) target(%arg12 : memref<32x256xf32, #tpu.memory_space<vmem>>) offsets(%dma_start3A_109 : memref<32xi32, #tpu.memory_space<vmem>>) semaphore(%arg16 : memref<!tpu.dma_semaphore, #tpu.memory_space<semaphore_mem>>)
      %dma_start3A_113 = arith.constant 1 : i32
      %dma_start3A_114 = arith.constant 0 : i32
      %dma_start3A_115 = tpu.memref_slice %arg9[%dma_start3A_113, %dma_start3A_114] : memref<48x32xi32, #tpu.memory_space<vmem>> -> memref<1x32xi32, #tpu.memory_space<vmem>>
      %dma_start3A_116 = tpu.memref_squeeze %dma_start3A_115 : memref<1x32xi32, #tpu.memory_space<vmem>> -> memref<32xi32, #tpu.memory_space<vmem>>
      %dma_start3A_117 = arith.constant 0 : i32
      %dma_start3A_118 = arith.constant 0 : i32
      %dma_start3A_119 = tpu.memref_slice %arg2[%dma_start3A_117, %dma_start3A_118] : memref<10000x256xf32, #tpu.memory_space<hbm>> -> memref<10000x256xf32, #tpu.memory_space<hbm>>
      tpu.enqueue_indirect_dma source(%dma_start3A_119 : memref<10000x256xf32, #tpu.memory_space<hbm>>) target(%arg13 : memref<32x256xf32, #tpu.memory_space<vmem>>) offsets(%dma_start3A_116 : memref<32xi32, #tpu.memory_space<vmem>>) semaphore(%arg17 : memref<!tpu.dma_semaphore, #tpu.memory_space<semaphore_mem>>)
      %scan3A_120 = arith.constant 0 : i32
      %scan3A_121 = arith.constant 0 : i32
      %scan3A_122 = arith.constant 16 : i32
      %scan3A_123 = arith.addi %scan3A_121, %scan3A_122 : i32
      %scan3A_124 = arith.constant 1 : i32
      scf.for %scan3A_126 = %scan3A_121 to %scan3A_123 step %scan3A_124  : i32 {
        %mul3A_127 = arith.constant 3 : i32
        %mul3A_128 = arith.muli %scan3A_126, %mul3A_127 : i32
        %add3A_129 = arith.constant 0 : i32
        %add3A_130 = arith.addi %mul3A_128, %add3A_129 : i32
        %dma_wait3A = arith.constant 0 : i32
        %dma_wait3A_131 = tpu.memref_slice %arg9[%add3A_130, %dma_wait3A] : memref<48x32xi32, #tpu.memory_space<vmem>> -> memref<1x32xi32, #tpu.memory_space<vmem>>
        %dma_wait3A_132 = tpu.memref_squeeze %dma_wait3A_131 : memref<1x32xi32, #tpu.memory_space<vmem>> -> memref<32xi32, #tpu.memory_space<vmem>>
        %dma_wait3A_133 = arith.constant 0 : i32
        %dma_wait3A_134 = arith.constant 0 : i32
        %dma_wait3A_135 = tpu.memref_slice %arg2[%dma_wait3A_133, %dma_wait3A_134] : memref<10000x256xf32, #tpu.memory_space<hbm>> -> memref<10000x256xf32, #tpu.memory_space<hbm>>
        tpu.wait_indirect_dma semaphore(%arg16 : memref<!tpu.dma_semaphore, #tpu.memory_space<semaphore_mem>>) src(%dma_wait3A_135 : memref<10000x256xf32, #tpu.memory_space<hbm>>) dst(%arg12 : memref<32x256xf32, #tpu.memory_space<vmem>>)
        %add3A_136 = arith.constant 2 : i32
        %add3A_137 = arith.addi %add3A_130, %add3A_136 : i32
        %lt3A = arith.constant 48 : i32
        %lt3A_138 = arith.cmpi slt, %add3A_137, %lt3A : i32
        %convert_element_type3A = arith.extui %lt3A_138 : i1 to i32
        %cond3A = arith.constant 0 : i32
        %cond3A_139 = arith.cmpi ne, %convert_element_type3A, %cond3A : i32
        scf.if %cond3A_139 {
          %add3A_182 = arith.constant 2 : i32
          %add3A_183 = arith.addi %add3A_130, %add3A_182 : i32
          %dma_start3A_184 = arith.constant 0 : i32
          %dma_start3A_185 = tpu.memref_slice %arg9[%add3A_183, %dma_start3A_184] : memref<48x32xi32, #tpu.memory_space<vmem>> -> memref<1x32xi32, #tpu.memory_space<vmem>>
          %dma_start3A_186 = tpu.memref_squeeze %dma_start3A_185 : memref<1x32xi32, #tpu.memory_space<vmem>> -> memref<32xi32, #tpu.memory_space<vmem>>
          %dma_start3A_187 = arith.constant 0 : i32
          %dma_start3A_188 = arith.constant 0 : i32
          %dma_start3A_189 = tpu.memref_slice %arg2[%dma_start3A_187, %dma_start3A_188] : memref<10000x256xf32, #tpu.memory_space<hbm>> -> memref<10000x256xf32, #tpu.memory_space<hbm>>
          tpu.enqueue_indirect_dma source(%dma_start3A_189 : memref<10000x256xf32, #tpu.memory_space<hbm>>) target(%arg14 : memref<32x256xf32, #tpu.memory_space<vmem>>) offsets(%dma_start3A_186 : memref<32xi32, #tpu.memory_space<vmem>>) semaphore(%arg18 : memref<!tpu.dma_semaphore, #tpu.memory_space<semaphore_mem>>)
        } else {
        }
        %parallel_loop3A = arith.constant 0 : i32
        %parallel_loop3A_140 = arith.constant 32 : i32
        %parallel_loop3A_141 = arith.constant 1 : i32
        scf.for %parallel_loop3A_182 = %parallel_loop3A to %parallel_loop3A_140 step %parallel_loop3A_141  : i32 {
          %parallel_loop3A_183 = vector.broadcast %add3A_130 : i32 to vector<16xi32>
          %parallel_loop3A_184 = vector.broadcast %parallel_loop3A_182 : i32 to vector<16xi32>
          %parallel_loop3A_185 = tpu.vector_load_idx %arg11[%parallel_loop3A_183, %parallel_loop3A_184] : memref<48x32xf32, #tpu.memory_space<vmem>>[vector<16xi32>, vector<16xi32>], vector<16xf32>,
          %parallel_loop3A_186 = tpu.vector_load_idx %arg10[%parallel_loop3A_183, %parallel_loop3A_184] : memref<48x32xi32, #tpu.memory_space<vmem>>[vector<16xi32>, vector<16xi32>], vector<16xi32>,
          %parallel_loop3A_187 = arith.index_cast %parallel_loop3A_182 : i32 to index
          %parallel_loop3A_188 = arith.constant 0 : index
          %parallel_loop3A_189 = tpu.vector_load %arg12[%parallel_loop3A_187, %parallel_loop3A_188] {strides = array<i32>} : memref<32x256xf32, #tpu.memory_space<vmem>>, vector<16xf32>,
          %parallel_loop3A_190 = arith.index_cast %parallel_loop3A_182 : i32 to index
          %parallel_loop3A_191 = arith.constant 16 : index
          %parallel_loop3A_192 = tpu.vector_load %arg12[%parallel_loop3A_190, %parallel_loop3A_191] {strides = array<i32>} : memref<32x256xf32, #tpu.memory_space<vmem>>, vector<16xf32>,
          %parallel_loop3A_193 = arith.index_cast %parallel_loop3A_182 : i32 to index
          %parallel_loop3A_194 = arith.constant 32 : index
          %parallel_loop3A_195 = tpu.vector_load %arg12[%parallel_loop3A_193, %parallel_loop3A_194] {strides = array<i32>} : memref<32x256xf32, #tpu.memory_space<vmem>>, vector<16xf32>,
          %parallel_loop3A_196 = arith.index_cast %parallel_loop3A_182 : i32 to index
          %parallel_loop3A_197 = arith.constant 48 : index
          %parallel_loop3A_198 = tpu.vector_load %arg12[%parallel_loop3A_196, %parallel_loop3A_197] {strides = array<i32>} : memref<32x256xf32, #tpu.memory_space<vmem>>, vector<16xf32>,
          %parallel_loop3A_199 = arith.index_cast %parallel_loop3A_182 : i32 to index
          %parallel_loop3A_200 = arith.constant 64 : index
          %parallel_loop3A_201 = tpu.vector_load %arg12[%parallel_loop3A_199, %parallel_loop3A_200] {strides = array<i32>} : memref<32x256xf32, #tpu.memory_space<vmem>>, vector<16xf32>,
          %parallel_loop3A_202 = arith.index_cast %parallel_loop3A_182 : i32 to index
          %parallel_loop3A_203 = arith.constant 80 : index
          %parallel_loop3A_204 = tpu.vector_load %arg12[%parallel_loop3A_202, %parallel_loop3A_203] {strides = array<i32>} : memref<32x256xf32, #tpu.memory_space<vmem>>, vector<16xf32>,
          %parallel_loop3A_205 = arith.index_cast %parallel_loop3A_182 : i32 to index
          %parallel_loop3A_206 = arith.constant 96 : index
          %parallel_loop3A_207 = tpu.vector_load %arg12[%parallel_loop3A_205, %parallel_loop3A_206] {strides = array<i32>} : memref<32x256xf32, #tpu.memory_space<vmem>>, vector<16xf32>,
          %parallel_loop3A_208 = arith.index_cast %parallel_loop3A_182 : i32 to index
          %parallel_loop3A_209 = arith.constant 112 : index
          %parallel_loop3A_210 = tpu.vector_load %arg12[%parallel_loop3A_208, %parallel_loop3A_209] {strides = array<i32>} : memref<32x256xf32, #tpu.memory_space<vmem>>, vector<16xf32>,
          %parallel_loop3A_211 = arith.index_cast %parallel_loop3A_182 : i32 to index
          %parallel_loop3A_212 = arith.constant 128 : index
          %parallel_loop3A_213 = tpu.vector_load %arg12[%parallel_loop3A_211, %parallel_loop3A_212] {strides = array<i32>} : memref<32x256xf32, #tpu.memory_space<vmem>>, vector<16xf32>,
          %parallel_loop3A_214 = arith.index_cast %parallel_loop3A_182 : i32 to index
          %parallel_loop3A_215 = arith.constant 144 : index
          %parallel_loop3A_216 = tpu.vector_load %arg12[%parallel_loop3A_214, %parallel_loop3A_215] {strides = array<i32>} : memref<32x256xf32, #tpu.memory_space<vmem>>, vector<16xf32>,
          %parallel_loop3A_217 = arith.index_cast %parallel_loop3A_182 : i32 to index
          %parallel_loop3A_218 = arith.constant 160 : index
          %parallel_loop3A_219 = tpu.vector_load %arg12[%parallel_loop3A_217, %parallel_loop3A_218] {strides = array<i32>} : memref<32x256xf32, #tpu.memory_space<vmem>>, vector<16xf32>,
          %parallel_loop3A_220 = arith.index_cast %parallel_loop3A_182 : i32 to index
          %parallel_loop3A_221 = arith.constant 176 : index
          %parallel_loop3A_222 = tpu.vector_load %arg12[%parallel_loop3A_220, %parallel_loop3A_221] {strides = array<i32>} : memref<32x256xf32, #tpu.memory_space<vmem>>, vector<16xf32>,
          %parallel_loop3A_223 = arith.index_cast %parallel_loop3A_182 : i32 to index
          %parallel_loop3A_224 = arith.constant 192 : index
          %parallel_loop3A_225 = tpu.vector_load %arg12[%parallel_loop3A_223, %parallel_loop3A_224] {strides = array<i32>} : memref<32x256xf32, #tpu.memory_space<vmem>>, vector<16xf32>,
          %parallel_loop3A_226 = arith.index_cast %parallel_loop3A_182 : i32 to index
          %parallel_loop3A_227 = arith.constant 208 : index
          %parallel_loop3A_228 = tpu.vector_load %arg12[%parallel_loop3A_226, %parallel_loop3A_227] {strides = array<i32>} : memref<32x256xf32, #tpu.memory_space<vmem>>, vector<16xf32>,
          %parallel_loop3A_229 = arith.index_cast %parallel_loop3A_182 : i32 to index
          %parallel_loop3A_230 = arith.constant 224 : index
          %parallel_loop3A_231 = tpu.vector_load %arg12[%parallel_loop3A_229, %parallel_loop3A_230] {strides = array<i32>} : memref<32x256xf32, #tpu.memory_space<vmem>>, vector<16xf32>,
          %parallel_loop3A_232 = arith.index_cast %parallel_loop3A_182 : i32 to index
          %parallel_loop3A_233 = arith.constant 240 : index
          %parallel_loop3A_234 = tpu.vector_load %arg12[%parallel_loop3A_232, %parallel_loop3A_233] {strides = array<i32>} : memref<32x256xf32, #tpu.memory_space<vmem>>, vector<16xf32>,
          %parallel_loop3A_235 = arith.constant 0 : i32
          %parallel_loop3A_236 = vector.broadcast %parallel_loop3A_235 : i32 to vector<16xi32>
          %parallel_loop3A_237 = arith.addi %parallel_loop3A_236, %iota3A : vector<16xi32>
          %parallel_loop3A_238 = arith.mulf %parallel_loop3A_189, %parallel_loop3A_185 : vector<16xf32>
          tpu.vector_store_idx %arg8[%parallel_loop3A_186, %parallel_loop3A_237], %parallel_loop3A_238 {add = true} : memref<320x256xf32, #tpu.memory_space<vmem>>[vector<16xi32>, vector<16xi32>], vector<16xf32>,
          %parallel_loop3A_239 = arith.constant 16 : i32
          %parallel_loop3A_240 = vector.broadcast %parallel_loop3A_239 : i32 to vector<16xi32>
          %parallel_loop3A_241 = arith.addi %parallel_loop3A_240, %iota3A : vector<16xi32>
          %parallel_loop3A_242 = arith.mulf %parallel_loop3A_192, %parallel_loop3A_185 : vector<16xf32>
          tpu.vector_store_idx %arg8[%parallel_loop3A_186, %parallel_loop3A_241], %parallel_loop3A_242 {add = true} : memref<320x256xf32, #tpu.memory_space<vmem>>[vector<16xi32>, vector<16xi32>], vector<16xf32>,
          %parallel_loop3A_243 = arith.constant 32 : i32
          %parallel_loop3A_244 = vector.broadcast %parallel_loop3A_243 : i32 to vector<16xi32>
          %parallel_loop3A_245 = arith.addi %parallel_loop3A_244, %iota3A : vector<16xi32>
          %parallel_loop3A_246 = arith.mulf %parallel_loop3A_195, %parallel_loop3A_185 : vector<16xf32>
          tpu.vector_store_idx %arg8[%parallel_loop3A_186, %parallel_loop3A_245], %parallel_loop3A_246 {add = true} : memref<320x256xf32, #tpu.memory_space<vmem>>[vector<16xi32>, vector<16xi32>], vector<16xf32>,
          %parallel_loop3A_247 = arith.constant 48 : i32
          %parallel_loop3A_248 = vector.broadcast %parallel_loop3A_247 : i32 to vector<16xi32>
          %parallel_loop3A_249 = arith.addi %parallel_loop3A_248, %iota3A : vector<16xi32>
          %parallel_loop3A_250 = arith.mulf %parallel_loop3A_198, %parallel_loop3A_185 : vector<16xf32>
          tpu.vector_store_idx %arg8[%parallel_loop3A_186, %parallel_loop3A_249], %parallel_loop3A_250 {add = true} : memref<320x256xf32, #tpu.memory_space<vmem>>[vector<16xi32>, vector<16xi32>], vector<16xf32>,
          %parallel_loop3A_251 = arith.constant 64 : i32
          %parallel_loop3A_252 = vector.broadcast %parallel_loop3A_251 : i32 to vector<16xi32>
          %parallel_loop3A_253 = arith.addi %parallel_loop3A_252, %iota3A : vector<16xi32>
          %parallel_loop3A_254 = arith.mulf %parallel_loop3A_201, %parallel_loop3A_185 : vector<16xf32>
          tpu.vector_store_idx %arg8[%parallel_loop3A_186, %parallel_loop3A_253], %parallel_loop3A_254 {add = true} : memref<320x256xf32, #tpu.memory_space<vmem>>[vector<16xi32>, vector<16xi32>], vector<16xf32>,
          %parallel_loop3A_255 = arith.constant 80 : i32
          %parallel_loop3A_256 = vector.broadcast %parallel_loop3A_255 : i32 to vector<16xi32>
          %parallel_loop3A_257 = arith.addi %parallel_loop3A_256, %iota3A : vector<16xi32>
          %parallel_loop3A_258 = arith.mulf %parallel_loop3A_204, %parallel_loop3A_185 : vector<16xf32>
          tpu.vector_store_idx %arg8[%parallel_loop3A_186, %parallel_loop3A_257], %parallel_loop3A_258 {add = true} : memref<320x256xf32, #tpu.memory_space<vmem>>[vector<16xi32>, vector<16xi32>], vector<16xf32>,
          %parallel_loop3A_259 = arith.constant 96 : i32
          %parallel_loop3A_260 = vector.broadcast %parallel_loop3A_259 : i32 to vector<16xi32>
          %parallel_loop3A_261 = arith.addi %parallel_loop3A_260, %iota3A : vector<16xi32>
          %parallel_loop3A_262 = arith.mulf %parallel_loop3A_207, %parallel_loop3A_185 : vector<16xf32>
          tpu.vector_store_idx %arg8[%parallel_loop3A_186, %parallel_loop3A_261], %parallel_loop3A_262 {add = true} : memref<320x256xf32, #tpu.memory_space<vmem>>[vector<16xi32>, vector<16xi32>], vector<16xf32>,
          %parallel_loop3A_263 = arith.constant 112 : i32
          %parallel_loop3A_264 = vector.broadcast %parallel_loop3A_263 : i32 to vector<16xi32>
          %parallel_loop3A_265 = arith.addi %parallel_loop3A_264, %iota3A : vector<16xi32>
          %parallel_loop3A_266 = arith.mulf %parallel_loop3A_210, %parallel_loop3A_185 : vector<16xf32>
          tpu.vector_store_idx %arg8[%parallel_loop3A_186, %parallel_loop3A_265], %parallel_loop3A_266 {add = true} : memref<320x256xf32, #tpu.memory_space<vmem>>[vector<16xi32>, vector<16xi32>], vector<16xf32>,
          %parallel_loop3A_267 = arith.constant 128 : i32
          %parallel_loop3A_268 = vector.broadcast %parallel_loop3A_267 : i32 to vector<16xi32>
          %parallel_loop3A_269 = arith.addi %parallel_loop3A_268, %iota3A : vector<16xi32>
          %parallel_loop3A_270 = arith.mulf %parallel_loop3A_213, %parallel_loop3A_185 : vector<16xf32>
          tpu.vector_store_idx %arg8[%parallel_loop3A_186, %parallel_loop3A_269], %parallel_loop3A_270 {add = true} : memref<320x256xf32, #tpu.memory_space<vmem>>[vector<16xi32>, vector<16xi32>], vector<16xf32>,
          %parallel_loop3A_271 = arith.constant 144 : i32
          %parallel_loop3A_272 = vector.broadcast %parallel_loop3A_271 : i32 to vector<16xi32>
          %parallel_loop3A_273 = arith.addi %parallel_loop3A_272, %iota3A : vector<16xi32>
          %parallel_loop3A_274 = arith.mulf %parallel_loop3A_216, %parallel_loop3A_185 : vector<16xf32>
          tpu.vector_store_idx %arg8[%parallel_loop3A_186, %parallel_loop3A_273], %parallel_loop3A_274 {add = true} : memref<320x256xf32, #tpu.memory_space<vmem>>[vector<16xi32>, vector<16xi32>], vector<16xf32>,
          %parallel_loop3A_275 = arith.constant 160 : i32
          %parallel_loop3A_276 = vector.broadcast %parallel_loop3A_275 : i32 to vector<16xi32>
          %parallel_loop3A_277 = arith.addi %parallel_loop3A_276, %iota3A : vector<16xi32>
          %parallel_loop3A_278 = arith.mulf %parallel_loop3A_219, %parallel_loop3A_185 : vector<16xf32>
          tpu.vector_store_idx %arg8[%parallel_loop3A_186, %parallel_loop3A_277], %parallel_loop3A_278 {add = true} : memref<320x256xf32, #tpu.memory_space<vmem>>[vector<16xi32>, vector<16xi32>], vector<16xf32>,
          %parallel_loop3A_279 = arith.constant 176 : i32
          %parallel_loop3A_280 = vector.broadcast %parallel_loop3A_279 : i32 to vector<16xi32>
          %parallel_loop3A_281 = arith.addi %parallel_loop3A_280, %iota3A : vector<16xi32>
          %parallel_loop3A_282 = arith.mulf %parallel_loop3A_222, %parallel_loop3A_185 : vector<16xf32>
          tpu.vector_store_idx %arg8[%parallel_loop3A_186, %parallel_loop3A_281], %parallel_loop3A_282 {add = true} : memref<320x256xf32, #tpu.memory_space<vmem>>[vector<16xi32>, vector<16xi32>], vector<16xf32>,
          %parallel_loop3A_283 = arith.constant 192 : i32
          %parallel_loop3A_284 = vector.broadcast %parallel_loop3A_283 : i32 to vector<16xi32>
          %parallel_loop3A_285 = arith.addi %parallel_loop3A_284, %iota3A : vector<16xi32>
          %parallel_loop3A_286 = arith.mulf %parallel_loop3A_225, %parallel_loop3A_185 : vector<16xf32>
          tpu.vector_store_idx %arg8[%parallel_loop3A_186, %parallel_loop3A_285], %parallel_loop3A_286 {add = true} : memref<320x256xf32, #tpu.memory_space<vmem>>[vector<16xi32>, vector<16xi32>], vector<16xf32>,
          %parallel_loop3A_287 = arith.constant 208 : i32
          %parallel_loop3A_288 = vector.broadcast %parallel_loop3A_287 : i32 to vector<16xi32>
          %parallel_loop3A_289 = arith.addi %parallel_loop3A_288, %iota3A : vector<16xi32>
          %parallel_loop3A_290 = arith.mulf %parallel_loop3A_228, %parallel_loop3A_185 : vector<16xf32>
          tpu.vector_store_idx %arg8[%parallel_loop3A_186, %parallel_loop3A_289], %parallel_loop3A_290 {add = true} : memref<320x256xf32, #tpu.memory_space<vmem>>[vector<16xi32>, vector<16xi32>], vector<16xf32>,
          %parallel_loop3A_291 = arith.constant 224 : i32
          %parallel_loop3A_292 = vector.broadcast %parallel_loop3A_291 : i32 to vector<16xi32>
          %parallel_loop3A_293 = arith.addi %parallel_loop3A_292, %iota3A : vector<16xi32>
          %parallel_loop3A_294 = arith.mulf %parallel_loop3A_231, %parallel_loop3A_185 : vector<16xf32>
          tpu.vector_store_idx %arg8[%parallel_loop3A_186, %parallel_loop3A_293], %parallel_loop3A_294 {add = true} : memref<320x256xf32, #tpu.memory_space<vmem>>[vector<16xi32>, vector<16xi32>], vector<16xf32>,
          %parallel_loop3A_295 = arith.constant 240 : i32
          %parallel_loop3A_296 = vector.broadcast %parallel_loop3A_295 : i32 to vector<16xi32>
          %parallel_loop3A_297 = arith.addi %parallel_loop3A_296, %iota3A : vector<16xi32>
          %parallel_loop3A_298 = arith.mulf %parallel_loop3A_234, %parallel_loop3A_185 : vector<16xf32>
          tpu.vector_store_idx %arg8[%parallel_loop3A_186, %parallel_loop3A_297], %parallel_loop3A_298 {add = true} : memref<320x256xf32, #tpu.memory_space<vmem>>[vector<16xi32>, vector<16xi32>], vector<16xf32>,
        } {sc.loop_unroll_factor = 2 : i64, sc.parallel_access}
        %mul3A_142 = arith.constant 3 : i32
        %mul3A_143 = arith.muli %scan3A_126, %mul3A_142 : i32
        %add3A_144 = arith.constant 1 : i32
        %add3A_145 = arith.addi %mul3A_143, %add3A_144 : i32
        %dma_wait3A_146 = arith.constant 0 : i32
        %dma_wait3A_147 = tpu.memref_slice %arg9[%add3A_145, %dma_wait3A_146] : memref<48x32xi32, #tpu.memory_space<vmem>> -> memref<1x32xi32, #tpu.memory_space<vmem>>
        %dma_wait3A_148 = tpu.memref_squeeze %dma_wait3A_147 : memref<1x32xi32, #tpu.memory_space<vmem>> -> memref<32xi32, #tpu.memory_space<vmem>>
        %dma_wait3A_149 = arith.constant 0 : i32
        %dma_wait3A_150 = arith.constant 0 : i32
        %dma_wait3A_151 = tpu.memref_slice %arg2[%dma_wait3A_149, %dma_wait3A_150] : memref<10000x256xf32, #tpu.memory_space<hbm>> -> memref<10000x256xf32, #tpu.memory_space<hbm>>
        tpu.wait_indirect_dma semaphore(%arg17 : memref<!tpu.dma_semaphore, #tpu.memory_space<semaphore_mem>>) src(%dma_wait3A_151 : memref<10000x256xf32, #tpu.memory_space<hbm>>) dst(%arg13 : memref<32x256xf32, #tpu.memory_space<vmem>>)
        %add3A_152 = arith.constant 2 : i32
        %add3A_153 = arith.addi %add3A_145, %add3A_152 : i32
        %lt3A_154 = arith.constant 48 : i32
        %lt3A_155 = arith.cmpi slt, %add3A_153, %lt3A_154 : i32
        %convert_element_type3A_156 = arith.extui %lt3A_155 : i1 to i32
        %cond3A_157 = arith.constant 0 : i32
        %cond3A_158 = arith.cmpi ne, %convert_element_type3A_156, %cond3A_157 : i32
        scf.if %cond3A_158 {
          %add3A_182 = arith.constant 2 : i32
          %add3A_183 = arith.addi %add3A_145, %add3A_182 : i32
          %dma_start3A_184 = arith.constant 0 : i32
          %dma_start3A_185 = tpu.memref_slice %arg9[%add3A_183, %dma_start3A_184] : memref<48x32xi32, #tpu.memory_space<vmem>> -> memref<1x32xi32, #tpu.memory_space<vmem>>
          %dma_start3A_186 = tpu.memref_squeeze %dma_start3A_185 : memref<1x32xi32, #tpu.memory_space<vmem>> -> memref<32xi32, #tpu.memory_space<vmem>>
          %dma_start3A_187 = arith.constant 0 : i32
          %dma_start3A_188 = arith.constant 0 : i32
          %dma_start3A_189 = tpu.memref_slice %arg2[%dma_start3A_187, %dma_start3A_188] : memref<10000x256xf32, #tpu.memory_space<hbm>> -> memref<10000x256xf32, #tpu.memory_space<hbm>>
          tpu.enqueue_indirect_dma source(%dma_start3A_189 : memref<10000x256xf32, #tpu.memory_space<hbm>>) target(%arg12 : memref<32x256xf32, #tpu.memory_space<vmem>>) offsets(%dma_start3A_186 : memref<32xi32, #tpu.memory_space<vmem>>) semaphore(%arg16 : memref<!tpu.dma_semaphore, #tpu.memory_space<semaphore_mem>>)
        } else {
        }
        %parallel_loop3A_159 = arith.constant 0 : i32
        %parallel_loop3A_160 = arith.constant 32 : i32
        %parallel_loop3A_161 = arith.constant 1 : i32
        scf.for %parallel_loop3A_182 = %parallel_loop3A_159 to %parallel_loop3A_160 step %parallel_loop3A_161  : i32 {
          %parallel_loop3A_183 = vector.broadcast %add3A_145 : i32 to vector<16xi32>
          %parallel_loop3A_184 = vector.broadcast %parallel_loop3A_182 : i32 to vector<16xi32>
          %parallel_loop3A_185 = tpu.vector_load_idx %arg11[%parallel_loop3A_183, %parallel_loop3A_184] : memref<48x32xf32, #tpu.memory_space<vmem>>[vector<16xi32>, vector<16xi32>], vector<16xf32>,
          %parallel_loop3A_186 = tpu.vector_load_idx %arg10[%parallel_loop3A_183, %parallel_loop3A_184] : memref<48x32xi32, #tpu.memory_space<vmem>>[vector<16xi32>, vector<16xi32>], vector<16xi32>,
          %parallel_loop3A_187 = arith.index_cast %parallel_loop3A_182 : i32 to index
          %parallel_loop3A_188 = arith.constant 0 : index
          %parallel_loop3A_189 = tpu.vector_load %arg13[%parallel_loop3A_187, %parallel_loop3A_188] {strides = array<i32>} : memref<32x256xf32, #tpu.memory_space<vmem>>, vector<16xf32>,
          %parallel_loop3A_190 = arith.index_cast %parallel_loop3A_182 : i32 to index
          %parallel_loop3A_191 = arith.constant 16 : index
          %parallel_loop3A_192 = tpu.vector_load %arg13[%parallel_loop3A_190, %parallel_loop3A_191] {strides = array<i32>} : memref<32x256xf32, #tpu.memory_space<vmem>>, vector<16xf32>,
          %parallel_loop3A_193 = arith.index_cast %parallel_loop3A_182 : i32 to index
          %parallel_loop3A_194 = arith.constant 32 : index
          %parallel_loop3A_195 = tpu.vector_load %arg13[%parallel_loop3A_193, %parallel_loop3A_194] {strides = array<i32>} : memref<32x256xf32, #tpu.memory_space<vmem>>, vector<16xf32>,
          %parallel_loop3A_196 = arith.index_cast %parallel_loop3A_182 : i32 to index
          %parallel_loop3A_197 = arith.constant 48 : index
          %parallel_loop3A_198 = tpu.vector_load %arg13[%parallel_loop3A_196, %parallel_loop3A_197] {strides = array<i32>} : memref<32x256xf32, #tpu.memory_space<vmem>>, vector<16xf32>,
          %parallel_loop3A_199 = arith.index_cast %parallel_loop3A_182 : i32 to index
          %parallel_loop3A_200 = arith.constant 64 : index
          %parallel_loop3A_201 = tpu.vector_load %arg13[%parallel_loop3A_199, %parallel_loop3A_200] {strides = array<i32>} : memref<32x256xf32, #tpu.memory_space<vmem>>, vector<16xf32>,
          %parallel_loop3A_202 = arith.index_cast %parallel_loop3A_182 : i32 to index
          %parallel_loop3A_203 = arith.constant 80 : index
          %parallel_loop3A_204 = tpu.vector_load %arg13[%parallel_loop3A_202, %parallel_loop3A_203] {strides = array<i32>} : memref<32x256xf32, #tpu.memory_space<vmem>>, vector<16xf32>,
          %parallel_loop3A_205 = arith.index_cast %parallel_loop3A_182 : i32 to index
          %parallel_loop3A_206 = arith.constant 96 : index
          %parallel_loop3A_207 = tpu.vector_load %arg13[%parallel_loop3A_205, %parallel_loop3A_206] {strides = array<i32>} : memref<32x256xf32, #tpu.memory_space<vmem>>, vector<16xf32>,
          %parallel_loop3A_208 = arith.index_cast %parallel_loop3A_182 : i32 to index
          %parallel_loop3A_209 = arith.constant 112 : index
          %parallel_loop3A_210 = tpu.vector_load %arg13[%parallel_loop3A_208, %parallel_loop3A_209] {strides = array<i32>} : memref<32x256xf32, #tpu.memory_space<vmem>>, vector<16xf32>,
          %parallel_loop3A_211 = arith.index_cast %parallel_loop3A_182 : i32 to index
          %parallel_loop3A_212 = arith.constant 128 : index
          %parallel_loop3A_213 = tpu.vector_load %arg13[%parallel_loop3A_211, %parallel_loop3A_212] {strides = array<i32>} : memref<32x256xf32, #tpu.memory_space<vmem>>, vector<16xf32>,
          %parallel_loop3A_214 = arith.index_cast %parallel_loop3A_182 : i32 to index
          %parallel_loop3A_215 = arith.constant 144 : index
          %parallel_loop3A_216 = tpu.vector_load %arg13[%parallel_loop3A_214, %parallel_loop3A_215] {strides = array<i32>} : memref<32x256xf32, #tpu.memory_space<vmem>>, vector<16xf32>,
          %parallel_loop3A_217 = arith.index_cast %parallel_loop3A_182 : i32 to index
          %parallel_loop3A_218 = arith.constant 160 : index
          %parallel_loop3A_219 = tpu.vector_load %arg13[%parallel_loop3A_217, %parallel_loop3A_218] {strides = array<i32>} : memref<32x256xf32, #tpu.memory_space<vmem>>, vector<16xf32>,
          %parallel_loop3A_220 = arith.index_cast %parallel_loop3A_182 : i32 to index
          %parallel_loop3A_221 = arith.constant 176 : index
          %parallel_loop3A_222 = tpu.vector_load %arg13[%parallel_loop3A_220, %parallel_loop3A_221] {strides = array<i32>} : memref<32x256xf32, #tpu.memory_space<vmem>>, vector<16xf32>,
          %parallel_loop3A_223 = arith.index_cast %parallel_loop3A_182 : i32 to index
          %parallel_loop3A_224 = arith.constant 192 : index
          %parallel_loop3A_225 = tpu.vector_load %arg13[%parallel_loop3A_223, %parallel_loop3A_224] {strides = array<i32>} : memref<32x256xf32, #tpu.memory_space<vmem>>, vector<16xf32>,
          %parallel_loop3A_226 = arith.index_cast %parallel_loop3A_182 : i32 to index
          %parallel_loop3A_227 = arith.constant 208 : index
          %parallel_loop3A_228 = tpu.vector_load %arg13[%parallel_loop3A_226, %parallel_loop3A_227] {strides = array<i32>} : memref<32x256xf32, #tpu.memory_space<vmem>>, vector<16xf32>,
          %parallel_loop3A_229 = arith.index_cast %parallel_loop3A_182 : i32 to index
          %parallel_loop3A_230 = arith.constant 224 : index
          %parallel_loop3A_231 = tpu.vector_load %arg13[%parallel_loop3A_229, %parallel_loop3A_230] {strides = array<i32>} : memref<32x256xf32, #tpu.memory_space<vmem>>, vector<16xf32>,
          %parallel_loop3A_232 = arith.index_cast %parallel_loop3A_182 : i32 to index
          %parallel_loop3A_233 = arith.constant 240 : index
          %parallel_loop3A_234 = tpu.vector_load %arg13[%parallel_loop3A_232, %parallel_loop3A_233] {strides = array<i32>} : memref<32x256xf32, #tpu.memory_space<vmem>>, vector<16xf32>,
          %parallel_loop3A_235 = arith.constant 0 : i32
          %parallel_loop3A_236 = vector.broadcast %parallel_loop3A_235 : i32 to vector<16xi32>
          %parallel_loop3A_237 = arith.addi %parallel_loop3A_236, %iota3A : vector<16xi32>
          %parallel_loop3A_238 = arith.mulf %parallel_loop3A_189, %parallel_loop3A_185 : vector<16xf32>
          tpu.vector_store_idx %arg8[%parallel_loop3A_186, %parallel_loop3A_237], %parallel_loop3A_238 {add = true} : memref<320x256xf32, #tpu.memory_space<vmem>>[vector<16xi32>, vector<16xi32>], vector<16xf32>,
          %parallel_loop3A_239 = arith.constant 16 : i32
          %parallel_loop3A_240 = vector.broadcast %parallel_loop3A_239 : i32 to vector<16xi32>
          %parallel_loop3A_241 = arith.addi %parallel_loop3A_240, %iota3A : vector<16xi32>
          %parallel_loop3A_242 = arith.mulf %parallel_loop3A_192, %parallel_loop3A_185 : vector<16xf32>
          tpu.vector_store_idx %arg8[%parallel_loop3A_186, %parallel_loop3A_241], %parallel_loop3A_242 {add = true} : memref<320x256xf32, #tpu.memory_space<vmem>>[vector<16xi32>, vector<16xi32>], vector<16xf32>,
          %parallel_loop3A_243 = arith.constant 32 : i32
          %parallel_loop3A_244 = vector.broadcast %parallel_loop3A_243 : i32 to vector<16xi32>
          %parallel_loop3A_245 = arith.addi %parallel_loop3A_244, %iota3A : vector<16xi32>
          %parallel_loop3A_246 = arith.mulf %parallel_loop3A_195, %parallel_loop3A_185 : vector<16xf32>
          tpu.vector_store_idx %arg8[%parallel_loop3A_186, %parallel_loop3A_245], %parallel_loop3A_246 {add = true} : memref<320x256xf32, #tpu.memory_space<vmem>>[vector<16xi32>, vector<16xi32>], vector<16xf32>,
          %parallel_loop3A_247 = arith.constant 48 : i32
          %parallel_loop3A_248 = vector.broadcast %parallel_loop3A_247 : i32 to vector<16xi32>
          %parallel_loop3A_249 = arith.addi %parallel_loop3A_248, %iota3A : vector<16xi32>
          %parallel_loop3A_250 = arith.mulf %parallel_loop3A_198, %parallel_loop3A_185 : vector<16xf32>
          tpu.vector_store_idx %arg8[%parallel_loop3A_186, %parallel_loop3A_249], %parallel_loop3A_250 {add = true} : memref<320x256xf32, #tpu.memory_space<vmem>>[vector<16xi32>, vector<16xi32>], vector<16xf32>,
          %parallel_loop3A_251 = arith.constant 64 : i32
          %parallel_loop3A_252 = vector.broadcast %parallel_loop3A_251 : i32 to vector<16xi32>
          %parallel_loop3A_253 = arith.addi %parallel_loop3A_252, %iota3A : vector<16xi32>
          %parallel_loop3A_254 = arith.mulf %parallel_loop3A_201, %parallel_loop3A_185 : vector<16xf32>
          tpu.vector_store_idx %arg8[%parallel_loop3A_186, %parallel_loop3A_253], %parallel_loop3A_254 {add = true} : memref<320x256xf32, #tpu.memory_space<vmem>>[vector<16xi32>, vector<16xi32>], vector<16xf32>,
          %parallel_loop3A_255 = arith.constant 80 : i32
          %parallel_loop3A_256 = vector.broadcast %parallel_loop3A_255 : i32 to vector<16xi32>
          %parallel_loop3A_257 = arith.addi %parallel_loop3A_256, %iota3A : vector<16xi32>
          %parallel_loop3A_258 = arith.mulf %parallel_loop3A_204, %parallel_loop3A_185 : vector<16xf32>
          tpu.vector_store_idx %arg8[%parallel_loop3A_186, %parallel_loop3A_257], %parallel_loop3A_258 {add = true} : memref<320x256xf32, #tpu.memory_space<vmem>>[vector<16xi32>, vector<16xi32>], vector<16xf32>,
          %parallel_loop3A_259 = arith.constant 96 : i32
          %parallel_loop3A_260 = vector.broadcast %parallel_loop3A_259 : i32 to vector<16xi32>
          %parallel_loop3A_261 = arith.addi %parallel_loop3A_260, %iota3A : vector<16xi32>
          %parallel_loop3A_262 = arith.mulf %parallel_loop3A_207, %parallel_loop3A_185 : vector<16xf32>
          tpu.vector_store_idx %arg8[%parallel_loop3A_186, %parallel_loop3A_261], %parallel_loop3A_262 {add = true} : memref<320x256xf32, #tpu.memory_space<vmem>>[vector<16xi32>, vector<16xi32>], vector<16xf32>,
          %parallel_loop3A_263 = arith.constant 112 : i32
          %parallel_loop3A_264 = vector.broadcast %parallel_loop3A_263 : i32 to vector<16xi32>
          %parallel_loop3A_265 = arith.addi %parallel_loop3A_264, %iota3A : vector<16xi32>
          %parallel_loop3A_266 = arith.mulf %parallel_loop3A_210, %parallel_loop3A_185 : vector<16xf32>
          tpu.vector_store_idx %arg8[%parallel_loop3A_186, %parallel_loop3A_265], %parallel_loop3A_266 {add = true} : memref<320x256xf32, #tpu.memory_space<vmem>>[vector<16xi32>, vector<16xi32>], vector<16xf32>,
          %parallel_loop3A_267 = arith.constant 128 : i32
          %parallel_loop3A_268 = vector.broadcast %parallel_loop3A_267 : i32 to vector<16xi32>
          %parallel_loop3A_269 = arith.addi %parallel_loop3A_268, %iota3A : vector<16xi32>
          %parallel_loop3A_270 = arith.mulf %parallel_loop3A_213, %parallel_loop3A_185 : vector<16xf32>
          tpu.vector_store_idx %arg8[%parallel_loop3A_186, %parallel_loop3A_269], %parallel_loop3A_270 {add = true} : memref<320x256xf32, #tpu.memory_space<vmem>>[vector<16xi32>, vector<16xi32>], vector<16xf32>,
          %parallel_loop3A_271 = arith.constant 144 : i32
          %parallel_loop3A_272 = vector.broadcast %parallel_loop3A_271 : i32 to vector<16xi32>
          %parallel_loop3A_273 = arith.addi %parallel_loop3A_272, %iota3A : vector<16xi32>
          %parallel_loop3A_274 = arith.mulf %parallel_loop3A_216, %parallel_loop3A_185 : vector<16xf32>
          tpu.vector_store_idx %arg8[%parallel_loop3A_186, %parallel_loop3A_273], %parallel_loop3A_274 {add = true} : memref<320x256xf32, #tpu.memory_space<vmem>>[vector<16xi32>, vector<16xi32>], vector<16xf32>,
          %parallel_loop3A_275 = arith.constant 160 : i32
          %parallel_loop3A_276 = vector.broadcast %parallel_loop3A_275 : i32 to vector<16xi32>
          %parallel_loop3A_277 = arith.addi %parallel_loop3A_276, %iota3A : vector<16xi32>
          %parallel_loop3A_278 = arith.mulf %parallel_loop3A_219, %parallel_loop3A_185 : vector<16xf32>
          tpu.vector_store_idx %arg8[%parallel_loop3A_186, %parallel_loop3A_277], %parallel_loop3A_278 {add = true} : memref<320x256xf32, #tpu.memory_space<vmem>>[vector<16xi32>, vector<16xi32>], vector<16xf32>,
          %parallel_loop3A_279 = arith.constant 176 : i32
          %parallel_loop3A_280 = vector.broadcast %parallel_loop3A_279 : i32 to vector<16xi32>
          %parallel_loop3A_281 = arith.addi %parallel_loop3A_280, %iota3A : vector<16xi32>
          %parallel_loop3A_282 = arith.mulf %parallel_loop3A_222, %parallel_loop3A_185 : vector<16xf32>
          tpu.vector_store_idx %arg8[%parallel_loop3A_186, %parallel_loop3A_281], %parallel_loop3A_282 {add = true} : memref<320x256xf32, #tpu.memory_space<vmem>>[vector<16xi32>, vector<16xi32>], vector<16xf32>,
          %parallel_loop3A_283 = arith.constant 192 : i32
          %parallel_loop3A_284 = vector.broadcast %parallel_loop3A_283 : i32 to vector<16xi32>
          %parallel_loop3A_285 = arith.addi %parallel_loop3A_284, %iota3A : vector<16xi32>
          %parallel_loop3A_286 = arith.mulf %parallel_loop3A_225, %parallel_loop3A_185 : vector<16xf32>
          tpu.vector_store_idx %arg8[%parallel_loop3A_186, %parallel_loop3A_285], %parallel_loop3A_286 {add = true} : memref<320x256xf32, #tpu.memory_space<vmem>>[vector<16xi32>, vector<16xi32>], vector<16xf32>,
          %parallel_loop3A_287 = arith.constant 208 : i32
          %parallel_loop3A_288 = vector.broadcast %parallel_loop3A_287 : i32 to vector<16xi32>
          %parallel_loop3A_289 = arith.addi %parallel_loop3A_288, %iota3A : vector<16xi32>
          %parallel_loop3A_290 = arith.mulf %parallel_loop3A_228, %parallel_loop3A_185 : vector<16xf32>
          tpu.vector_store_idx %arg8[%parallel_loop3A_186, %parallel_loop3A_289], %parallel_loop3A_290 {add = true} : memref<320x256xf32, #tpu.memory_space<vmem>>[vector<16xi32>, vector<16xi32>], vector<16xf32>,
          %parallel_loop3A_291 = arith.constant 224 : i32
          %parallel_loop3A_292 = vector.broadcast %parallel_loop3A_291 : i32 to vector<16xi32>
          %parallel_loop3A_293 = arith.addi %parallel_loop3A_292, %iota3A : vector<16xi32>
          %parallel_loop3A_294 = arith.mulf %parallel_loop3A_231, %parallel_loop3A_185 : vector<16xf32>
          tpu.vector_store_idx %arg8[%parallel_loop3A_186, %parallel_loop3A_293], %parallel_loop3A_294 {add = true} : memref<320x256xf32, #tpu.memory_space<vmem>>[vector<16xi32>, vector<16xi32>], vector<16xf32>,
          %parallel_loop3A_295 = arith.constant 240 : i32
          %parallel_loop3A_296 = vector.broadcast %parallel_loop3A_295 : i32 to vector<16xi32>
          %parallel_loop3A_297 = arith.addi %parallel_loop3A_296, %iota3A : vector<16xi32>
          %parallel_loop3A_298 = arith.mulf %parallel_loop3A_234, %parallel_loop3A_185 : vector<16xf32>
          tpu.vector_store_idx %arg8[%parallel_loop3A_186, %parallel_loop3A_297], %parallel_loop3A_298 {add = true} : memref<320x256xf32, #tpu.memory_space<vmem>>[vector<16xi32>, vector<16xi32>], vector<16xf32>,
        } {sc.loop_unroll_factor = 2 : i64, sc.parallel_access}
        %mul3A_162 = arith.constant 3 : i32
        %mul3A_163 = arith.muli %scan3A_126, %mul3A_162 : i32
        %add3A_164 = arith.constant 2 : i32
        %add3A_165 = arith.addi %mul3A_163, %add3A_164 : i32
        %dma_wait3A_166 = arith.constant 0 : i32
        %dma_wait3A_167 = tpu.memref_slice %arg9[%add3A_165, %dma_wait3A_166] : memref<48x32xi32, #tpu.memory_space<vmem>> -> memref<1x32xi32, #tpu.memory_space<vmem>>
        %dma_wait3A_168 = tpu.memref_squeeze %dma_wait3A_167 : memref<1x32xi32, #tpu.memory_space<vmem>> -> memref<32xi32, #tpu.memory_space<vmem>>
        %dma_wait3A_169 = arith.constant 0 : i32
        %dma_wait3A_170 = arith.constant 0 : i32
        %dma_wait3A_171 = tpu.memref_slice %arg2[%dma_wait3A_169, %dma_wait3A_170] : memref<10000x256xf32, #tpu.memory_space<hbm>> -> memref<10000x256xf32, #tpu.memory_space<hbm>>
        tpu.wait_indirect_dma semaphore(%arg18 : memref<!tpu.dma_semaphore, #tpu.memory_space<semaphore_mem>>) src(%dma_wait3A_171 : memref<10000x256xf32, #tpu.memory_space<hbm>>) dst(%arg14 : memref<32x256xf32, #tpu.memory_space<vmem>>)
        %add3A_172 = arith.constant 2 : i32
        %add3A_173 = arith.addi %add3A_165, %add3A_172 : i32
        %lt3A_174 = arith.constant 48 : i32
        %lt3A_175 = arith.cmpi slt, %add3A_173, %lt3A_174 : i32
        %convert_element_type3A_176 = arith.extui %lt3A_175 : i1 to i32
        %cond3A_177 = arith.constant 0 : i32
        %cond3A_178 = arith.cmpi ne, %convert_element_type3A_176, %cond3A_177 : i32
        scf.if %cond3A_178 {
          %add3A_182 = arith.constant 2 : i32
          %add3A_183 = arith.addi %add3A_165, %add3A_182 : i32
          %dma_start3A_184 = arith.constant 0 : i32
          %dma_start3A_185 = tpu.memref_slice %arg9[%add3A_183, %dma_start3A_184] : memref<48x32xi32, #tpu.memory_space<vmem>> -> memref<1x32xi32, #tpu.memory_space<vmem>>
          %dma_start3A_186 = tpu.memref_squeeze %dma_start3A_185 : memref<1x32xi32, #tpu.memory_space<vmem>> -> memref<32xi32, #tpu.memory_space<vmem>>
          %dma_start3A_187 = arith.constant 0 : i32
          %dma_start3A_188 = arith.constant 0 : i32
          %dma_start3A_189 = tpu.memref_slice %arg2[%dma_start3A_187, %dma_start3A_188] : memref<10000x256xf32, #tpu.memory_space<hbm>> -> memref<10000x256xf32, #tpu.memory_space<hbm>>
          tpu.enqueue_indirect_dma source(%dma_start3A_189 : memref<10000x256xf32, #tpu.memory_space<hbm>>) target(%arg13 : memref<32x256xf32, #tpu.memory_space<vmem>>) offsets(%dma_start3A_186 : memref<32xi32, #tpu.memory_space<vmem>>) semaphore(%arg17 : memref<!tpu.dma_semaphore, #tpu.memory_space<semaphore_mem>>)
        } else {
        }
        %parallel_loop3A_179 = arith.constant 0 : i32
        %parallel_loop3A_180 = arith.constant 32 : i32
        %parallel_loop3A_181 = arith.constant 1 : i32
        scf.for %parallel_loop3A_182 = %parallel_loop3A_179 to %parallel_loop3A_180 step %parallel_loop3A_181  : i32 {
          %parallel_loop3A_183 = vector.broadcast %add3A_165 : i32 to vector<16xi32>
          %parallel_loop3A_184 = vector.broadcast %parallel_loop3A_182 : i32 to vector<16xi32>
          %parallel_loop3A_185 = tpu.vector_load_idx %arg11[%parallel_loop3A_183, %parallel_loop3A_184] : memref<48x32xf32, #tpu.memory_space<vmem>>[vector<16xi32>, vector<16xi32>], vector<16xf32>,
          %parallel_loop3A_186 = tpu.vector_load_idx %arg10[%parallel_loop3A_183, %parallel_loop3A_184] : memref<48x32xi32, #tpu.memory_space<vmem>>[vector<16xi32>, vector<16xi32>], vector<16xi32>,
          %parallel_loop3A_187 = arith.index_cast %parallel_loop3A_182 : i32 to index
          %parallel_loop3A_188 = arith.constant 0 : index
          %parallel_loop3A_189 = tpu.vector_load %arg14[%parallel_loop3A_187, %parallel_loop3A_188] {strides = array<i32>} : memref<32x256xf32, #tpu.memory_space<vmem>>, vector<16xf32>,
          %parallel_loop3A_190 = arith.index_cast %parallel_loop3A_182 : i32 to index
          %parallel_loop3A_191 = arith.constant 16 : index
          %parallel_loop3A_192 = tpu.vector_load %arg14[%parallel_loop3A_190, %parallel_loop3A_191] {strides = array<i32>} : memref<32x256xf32, #tpu.memory_space<vmem>>, vector<16xf32>,
          %parallel_loop3A_193 = arith.index_cast %parallel_loop3A_182 : i32 to index
          %parallel_loop3A_194 = arith.constant 32 : index
          %parallel_loop3A_195 = tpu.vector_load %arg14[%parallel_loop3A_193, %parallel_loop3A_194] {strides = array<i32>} : memref<32x256xf32, #tpu.memory_space<vmem>>, vector<16xf32>,
          %parallel_loop3A_196 = arith.index_cast %parallel_loop3A_182 : i32 to index
          %parallel_loop3A_197 = arith.constant 48 : index
          %parallel_loop3A_198 = tpu.vector_load %arg14[%parallel_loop3A_196, %parallel_loop3A_197] {strides = array<i32>} : memref<32x256xf32, #tpu.memory_space<vmem>>, vector<16xf32>,
          %parallel_loop3A_199 = arith.index_cast %parallel_loop3A_182 : i32 to index
          %parallel_loop3A_200 = arith.constant 64 : index
          %parallel_loop3A_201 = tpu.vector_load %arg14[%parallel_loop3A_199, %parallel_loop3A_200] {strides = array<i32>} : memref<32x256xf32, #tpu.memory_space<vmem>>, vector<16xf32>,
          %parallel_loop3A_202 = arith.index_cast %parallel_loop3A_182 : i32 to index
          %parallel_loop3A_203 = arith.constant 80 : index
          %parallel_loop3A_204 = tpu.vector_load %arg14[%parallel_loop3A_202, %parallel_loop3A_203] {strides = array<i32>} : memref<32x256xf32, #tpu.memory_space<vmem>>, vector<16xf32>,
          %parallel_loop3A_205 = arith.index_cast %parallel_loop3A_182 : i32 to index
          %parallel_loop3A_206 = arith.constant 96 : index
          %parallel_loop3A_207 = tpu.vector_load %arg14[%parallel_loop3A_205, %parallel_loop3A_206] {strides = array<i32>} : memref<32x256xf32, #tpu.memory_space<vmem>>, vector<16xf32>,
          %parallel_loop3A_208 = arith.index_cast %parallel_loop3A_182 : i32 to index
          %parallel_loop3A_209 = arith.constant 112 : index
          %parallel_loop3A_210 = tpu.vector_load %arg14[%parallel_loop3A_208, %parallel_loop3A_209] {strides = array<i32>} : memref<32x256xf32, #tpu.memory_space<vmem>>, vector<16xf32>,
          %parallel_loop3A_211 = arith.index_cast %parallel_loop3A_182 : i32 to index
          %parallel_loop3A_212 = arith.constant 128 : index
          %parallel_loop3A_213 = tpu.vector_load %arg14[%parallel_loop3A_211, %parallel_loop3A_212] {strides = array<i32>} : memref<32x256xf32, #tpu.memory_space<vmem>>, vector<16xf32>,
          %parallel_loop3A_214 = arith.index_cast %parallel_loop3A_182 : i32 to index
          %parallel_loop3A_215 = arith.constant 144 : index
          %parallel_loop3A_216 = tpu.vector_load %arg14[%parallel_loop3A_214, %parallel_loop3A_215] {strides = array<i32>} : memref<32x256xf32, #tpu.memory_space<vmem>>, vector<16xf32>,
          %parallel_loop3A_217 = arith.index_cast %parallel_loop3A_182 : i32 to index
          %parallel_loop3A_218 = arith.constant 160 : index
          %parallel_loop3A_219 = tpu.vector_load %arg14[%parallel_loop3A_217, %parallel_loop3A_218] {strides = array<i32>} : memref<32x256xf32, #tpu.memory_space<vmem>>, vector<16xf32>,
          %parallel_loop3A_220 = arith.index_cast %parallel_loop3A_182 : i32 to index
          %parallel_loop3A_221 = arith.constant 176 : index
          %parallel_loop3A_222 = tpu.vector_load %arg14[%parallel_loop3A_220, %parallel_loop3A_221] {strides = array<i32>} : memref<32x256xf32, #tpu.memory_space<vmem>>, vector<16xf32>,
          %parallel_loop3A_223 = arith.index_cast %parallel_loop3A_182 : i32 to index
          %parallel_loop3A_224 = arith.constant 192 : index
          %parallel_loop3A_225 = tpu.vector_load %arg14[%parallel_loop3A_223, %parallel_loop3A_224] {strides = array<i32>} : memref<32x256xf32, #tpu.memory_space<vmem>>, vector<16xf32>,
          %parallel_loop3A_226 = arith.index_cast %parallel_loop3A_182 : i32 to index
          %parallel_loop3A_227 = arith.constant 208 : index
          %parallel_loop3A_228 = tpu.vector_load %arg14[%parallel_loop3A_226, %parallel_loop3A_227] {strides = array<i32>} : memref<32x256xf32, #tpu.memory_space<vmem>>, vector<16xf32>,
          %parallel_loop3A_229 = arith.index_cast %parallel_loop3A_182 : i32 to index
          %parallel_loop3A_230 = arith.constant 224 : index
          %parallel_loop3A_231 = tpu.vector_load %arg14[%parallel_loop3A_229, %parallel_loop3A_230] {strides = array<i32>} : memref<32x256xf32, #tpu.memory_space<vmem>>, vector<16xf32>,
          %parallel_loop3A_232 = arith.index_cast %parallel_loop3A_182 : i32 to index
          %parallel_loop3A_233 = arith.constant 240 : index
          %parallel_loop3A_234 = tpu.vector_load %arg14[%parallel_loop3A_232, %parallel_loop3A_233] {strides = array<i32>} : memref<32x256xf32, #tpu.memory_space<vmem>>, vector<16xf32>,
          %parallel_loop3A_235 = arith.constant 0 : i32
          %parallel_loop3A_236 = vector.broadcast %parallel_loop3A_235 : i32 to vector<16xi32>
          %parallel_loop3A_237 = arith.addi %parallel_loop3A_236, %iota3A : vector<16xi32>
          %parallel_loop3A_238 = arith.mulf %parallel_loop3A_189, %parallel_loop3A_185 : vector<16xf32>
          tpu.vector_store_idx %arg8[%parallel_loop3A_186, %parallel_loop3A_237], %parallel_loop3A_238 {add = true} : memref<320x256xf32, #tpu.memory_space<vmem>>[vector<16xi32>, vector<16xi32>], vector<16xf32>,
          %parallel_loop3A_239 = arith.constant 16 : i32
          %parallel_loop3A_240 = vector.broadcast %parallel_loop3A_239 : i32 to vector<16xi32>
          %parallel_loop3A_241 = arith.addi %parallel_loop3A_240, %iota3A : vector<16xi32>
          %parallel_loop3A_242 = arith.mulf %parallel_loop3A_192, %parallel_loop3A_185 : vector<16xf32>
          tpu.vector_store_idx %arg8[%parallel_loop3A_186, %parallel_loop3A_241], %parallel_loop3A_242 {add = true} : memref<320x256xf32, #tpu.memory_space<vmem>>[vector<16xi32>, vector<16xi32>], vector<16xf32>,
          %parallel_loop3A_243 = arith.constant 32 : i32
          %parallel_loop3A_244 = vector.broadcast %parallel_loop3A_243 : i32 to vector<16xi32>
          %parallel_loop3A_245 = arith.addi %parallel_loop3A_244, %iota3A : vector<16xi32>
          %parallel_loop3A_246 = arith.mulf %parallel_loop3A_195, %parallel_loop3A_185 : vector<16xf32>
          tpu.vector_store_idx %arg8[%parallel_loop3A_186, %parallel_loop3A_245], %parallel_loop3A_246 {add = true} : memref<320x256xf32, #tpu.memory_space<vmem>>[vector<16xi32>, vector<16xi32>], vector<16xf32>,
          %parallel_loop3A_247 = arith.constant 48 : i32
          %parallel_loop3A_248 = vector.broadcast %parallel_loop3A_247 : i32 to vector<16xi32>
          %parallel_loop3A_249 = arith.addi %parallel_loop3A_248, %iota3A : vector<16xi32>
          %parallel_loop3A_250 = arith.mulf %parallel_loop3A_198, %parallel_loop3A_185 : vector<16xf32>
          tpu.vector_store_idx %arg8[%parallel_loop3A_186, %parallel_loop3A_249], %parallel_loop3A_250 {add = true} : memref<320x256xf32, #tpu.memory_space<vmem>>[vector<16xi32>, vector<16xi32>], vector<16xf32>,
          %parallel_loop3A_251 = arith.constant 64 : i32
          %parallel_loop3A_252 = vector.broadcast %parallel_loop3A_251 : i32 to vector<16xi32>
          %parallel_loop3A_253 = arith.addi %parallel_loop3A_252, %iota3A : vector<16xi32>
          %parallel_loop3A_254 = arith.mulf %parallel_loop3A_201, %parallel_loop3A_185 : vector<16xf32>
          tpu.vector_store_idx %arg8[%parallel_loop3A_186, %parallel_loop3A_253], %parallel_loop3A_254 {add = true} : memref<320x256xf32, #tpu.memory_space<vmem>>[vector<16xi32>, vector<16xi32>], vector<16xf32>,
          %parallel_loop3A_255 = arith.constant 80 : i32
          %parallel_loop3A_256 = vector.broadcast %parallel_loop3A_255 : i32 to vector<16xi32>
          %parallel_loop3A_257 = arith.addi %parallel_loop3A_256, %iota3A : vector<16xi32>
          %parallel_loop3A_258 = arith.mulf %parallel_loop3A_204, %parallel_loop3A_185 : vector<16xf32>
          tpu.vector_store_idx %arg8[%parallel_loop3A_186, %parallel_loop3A_257], %parallel_loop3A_258 {add = true} : memref<320x256xf32, #tpu.memory_space<vmem>>[vector<16xi32>, vector<16xi32>], vector<16xf32>,
          %parallel_loop3A_259 = arith.constant 96 : i32
          %parallel_loop3A_260 = vector.broadcast %parallel_loop3A_259 : i32 to vector<16xi32>
          %parallel_loop3A_261 = arith.addi %parallel_loop3A_260, %iota3A : vector<16xi32>
          %parallel_loop3A_262 = arith.mulf %parallel_loop3A_207, %parallel_loop3A_185 : vector<16xf32>
          tpu.vector_store_idx %arg8[%parallel_loop3A_186, %parallel_loop3A_261], %parallel_loop3A_262 {add = true} : memref<320x256xf32, #tpu.memory_space<vmem>>[vector<16xi32>, vector<16xi32>], vector<16xf32>,
          %parallel_loop3A_263 = arith.constant 112 : i32
          %parallel_loop3A_264 = vector.broadcast %parallel_loop3A_263 : i32 to vector<16xi32>
          %parallel_loop3A_265 = arith.addi %parallel_loop3A_264, %iota3A : vector<16xi32>
          %parallel_loop3A_266 = arith.mulf %parallel_loop3A_210, %parallel_loop3A_185 : vector<16xf32>
          tpu.vector_store_idx %arg8[%parallel_loop3A_186, %parallel_loop3A_265], %parallel_loop3A_266 {add = true} : memref<320x256xf32, #tpu.memory_space<vmem>>[vector<16xi32>, vector<16xi32>], vector<16xf32>,
          %parallel_loop3A_267 = arith.constant 128 : i32
          %parallel_loop3A_268 = vector.broadcast %parallel_loop3A_267 : i32 to vector<16xi32>
          %parallel_loop3A_269 = arith.addi %parallel_loop3A_268, %iota3A : vector<16xi32>
          %parallel_loop3A_270 = arith.mulf %parallel_loop3A_213, %parallel_loop3A_185 : vector<16xf32>
          tpu.vector_store_idx %arg8[%parallel_loop3A_186, %parallel_loop3A_269], %parallel_loop3A_270 {add = true} : memref<320x256xf32, #tpu.memory_space<vmem>>[vector<16xi32>, vector<16xi32>], vector<16xf32>,
          %parallel_loop3A_271 = arith.constant 144 : i32
          %parallel_loop3A_272 = vector.broadcast %parallel_loop3A_271 : i32 to vector<16xi32>
          %parallel_loop3A_273 = arith.addi %parallel_loop3A_272, %iota3A : vector<16xi32>
          %parallel_loop3A_274 = arith.mulf %parallel_loop3A_216, %parallel_loop3A_185 : vector<16xf32>
          tpu.vector_store_idx %arg8[%parallel_loop3A_186, %parallel_loop3A_273], %parallel_loop3A_274 {add = true} : memref<320x256xf32, #tpu.memory_space<vmem>>[vector<16xi32>, vector<16xi32>], vector<16xf32>,
          %parallel_loop3A_275 = arith.constant 160 : i32
          %parallel_loop3A_276 = vector.broadcast %parallel_loop3A_275 : i32 to vector<16xi32>
          %parallel_loop3A_277 = arith.addi %parallel_loop3A_276, %iota3A : vector<16xi32>
          %parallel_loop3A_278 = arith.mulf %parallel_loop3A_219, %parallel_loop3A_185 : vector<16xf32>
          tpu.vector_store_idx %arg8[%parallel_loop3A_186, %parallel_loop3A_277], %parallel_loop3A_278 {add = true} : memref<320x256xf32, #tpu.memory_space<vmem>>[vector<16xi32>, vector<16xi32>], vector<16xf32>,
          %parallel_loop3A_279 = arith.constant 176 : i32
          %parallel_loop3A_280 = vector.broadcast %parallel_loop3A_279 : i32 to vector<16xi32>
          %parallel_loop3A_281 = arith.addi %parallel_loop3A_280, %iota3A : vector<16xi32>
          %parallel_loop3A_282 = arith.mulf %parallel_loop3A_222, %parallel_loop3A_185 : vector<16xf32>
          tpu.vector_store_idx %arg8[%parallel_loop3A_186, %parallel_loop3A_281], %parallel_loop3A_282 {add = true} : memref<320x256xf32, #tpu.memory_space<vmem>>[vector<16xi32>, vector<16xi32>], vector<16xf32>,
          %parallel_loop3A_283 = arith.constant 192 : i32
          %parallel_loop3A_284 = vector.broadcast %parallel_loop3A_283 : i32 to vector<16xi32>
          %parallel_loop3A_285 = arith.addi %parallel_loop3A_284, %iota3A : vector<16xi32>
          %parallel_loop3A_286 = arith.mulf %parallel_loop3A_225, %parallel_loop3A_185 : vector<16xf32>
          tpu.vector_store_idx %arg8[%parallel_loop3A_186, %parallel_loop3A_285], %parallel_loop3A_286 {add = true} : memref<320x256xf32, #tpu.memory_space<vmem>>[vector<16xi32>, vector<16xi32>], vector<16xf32>,
          %parallel_loop3A_287 = arith.constant 208 : i32
          %parallel_loop3A_288 = vector.broadcast %parallel_loop3A_287 : i32 to vector<16xi32>
          %parallel_loop3A_289 = arith.addi %parallel_loop3A_288, %iota3A : vector<16xi32>
          %parallel_loop3A_290 = arith.mulf %parallel_loop3A_228, %parallel_loop3A_185 : vector<16xf32>
          tpu.vector_store_idx %arg8[%parallel_loop3A_186, %parallel_loop3A_289], %parallel_loop3A_290 {add = true} : memref<320x256xf32, #tpu.memory_space<vmem>>[vector<16xi32>, vector<16xi32>], vector<16xf32>,
          %parallel_loop3A_291 = arith.constant 224 : i32
          %parallel_loop3A_292 = vector.broadcast %parallel_loop3A_291 : i32 to vector<16xi32>
          %parallel_loop3A_293 = arith.addi %parallel_loop3A_292, %iota3A : vector<16xi32>
          %parallel_loop3A_294 = arith.mulf %parallel_loop3A_231, %parallel_loop3A_185 : vector<16xf32>
          tpu.vector_store_idx %arg8[%parallel_loop3A_186, %parallel_loop3A_293], %parallel_loop3A_294 {add = true} : memref<320x256xf32, #tpu.memory_space<vmem>>[vector<16xi32>, vector<16xi32>], vector<16xf32>,
          %parallel_loop3A_295 = arith.constant 240 : i32
          %parallel_loop3A_296 = vector.broadcast %parallel_loop3A_295 : i32 to vector<16xi32>
          %parallel_loop3A_297 = arith.addi %parallel_loop3A_296, %iota3A : vector<16xi32>
          %parallel_loop3A_298 = arith.mulf %parallel_loop3A_234, %parallel_loop3A_185 : vector<16xf32>
          tpu.vector_store_idx %arg8[%parallel_loop3A_186, %parallel_loop3A_297], %parallel_loop3A_298 {add = true} : memref<320x256xf32, #tpu.memory_space<vmem>>[vector<16xi32>, vector<16xi32>], vector<16xf32>,
        } {sc.loop_unroll_factor = 2 : i64, sc.parallel_access}
      }
      %scan3A_125 = arith.constant 16 : i32
    }
    %while3A_96 = arith.constant 1 : i32
    scf.for %while3A_97 = %while3A_94 to %while3A_90 step %while3A_96  : i32 {
      %mul3A_98 = arith.constant 48 : i32
      %mul3A_99 = arith.muli %while3A_97, %mul3A_98 : i32
      %add3A_100 = arith.addi %mul3A_55, %mul3A_99 : i32
      "tpu.region"() ({
        %run_scoped3A = tpu.sem_alloc : memref<!tpu.dma_semaphore, #tpu.memory_space<semaphore_mem>>
        %dma_start3A_126 = arith.constant 0 : i32
        %dma_start3A_127 = tpu.memref_slice %arg5[%add3A_100, %dma_start3A_126] : memref<5096x32xi32, #tpu.memory_space<hbm>> -> memref<48x32xi32, #tpu.memory_space<hbm>>
        %dma_start3A_128 = arith.constant 0 : i32
        %dma_start3A_129 = tpu.memref_slice %arg5[%add3A_100, %dma_start3A_128] : memref<5096x32xi32, #tpu.memory_space<hbm>> -> memref<48x32xi32, #tpu.memory_space<hbm>>
        tpu.enqueue_dma source(%dma_start3A_129 : memref<48x32xi32, #tpu.memory_space<hbm>>) target(%arg9 : memref<48x32xi32, #tpu.memory_space<vmem>>) target_semaphore(%run_scoped3A : memref<!tpu.dma_semaphore, #tpu.memory_space<semaphore_mem>>)
        %dma_wait3A = arith.constant 0 : i32
        %dma_wait3A_130 = tpu.memref_slice %arg5[%add3A_100, %dma_wait3A] : memref<5096x32xi32, #tpu.memory_space<hbm>> -> memref<48x32xi32, #tpu.memory_space<hbm>>
        %dma_wait3A_131 = arith.constant 0 : i32
        %dma_wait3A_132 = tpu.memref_slice %arg5[%add3A_100, %dma_wait3A_131] : memref<5096x32xi32, #tpu.memory_space<hbm>> -> memref<48x32xi32, #tpu.memory_space<hbm>>
        tpu.wait_dma2 semaphore(%run_scoped3A : memref<!tpu.dma_semaphore, #tpu.memory_space<semaphore_mem>>) src(%dma_wait3A_132 : memref<48x32xi32, #tpu.memory_space<hbm>>) dst(%arg9 : memref<48x32xi32, #tpu.memory_space<vmem>>)
        tpu.yield
      }) : () -> ()
      "tpu.region"() ({
        %run_scoped3A = tpu.sem_alloc : memref<!tpu.dma_semaphore, #tpu.memory_space<semaphore_mem>>
        %dma_start3A_126 = arith.constant 0 : i32
        %dma_start3A_127 = tpu.memref_slice %arg4[%add3A_100, %dma_start3A_126] : memref<5096x32xi32, #tpu.memory_space<hbm>> -> memref<48x32xi32, #tpu.memory_space<hbm>>
        %dma_start3A_128 = arith.constant 0 : i32
        %dma_start3A_129 = tpu.memref_slice %arg4[%add3A_100, %dma_start3A_128] : memref<5096x32xi32, #tpu.memory_space<hbm>> -> memref<48x32xi32, #tpu.memory_space<hbm>>
        tpu.enqueue_dma source(%dma_start3A_129 : memref<48x32xi32, #tpu.memory_space<hbm>>) target(%arg10 : memref<48x32xi32, #tpu.memory_space<vmem>>) target_semaphore(%run_scoped3A : memref<!tpu.dma_semaphore, #tpu.memory_space<semaphore_mem>>)
        %dma_wait3A = arith.constant 0 : i32
        %dma_wait3A_130 = tpu.memref_slice %arg4[%add3A_100, %dma_wait3A] : memref<5096x32xi32, #tpu.memory_space<hbm>> -> memref<48x32xi32, #tpu.memory_space<hbm>>
        %dma_wait3A_131 = arith.constant 0 : i32
        %dma_wait3A_132 = tpu.memref_slice %arg4[%add3A_100, %dma_wait3A_131] : memref<5096x32xi32, #tpu.memory_space<hbm>> -> memref<48x32xi32, #tpu.memory_space<hbm>>
        tpu.wait_dma2 semaphore(%run_scoped3A : memref<!tpu.dma_semaphore, #tpu.memory_space<semaphore_mem>>) src(%dma_wait3A_132 : memref<48x32xi32, #tpu.memory_space<hbm>>) dst(%arg10 : memref<48x32xi32, #tpu.memory_space<vmem>>)
        tpu.yield
      }) : () -> ()
      "tpu.region"() ({
        %run_scoped3A = tpu.sem_alloc : memref<!tpu.dma_semaphore, #tpu.memory_space<semaphore_mem>>
        %dma_start3A_126 = arith.constant 0 : i32
        %dma_start3A_127 = tpu.memref_slice %arg3[%add3A_100, %dma_start3A_126] : memref<5096x32xf32, #tpu.memory_space<hbm>> -> memref<48x32xf32, #tpu.memory_space<hbm>>
        %dma_start3A_128 = arith.constant 0 : i32
        %dma_start3A_129 = tpu.memref_slice %arg3[%add3A_100, %dma_start3A_128] : memref<5096x32xf32, #tpu.memory_space<hbm>> -> memref<48x32xf32, #tpu.memory_space<hbm>>
        tpu.enqueue_dma source(%dma_start3A_129 : memref<48x32xf32, #tpu.memory_space<hbm>>) target(%arg11 : memref<48x32xf32, #tpu.memory_space<vmem>>) target_semaphore(%run_scoped3A : memref<!tpu.dma_semaphore, #tpu.memory_space<semaphore_mem>>)
        %dma_wait3A = arith.constant 0 : i32
        %dma_wait3A_130 = tpu.memref_slice %arg3[%add3A_100, %dma_wait3A] : memref<5096x32xf32, #tpu.memory_space<hbm>> -> memref<48x32xf32, #tpu.memory_space<hbm>>
        %dma_wait3A_131 = arith.constant 0 : i32
        %dma_wait3A_132 = tpu.memref_slice %arg3[%add3A_100, %dma_wait3A_131] : memref<5096x32xf32, #tpu.memory_space<hbm>> -> memref<48x32xf32, #tpu.memory_space<hbm>>
        tpu.wait_dma2 semaphore(%run_scoped3A : memref<!tpu.dma_semaphore, #tpu.memory_space<semaphore_mem>>) src(%dma_wait3A_132 : memref<48x32xf32, #tpu.memory_space<hbm>>) dst(%arg11 : memref<48x32xf32, #tpu.memory_space<vmem>>)
        tpu.yield
      }) : () -> ()
      %scan3A_101 = arith.constant 0 : i32
      %scan3A_102 = arith.constant 0 : i32
      %scan3A_103 = arith.constant 48 : i32
      %scan3A_104 = arith.addi %scan3A_102, %scan3A_103 : i32
      %scan3A_105 = arith.constant 1 : i32
      scf.for %scan3A_126 = %scan3A_102 to %scan3A_104 step %scan3A_105  : i32 {
        %add3A_127 = arith.addi %add3A_100, %scan3A_126 : i32
        %mul3A_128 = arith.constant 32 : i32
        %mul3A_129 = arith.muli %add3A_127, %mul3A_128 : i32
        %add3A_130 = arith.constant 0 : i32
        %add3A_131 = arith.addi %mul3A_129, %add3A_130 : i32
        %iota3A_132 = tpu.iota {dimensions = array<i32: 0>} : vector<16xi32>
        %add3A_133 = vector.broadcast %add3A_131 : i32 to vector<16xi32>
        %add3A_134 = arith.addi %add3A_133, %iota3A_132 : vector<16xi32>
        %get3A = arith.index_cast %scan3A_126 : i32 to index
        %get3A_135 = arith.constant 0 : index
        %get3A_136 = tpu.vector_load %arg11[%get3A, %get3A_135] {strides = array<i32>} : memref<48x32xf32, #tpu.memory_space<vmem>>, vector<16xf32>,
        %ge3A = vector.broadcast %squeeze3A : i32 to vector<16xi32>
        %ge3A_137 = arith.cmpi sge, %add3A_134, %ge3A : vector<16xi32>
        %lt3A = vector.broadcast %squeeze3A_8 : i32 to vector<16xi32>
        %lt3A_138 = arith.cmpi slt, %add3A_134, %lt3A : vector<16xi32>
        %and3A_139 = arith.andi %ge3A_137, %lt3A_138 : vector<16xi1>
        %jit3A_140 = arith.constant 0.000000e+00 : f32
        %broadcast_in_dim3A_141 = vector.broadcast %jit3A_140 : f32 to vector<16xf32>
        %select_n3A_142 = arith.select %and3A_139, %get3A_136, %broadcast_in_dim3A_141 : vector<16xi1>, vector<16xf32>
        %swap3A = arith.index_cast %scan3A_126 : i32 to index
        %swap3A_143 = arith.constant 0 : index
        %swap3A_144 = tpu.vector_load %arg11[%swap3A, %swap3A_143] {strides = array<i32>} : memref<48x32xf32, #tpu.memory_space<vmem>>, vector<16xf32>,
        tpu.vector_store %arg11[%swap3A, %swap3A_143], %select_n3A_142 {strides = array<i32>} : memref<48x32xf32, #tpu.memory_space<vmem>>, vector<16xf32>,
        %add3A_145 = arith.constant 16 : i32
        %add3A_146 = arith.addi %mul3A_129, %add3A_145 : i32
        %iota3A_147 = tpu.iota {dimensions = array<i32: 0>} : vector<16xi32>
        %add3A_148 = vector.broadcast %add3A_146 : i32 to vector<16xi32>
        %add3A_149 = arith.addi %add3A_148, %iota3A_147 : vector<16xi32>
        %get3A_150 = arith.index_cast %scan3A_126 : i32 to index
        %get3A_151 = arith.constant 16 : index
        %get3A_152 = tpu.vector_load %arg11[%get3A_150, %get3A_151] {strides = array<i32>} : memref<48x32xf32, #tpu.memory_space<vmem>>, vector<16xf32>,
        %ge3A_153 = vector.broadcast %squeeze3A : i32 to vector<16xi32>
        %ge3A_154 = arith.cmpi sge, %add3A_149, %ge3A_153 : vector<16xi32>
        %lt3A_155 = vector.broadcast %squeeze3A_8 : i32 to vector<16xi32>
        %lt3A_156 = arith.cmpi slt, %add3A_149, %lt3A_155 : vector<16xi32>
        %and3A_157 = arith.andi %ge3A_154, %lt3A_156 : vector<16xi1>
        %jit3A_158 = arith.constant 0.000000e+00 : f32
        %broadcast_in_dim3A_159 = vector.broadcast %jit3A_158 : f32 to vector<16xf32>
        %select_n3A_160 = arith.select %and3A_157, %get3A_152, %broadcast_in_dim3A_159 : vector<16xi1>, vector<16xf32>
        %swap3A_161 = arith.index_cast %scan3A_126 : i32 to index
        %swap3A_162 = arith.constant 16 : index
        %swap3A_163 = tpu.vector_load %arg11[%swap3A_161, %swap3A_162] {strides = array<i32>} : memref<48x32xf32, #tpu.memory_space<vmem>>, vector<16xf32>,
        tpu.vector_store %arg11[%swap3A_161, %swap3A_162], %select_n3A_160 {strides = array<i32>} : memref<48x32xf32, #tpu.memory_space<vmem>>, vector<16xf32>,
      }
      %scan3A_106 = arith.constant 48 : i32
      %iota3A = tpu.iota {dimensions = array<i32: 0>} : vector<16xi32>
      %dma_start3A = arith.constant 0 : i32
      %dma_start3A_107 = arith.constant 0 : i32
      %dma_start3A_108 = tpu.memref_slice %arg9[%dma_start3A, %dma_start3A_107] : memref<48x32xi32, #tpu.memory_space<vmem>> -> memref<1x32xi32, #tpu.memory_space<vmem>>
      %dma_start3A_109 = tpu.memref_squeeze %dma_start3A_108 : memref<1x32xi32, #tpu.memory_space<vmem>> -> memref<32xi32, #tpu.memory_space<vmem>>
      %dma_start3A_110 = arith.constant 0 : i32
      %dma_start3A_111 = arith.constant 0 : i32
      %dma_start3A_112 = tpu.memref_slice %arg2[%dma_start3A_110, %dma_start3A_111] : memref<10000x256xf32, #tpu.memory_space<hbm>> -> memref<10000x256xf32, #tpu.memory_space<hbm>>
      tpu.enqueue_indirect_dma source(%dma_start3A_112 : memref<10000x256xf32, #tpu.memory_space<hbm>>) target(%arg12 : memref<32x256xf32, #tpu.memory_space<vmem>>) offsets(%dma_start3A_109 : memref<32xi32, #tpu.memory_space<vmem>>) semaphore(%arg16 : memref<!tpu.dma_semaphore, #tpu.memory_space<semaphore_mem>>)
      %dma_start3A_113 = arith.constant 1 : i32
      %dma_start3A_114 = arith.constant 0 : i32
      %dma_start3A_115 = tpu.memref_slice %arg9[%dma_start3A_113, %dma_start3A_114] : memref<48x32xi32, #tpu.memory_space<vmem>> -> memref<1x32xi32, #tpu.memory_space<vmem>>
      %dma_start3A_116 = tpu.memref_squeeze %dma_start3A_115 : memref<1x32xi32, #tpu.memory_space<vmem>> -> memref<32xi32, #tpu.memory_space<vmem>>
      %dma_start3A_117 = arith.constant 0 : i32
      %dma_start3A_118 = arith.constant 0 : i32
      %dma_start3A_119 = tpu.memref_slice %arg2[%dma_start3A_117, %dma_start3A_118] : memref<10000x256xf32, #tpu.memory_space<hbm>> -> memref<10000x256xf32, #tpu.memory_space<hbm>>
      tpu.enqueue_indirect_dma source(%dma_start3A_119 : memref<10000x256xf32, #tpu.memory_space<hbm>>) target(%arg13 : memref<32x256xf32, #tpu.memory_space<vmem>>) offsets(%dma_start3A_116 : memref<32xi32, #tpu.memory_space<vmem>>) semaphore(%arg17 : memref<!tpu.dma_semaphore, #tpu.memory_space<semaphore_mem>>)
      %scan3A_120 = arith.constant 0 : i32
      %scan3A_121 = arith.constant 0 : i32
      %scan3A_122 = arith.constant 16 : i32
      %scan3A_123 = arith.addi %scan3A_121, %scan3A_122 : i32
      %scan3A_124 = arith.constant 1 : i32
      scf.for %scan3A_126 = %scan3A_121 to %scan3A_123 step %scan3A_124  : i32 {
        %mul3A_127 = arith.constant 3 : i32
        %mul3A_128 = arith.muli %scan3A_126, %mul3A_127 : i32
        %add3A_129 = arith.constant 0 : i32
        %add3A_130 = arith.addi %mul3A_128, %add3A_129 : i32
        %dma_wait3A = arith.constant 0 : i32
        %dma_wait3A_131 = tpu.memref_slice %arg9[%add3A_130, %dma_wait3A] : memref<48x32xi32, #tpu.memory_space<vmem>> -> memref<1x32xi32, #tpu.memory_space<vmem>>
        %dma_wait3A_132 = tpu.memref_squeeze %dma_wait3A_131 : memref<1x32xi32, #tpu.memory_space<vmem>> -> memref<32xi32, #tpu.memory_space<vmem>>
        %dma_wait3A_133 = arith.constant 0 : i32
        %dma_wait3A_134 = arith.constant 0 : i32
        %dma_wait3A_135 = tpu.memref_slice %arg2[%dma_wait3A_133, %dma_wait3A_134] : memref<10000x256xf32, #tpu.memory_space<hbm>> -> memref<10000x256xf32, #tpu.memory_space<hbm>>
        tpu.wait_indirect_dma semaphore(%arg16 : memref<!tpu.dma_semaphore, #tpu.memory_space<semaphore_mem>>) src(%dma_wait3A_135 : memref<10000x256xf32, #tpu.memory_space<hbm>>) dst(%arg12 : memref<32x256xf32, #tpu.memory_space<vmem>>)
        %add3A_136 = arith.constant 2 : i32
        %add3A_137 = arith.addi %add3A_130, %add3A_136 : i32
        %lt3A = arith.constant 48 : i32
        %lt3A_138 = arith.cmpi slt, %add3A_137, %lt3A : i32
        %convert_element_type3A = arith.extui %lt3A_138 : i1 to i32
        %cond3A = arith.constant 0 : i32
        %cond3A_139 = arith.cmpi ne, %convert_element_type3A, %cond3A : i32
        scf.if %cond3A_139 {
          %add3A_182 = arith.constant 2 : i32
          %add3A_183 = arith.addi %add3A_130, %add3A_182 : i32
          %dma_start3A_184 = arith.constant 0 : i32
          %dma_start3A_185 = tpu.memref_slice %arg9[%add3A_183, %dma_start3A_184] : memref<48x32xi32, #tpu.memory_space<vmem>> -> memref<1x32xi32, #tpu.memory_space<vmem>>
          %dma_start3A_186 = tpu.memref_squeeze %dma_start3A_185 : memref<1x32xi32, #tpu.memory_space<vmem>> -> memref<32xi32, #tpu.memory_space<vmem>>
          %dma_start3A_187 = arith.constant 0 : i32
          %dma_start3A_188 = arith.constant 0 : i32
          %dma_start3A_189 = tpu.memref_slice %arg2[%dma_start3A_187, %dma_start3A_188] : memref<10000x256xf32, #tpu.memory_space<hbm>> -> memref<10000x256xf32, #tpu.memory_space<hbm>>
          tpu.enqueue_indirect_dma source(%dma_start3A_189 : memref<10000x256xf32, #tpu.memory_space<hbm>>) target(%arg14 : memref<32x256xf32, #tpu.memory_space<vmem>>) offsets(%dma_start3A_186 : memref<32xi32, #tpu.memory_space<vmem>>) semaphore(%arg18 : memref<!tpu.dma_semaphore, #tpu.memory_space<semaphore_mem>>)
        } else {
        }
        %parallel_loop3A = arith.constant 0 : i32
        %parallel_loop3A_140 = arith.constant 32 : i32
        %parallel_loop3A_141 = arith.constant 1 : i32
        scf.for %parallel_loop3A_182 = %parallel_loop3A to %parallel_loop3A_140 step %parallel_loop3A_141  : i32 {
          %parallel_loop3A_183 = vector.broadcast %add3A_130 : i32 to vector<16xi32>
          %parallel_loop3A_184 = vector.broadcast %parallel_loop3A_182 : i32 to vector<16xi32>
          %parallel_loop3A_185 = tpu.vector_load_idx %arg11[%parallel_loop3A_183, %parallel_loop3A_184] : memref<48x32xf32, #tpu.memory_space<vmem>>[vector<16xi32>, vector<16xi32>], vector<16xf32>,
          %parallel_loop3A_186 = tpu.vector_load_idx %arg10[%parallel_loop3A_183, %parallel_loop3A_184] : memref<48x32xi32, #tpu.memory_space<vmem>>[vector<16xi32>, vector<16xi32>], vector<16xi32>,
          %parallel_loop3A_187 = arith.index_cast %parallel_loop3A_182 : i32 to index
          %parallel_loop3A_188 = arith.constant 0 : index
          %parallel_loop3A_189 = tpu.vector_load %arg12[%parallel_loop3A_187, %parallel_loop3A_188] {strides = array<i32>} : memref<32x256xf32, #tpu.memory_space<vmem>>, vector<16xf32>,
          %parallel_loop3A_190 = arith.index_cast %parallel_loop3A_182 : i32 to index
          %parallel_loop3A_191 = arith.constant 16 : index
          %parallel_loop3A_192 = tpu.vector_load %arg12[%parallel_loop3A_190, %parallel_loop3A_191] {strides = array<i32>} : memref<32x256xf32, #tpu.memory_space<vmem>>, vector<16xf32>,
          %parallel_loop3A_193 = arith.index_cast %parallel_loop3A_182 : i32 to index
          %parallel_loop3A_194 = arith.constant 32 : index
          %parallel_loop3A_195 = tpu.vector_load %arg12[%parallel_loop3A_193, %parallel_loop3A_194] {strides = array<i32>} : memref<32x256xf32, #tpu.memory_space<vmem>>, vector<16xf32>,
          %parallel_loop3A_196 = arith.index_cast %parallel_loop3A_182 : i32 to index
          %parallel_loop3A_197 = arith.constant 48 : index
          %parallel_loop3A_198 = tpu.vector_load %arg12[%parallel_loop3A_196, %parallel_loop3A_197] {strides = array<i32>} : memref<32x256xf32, #tpu.memory_space<vmem>>, vector<16xf32>,
          %parallel_loop3A_199 = arith.index_cast %parallel_loop3A_182 : i32 to index
          %parallel_loop3A_200 = arith.constant 64 : index
          %parallel_loop3A_201 = tpu.vector_load %arg12[%parallel_loop3A_199, %parallel_loop3A_200] {strides = array<i32>} : memref<32x256xf32, #tpu.memory_space<vmem>>, vector<16xf32>,
          %parallel_loop3A_202 = arith.index_cast %parallel_loop3A_182 : i32 to index
          %parallel_loop3A_203 = arith.constant 80 : index
          %parallel_loop3A_204 = tpu.vector_load %arg12[%parallel_loop3A_202, %parallel_loop3A_203] {strides = array<i32>} : memref<32x256xf32, #tpu.memory_space<vmem>>, vector<16xf32>,
          %parallel_loop3A_205 = arith.index_cast %parallel_loop3A_182 : i32 to index
          %parallel_loop3A_206 = arith.constant 96 : index
          %parallel_loop3A_207 = tpu.vector_load %arg12[%parallel_loop3A_205, %parallel_loop3A_206] {strides = array<i32>} : memref<32x256xf32, #tpu.memory_space<vmem>>, vector<16xf32>,
          %parallel_loop3A_208 = arith.index_cast %parallel_loop3A_182 : i32 to index
          %parallel_loop3A_209 = arith.constant 112 : index
          %parallel_loop3A_210 = tpu.vector_load %arg12[%parallel_loop3A_208, %parallel_loop3A_209] {strides = array<i32>} : memref<32x256xf32, #tpu.memory_space<vmem>>, vector<16xf32>,
          %parallel_loop3A_211 = arith.index_cast %parallel_loop3A_182 : i32 to index
          %parallel_loop3A_212 = arith.constant 128 : index
          %parallel_loop3A_213 = tpu.vector_load %arg12[%parallel_loop3A_211, %parallel_loop3A_212] {strides = array<i32>} : memref<32x256xf32, #tpu.memory_space<vmem>>, vector<16xf32>,
          %parallel_loop3A_214 = arith.index_cast %parallel_loop3A_182 : i32 to index
          %parallel_loop3A_215 = arith.constant 144 : index
          %parallel_loop3A_216 = tpu.vector_load %arg12[%parallel_loop3A_214, %parallel_loop3A_215] {strides = array<i32>} : memref<32x256xf32, #tpu.memory_space<vmem>>, vector<16xf32>,
          %parallel_loop3A_217 = arith.index_cast %parallel_loop3A_182 : i32 to index
          %parallel_loop3A_218 = arith.constant 160 : index
          %parallel_loop3A_219 = tpu.vector_load %arg12[%parallel_loop3A_217, %parallel_loop3A_218] {strides = array<i32>} : memref<32x256xf32, #tpu.memory_space<vmem>>, vector<16xf32>,
          %parallel_loop3A_220 = arith.index_cast %parallel_loop3A_182 : i32 to index
          %parallel_loop3A_221 = arith.constant 176 : index
          %parallel_loop3A_222 = tpu.vector_load %arg12[%parallel_loop3A_220, %parallel_loop3A_221] {strides = array<i32>} : memref<32x256xf32, #tpu.memory_space<vmem>>, vector<16xf32>,
          %parallel_loop3A_223 = arith.index_cast %parallel_loop3A_182 : i32 to index
          %parallel_loop3A_224 = arith.constant 192 : index
          %parallel_loop3A_225 = tpu.vector_load %arg12[%parallel_loop3A_223, %parallel_loop3A_224] {strides = array<i32>} : memref<32x256xf32, #tpu.memory_space<vmem>>, vector<16xf32>,
          %parallel_loop3A_226 = arith.index_cast %parallel_loop3A_182 : i32 to index
          %parallel_loop3A_227 = arith.constant 208 : index
          %parallel_loop3A_228 = tpu.vector_load %arg12[%parallel_loop3A_226, %parallel_loop3A_227] {strides = array<i32>} : memref<32x256xf32, #tpu.memory_space<vmem>>, vector<16xf32>,
          %parallel_loop3A_229 = arith.index_cast %parallel_loop3A_182 : i32 to index
          %parallel_loop3A_230 = arith.constant 224 : index
          %parallel_loop3A_231 = tpu.vector_load %arg12[%parallel_loop3A_229, %parallel_loop3A_230] {strides = array<i32>} : memref<32x256xf32, #tpu.memory_space<vmem>>, vector<16xf32>,
          %parallel_loop3A_232 = arith.index_cast %parallel_loop3A_182 : i32 to index
          %parallel_loop3A_233 = arith.constant 240 : index
          %parallel_loop3A_234 = tpu.vector_load %arg12[%parallel_loop3A_232, %parallel_loop3A_233] {strides = array<i32>} : memref<32x256xf32, #tpu.memory_space<vmem>>, vector<16xf32>,
          %parallel_loop3A_235 = arith.constant 0 : i32
          %parallel_loop3A_236 = vector.broadcast %parallel_loop3A_235 : i32 to vector<16xi32>
          %parallel_loop3A_237 = arith.addi %parallel_loop3A_236, %iota3A : vector<16xi32>
          %parallel_loop3A_238 = arith.mulf %parallel_loop3A_189, %parallel_loop3A_185 : vector<16xf32>
          tpu.vector_store_idx %arg8[%parallel_loop3A_186, %parallel_loop3A_237], %parallel_loop3A_238 {add = true} : memref<320x256xf32, #tpu.memory_space<vmem>>[vector<16xi32>, vector<16xi32>], vector<16xf32>,
          %parallel_loop3A_239 = arith.constant 16 : i32
          %parallel_loop3A_240 = vector.broadcast %parallel_loop3A_239 : i32 to vector<16xi32>
          %parallel_loop3A_241 = arith.addi %parallel_loop3A_240, %iota3A : vector<16xi32>
          %parallel_loop3A_242 = arith.mulf %parallel_loop3A_192, %parallel_loop3A_185 : vector<16xf32>
          tpu.vector_store_idx %arg8[%parallel_loop3A_186, %parallel_loop3A_241], %parallel_loop3A_242 {add = true} : memref<320x256xf32, #tpu.memory_space<vmem>>[vector<16xi32>, vector<16xi32>], vector<16xf32>,
          %parallel_loop3A_243 = arith.constant 32 : i32
          %parallel_loop3A_244 = vector.broadcast %parallel_loop3A_243 : i32 to vector<16xi32>
          %parallel_loop3A_245 = arith.addi %parallel_loop3A_244, %iota3A : vector<16xi32>
          %parallel_loop3A_246 = arith.mulf %parallel_loop3A_195, %parallel_loop3A_185 : vector<16xf32>
          tpu.vector_store_idx %arg8[%parallel_loop3A_186, %parallel_loop3A_245], %parallel_loop3A_246 {add = true} : memref<320x256xf32, #tpu.memory_space<vmem>>[vector<16xi32>, vector<16xi32>], vector<16xf32>,
          %parallel_loop3A_247 = arith.constant 48 : i32
          %parallel_loop3A_248 = vector.broadcast %parallel_loop3A_247 : i32 to vector<16xi32>
          %parallel_loop3A_249 = arith.addi %parallel_loop3A_248, %iota3A : vector<16xi32>
          %parallel_loop3A_250 = arith.mulf %parallel_loop3A_198, %parallel_loop3A_185 : vector<16xf32>
          tpu.vector_store_idx %arg8[%parallel_loop3A_186, %parallel_loop3A_249], %parallel_loop3A_250 {add = true} : memref<320x256xf32, #tpu.memory_space<vmem>>[vector<16xi32>, vector<16xi32>], vector<16xf32>,
          %parallel_loop3A_251 = arith.constant 64 : i32
          %parallel_loop3A_252 = vector.broadcast %parallel_loop3A_251 : i32 to vector<16xi32>
          %parallel_loop3A_253 = arith.addi %parallel_loop3A_252, %iota3A : vector<16xi32>
          %parallel_loop3A_254 = arith.mulf %parallel_loop3A_201, %parallel_loop3A_185 : vector<16xf32>
          tpu.vector_store_idx %arg8[%parallel_loop3A_186, %parallel_loop3A_253], %parallel_loop3A_254 {add = true} : memref<320x256xf32, #tpu.memory_space<vmem>>[vector<16xi32>, vector<16xi32>], vector<16xf32>,
          %parallel_loop3A_255 = arith.constant 80 : i32
          %parallel_loop3A_256 = vector.broadcast %parallel_loop3A_255 : i32 to vector<16xi32>
          %parallel_loop3A_257 = arith.addi %parallel_loop3A_256, %iota3A : vector<16xi32>
          %parallel_loop3A_258 = arith.mulf %parallel_loop3A_204, %parallel_loop3A_185 : vector<16xf32>
          tpu.vector_store_idx %arg8[%parallel_loop3A_186, %parallel_loop3A_257], %parallel_loop3A_258 {add = true} : memref<320x256xf32, #tpu.memory_space<vmem>>[vector<16xi32>, vector<16xi32>], vector<16xf32>,
          %parallel_loop3A_259 = arith.constant 96 : i32
          %parallel_loop3A_260 = vector.broadcast %parallel_loop3A_259 : i32 to vector<16xi32>
          %parallel_loop3A_261 = arith.addi %parallel_loop3A_260, %iota3A : vector<16xi32>
          %parallel_loop3A_262 = arith.mulf %parallel_loop3A_207, %parallel_loop3A_185 : vector<16xf32>
          tpu.vector_store_idx %arg8[%parallel_loop3A_186, %parallel_loop3A_261], %parallel_loop3A_262 {add = true} : memref<320x256xf32, #tpu.memory_space<vmem>>[vector<16xi32>, vector<16xi32>], vector<16xf32>,
          %parallel_loop3A_263 = arith.constant 112 : i32
          %parallel_loop3A_264 = vector.broadcast %parallel_loop3A_263 : i32 to vector<16xi32>
          %parallel_loop3A_265 = arith.addi %parallel_loop3A_264, %iota3A : vector<16xi32>
          %parallel_loop3A_266 = arith.mulf %parallel_loop3A_210, %parallel_loop3A_185 : vector<16xf32>
          tpu.vector_store_idx %arg8[%parallel_loop3A_186, %parallel_loop3A_265], %parallel_loop3A_266 {add = true} : memref<320x256xf32, #tpu.memory_space<vmem>>[vector<16xi32>, vector<16xi32>], vector<16xf32>,
          %parallel_loop3A_267 = arith.constant 128 : i32
          %parallel_loop3A_268 = vector.broadcast %parallel_loop3A_267 : i32 to vector<16xi32>
          %parallel_loop3A_269 = arith.addi %parallel_loop3A_268, %iota3A : vector<16xi32>
          %parallel_loop3A_270 = arith.mulf %parallel_loop3A_213, %parallel_loop3A_185 : vector<16xf32>
          tpu.vector_store_idx %arg8[%parallel_loop3A_186, %parallel_loop3A_269], %parallel_loop3A_270 {add = true} : memref<320x256xf32, #tpu.memory_space<vmem>>[vector<16xi32>, vector<16xi32>], vector<16xf32>,
          %parallel_loop3A_271 = arith.constant 144 : i32
          %parallel_loop3A_272 = vector.broadcast %parallel_loop3A_271 : i32 to vector<16xi32>
          %parallel_loop3A_273 = arith.addi %parallel_loop3A_272, %iota3A : vector<16xi32>
          %parallel_loop3A_274 = arith.mulf %parallel_loop3A_216, %parallel_loop3A_185 : vector<16xf32>
          tpu.vector_store_idx %arg8[%parallel_loop3A_186, %parallel_loop3A_273], %parallel_loop3A_274 {add = true} : memref<320x256xf32, #tpu.memory_space<vmem>>[vector<16xi32>, vector<16xi32>], vector<16xf32>,
          %parallel_loop3A_275 = arith.constant 160 : i32
          %parallel_loop3A_276 = vector.broadcast %parallel_loop3A_275 : i32 to vector<16xi32>
          %parallel_loop3A_277 = arith.addi %parallel_loop3A_276, %iota3A : vector<16xi32>
          %parallel_loop3A_278 = arith.mulf %parallel_loop3A_219, %parallel_loop3A_185 : vector<16xf32>
          tpu.vector_store_idx %arg8[%parallel_loop3A_186, %parallel_loop3A_277], %parallel_loop3A_278 {add = true} : memref<320x256xf32, #tpu.memory_space<vmem>>[vector<16xi32>, vector<16xi32>], vector<16xf32>,
          %parallel_loop3A_279 = arith.constant 176 : i32
          %parallel_loop3A_280 = vector.broadcast %parallel_loop3A_279 : i32 to vector<16xi32>
          %parallel_loop3A_281 = arith.addi %parallel_loop3A_280, %iota3A : vector<16xi32>
          %parallel_loop3A_282 = arith.mulf %parallel_loop3A_222, %parallel_loop3A_185 : vector<16xf32>
          tpu.vector_store_idx %arg8[%parallel_loop3A_186, %parallel_loop3A_281], %parallel_loop3A_282 {add = true} : memref<320x256xf32, #tpu.memory_space<vmem>>[vector<16xi32>, vector<16xi32>], vector<16xf32>,
          %parallel_loop3A_283 = arith.constant 192 : i32
          %parallel_loop3A_284 = vector.broadcast %parallel_loop3A_283 : i32 to vector<16xi32>
          %parallel_loop3A_285 = arith.addi %parallel_loop3A_284, %iota3A : vector<16xi32>
          %parallel_loop3A_286 = arith.mulf %parallel_loop3A_225, %parallel_loop3A_185 : vector<16xf32>
          tpu.vector_store_idx %arg8[%parallel_loop3A_186, %parallel_loop3A_285], %parallel_loop3A_286 {add = true} : memref<320x256xf32, #tpu.memory_space<vmem>>[vector<16xi32>, vector<16xi32>], vector<16xf32>,
          %parallel_loop3A_287 = arith.constant 208 : i32
          %parallel_loop3A_288 = vector.broadcast %parallel_loop3A_287 : i32 to vector<16xi32>
          %parallel_loop3A_289 = arith.addi %parallel_loop3A_288, %iota3A : vector<16xi32>
          %parallel_loop3A_290 = arith.mulf %parallel_loop3A_228, %parallel_loop3A_185 : vector<16xf32>
          tpu.vector_store_idx %arg8[%parallel_loop3A_186, %parallel_loop3A_289], %parallel_loop3A_290 {add = true} : memref<320x256xf32, #tpu.memory_space<vmem>>[vector<16xi32>, vector<16xi32>], vector<16xf32>,
          %parallel_loop3A_291 = arith.constant 224 : i32
          %parallel_loop3A_292 = vector.broadcast %parallel_loop3A_291 : i32 to vector<16xi32>
          %parallel_loop3A_293 = arith.addi %parallel_loop3A_292, %iota3A : vector<16xi32>
          %parallel_loop3A_294 = arith.mulf %parallel_loop3A_231, %parallel_loop3A_185 : vector<16xf32>
          tpu.vector_store_idx %arg8[%parallel_loop3A_186, %parallel_loop3A_293], %parallel_loop3A_294 {add = true} : memref<320x256xf32, #tpu.memory_space<vmem>>[vector<16xi32>, vector<16xi32>], vector<16xf32>,
          %parallel_loop3A_295 = arith.constant 240 : i32
          %parallel_loop3A_296 = vector.broadcast %parallel_loop3A_295 : i32 to vector<16xi32>
          %parallel_loop3A_297 = arith.addi %parallel_loop3A_296, %iota3A : vector<16xi32>
          %parallel_loop3A_298 = arith.mulf %parallel_loop3A_234, %parallel_loop3A_185 : vector<16xf32>
          tpu.vector_store_idx %arg8[%parallel_loop3A_186, %parallel_loop3A_297], %parallel_loop3A_298 {add = true} : memref<320x256xf32, #tpu.memory_space<vmem>>[vector<16xi32>, vector<16xi32>], vector<16xf32>,
        } {sc.loop_unroll_factor = 2 : i64, sc.parallel_access}
        %mul3A_142 = arith.constant 3 : i32
        %mul3A_143 = arith.muli %scan3A_126, %mul3A_142 : i32
        %add3A_144 = arith.constant 1 : i32
        %add3A_145 = arith.addi %mul3A_143, %add3A_144 : i32
        %dma_wait3A_146 = arith.constant 0 : i32
        %dma_wait3A_147 = tpu.memref_slice %arg9[%add3A_145, %dma_wait3A_146] : memref<48x32xi32, #tpu.memory_space<vmem>> -> memref<1x32xi32, #tpu.memory_space<vmem>>
        %dma_wait3A_148 = tpu.memref_squeeze %dma_wait3A_147 : memref<1x32xi32, #tpu.memory_space<vmem>> -> memref<32xi32, #tpu.memory_space<vmem>>
        %dma_wait3A_149 = arith.constant 0 : i32
        %dma_wait3A_150 = arith.constant 0 : i32
        %dma_wait3A_151 = tpu.memref_slice %arg2[%dma_wait3A_149, %dma_wait3A_150] : memref<10000x256xf32, #tpu.memory_space<hbm>> -> memref<10000x256xf32, #tpu.memory_space<hbm>>
        tpu.wait_indirect_dma semaphore(%arg17 : memref<!tpu.dma_semaphore, #tpu.memory_space<semaphore_mem>>) src(%dma_wait3A_151 : memref<10000x256xf32, #tpu.memory_space<hbm>>) dst(%arg13 : memref<32x256xf32, #tpu.memory_space<vmem>>)
        %add3A_152 = arith.constant 2 : i32
        %add3A_153 = arith.addi %add3A_145, %add3A_152 : i32
        %lt3A_154 = arith.constant 48 : i32
        %lt3A_155 = arith.cmpi slt, %add3A_153, %lt3A_154 : i32
        %convert_element_type3A_156 = arith.extui %lt3A_155 : i1 to i32
        %cond3A_157 = arith.constant 0 : i32
        %cond3A_158 = arith.cmpi ne, %convert_element_type3A_156, %cond3A_157 : i32
        scf.if %cond3A_158 {
          %add3A_182 = arith.constant 2 : i32
          %add3A_183 = arith.addi %add3A_145, %add3A_182 : i32
          %dma_start3A_184 = arith.constant 0 : i32
          %dma_start3A_185 = tpu.memref_slice %arg9[%add3A_183, %dma_start3A_184] : memref<48x32xi32, #tpu.memory_space<vmem>> -> memref<1x32xi32, #tpu.memory_space<vmem>>
          %dma_start3A_186 = tpu.memref_squeeze %dma_start3A_185 : memref<1x32xi32, #tpu.memory_space<vmem>> -> memref<32xi32, #tpu.memory_space<vmem>>
          %dma_start3A_187 = arith.constant 0 : i32
          %dma_start3A_188 = arith.constant 0 : i32
          %dma_start3A_189 = tpu.memref_slice %arg2[%dma_start3A_187, %dma_start3A_188] : memref<10000x256xf32, #tpu.memory_space<hbm>> -> memref<10000x256xf32, #tpu.memory_space<hbm>>
          tpu.enqueue_indirect_dma source(%dma_start3A_189 : memref<10000x256xf32, #tpu.memory_space<hbm>>) target(%arg12 : memref<32x256xf32, #tpu.memory_space<vmem>>) offsets(%dma_start3A_186 : memref<32xi32, #tpu.memory_space<vmem>>) semaphore(%arg16 : memref<!tpu.dma_semaphore, #tpu.memory_space<semaphore_mem>>)
        } else {
        }
        %parallel_loop3A_159 = arith.constant 0 : i32
        %parallel_loop3A_160 = arith.constant 32 : i32
        %parallel_loop3A_161 = arith.constant 1 : i32
        scf.for %parallel_loop3A_182 = %parallel_loop3A_159 to %parallel_loop3A_160 step %parallel_loop3A_161  : i32 {
          %parallel_loop3A_183 = vector.broadcast %add3A_145 : i32 to vector<16xi32>
          %parallel_loop3A_184 = vector.broadcast %parallel_loop3A_182 : i32 to vector<16xi32>
          %parallel_loop3A_185 = tpu.vector_load_idx %arg11[%parallel_loop3A_183, %parallel_loop3A_184] : memref<48x32xf32, #tpu.memory_space<vmem>>[vector<16xi32>, vector<16xi32>], vector<16xf32>,
          %parallel_loop3A_186 = tpu.vector_load_idx %arg10[%parallel_loop3A_183, %parallel_loop3A_184] : memref<48x32xi32, #tpu.memory_space<vmem>>[vector<16xi32>, vector<16xi32>], vector<16xi32>,
          %parallel_loop3A_187 = arith.index_cast %parallel_loop3A_182 : i32 to index
          %parallel_loop3A_188 = arith.constant 0 : index
          %parallel_loop3A_189 = tpu.vector_load %arg13[%parallel_loop3A_187, %parallel_loop3A_188] {strides = array<i32>} : memref<32x256xf32, #tpu.memory_space<vmem>>, vector<16xf32>,
          %parallel_loop3A_190 = arith.index_cast %parallel_loop3A_182 : i32 to index
          %parallel_loop3A_191 = arith.constant 16 : index
          %parallel_loop3A_192 = tpu.vector_load %arg13[%parallel_loop3A_190, %parallel_loop3A_191] {strides = array<i32>} : memref<32x256xf32, #tpu.memory_space<vmem>>, vector<16xf32>,
          %parallel_loop3A_193 = arith.index_cast %parallel_loop3A_182 : i32 to index
          %parallel_loop3A_194 = arith.constant 32 : index
          %parallel_loop3A_195 = tpu.vector_load %arg13[%parallel_loop3A_193, %parallel_loop3A_194] {strides = array<i32>} : memref<32x256xf32, #tpu.memory_space<vmem>>, vector<16xf32>,
          %parallel_loop3A_196 = arith.index_cast %parallel_loop3A_182 : i32 to index
          %parallel_loop3A_197 = arith.constant 48 : index
          %parallel_loop3A_198 = tpu.vector_load %arg13[%parallel_loop3A_196, %parallel_loop3A_197] {strides = array<i32>} : memref<32x256xf32, #tpu.memory_space<vmem>>, vector<16xf32>,
          %parallel_loop3A_199 = arith.index_cast %parallel_loop3A_182 : i32 to index
          %parallel_loop3A_200 = arith.constant 64 : index
          %parallel_loop3A_201 = tpu.vector_load %arg13[%parallel_loop3A_199, %parallel_loop3A_200] {strides = array<i32>} : memref<32x256xf32, #tpu.memory_space<vmem>>, vector<16xf32>,
          %parallel_loop3A_202 = arith.index_cast %parallel_loop3A_182 : i32 to index
          %parallel_loop3A_203 = arith.constant 80 : index
          %parallel_loop3A_204 = tpu.vector_load %arg13[%parallel_loop3A_202, %parallel_loop3A_203] {strides = array<i32>} : memref<32x256xf32, #tpu.memory_space<vmem>>, vector<16xf32>,
          %parallel_loop3A_205 = arith.index_cast %parallel_loop3A_182 : i32 to index
          %parallel_loop3A_206 = arith.constant 96 : index
          %parallel_loop3A_207 = tpu.vector_load %arg13[%parallel_loop3A_205, %parallel_loop3A_206] {strides = array<i32>} : memref<32x256xf32, #tpu.memory_space<vmem>>, vector<16xf32>,
          %parallel_loop3A_208 = arith.index_cast %parallel_loop3A_182 : i32 to index
          %parallel_loop3A_209 = arith.constant 112 : index
          %parallel_loop3A_210 = tpu.vector_load %arg13[%parallel_loop3A_208, %parallel_loop3A_209] {strides = array<i32>} : memref<32x256xf32, #tpu.memory_space<vmem>>, vector<16xf32>,
          %parallel_loop3A_211 = arith.index_cast %parallel_loop3A_182 : i32 to index
          %parallel_loop3A_212 = arith.constant 128 : index
          %parallel_loop3A_213 = tpu.vector_load %arg13[%parallel_loop3A_211, %parallel_loop3A_212] {strides = array<i32>} : memref<32x256xf32, #tpu.memory_space<vmem>>, vector<16xf32>,
          %parallel_loop3A_214 = arith.index_cast %parallel_loop3A_182 : i32 to index
          %parallel_loop3A_215 = arith.constant 144 : index
          %parallel_loop3A_216 = tpu.vector_load %arg13[%parallel_loop3A_214, %parallel_loop3A_215] {strides = array<i32>} : memref<32x256xf32, #tpu.memory_space<vmem>>, vector<16xf32>,
          %parallel_loop3A_217 = arith.index_cast %parallel_loop3A_182 : i32 to index
          %parallel_loop3A_218 = arith.constant 160 : index
          %parallel_loop3A_219 = tpu.vector_load %arg13[%parallel_loop3A_217, %parallel_loop3A_218] {strides = array<i32>} : memref<32x256xf32, #tpu.memory_space<vmem>>, vector<16xf32>,
          %parallel_loop3A_220 = arith.index_cast %parallel_loop3A_182 : i32 to index
          %parallel_loop3A_221 = arith.constant 176 : index
          %parallel_loop3A_222 = tpu.vector_load %arg13[%parallel_loop3A_220, %parallel_loop3A_221] {strides = array<i32>} : memref<32x256xf32, #tpu.memory_space<vmem>>, vector<16xf32>,
          %parallel_loop3A_223 = arith.index_cast %parallel_loop3A_182 : i32 to index
          %parallel_loop3A_224 = arith.constant 192 : index
          %parallel_loop3A_225 = tpu.vector_load %arg13[%parallel_loop3A_223, %parallel_loop3A_224] {strides = array<i32>} : memref<32x256xf32, #tpu.memory_space<vmem>>, vector<16xf32>,
          %parallel_loop3A_226 = arith.index_cast %parallel_loop3A_182 : i32 to index
          %parallel_loop3A_227 = arith.constant 208 : index
          %parallel_loop3A_228 = tpu.vector_load %arg13[%parallel_loop3A_226, %parallel_loop3A_227] {strides = array<i32>} : memref<32x256xf32, #tpu.memory_space<vmem>>, vector<16xf32>,
          %parallel_loop3A_229 = arith.index_cast %parallel_loop3A_182 : i32 to index
          %parallel_loop3A_230 = arith.constant 224 : index
          %parallel_loop3A_231 = tpu.vector_load %arg13[%parallel_loop3A_229, %parallel_loop3A_230] {strides = array<i32>} : memref<32x256xf32, #tpu.memory_space<vmem>>, vector<16xf32>,
          %parallel_loop3A_232 = arith.index_cast %parallel_loop3A_182 : i32 to index
          %parallel_loop3A_233 = arith.constant 240 : index
          %parallel_loop3A_234 = tpu.vector_load %arg13[%parallel_loop3A_232, %parallel_loop3A_233] {strides = array<i32>} : memref<32x256xf32, #tpu.memory_space<vmem>>, vector<16xf32>,
          %parallel_loop3A_235 = arith.constant 0 : i32
          %parallel_loop3A_236 = vector.broadcast %parallel_loop3A_235 : i32 to vector<16xi32>
          %parallel_loop3A_237 = arith.addi %parallel_loop3A_236, %iota3A : vector<16xi32>
          %parallel_loop3A_238 = arith.mulf %parallel_loop3A_189, %parallel_loop3A_185 : vector<16xf32>
          tpu.vector_store_idx %arg8[%parallel_loop3A_186, %parallel_loop3A_237], %parallel_loop3A_238 {add = true} : memref<320x256xf32, #tpu.memory_space<vmem>>[vector<16xi32>, vector<16xi32>], vector<16xf32>,
          %parallel_loop3A_239 = arith.constant 16 : i32
          %parallel_loop3A_240 = vector.broadcast %parallel_loop3A_239 : i32 to vector<16xi32>
          %parallel_loop3A_241 = arith.addi %parallel_loop3A_240, %iota3A : vector<16xi32>
          %parallel_loop3A_242 = arith.mulf %parallel_loop3A_192, %parallel_loop3A_185 : vector<16xf32>
          tpu.vector_store_idx %arg8[%parallel_loop3A_186, %parallel_loop3A_241], %parallel_loop3A_242 {add = true} : memref<320x256xf32, #tpu.memory_space<vmem>>[vector<16xi32>, vector<16xi32>], vector<16xf32>,
          %parallel_loop3A_243 = arith.constant 32 : i32
          %parallel_loop3A_244 = vector.broadcast %parallel_loop3A_243 : i32 to vector<16xi32>
          %parallel_loop3A_245 = arith.addi %parallel_loop3A_244, %iota3A : vector<16xi32>
          %parallel_loop3A_246 = arith.mulf %parallel_loop3A_195, %parallel_loop3A_185 : vector<16xf32>
          tpu.vector_store_idx %arg8[%parallel_loop3A_186, %parallel_loop3A_245], %parallel_loop3A_246 {add = true} : memref<320x256xf32, #tpu.memory_space<vmem>>[vector<16xi32>, vector<16xi32>], vector<16xf32>,
          %parallel_loop3A_247 = arith.constant 48 : i32
          %parallel_loop3A_248 = vector.broadcast %parallel_loop3A_247 : i32 to vector<16xi32>
          %parallel_loop3A_249 = arith.addi %parallel_loop3A_248, %iota3A : vector<16xi32>
          %parallel_loop3A_250 = arith.mulf %parallel_loop3A_198, %parallel_loop3A_185 : vector<16xf32>
          tpu.vector_store_idx %arg8[%parallel_loop3A_186, %parallel_loop3A_249], %parallel_loop3A_250 {add = true} : memref<320x256xf32, #tpu.memory_space<vmem>>[vector<16xi32>, vector<16xi32>], vector<16xf32>,
          %parallel_loop3A_251 = arith.constant 64 : i32
          %parallel_loop3A_252 = vector.broadcast %parallel_loop3A_251 : i32 to vector<16xi32>
          %parallel_loop3A_253 = arith.addi %parallel_loop3A_252, %iota3A : vector<16xi32>
          %parallel_loop3A_254 = arith.mulf %parallel_loop3A_201, %parallel_loop3A_185 : vector<16xf32>
          tpu.vector_store_idx %arg8[%parallel_loop3A_186, %parallel_loop3A_253], %parallel_loop3A_254 {add = true} : memref<320x256xf32, #tpu.memory_space<vmem>>[vector<16xi32>, vector<16xi32>], vector<16xf32>,
          %parallel_loop3A_255 = arith.constant 80 : i32
          %parallel_loop3A_256 = vector.broadcast %parallel_loop3A_255 : i32 to vector<16xi32>
          %parallel_loop3A_257 = arith.addi %parallel_loop3A_256, %iota3A : vector<16xi32>
          %parallel_loop3A_258 = arith.mulf %parallel_loop3A_204, %parallel_loop3A_185 : vector<16xf32>
          tpu.vector_store_idx %arg8[%parallel_loop3A_186, %parallel_loop3A_257], %parallel_loop3A_258 {add = true} : memref<320x256xf32, #tpu.memory_space<vmem>>[vector<16xi32>, vector<16xi32>], vector<16xf32>,
          %parallel_loop3A_259 = arith.constant 96 : i32
          %parallel_loop3A_260 = vector.broadcast %parallel_loop3A_259 : i32 to vector<16xi32>
          %parallel_loop3A_261 = arith.addi %parallel_loop3A_260, %iota3A : vector<16xi32>
          %parallel_loop3A_262 = arith.mulf %parallel_loop3A_207, %parallel_loop3A_185 : vector<16xf32>
          tpu.vector_store_idx %arg8[%parallel_loop3A_186, %parallel_loop3A_261], %parallel_loop3A_262 {add = true} : memref<320x256xf32, #tpu.memory_space<vmem>>[vector<16xi32>, vector<16xi32>], vector<16xf32>,
          %parallel_loop3A_263 = arith.constant 112 : i32
          %parallel_loop3A_264 = vector.broadcast %parallel_loop3A_263 : i32 to vector<16xi32>
          %parallel_loop3A_265 = arith.addi %parallel_loop3A_264, %iota3A : vector<16xi32>
          %parallel_loop3A_266 = arith.mulf %parallel_loop3A_210, %parallel_loop3A_185 : vector<16xf32>
          tpu.vector_store_idx %arg8[%parallel_loop3A_186, %parallel_loop3A_265], %parallel_loop3A_266 {add = true} : memref<320x256xf32, #tpu.memory_space<vmem>>[vector<16xi32>, vector<16xi32>], vector<16xf32>,
          %parallel_loop3A_267 = arith.constant 128 : i32
          %parallel_loop3A_268 = vector.broadcast %parallel_loop3A_267 : i32 to vector<16xi32>
          %parallel_loop3A_269 = arith.addi %parallel_loop3A_268, %iota3A : vector<16xi32>
          %parallel_loop3A_270 = arith.mulf %parallel_loop3A_213, %parallel_loop3A_185 : vector<16xf32>
          tpu.vector_store_idx %arg8[%parallel_loop3A_186, %parallel_loop3A_269], %parallel_loop3A_270 {add = true} : memref<320x256xf32, #tpu.memory_space<vmem>>[vector<16xi32>, vector<16xi32>], vector<16xf32>,
          %parallel_loop3A_271 = arith.constant 144 : i32
          %parallel_loop3A_272 = vector.broadcast %parallel_loop3A_271 : i32 to vector<16xi32>
          %parallel_loop3A_273 = arith.addi %parallel_loop3A_272, %iota3A : vector<16xi32>
          %parallel_loop3A_274 = arith.mulf %parallel_loop3A_216, %parallel_loop3A_185 : vector<16xf32>
          tpu.vector_store_idx %arg8[%parallel_loop3A_186, %parallel_loop3A_273], %parallel_loop3A_274 {add = true} : memref<320x256xf32, #tpu.memory_space<vmem>>[vector<16xi32>, vector<16xi32>], vector<16xf32>,
          %parallel_loop3A_275 = arith.constant 160 : i32
          %parallel_loop3A_276 = vector.broadcast %parallel_loop3A_275 : i32 to vector<16xi32>
          %parallel_loop3A_277 = arith.addi %parallel_loop3A_276, %iota3A : vector<16xi32>
          %parallel_loop3A_278 = arith.mulf %parallel_loop3A_219, %parallel_loop3A_185 : vector<16xf32>
          tpu.vector_store_idx %arg8[%parallel_loop3A_186, %parallel_loop3A_277], %parallel_loop3A_278 {add = true} : memref<320x256xf32, #tpu.memory_space<vmem>>[vector<16xi32>, vector<16xi32>], vector<16xf32>,
          %parallel_loop3A_279 = arith.constant 176 : i32
          %parallel_loop3A_280 = vector.broadcast %parallel_loop3A_279 : i32 to vector<16xi32>
          %parallel_loop3A_281 = arith.addi %parallel_loop3A_280, %iota3A : vector<16xi32>
          %parallel_loop3A_282 = arith.mulf %parallel_loop3A_222, %parallel_loop3A_185 : vector<16xf32>
          tpu.vector_store_idx %arg8[%parallel_loop3A_186, %parallel_loop3A_281], %parallel_loop3A_282 {add = true} : memref<320x256xf32, #tpu.memory_space<vmem>>[vector<16xi32>, vector<16xi32>], vector<16xf32>,
          %parallel_loop3A_283 = arith.constant 192 : i32
          %parallel_loop3A_284 = vector.broadcast %parallel_loop3A_283 : i32 to vector<16xi32>
          %parallel_loop3A_285 = arith.addi %parallel_loop3A_284, %iota3A : vector<16xi32>
          %parallel_loop3A_286 = arith.mulf %parallel_loop3A_225, %parallel_loop3A_185 : vector<16xf32>
          tpu.vector_store_idx %arg8[%parallel_loop3A_186, %parallel_loop3A_285], %parallel_loop3A_286 {add = true} : memref<320x256xf32, #tpu.memory_space<vmem>>[vector<16xi32>, vector<16xi32>], vector<16xf32>,
          %parallel_loop3A_287 = arith.constant 208 : i32
          %parallel_loop3A_288 = vector.broadcast %parallel_loop3A_287 : i32 to vector<16xi32>
          %parallel_loop3A_289 = arith.addi %parallel_loop3A_288, %iota3A : vector<16xi32>
          %parallel_loop3A_290 = arith.mulf %parallel_loop3A_228, %parallel_loop3A_185 : vector<16xf32>
          tpu.vector_store_idx %arg8[%parallel_loop3A_186, %parallel_loop3A_289], %parallel_loop3A_290 {add = true} : memref<320x256xf32, #tpu.memory_space<vmem>>[vector<16xi32>, vector<16xi32>], vector<16xf32>,
          %parallel_loop3A_291 = arith.constant 224 : i32
          %parallel_loop3A_292 = vector.broadcast %parallel_loop3A_291 : i32 to vector<16xi32>
          %parallel_loop3A_293 = arith.addi %parallel_loop3A_292, %iota3A : vector<16xi32>
          %parallel_loop3A_294 = arith.mulf %parallel_loop3A_231, %parallel_loop3A_185 : vector<16xf32>
          tpu.vector_store_idx %arg8[%parallel_loop3A_186, %parallel_loop3A_293], %parallel_loop3A_294 {add = true} : memref<320x256xf32, #tpu.memory_space<vmem>>[vector<16xi32>, vector<16xi32>], vector<16xf32>,
          %parallel_loop3A_295 = arith.constant 240 : i32
          %parallel_loop3A_296 = vector.broadcast %parallel_loop3A_295 : i32 to vector<16xi32>
          %parallel_loop3A_297 = arith.addi %parallel_loop3A_296, %iota3A : vector<16xi32>
          %parallel_loop3A_298 = arith.mulf %parallel_loop3A_234, %parallel_loop3A_185 : vector<16xf32>
          tpu.vector_store_idx %arg8[%parallel_loop3A_186, %parallel_loop3A_297], %parallel_loop3A_298 {add = true} : memref<320x256xf32, #tpu.memory_space<vmem>>[vector<16xi32>, vector<16xi32>], vector<16xf32>,
        } {sc.loop_unroll_factor = 2 : i64, sc.parallel_access}
        %mul3A_162 = arith.constant 3 : i32
        %mul3A_163 = arith.muli %scan3A_126, %mul3A_162 : i32
        %add3A_164 = arith.constant 2 : i32
        %add3A_165 = arith.addi %mul3A_163, %add3A_164 : i32
        %dma_wait3A_166 = arith.constant 0 : i32
        %dma_wait3A_167 = tpu.memref_slice %arg9[%add3A_165, %dma_wait3A_166] : memref<48x32xi32, #tpu.memory_space<vmem>> -> memref<1x32xi32, #tpu.memory_space<vmem>>
        %dma_wait3A_168 = tpu.memref_squeeze %dma_wait3A_167 : memref<1x32xi32, #tpu.memory_space<vmem>> -> memref<32xi32, #tpu.memory_space<vmem>>
        %dma_wait3A_169 = arith.constant 0 : i32
        %dma_wait3A_170 = arith.constant 0 : i32
        %dma_wait3A_171 = tpu.memref_slice %arg2[%dma_wait3A_169, %dma_wait3A_170] : memref<10000x256xf32, #tpu.memory_space<hbm>> -> memref<10000x256xf32, #tpu.memory_space<hbm>>
        tpu.wait_indirect_dma semaphore(%arg18 : memref<!tpu.dma_semaphore, #tpu.memory_space<semaphore_mem>>) src(%dma_wait3A_171 : memref<10000x256xf32, #tpu.memory_space<hbm>>) dst(%arg14 : memref<32x256xf32, #tpu.memory_space<vmem>>)
        %add3A_172 = arith.constant 2 : i32
        %add3A_173 = arith.addi %add3A_165, %add3A_172 : i32
        %lt3A_174 = arith.constant 48 : i32
        %lt3A_175 = arith.cmpi slt, %add3A_173, %lt3A_174 : i32
        %convert_element_type3A_176 = arith.extui %lt3A_175 : i1 to i32
        %cond3A_177 = arith.constant 0 : i32
        %cond3A_178 = arith.cmpi ne, %convert_element_type3A_176, %cond3A_177 : i32
        scf.if %cond3A_178 {
          %add3A_182 = arith.constant 2 : i32
          %add3A_183 = arith.addi %add3A_165, %add3A_182 : i32
          %dma_start3A_184 = arith.constant 0 : i32
          %dma_start3A_185 = tpu.memref_slice %arg9[%add3A_183, %dma_start3A_184] : memref<48x32xi32, #tpu.memory_space<vmem>> -> memref<1x32xi32, #tpu.memory_space<vmem>>
          %dma_start3A_186 = tpu.memref_squeeze %dma_start3A_185 : memref<1x32xi32, #tpu.memory_space<vmem>> -> memref<32xi32, #tpu.memory_space<vmem>>
          %dma_start3A_187 = arith.constant 0 : i32
          %dma_start3A_188 = arith.constant 0 : i32
          %dma_start3A_189 = tpu.memref_slice %arg2[%dma_start3A_187, %dma_start3A_188] : memref<10000x256xf32, #tpu.memory_space<hbm>> -> memref<10000x256xf32, #tpu.memory_space<hbm>>
          tpu.enqueue_indirect_dma source(%dma_start3A_189 : memref<10000x256xf32, #tpu.memory_space<hbm>>) target(%arg13 : memref<32x256xf32, #tpu.memory_space<vmem>>) offsets(%dma_start3A_186 : memref<32xi32, #tpu.memory_space<vmem>>) semaphore(%arg17 : memref<!tpu.dma_semaphore, #tpu.memory_space<semaphore_mem>>)
        } else {
        }
        %parallel_loop3A_179 = arith.constant 0 : i32
        %parallel_loop3A_180 = arith.constant 32 : i32
        %parallel_loop3A_181 = arith.constant 1 : i32
        scf.for %parallel_loop3A_182 = %parallel_loop3A_179 to %parallel_loop3A_180 step %parallel_loop3A_181  : i32 {
          %parallel_loop3A_183 = vector.broadcast %add3A_165 : i32 to vector<16xi32>
          %parallel_loop3A_184 = vector.broadcast %parallel_loop3A_182 : i32 to vector<16xi32>
          %parallel_loop3A_185 = tpu.vector_load_idx %arg11[%parallel_loop3A_183, %parallel_loop3A_184] : memref<48x32xf32, #tpu.memory_space<vmem>>[vector<16xi32>, vector<16xi32>], vector<16xf32>,
          %parallel_loop3A_186 = tpu.vector_load_idx %arg10[%parallel_loop3A_183, %parallel_loop3A_184] : memref<48x32xi32, #tpu.memory_space<vmem>>[vector<16xi32>, vector<16xi32>], vector<16xi32>,
          %parallel_loop3A_187 = arith.index_cast %parallel_loop3A_182 : i32 to index
          %parallel_loop3A_188 = arith.constant 0 : index
          %parallel_loop3A_189 = tpu.vector_load %arg14[%parallel_loop3A_187, %parallel_loop3A_188] {strides = array<i32>} : memref<32x256xf32, #tpu.memory_space<vmem>>, vector<16xf32>,
          %parallel_loop3A_190 = arith.index_cast %parallel_loop3A_182 : i32 to index
          %parallel_loop3A_191 = arith.constant 16 : index
          %parallel_loop3A_192 = tpu.vector_load %arg14[%parallel_loop3A_190, %parallel_loop3A_191] {strides = array<i32>} : memref<32x256xf32, #tpu.memory_space<vmem>>, vector<16xf32>,
          %parallel_loop3A_193 = arith.index_cast %parallel_loop3A_182 : i32 to index
          %parallel_loop3A_194 = arith.constant 32 : index
          %parallel_loop3A_195 = tpu.vector_load %arg14[%parallel_loop3A_193, %parallel_loop3A_194] {strides = array<i32>} : memref<32x256xf32, #tpu.memory_space<vmem>>, vector<16xf32>,
          %parallel_loop3A_196 = arith.index_cast %parallel_loop3A_182 : i32 to index
          %parallel_loop3A_197 = arith.constant 48 : index
          %parallel_loop3A_198 = tpu.vector_load %arg14[%parallel_loop3A_196, %parallel_loop3A_197] {strides = array<i32>} : memref<32x256xf32, #tpu.memory_space<vmem>>, vector<16xf32>,
          %parallel_loop3A_199 = arith.index_cast %parallel_loop3A_182 : i32 to index
          %parallel_loop3A_200 = arith.constant 64 : index
          %parallel_loop3A_201 = tpu.vector_load %arg14[%parallel_loop3A_199, %parallel_loop3A_200] {strides = array<i32>} : memref<32x256xf32, #tpu.memory_space<vmem>>, vector<16xf32>,
          %parallel_loop3A_202 = arith.index_cast %parallel_loop3A_182 : i32 to index
          %parallel_loop3A_203 = arith.constant 80 : index
          %parallel_loop3A_204 = tpu.vector_load %arg14[%parallel_loop3A_202, %parallel_loop3A_203] {strides = array<i32>} : memref<32x256xf32, #tpu.memory_space<vmem>>, vector<16xf32>,
          %parallel_loop3A_205 = arith.index_cast %parallel_loop3A_182 : i32 to index
          %parallel_loop3A_206 = arith.constant 96 : index
          %parallel_loop3A_207 = tpu.vector_load %arg14[%parallel_loop3A_205, %parallel_loop3A_206] {strides = array<i32>} : memref<32x256xf32, #tpu.memory_space<vmem>>, vector<16xf32>,
          %parallel_loop3A_208 = arith.index_cast %parallel_loop3A_182 : i32 to index
          %parallel_loop3A_209 = arith.constant 112 : index
          %parallel_loop3A_210 = tpu.vector_load %arg14[%parallel_loop3A_208, %parallel_loop3A_209] {strides = array<i32>} : memref<32x256xf32, #tpu.memory_space<vmem>>, vector<16xf32>,
          %parallel_loop3A_211 = arith.index_cast %parallel_loop3A_182 : i32 to index
          %parallel_loop3A_212 = arith.constant 128 : index
          %parallel_loop3A_213 = tpu.vector_load %arg14[%parallel_loop3A_211, %parallel_loop3A_212] {strides = array<i32>} : memref<32x256xf32, #tpu.memory_space<vmem>>, vector<16xf32>,
          %parallel_loop3A_214 = arith.index_cast %parallel_loop3A_182 : i32 to index
          %parallel_loop3A_215 = arith.constant 144 : index
          %parallel_loop3A_216 = tpu.vector_load %arg14[%parallel_loop3A_214, %parallel_loop3A_215] {strides = array<i32>} : memref<32x256xf32, #tpu.memory_space<vmem>>, vector<16xf32>,
          %parallel_loop3A_217 = arith.index_cast %parallel_loop3A_182 : i32 to index
          %parallel_loop3A_218 = arith.constant 160 : index
          %parallel_loop3A_219 = tpu.vector_load %arg14[%parallel_loop3A_217, %parallel_loop3A_218] {strides = array<i32>} : memref<32x256xf32, #tpu.memory_space<vmem>>, vector<16xf32>,
          %parallel_loop3A_220 = arith.index_cast %parallel_loop3A_182 : i32 to index
          %parallel_loop3A_221 = arith.constant 176 : index
          %parallel_loop3A_222 = tpu.vector_load %arg14[%parallel_loop3A_220, %parallel_loop3A_221] {strides = array<i32>} : memref<32x256xf32, #tpu.memory_space<vmem>>, vector<16xf32>,
          %parallel_loop3A_223 = arith.index_cast %parallel_loop3A_182 : i32 to index
          %parallel_loop3A_224 = arith.constant 192 : index
          %parallel_loop3A_225 = tpu.vector_load %arg14[%parallel_loop3A_223, %parallel_loop3A_224] {strides = array<i32>} : memref<32x256xf32, #tpu.memory_space<vmem>>, vector<16xf32>,
          %parallel_loop3A_226 = arith.index_cast %parallel_loop3A_182 : i32 to index
          %parallel_loop3A_227 = arith.constant 208 : index
          %parallel_loop3A_228 = tpu.vector_load %arg14[%parallel_loop3A_226, %parallel_loop3A_227] {strides = array<i32>} : memref<32x256xf32, #tpu.memory_space<vmem>>, vector<16xf32>,
          %parallel_loop3A_229 = arith.index_cast %parallel_loop3A_182 : i32 to index
          %parallel_loop3A_230 = arith.constant 224 : index
          %parallel_loop3A_231 = tpu.vector_load %arg14[%parallel_loop3A_229, %parallel_loop3A_230] {strides = array<i32>} : memref<32x256xf32, #tpu.memory_space<vmem>>, vector<16xf32>,
          %parallel_loop3A_232 = arith.index_cast %parallel_loop3A_182 : i32 to index
          %parallel_loop3A_233 = arith.constant 240 : index
          %parallel_loop3A_234 = tpu.vector_load %arg14[%parallel_loop3A_232, %parallel_loop3A_233] {strides = array<i32>} : memref<32x256xf32, #tpu.memory_space<vmem>>, vector<16xf32>,
          %parallel_loop3A_235 = arith.constant 0 : i32
          %parallel_loop3A_236 = vector.broadcast %parallel_loop3A_235 : i32 to vector<16xi32>
          %parallel_loop3A_237 = arith.addi %parallel_loop3A_236, %iota3A : vector<16xi32>
          %parallel_loop3A_238 = arith.mulf %parallel_loop3A_189, %parallel_loop3A_185 : vector<16xf32>
          tpu.vector_store_idx %arg8[%parallel_loop3A_186, %parallel_loop3A_237], %parallel_loop3A_238 {add = true} : memref<320x256xf32, #tpu.memory_space<vmem>>[vector<16xi32>, vector<16xi32>], vector<16xf32>,
          %parallel_loop3A_239 = arith.constant 16 : i32
          %parallel_loop3A_240 = vector.broadcast %parallel_loop3A_239 : i32 to vector<16xi32>
          %parallel_loop3A_241 = arith.addi %parallel_loop3A_240, %iota3A : vector<16xi32>
          %parallel_loop3A_242 = arith.mulf %parallel_loop3A_192, %parallel_loop3A_185 : vector<16xf32>
          tpu.vector_store_idx %arg8[%parallel_loop3A_186, %parallel_loop3A_241], %parallel_loop3A_242 {add = true} : memref<320x256xf32, #tpu.memory_space<vmem>>[vector<16xi32>, vector<16xi32>], vector<16xf32>,
          %parallel_loop3A_243 = arith.constant 32 : i32
          %parallel_loop3A_244 = vector.broadcast %parallel_loop3A_243 : i32 to vector<16xi32>
          %parallel_loop3A_245 = arith.addi %parallel_loop3A_244, %iota3A : vector<16xi32>
          %parallel_loop3A_246 = arith.mulf %parallel_loop3A_195, %parallel_loop3A_185 : vector<16xf32>
          tpu.vector_store_idx %arg8[%parallel_loop3A_186, %parallel_loop3A_245], %parallel_loop3A_246 {add = true} : memref<320x256xf32, #tpu.memory_space<vmem>>[vector<16xi32>, vector<16xi32>], vector<16xf32>,
          %parallel_loop3A_247 = arith.constant 48 : i32
          %parallel_loop3A_248 = vector.broadcast %parallel_loop3A_247 : i32 to vector<16xi32>
          %parallel_loop3A_249 = arith.addi %parallel_loop3A_248, %iota3A : vector<16xi32>
          %parallel_loop3A_250 = arith.mulf %parallel_loop3A_198, %parallel_loop3A_185 : vector<16xf32>
          tpu.vector_store_idx %arg8[%parallel_loop3A_186, %parallel_loop3A_249], %parallel_loop3A_250 {add = true} : memref<320x256xf32, #tpu.memory_space<vmem>>[vector<16xi32>, vector<16xi32>], vector<16xf32>,
          %parallel_loop3A_251 = arith.constant 64 : i32
          %parallel_loop3A_252 = vector.broadcast %parallel_loop3A_251 : i32 to vector<16xi32>
          %parallel_loop3A_253 = arith.addi %parallel_loop3A_252, %iota3A : vector<16xi32>
          %parallel_loop3A_254 = arith.mulf %parallel_loop3A_201, %parallel_loop3A_185 : vector<16xf32>
          tpu.vector_store_idx %arg8[%parallel_loop3A_186, %parallel_loop3A_253], %parallel_loop3A_254 {add = true} : memref<320x256xf32, #tpu.memory_space<vmem>>[vector<16xi32>, vector<16xi32>], vector<16xf32>,
          %parallel_loop3A_255 = arith.constant 80 : i32
          %parallel_loop3A_256 = vector.broadcast %parallel_loop3A_255 : i32 to vector<16xi32>
          %parallel_loop3A_257 = arith.addi %parallel_loop3A_256, %iota3A : vector<16xi32>
          %parallel_loop3A_258 = arith.mulf %parallel_loop3A_204, %parallel_loop3A_185 : vector<16xf32>
          tpu.vector_store_idx %arg8[%parallel_loop3A_186, %parallel_loop3A_257], %parallel_loop3A_258 {add = true} : memref<320x256xf32, #tpu.memory_space<vmem>>[vector<16xi32>, vector<16xi32>], vector<16xf32>,
          %parallel_loop3A_259 = arith.constant 96 : i32
          %parallel_loop3A_260 = vector.broadcast %parallel_loop3A_259 : i32 to vector<16xi32>
          %parallel_loop3A_261 = arith.addi %parallel_loop3A_260, %iota3A : vector<16xi32>
          %parallel_loop3A_262 = arith.mulf %parallel_loop3A_207, %parallel_loop3A_185 : vector<16xf32>
          tpu.vector_store_idx %arg8[%parallel_loop3A_186, %parallel_loop3A_261], %parallel_loop3A_262 {add = true} : memref<320x256xf32, #tpu.memory_space<vmem>>[vector<16xi32>, vector<16xi32>], vector<16xf32>,
          %parallel_loop3A_263 = arith.constant 112 : i32
          %parallel_loop3A_264 = vector.broadcast %parallel_loop3A_263 : i32 to vector<16xi32>
          %parallel_loop3A_265 = arith.addi %parallel_loop3A_264, %iota3A : vector<16xi32>
          %parallel_loop3A_266 = arith.mulf %parallel_loop3A_210, %parallel_loop3A_185 : vector<16xf32>
          tpu.vector_store_idx %arg8[%parallel_loop3A_186, %parallel_loop3A_265], %parallel_loop3A_266 {add = true} : memref<320x256xf32, #tpu.memory_space<vmem>>[vector<16xi32>, vector<16xi32>], vector<16xf32>,
          %parallel_loop3A_267 = arith.constant 128 : i32
          %parallel_loop3A_268 = vector.broadcast %parallel_loop3A_267 : i32 to vector<16xi32>
          %parallel_loop3A_269 = arith.addi %parallel_loop3A_268, %iota3A : vector<16xi32>
          %parallel_loop3A_270 = arith.mulf %parallel_loop3A_213, %parallel_loop3A_185 : vector<16xf32>
          tpu.vector_store_idx %arg8[%parallel_loop3A_186, %parallel_loop3A_269], %parallel_loop3A_270 {add = true} : memref<320x256xf32, #tpu.memory_space<vmem>>[vector<16xi32>, vector<16xi32>], vector<16xf32>,
          %parallel_loop3A_271 = arith.constant 144 : i32
          %parallel_loop3A_272 = vector.broadcast %parallel_loop3A_271 : i32 to vector<16xi32>
          %parallel_loop3A_273 = arith.addi %parallel_loop3A_272, %iota3A : vector<16xi32>
          %parallel_loop3A_274 = arith.mulf %parallel_loop3A_216, %parallel_loop3A_185 : vector<16xf32>
          tpu.vector_store_idx %arg8[%parallel_loop3A_186, %parallel_loop3A_273], %parallel_loop3A_274 {add = true} : memref<320x256xf32, #tpu.memory_space<vmem>>[vector<16xi32>, vector<16xi32>], vector<16xf32>,
          %parallel_loop3A_275 = arith.constant 160 : i32
          %parallel_loop3A_276 = vector.broadcast %parallel_loop3A_275 : i32 to vector<16xi32>
          %parallel_loop3A_277 = arith.addi %parallel_loop3A_276, %iota3A : vector<16xi32>
          %parallel_loop3A_278 = arith.mulf %parallel_loop3A_219, %parallel_loop3A_185 : vector<16xf32>
          tpu.vector_store_idx %arg8[%parallel_loop3A_186, %parallel_loop3A_277], %parallel_loop3A_278 {add = true} : memref<320x256xf32, #tpu.memory_space<vmem>>[vector<16xi32>, vector<16xi32>], vector<16xf32>,
          %parallel_loop3A_279 = arith.constant 176 : i32
          %parallel_loop3A_280 = vector.broadcast %parallel_loop3A_279 : i32 to vector<16xi32>
          %parallel_loop3A_281 = arith.addi %parallel_loop3A_280, %iota3A : vector<16xi32>
          %parallel_loop3A_282 = arith.mulf %parallel_loop3A_222, %parallel_loop3A_185 : vector<16xf32>
          tpu.vector_store_idx %arg8[%parallel_loop3A_186, %parallel_loop3A_281], %parallel_loop3A_282 {add = true} : memref<320x256xf32, #tpu.memory_space<vmem>>[vector<16xi32>, vector<16xi32>], vector<16xf32>,
          %parallel_loop3A_283 = arith.constant 192 : i32
          %parallel_loop3A_284 = vector.broadcast %parallel_loop3A_283 : i32 to vector<16xi32>
          %parallel_loop3A_285 = arith.addi %parallel_loop3A_284, %iota3A : vector<16xi32>
          %parallel_loop3A_286 = arith.mulf %parallel_loop3A_225, %parallel_loop3A_185 : vector<16xf32>
          tpu.vector_store_idx %arg8[%parallel_loop3A_186, %parallel_loop3A_285], %parallel_loop3A_286 {add = true} : memref<320x256xf32, #tpu.memory_space<vmem>>[vector<16xi32>, vector<16xi32>], vector<16xf32>,
          %parallel_loop3A_287 = arith.constant 208 : i32
          %parallel_loop3A_288 = vector.broadcast %parallel_loop3A_287 : i32 to vector<16xi32>
          %parallel_loop3A_289 = arith.addi %parallel_loop3A_288, %iota3A : vector<16xi32>
          %parallel_loop3A_290 = arith.mulf %parallel_loop3A_228, %parallel_loop3A_185 : vector<16xf32>
          tpu.vector_store_idx %arg8[%parallel_loop3A_186, %parallel_loop3A_289], %parallel_loop3A_290 {add = true} : memref<320x256xf32, #tpu.memory_space<vmem>>[vector<16xi32>, vector<16xi32>], vector<16xf32>,
          %parallel_loop3A_291 = arith.constant 224 : i32
          %parallel_loop3A_292 = vector.broadcast %parallel_loop3A_291 : i32 to vector<16xi32>
          %parallel_loop3A_293 = arith.addi %parallel_loop3A_292, %iota3A : vector<16xi32>
          %parallel_loop3A_294 = arith.mulf %parallel_loop3A_231, %parallel_loop3A_185 : vector<16xf32>
          tpu.vector_store_idx %arg8[%parallel_loop3A_186, %parallel_loop3A_293], %parallel_loop3A_294 {add = true} : memref<320x256xf32, #tpu.memory_space<vmem>>[vector<16xi32>, vector<16xi32>], vector<16xf32>,
          %parallel_loop3A_295 = arith.constant 240 : i32
          %parallel_loop3A_296 = vector.broadcast %parallel_loop3A_295 : i32 to vector<16xi32>
          %parallel_loop3A_297 = arith.addi %parallel_loop3A_296, %iota3A : vector<16xi32>
          %parallel_loop3A_298 = arith.mulf %parallel_loop3A_234, %parallel_loop3A_185 : vector<16xf32>
          tpu.vector_store_idx %arg8[%parallel_loop3A_186, %parallel_loop3A_297], %parallel_loop3A_298 {add = true} : memref<320x256xf32, #tpu.memory_space<vmem>>[vector<16xi32>, vector<16xi32>], vector<16xf32>,
        } {sc.loop_unroll_factor = 2 : i64, sc.parallel_access}
      }
      %scan3A_125 = arith.constant 16 : i32
    }
    "tpu.region"() ({
      %run_scoped3A = tpu.sem_alloc : memref<!tpu.dma_semaphore, #tpu.memory_space<semaphore_mem>>
      %dma_start3A = arith.constant 0 : i32
      %dma_start3A_97 = tpu.memref_slice %arg7[%mul3A_2, %dma_start3A] : memref<10240x256xf32, #tpu.memory_space<hbm>> -> memref<320x256xf32, #tpu.memory_space<hbm>>
      %dma_start3A_98 = arith.constant 0 : i32
      %dma_start3A_99 = tpu.memref_slice %arg7[%mul3A_2, %dma_start3A_98] : memref<10240x256xf32, #tpu.memory_space<hbm>> -> memref<320x256xf32, #tpu.memory_space<hbm>>
      tpu.enqueue_dma source(%arg8 : memref<320x256xf32, #tpu.memory_space<vmem>>) target(%dma_start3A_99 : memref<320x256xf32, #tpu.memory_space<hbm>>) target_semaphore(%run_scoped3A : memref<!tpu.dma_semaphore, #tpu.memory_space<semaphore_mem>>)
      %dma_wait3A = arith.constant 0 : i32
      %dma_wait3A_100 = tpu.memref_slice %arg7[%mul3A_2, %dma_wait3A] : memref<10240x256xf32, #tpu.memory_space<hbm>> -> memref<320x256xf32, #tpu.memory_space<hbm>>
      %dma_wait3A_101 = arith.constant 0 : i32
      %dma_wait3A_102 = tpu.memref_slice %arg7[%mul3A_2, %dma_wait3A_101] : memref<10240x256xf32, #tpu.memory_space<hbm>> -> memref<320x256xf32, #tpu.memory_space<hbm>>
      tpu.wait_dma2 semaphore(%run_scoped3A : memref<!tpu.dma_semaphore, #tpu.memory_space<semaphore_mem>>) src(%arg8 : memref<320x256xf32, #tpu.memory_space<vmem>>) dst(%dma_wait3A_102 : memref<320x256xf32, #tpu.memory_space<hbm>>)
      tpu.yield
    }) : () -> ()
    return
  }
}

#map = affine_map<(d0, d1) -> (0, 0)>
#map1 = affine_map<(d0, d1) -> (0)>
module attributes {stable_mosaic.version = 14 : i64} {
  func.func @_segsum_body(%arg0: i32, %arg1: i32, %arg2: memref<10000x256xf32, #tpu.memory_space<hbm>>, %arg3: memref<5096x32xf32, #tpu.memory_space<hbm>>, %arg4: memref<5096x32xi32, #tpu.memory_space<hbm>>, %arg5: memref<5096x32xi32, #tpu.memory_space<hbm>>, %arg6: memref<64xi32, #tpu.memory_space<hbm>>, %arg7: memref<10240x256xf32, #tpu.memory_space<hbm>>, %arg8: memref<320x256xf32, #tpu.memory_space<vmem>>, %arg9: memref<48x32xi32, #tpu.memory_space<vmem>>, %arg10: memref<48x32xi32, #tpu.memory_space<vmem>>, %arg11: memref<48x32xf32, #tpu.memory_space<vmem>>, %arg12: memref<32x256xf32, #tpu.memory_space<vmem>>, %arg13: memref<32x256xf32, #tpu.memory_space<vmem>>, %arg14: memref<32x256xf32, #tpu.memory_space<vmem>>, %arg15: memref<64xi32, #tpu.memory_space<vmem>>, %arg16: memref<!tpu.dma_semaphore, #tpu.memory_space<semaphore_mem>>, %arg17: memref<!tpu.dma_semaphore, #tpu.memory_space<semaphore_mem>>, %arg18: memref<!tpu.dma_semaphore, #tpu.memory_space<semaphore_mem>>) attributes {dimension_semantics = [#tpu.dimension_semantics<core_parallel>, #tpu.dimension_semantics<subcore_parallel>], iteration_bounds = array<i64: 2, 16>, scalar_prefetch = 0 : i64, scratch_operands = 11 : i64, tpu.core_type = #tpu.core_type<sc_vector_subcore>, window_params = [{transform_indices = #map}, {transform_indices = #map}, {transform_indices = #map}, {transform_indices = #map}, {transform_indices = #map1}, {transform_indices = #map}]} {
    %mul3A = arith.constant 16 : i32
    %mul3A_0 = arith.muli %arg0, %mul3A : i32
    %add3A = arith.addi %mul3A_0, %arg1 : i32
    %mul3A_1 = arith.constant 320 : i32
    %mul3A_2 = arith.muli %add3A, %mul3A_1 : i32
    "tpu.region"() ({
      %run_scoped3A = tpu.sem_alloc : memref<!tpu.dma_semaphore, #tpu.memory_space<semaphore_mem>>
      tpu.enqueue_dma source(%arg6 : memref<64xi32, #tpu.memory_space<hbm>>) target(%arg15 : memref<64xi32, #tpu.memory_space<vmem>>) target_semaphore(%run_scoped3A : memref<!tpu.dma_semaphore, #tpu.memory_space<semaphore_mem>>)
      tpu.wait_dma2 semaphore(%run_scoped3A : memref<!tpu.dma_semaphore, #tpu.memory_space<semaphore_mem>>) src(%arg6 : memref<64xi32, #tpu.memory_space<hbm>>) dst(%arg15 : memref<64xi32, #tpu.memory_space<vmem>>)
      tpu.yield
    }) : () -> ()
    %broadcast_in_dim3A = vector.broadcast %add3A : i32 to vector<16xi32>
    %gather3A = tpu.vector_load_idx %arg15[%broadcast_in_dim3A] : memref<64xi32, #tpu.memory_space<vmem>>[vector<16xi32>], vector<16xi32>,
    %slice3A = vector.extract_strided_slice %gather3A {offsets = [0], sizes = [1], strides = [1]} : vector<16xi32> to vector<1xi32>
    %squeeze3A = vector.extract %slice3A[0] : i32 from vector<1xi32>
    %add3A_3 = arith.constant 1 : i32
    %add3A_4 = arith.addi %add3A, %add3A_3 : i32
    %broadcast_in_dim3A_5 = vector.broadcast %add3A_4 : i32 to vector<16xi32>
    %gather3A_6 = tpu.vector_load_idx %arg15[%broadcast_in_dim3A_5] : memref<64xi32, #tpu.memory_space<vmem>>[vector<16xi32>], vector<16xi32>,
    %slice3A_7 = vector.extract_strided_slice %gather3A_6 {offsets = [0], sizes = [1], strides = [1]} : vector<16xi32> to vector<1xi32>
    %squeeze3A_8 = vector.extract %slice3A_7[0] : i32 from vector<1xi32>
    %scan3A = arith.constant 0 : i32
    %scan3A_9 = arith.constant 0 : i32
    %scan3A_10 = arith.constant 320 : i32
    %scan3A_11 = arith.addi %scan3A_9, %scan3A_10 : i32
    %scan3A_12 = arith.constant 1 : i32
    scf.for %scan3A_97 = %scan3A_9 to %scan3A_11 step %scan3A_12  : i32 {
      %broadcast_in_dim3A_98 = arith.constant 0.000000e+00 : f32
      %broadcast_in_dim3A_99 = vector.broadcast %broadcast_in_dim3A_98 : f32 to vector<16xf32>
      %swap3A = arith.index_cast %scan3A_97 : i32 to index
      %swap3A_100 = arith.constant 0 : index
      %swap3A_101 = tpu.vector_load %arg8[%swap3A, %swap3A_100] {strides = array<i32>} : memref<320x256xf32, #tpu.memory_space<vmem>>, vector<16xf32>,
      tpu.vector_store %arg8[%swap3A, %swap3A_100], %broadcast_in_dim3A_99 {strides = array<i32>} : memref<320x256xf32, #tpu.memory_space<vmem>>, vector<16xf32>,
      %broadcast_in_dim3A_102 = arith.constant 0.000000e+00 : f32
      %broadcast_in_dim3A_103 = vector.broadcast %broadcast_in_dim3A_102 : f32 to vector<16xf32>
      %swap3A_104 = arith.index_cast %scan3A_97 : i32 to index
      %swap3A_105 = arith.constant 16 : index
      %swap3A_106 = tpu.vector_load %arg8[%swap3A_104, %swap3A_105] {strides = array<i32>} : memref<320x256xf32, #tpu.memory_space<vmem>>, vector<16xf32>,
      tpu.vector_store %arg8[%swap3A_104, %swap3A_105], %broadcast_in_dim3A_103 {strides = array<i32>} : memref<320x256xf32, #tpu.memory_space<vmem>>, vector<16xf32>,
      %broadcast_in_dim3A_107 = arith.constant 0.000000e+00 : f32
      %broadcast_in_dim3A_108 = vector.broadcast %broadcast_in_dim3A_107 : f32 to vector<16xf32>
      %swap3A_109 = arith.index_cast %scan3A_97 : i32 to index
      %swap3A_110 = arith.constant 32 : index
      %swap3A_111 = tpu.vector_load %arg8[%swap3A_109, %swap3A_110] {strides = array<i32>} : memref<320x256xf32, #tpu.memory_space<vmem>>, vector<16xf32>,
      tpu.vector_store %arg8[%swap3A_109, %swap3A_110], %broadcast_in_dim3A_108 {strides = array<i32>} : memref<320x256xf32, #tpu.memory_space<vmem>>, vector<16xf32>,
      %broadcast_in_dim3A_112 = arith.constant 0.000000e+00 : f32
      %broadcast_in_dim3A_113 = vector.broadcast %broadcast_in_dim3A_112 : f32 to vector<16xf32>
      %swap3A_114 = arith.index_cast %scan3A_97 : i32 to index
      %swap3A_115 = arith.constant 48 : index
      %swap3A_116 = tpu.vector_load %arg8[%swap3A_114, %swap3A_115] {strides = array<i32>} : memref<320x256xf32, #tpu.memory_space<vmem>>, vector<16xf32>,
      tpu.vector_store %arg8[%swap3A_114, %swap3A_115], %broadcast_in_dim3A_113 {strides = array<i32>} : memref<320x256xf32, #tpu.memory_space<vmem>>, vector<16xf32>,
      %broadcast_in_dim3A_117 = arith.constant 0.000000e+00 : f32
      %broadcast_in_dim3A_118 = vector.broadcast %broadcast_in_dim3A_117 : f32 to vector<16xf32>
      %swap3A_119 = arith.index_cast %scan3A_97 : i32 to index
      %swap3A_120 = arith.constant 64 : index
      %swap3A_121 = tpu.vector_load %arg8[%swap3A_119, %swap3A_120] {strides = array<i32>} : memref<320x256xf32, #tpu.memory_space<vmem>>, vector<16xf32>,
      tpu.vector_store %arg8[%swap3A_119, %swap3A_120], %broadcast_in_dim3A_118 {strides = array<i32>} : memref<320x256xf32, #tpu.memory_space<vmem>>, vector<16xf32>,
      %broadcast_in_dim3A_122 = arith.constant 0.000000e+00 : f32
      %broadcast_in_dim3A_123 = vector.broadcast %broadcast_in_dim3A_122 : f32 to vector<16xf32>
      %swap3A_124 = arith.index_cast %scan3A_97 : i32 to index
      %swap3A_125 = arith.constant 80 : index
      %swap3A_126 = tpu.vector_load %arg8[%swap3A_124, %swap3A_125] {strides = array<i32>} : memref<320x256xf32, #tpu.memory_space<vmem>>, vector<16xf32>,
      tpu.vector_store %arg8[%swap3A_124, %swap3A_125], %broadcast_in_dim3A_123 {strides = array<i32>} : memref<320x256xf32, #tpu.memory_space<vmem>>, vector<16xf32>,
      %broadcast_in_dim3A_127 = arith.constant 0.000000e+00 : f32
      %broadcast_in_dim3A_128 = vector.broadcast %broadcast_in_dim3A_127 : f32 to vector<16xf32>
      %swap3A_129 = arith.index_cast %scan3A_97 : i32 to index
      %swap3A_130 = arith.constant 96 : index
      %swap3A_131 = tpu.vector_load %arg8[%swap3A_129, %swap3A_130] {strides = array<i32>} : memref<320x256xf32, #tpu.memory_space<vmem>>, vector<16xf32>,
      tpu.vector_store %arg8[%swap3A_129, %swap3A_130], %broadcast_in_dim3A_128 {strides = array<i32>} : memref<320x256xf32, #tpu.memory_space<vmem>>, vector<16xf32>,
      %broadcast_in_dim3A_132 = arith.constant 0.000000e+00 : f32
      %broadcast_in_dim3A_133 = vector.broadcast %broadcast_in_dim3A_132 : f32 to vector<16xf32>
      %swap3A_134 = arith.index_cast %scan3A_97 : i32 to index
      %swap3A_135 = arith.constant 112 : index
      %swap3A_136 = tpu.vector_load %arg8[%swap3A_134, %swap3A_135] {strides = array<i32>} : memref<320x256xf32, #tpu.memory_space<vmem>>, vector<16xf32>,
      tpu.vector_store %arg8[%swap3A_134, %swap3A_135], %broadcast_in_dim3A_133 {strides = array<i32>} : memref<320x256xf32, #tpu.memory_space<vmem>>, vector<16xf32>,
      %broadcast_in_dim3A_137 = arith.constant 0.000000e+00 : f32
      %broadcast_in_dim3A_138 = vector.broadcast %broadcast_in_dim3A_137 : f32 to vector<16xf32>
      %swap3A_139 = arith.index_cast %scan3A_97 : i32 to index
      %swap3A_140 = arith.constant 128 : index
      %swap3A_141 = tpu.vector_load %arg8[%swap3A_139, %swap3A_140] {strides = array<i32>} : memref<320x256xf32, #tpu.memory_space<vmem>>, vector<16xf32>,
      tpu.vector_store %arg8[%swap3A_139, %swap3A_140], %broadcast_in_dim3A_138 {strides = array<i32>} : memref<320x256xf32, #tpu.memory_space<vmem>>, vector<16xf32>,
      %broadcast_in_dim3A_142 = arith.constant 0.000000e+00 : f32
      %broadcast_in_dim3A_143 = vector.broadcast %broadcast_in_dim3A_142 : f32 to vector<16xf32>
      %swap3A_144 = arith.index_cast %scan3A_97 : i32 to index
      %swap3A_145 = arith.constant 144 : index
      %swap3A_146 = tpu.vector_load %arg8[%swap3A_144, %swap3A_145] {strides = array<i32>} : memref<320x256xf32, #tpu.memory_space<vmem>>, vector<16xf32>,
      tpu.vector_store %arg8[%swap3A_144, %swap3A_145], %broadcast_in_dim3A_143 {strides = array<i32>} : memref<320x256xf32, #tpu.memory_space<vmem>>, vector<16xf32>,
      %broadcast_in_dim3A_147 = arith.constant 0.000000e+00 : f32
      %broadcast_in_dim3A_148 = vector.broadcast %broadcast_in_dim3A_147 : f32 to vector<16xf32>
      %swap3A_149 = arith.index_cast %scan3A_97 : i32 to index
      %swap3A_150 = arith.constant 160 : index
      %swap3A_151 = tpu.vector_load %arg8[%swap3A_149, %swap3A_150] {strides = array<i32>} : memref<320x256xf32, #tpu.memory_space<vmem>>, vector<16xf32>,
      tpu.vector_store %arg8[%swap3A_149, %swap3A_150], %broadcast_in_dim3A_148 {strides = array<i32>} : memref<320x256xf32, #tpu.memory_space<vmem>>, vector<16xf32>,
      %broadcast_in_dim3A_152 = arith.constant 0.000000e+00 : f32
      %broadcast_in_dim3A_153 = vector.broadcast %broadcast_in_dim3A_152 : f32 to vector<16xf32>
      %swap3A_154 = arith.index_cast %scan3A_97 : i32 to index
      %swap3A_155 = arith.constant 176 : index
      %swap3A_156 = tpu.vector_load %arg8[%swap3A_154, %swap3A_155] {strides = array<i32>} : memref<320x256xf32, #tpu.memory_space<vmem>>, vector<16xf32>,
      tpu.vector_store %arg8[%swap3A_154, %swap3A_155], %broadcast_in_dim3A_153 {strides = array<i32>} : memref<320x256xf32, #tpu.memory_space<vmem>>, vector<16xf32>,
      %broadcast_in_dim3A_157 = arith.constant 0.000000e+00 : f32
      %broadcast_in_dim3A_158 = vector.broadcast %broadcast_in_dim3A_157 : f32 to vector<16xf32>
      %swap3A_159 = arith.index_cast %scan3A_97 : i32 to index
      %swap3A_160 = arith.constant 192 : index
      %swap3A_161 = tpu.vector_load %arg8[%swap3A_159, %swap3A_160] {strides = array<i32>} : memref<320x256xf32, #tpu.memory_space<vmem>>, vector<16xf32>,
      tpu.vector_store %arg8[%swap3A_159, %swap3A_160], %broadcast_in_dim3A_158 {strides = array<i32>} : memref<320x256xf32, #tpu.memory_space<vmem>>, vector<16xf32>,
      %broadcast_in_dim3A_162 = arith.constant 0.000000e+00 : f32
      %broadcast_in_dim3A_163 = vector.broadcast %broadcast_in_dim3A_162 : f32 to vector<16xf32>
      %swap3A_164 = arith.index_cast %scan3A_97 : i32 to index
      %swap3A_165 = arith.constant 208 : index
      %swap3A_166 = tpu.vector_load %arg8[%swap3A_164, %swap3A_165] {strides = array<i32>} : memref<320x256xf32, #tpu.memory_space<vmem>>, vector<16xf32>,
      tpu.vector_store %arg8[%swap3A_164, %swap3A_165], %broadcast_in_dim3A_163 {strides = array<i32>} : memref<320x256xf32, #tpu.memory_space<vmem>>, vector<16xf32>,
      %broadcast_in_dim3A_167 = arith.constant 0.000000e+00 : f32
      %broadcast_in_dim3A_168 = vector.broadcast %broadcast_in_dim3A_167 : f32 to vector<16xf32>
      %swap3A_169 = arith.index_cast %scan3A_97 : i32 to index
      %swap3A_170 = arith.constant 224 : index
      %swap3A_171 = tpu.vector_load %arg8[%swap3A_169, %swap3A_170] {strides = array<i32>} : memref<320x256xf32, #tpu.memory_space<vmem>>, vector<16xf32>,
      tpu.vector_store %arg8[%swap3A_169, %swap3A_170], %broadcast_in_dim3A_168 {strides = array<i32>} : memref<320x256xf32, #tpu.memory_space<vmem>>, vector<16xf32>,
      %broadcast_in_dim3A_172 = arith.constant 0.000000e+00 : f32
      %broadcast_in_dim3A_173 = vector.broadcast %broadcast_in_dim3A_172 : f32 to vector<16xf32>
      %swap3A_174 = arith.index_cast %scan3A_97 : i32 to index
      %swap3A_175 = arith.constant 240 : index
      %swap3A_176 = tpu.vector_load %arg8[%swap3A_174, %swap3A_175] {strides = array<i32>} : memref<320x256xf32, #tpu.memory_space<vmem>>, vector<16xf32>,
      tpu.vector_store %arg8[%swap3A_174, %swap3A_175], %broadcast_in_dim3A_173 {strides = array<i32>} : memref<320x256xf32, #tpu.memory_space<vmem>>, vector<16xf32>,
    }
    %scan3A_13 = arith.constant 320 : i32
    %jit3A = arith.constant 32 : i32
    %div3A = arith.divsi %squeeze3A, %jit3A : i32
    %sign3A = arith.constant 0 : i32
    %sign3A_14 = arith.cmpi sgt, %squeeze3A, %sign3A : i32
    %sign3A_15 = arith.extui %sign3A_14 : i1 to i32
    %sign3A_16 = arith.constant 0 : i32
    %sign3A_17 = arith.cmpi slt, %squeeze3A, %sign3A_16 : i32
    %sign3A_18 = arith.extui %sign3A_17 : i1 to i32
    %sign3A_19 = arith.subi %sign3A_15, %sign3A_18 : i32
    %sign3A_20 = arith.constant 0 : i32
    %sign3A_21 = arith.cmpi sgt, %jit3A, %sign3A_20 : i32
    %sign3A_22 = arith.extui %sign3A_21 : i1 to i32
    %sign3A_23 = arith.constant 0 : i32
    %sign3A_24 = arith.cmpi slt, %jit3A, %sign3A_23 : i32
    %sign3A_25 = arith.extui %sign3A_24 : i1 to i32
    %sign3A_26 = arith.subi %sign3A_22, %sign3A_25 : i32
    %ne3A = arith.cmpi ne, %sign3A_19, %sign3A_26 : i32
    %rem3A = arith.remsi %squeeze3A, %jit3A : i32
    %ne3A_27 = arith.constant 0 : i32
    %ne3A_28 = arith.cmpi ne, %rem3A, %ne3A_27 : i32
    %and3A = arith.andi %ne3A, %ne3A_28 : i1
    %sub3A = arith.constant 1 : i32
    %sub3A_29 = arith.subi %div3A, %sub3A : i32
    %select_n3A = arith.select %and3A, %sub3A_29, %div3A : i32
    %jit3A_30 = arith.constant 8 : i32
    %div3A_31 = arith.divsi %select_n3A, %jit3A_30 : i32
    %sign3A_32 = arith.constant 0 : i32
    %sign3A_33 = arith.cmpi sgt, %select_n3A, %sign3A_32 : i32
    %sign3A_34 = arith.extui %sign3A_33 : i1 to i32
    %sign3A_35 = arith.constant 0 : i32
    %sign3A_36 = arith.cmpi slt, %select_n3A, %sign3A_35 : i32
    %sign3A_37 = arith.extui %sign3A_36 : i1 to i32
    %sign3A_38 = arith.subi %sign3A_34, %sign3A_37 : i32
    %sign3A_39 = arith.constant 0 : i32
    %sign3A_40 = arith.cmpi sgt, %jit3A_30, %sign3A_39 : i32
    %sign3A_41 = arith.extui %sign3A_40 : i1 to i32
    %sign3A_42 = arith.constant 0 : i32
    %sign3A_43 = arith.cmpi slt, %jit3A_30, %sign3A_42 : i32
    %sign3A_44 = arith.extui %sign3A_43 : i1 to i32
    %sign3A_45 = arith.subi %sign3A_41, %sign3A_44 : i32
    %ne3A_46 = arith.cmpi ne, %sign3A_38, %sign3A_45 : i32
    %rem3A_47 = arith.remsi %select_n3A, %jit3A_30 : i32
    %ne3A_48 = arith.constant 0 : i32
    %ne3A_49 = arith.cmpi ne, %rem3A_47, %ne3A_48 : i32
    %and3A_50 = arith.andi %ne3A_46, %ne3A_49 : i1
    %sub3A_51 = arith.constant 1 : i32
    %sub3A_52 = arith.subi %div3A_31, %sub3A_51 : i32
    %select_n3A_53 = arith.select %and3A_50, %sub3A_52, %div3A_31 : i32
    %mul3A_54 = arith.constant 8 : i32
    %mul3A_55 = arith.muli %select_n3A_53, %mul3A_54 : i32
    %mul3A_56 = arith.constant 32 : i32
    %mul3A_57 = arith.muli %mul3A_55, %mul3A_56 : i32
    %sub3A_58 = arith.subi %squeeze3A_8, %mul3A_57 : i32
    %max3A = arith.constant 0 : i32
    %max3A_59 = arith.maxsi %sub3A_58, %max3A : i32
    %add3A_60 = arith.constant 1536 : i32
    %add3A_61 = arith.addi %max3A_59, %add3A_60 : i32
    %sub3A_62 = arith.constant 1 : i32
    %sub3A_63 = arith.subi %add3A_61, %sub3A_62 : i32
    %jit3A_64 = arith.constant 1536 : i32
    %div3A_65 = arith.divsi %sub3A_63, %jit3A_64 : i32
    %sign3A_66 = arith.constant 0 : i32
    %sign3A_67 = arith.cmpi sgt, %sub3A_63, %sign3A_66 : i32
    %sign3A_68 = arith.extui %sign3A_67 : i1 to i32
    %sign3A_69 = arith.constant 0 : i32
    %sign3A_70 = arith.cmpi slt, %sub3A_63, %sign3A_69 : i32
    %sign3A_71 = arith.extui %sign3A_70 : i1 to i32
    %sign3A_72 = arith.subi %sign3A_68, %sign3A_71 : i32
    %sign3A_73 = arith.constant 0 : i32
    %sign3A_74 = arith.cmpi sgt, %jit3A_64, %sign3A_73 : i32
    %sign3A_75 = arith.extui %sign3A_74 : i1 to i32
    %sign3A_76 = arith.constant 0 : i32
    %sign3A_77 = arith.cmpi slt, %jit3A_64, %sign3A_76 : i32
    %sign3A_78 = arith.extui %sign3A_77 : i1 to i32
    %sign3A_79 = arith.subi %sign3A_75, %sign3A_78 : i32
    %ne3A_80 = arith.cmpi ne, %sign3A_72, %sign3A_79 : i32
    %rem3A_81 = arith.remsi %sub3A_63, %jit3A_64 : i32
    %ne3A_82 = arith.constant 0 : i32
    %ne3A_83 = arith.cmpi ne, %rem3A_81, %ne3A_82 : i32
    %and3A_84 = arith.andi %ne3A_80, %ne3A_83 : i1
    %sub3A_85 = arith.constant 1 : i32
    %sub3A_86 = arith.subi %div3A_65, %sub3A_85 : i32
    %select_n3A_87 = arith.select %and3A_84, %sub3A_86, %div3A_65 : i32
    %while3A = arith.constant 0 : i32
    %while3A_88 = arith.constant 0 : i32
    %while3A_89 = arith.subi %select_n3A_87, %while3A_88 : i32
    %while3A_90 = arith.addi %while3A_88, %while3A_89 : i32
    %while3A_91 = arith.constant 1 : i32
    %while3A_92 = arith.divsi %while3A_89, %while3A_91 : i32
    %while3A_93 = arith.muli %while3A_92, %while3A_91 : i32
    %while3A_94 = arith.addi %while3A_88, %while3A_93 : i32
    %while3A_95 = arith.constant 1 : i32
    scf.for %while3A_97 = %while3A_88 to %while3A_94 step %while3A_95  : i32 {
      %mul3A_98 = arith.constant 48 : i32
      %mul3A_99 = arith.muli %while3A_97, %mul3A_98 : i32
      %add3A_100 = arith.addi %mul3A_55, %mul3A_99 : i32
      "tpu.region"() ({
        %run_scoped3A = tpu.sem_alloc : memref<!tpu.dma_semaphore, #tpu.memory_space<semaphore_mem>>
        %dma_start3A_126 = arith.constant 0 : i32
        %dma_start3A_127 = tpu.memref_slice %arg5[%add3A_100, %dma_start3A_126] : memref<5096x32xi32, #tpu.memory_space<hbm>> -> memref<48x32xi32, #tpu.memory_space<hbm>>
        %dma_start3A_128 = arith.constant 0 : i32
        %dma_start3A_129 = tpu.memref_slice %arg5[%add3A_100, %dma_start3A_128] : memref<5096x32xi32, #tpu.memory_space<hbm>> -> memref<48x32xi32, #tpu.memory_space<hbm>>
        tpu.enqueue_dma source(%dma_start3A_129 : memref<48x32xi32, #tpu.memory_space<hbm>>) target(%arg9 : memref<48x32xi32, #tpu.memory_space<vmem>>) target_semaphore(%run_scoped3A : memref<!tpu.dma_semaphore, #tpu.memory_space<semaphore_mem>>)
        %dma_wait3A = arith.constant 0 : i32
        %dma_wait3A_130 = tpu.memref_slice %arg5[%add3A_100, %dma_wait3A] : memref<5096x32xi32, #tpu.memory_space<hbm>> -> memref<48x32xi32, #tpu.memory_space<hbm>>
        %dma_wait3A_131 = arith.constant 0 : i32
        %dma_wait3A_132 = tpu.memref_slice %arg5[%add3A_100, %dma_wait3A_131] : memref<5096x32xi32, #tpu.memory_space<hbm>> -> memref<48x32xi32, #tpu.memory_space<hbm>>
        tpu.wait_dma2 semaphore(%run_scoped3A : memref<!tpu.dma_semaphore, #tpu.memory_space<semaphore_mem>>) src(%dma_wait3A_132 : memref<48x32xi32, #tpu.memory_space<hbm>>) dst(%arg9 : memref<48x32xi32, #tpu.memory_space<vmem>>)
        tpu.yield
      }) : () -> ()
      "tpu.region"() ({
        %run_scoped3A = tpu.sem_alloc : memref<!tpu.dma_semaphore, #tpu.memory_space<semaphore_mem>>
        %dma_start3A_126 = arith.constant 0 : i32
        %dma_start3A_127 = tpu.memref_slice %arg4[%add3A_100, %dma_start3A_126] : memref<5096x32xi32, #tpu.memory_space<hbm>> -> memref<48x32xi32, #tpu.memory_space<hbm>>
        %dma_start3A_128 = arith.constant 0 : i32
        %dma_start3A_129 = tpu.memref_slice %arg4[%add3A_100, %dma_start3A_128] : memref<5096x32xi32, #tpu.memory_space<hbm>> -> memref<48x32xi32, #tpu.memory_space<hbm>>
        tpu.enqueue_dma source(%dma_start3A_129 : memref<48x32xi32, #tpu.memory_space<hbm>>) target(%arg10 : memref<48x32xi32, #tpu.memory_space<vmem>>) target_semaphore(%run_scoped3A : memref<!tpu.dma_semaphore, #tpu.memory_space<semaphore_mem>>)
        %dma_wait3A = arith.constant 0 : i32
        %dma_wait3A_130 = tpu.memref_slice %arg4[%add3A_100, %dma_wait3A] : memref<5096x32xi32, #tpu.memory_space<hbm>> -> memref<48x32xi32, #tpu.memory_space<hbm>>
        %dma_wait3A_131 = arith.constant 0 : i32
        %dma_wait3A_132 = tpu.memref_slice %arg4[%add3A_100, %dma_wait3A_131] : memref<5096x32xi32, #tpu.memory_space<hbm>> -> memref<48x32xi32, #tpu.memory_space<hbm>>
        tpu.wait_dma2 semaphore(%run_scoped3A : memref<!tpu.dma_semaphore, #tpu.memory_space<semaphore_mem>>) src(%dma_wait3A_132 : memref<48x32xi32, #tpu.memory_space<hbm>>) dst(%arg10 : memref<48x32xi32, #tpu.memory_space<vmem>>)
        tpu.yield
      }) : () -> ()
      "tpu.region"() ({
        %run_scoped3A = tpu.sem_alloc : memref<!tpu.dma_semaphore, #tpu.memory_space<semaphore_mem>>
        %dma_start3A_126 = arith.constant 0 : i32
        %dma_start3A_127 = tpu.memref_slice %arg3[%add3A_100, %dma_start3A_126] : memref<5096x32xf32, #tpu.memory_space<hbm>> -> memref<48x32xf32, #tpu.memory_space<hbm>>
        %dma_start3A_128 = arith.constant 0 : i32
        %dma_start3A_129 = tpu.memref_slice %arg3[%add3A_100, %dma_start3A_128] : memref<5096x32xf32, #tpu.memory_space<hbm>> -> memref<48x32xf32, #tpu.memory_space<hbm>>
        tpu.enqueue_dma source(%dma_start3A_129 : memref<48x32xf32, #tpu.memory_space<hbm>>) target(%arg11 : memref<48x32xf32, #tpu.memory_space<vmem>>) target_semaphore(%run_scoped3A : memref<!tpu.dma_semaphore, #tpu.memory_space<semaphore_mem>>)
        %dma_wait3A = arith.constant 0 : i32
        %dma_wait3A_130 = tpu.memref_slice %arg3[%add3A_100, %dma_wait3A] : memref<5096x32xf32, #tpu.memory_space<hbm>> -> memref<48x32xf32, #tpu.memory_space<hbm>>
        %dma_wait3A_131 = arith.constant 0 : i32
        %dma_wait3A_132 = tpu.memref_slice %arg3[%add3A_100, %dma_wait3A_131] : memref<5096x32xf32, #tpu.memory_space<hbm>> -> memref<48x32xf32, #tpu.memory_space<hbm>>
        tpu.wait_dma2 semaphore(%run_scoped3A : memref<!tpu.dma_semaphore, #tpu.memory_space<semaphore_mem>>) src(%dma_wait3A_132 : memref<48x32xf32, #tpu.memory_space<hbm>>) dst(%arg11 : memref<48x32xf32, #tpu.memory_space<vmem>>)
        tpu.yield
      }) : () -> ()
      %scan3A_101 = arith.constant 0 : i32
      %scan3A_102 = arith.constant 0 : i32
      %scan3A_103 = arith.constant 48 : i32
      %scan3A_104 = arith.addi %scan3A_102, %scan3A_103 : i32
      %scan3A_105 = arith.constant 1 : i32
      scf.for %scan3A_126 = %scan3A_102 to %scan3A_104 step %scan3A_105  : i32 {
        %add3A_127 = arith.addi %add3A_100, %scan3A_126 : i32
        %mul3A_128 = arith.constant 32 : i32
        %mul3A_129 = arith.muli %add3A_127, %mul3A_128 : i32
        %add3A_130 = arith.constant 0 : i32
        %add3A_131 = arith.addi %mul3A_129, %add3A_130 : i32
        %iota3A_132 = tpu.iota {dimensions = array<i32: 0>} : vector<16xi32>
        %add3A_133 = vector.broadcast %add3A_131 : i32 to vector<16xi32>
        %add3A_134 = arith.addi %add3A_133, %iota3A_132 : vector<16xi32>
        %get3A = arith.index_cast %scan3A_126 : i32 to index
        %get3A_135 = arith.constant 0 : index
        %get3A_136 = tpu.vector_load %arg11[%get3A, %get3A_135] {strides = array<i32>} : memref<48x32xf32, #tpu.memory_space<vmem>>, vector<16xf32>,
        %ge3A = vector.broadcast %squeeze3A : i32 to vector<16xi32>
        %ge3A_137 = arith.cmpi sge, %add3A_134, %ge3A : vector<16xi32>
        %lt3A = vector.broadcast %squeeze3A_8 : i32 to vector<16xi32>
        %lt3A_138 = arith.cmpi slt, %add3A_134, %lt3A : vector<16xi32>
        %and3A_139 = arith.andi %ge3A_137, %lt3A_138 : vector<16xi1>
        %jit3A_140 = arith.constant 0.000000e+00 : f32
        %broadcast_in_dim3A_141 = vector.broadcast %jit3A_140 : f32 to vector<16xf32>
        %select_n3A_142 = arith.select %and3A_139, %get3A_136, %broadcast_in_dim3A_141 : vector<16xi1>, vector<16xf32>
        %swap3A = arith.index_cast %scan3A_126 : i32 to index
        %swap3A_143 = arith.constant 0 : index
        %swap3A_144 = tpu.vector_load %arg11[%swap3A, %swap3A_143] {strides = array<i32>} : memref<48x32xf32, #tpu.memory_space<vmem>>, vector<16xf32>,
        tpu.vector_store %arg11[%swap3A, %swap3A_143], %select_n3A_142 {strides = array<i32>} : memref<48x32xf32, #tpu.memory_space<vmem>>, vector<16xf32>,
        %add3A_145 = arith.constant 16 : i32
        %add3A_146 = arith.addi %mul3A_129, %add3A_145 : i32
        %iota3A_147 = tpu.iota {dimensions = array<i32: 0>} : vector<16xi32>
        %add3A_148 = vector.broadcast %add3A_146 : i32 to vector<16xi32>
        %add3A_149 = arith.addi %add3A_148, %iota3A_147 : vector<16xi32>
        %get3A_150 = arith.index_cast %scan3A_126 : i32 to index
        %get3A_151 = arith.constant 16 : index
        %get3A_152 = tpu.vector_load %arg11[%get3A_150, %get3A_151] {strides = array<i32>} : memref<48x32xf32, #tpu.memory_space<vmem>>, vector<16xf32>,
        %ge3A_153 = vector.broadcast %squeeze3A : i32 to vector<16xi32>
        %ge3A_154 = arith.cmpi sge, %add3A_149, %ge3A_153 : vector<16xi32>
        %lt3A_155 = vector.broadcast %squeeze3A_8 : i32 to vector<16xi32>
        %lt3A_156 = arith.cmpi slt, %add3A_149, %lt3A_155 : vector<16xi32>
        %and3A_157 = arith.andi %ge3A_154, %lt3A_156 : vector<16xi1>
        %jit3A_158 = arith.constant 0.000000e+00 : f32
        %broadcast_in_dim3A_159 = vector.broadcast %jit3A_158 : f32 to vector<16xf32>
        %select_n3A_160 = arith.select %and3A_157, %get3A_152, %broadcast_in_dim3A_159 : vector<16xi1>, vector<16xf32>
        %swap3A_161 = arith.index_cast %scan3A_126 : i32 to index
        %swap3A_162 = arith.constant 16 : index
        %swap3A_163 = tpu.vector_load %arg11[%swap3A_161, %swap3A_162] {strides = array<i32>} : memref<48x32xf32, #tpu.memory_space<vmem>>, vector<16xf32>,
        tpu.vector_store %arg11[%swap3A_161, %swap3A_162], %select_n3A_160 {strides = array<i32>} : memref<48x32xf32, #tpu.memory_space<vmem>>, vector<16xf32>,
      }
      %scan3A_106 = arith.constant 48 : i32
      %iota3A = tpu.iota {dimensions = array<i32: 0>} : vector<16xi32>
      %dma_start3A = arith.constant 0 : i32
      %dma_start3A_107 = arith.constant 0 : i32
      %dma_start3A_108 = tpu.memref_slice %arg9[%dma_start3A, %dma_start3A_107] : memref<48x32xi32, #tpu.memory_space<vmem>> -> memref<1x32xi32, #tpu.memory_space<vmem>>
      %dma_start3A_109 = tpu.memref_squeeze %dma_start3A_108 : memref<1x32xi32, #tpu.memory_space<vmem>> -> memref<32xi32, #tpu.memory_space<vmem>>
      %dma_start3A_110 = arith.constant 0 : i32
      %dma_start3A_111 = arith.constant 0 : i32
      %dma_start3A_112 = tpu.memref_slice %arg2[%dma_start3A_110, %dma_start3A_111] : memref<10000x256xf32, #tpu.memory_space<hbm>> -> memref<10000x256xf32, #tpu.memory_space<hbm>>
      tpu.enqueue_indirect_dma source(%dma_start3A_112 : memref<10000x256xf32, #tpu.memory_space<hbm>>) target(%arg12 : memref<32x256xf32, #tpu.memory_space<vmem>>) offsets(%dma_start3A_109 : memref<32xi32, #tpu.memory_space<vmem>>) semaphore(%arg16 : memref<!tpu.dma_semaphore, #tpu.memory_space<semaphore_mem>>)
      %dma_start3A_113 = arith.constant 1 : i32
      %dma_start3A_114 = arith.constant 0 : i32
      %dma_start3A_115 = tpu.memref_slice %arg9[%dma_start3A_113, %dma_start3A_114] : memref<48x32xi32, #tpu.memory_space<vmem>> -> memref<1x32xi32, #tpu.memory_space<vmem>>
      %dma_start3A_116 = tpu.memref_squeeze %dma_start3A_115 : memref<1x32xi32, #tpu.memory_space<vmem>> -> memref<32xi32, #tpu.memory_space<vmem>>
      %dma_start3A_117 = arith.constant 0 : i32
      %dma_start3A_118 = arith.constant 0 : i32
      %dma_start3A_119 = tpu.memref_slice %arg2[%dma_start3A_117, %dma_start3A_118] : memref<10000x256xf32, #tpu.memory_space<hbm>> -> memref<10000x256xf32, #tpu.memory_space<hbm>>
      tpu.enqueue_indirect_dma source(%dma_start3A_119 : memref<10000x256xf32, #tpu.memory_space<hbm>>) target(%arg13 : memref<32x256xf32, #tpu.memory_space<vmem>>) offsets(%dma_start3A_116 : memref<32xi32, #tpu.memory_space<vmem>>) semaphore(%arg17 : memref<!tpu.dma_semaphore, #tpu.memory_space<semaphore_mem>>)
      %scan3A_120 = arith.constant 0 : i32
      %scan3A_121 = arith.constant 0 : i32
      %scan3A_122 = arith.constant 16 : i32
      %scan3A_123 = arith.addi %scan3A_121, %scan3A_122 : i32
      %scan3A_124 = arith.constant 1 : i32
      scf.for %scan3A_126 = %scan3A_121 to %scan3A_123 step %scan3A_124  : i32 {
        %mul3A_127 = arith.constant 3 : i32
        %mul3A_128 = arith.muli %scan3A_126, %mul3A_127 : i32
        %add3A_129 = arith.constant 0 : i32
        %add3A_130 = arith.addi %mul3A_128, %add3A_129 : i32
        %dma_wait3A = arith.constant 0 : i32
        %dma_wait3A_131 = tpu.memref_slice %arg9[%add3A_130, %dma_wait3A] : memref<48x32xi32, #tpu.memory_space<vmem>> -> memref<1x32xi32, #tpu.memory_space<vmem>>
        %dma_wait3A_132 = tpu.memref_squeeze %dma_wait3A_131 : memref<1x32xi32, #tpu.memory_space<vmem>> -> memref<32xi32, #tpu.memory_space<vmem>>
        %dma_wait3A_133 = arith.constant 0 : i32
        %dma_wait3A_134 = arith.constant 0 : i32
        %dma_wait3A_135 = tpu.memref_slice %arg2[%dma_wait3A_133, %dma_wait3A_134] : memref<10000x256xf32, #tpu.memory_space<hbm>> -> memref<10000x256xf32, #tpu.memory_space<hbm>>
        tpu.wait_indirect_dma semaphore(%arg16 : memref<!tpu.dma_semaphore, #tpu.memory_space<semaphore_mem>>) src(%dma_wait3A_135 : memref<10000x256xf32, #tpu.memory_space<hbm>>) dst(%arg12 : memref<32x256xf32, #tpu.memory_space<vmem>>)
        %add3A_136 = arith.constant 2 : i32
        %add3A_137 = arith.addi %add3A_130, %add3A_136 : i32
        %lt3A = arith.constant 48 : i32
        %lt3A_138 = arith.cmpi slt, %add3A_137, %lt3A : i32
        %convert_element_type3A = arith.extui %lt3A_138 : i1 to i32
        %cond3A = arith.constant 0 : i32
        %cond3A_139 = arith.cmpi ne, %convert_element_type3A, %cond3A : i32
        scf.if %cond3A_139 {
          %add3A_182 = arith.constant 2 : i32
          %add3A_183 = arith.addi %add3A_130, %add3A_182 : i32
          %dma_start3A_184 = arith.constant 0 : i32
          %dma_start3A_185 = tpu.memref_slice %arg9[%add3A_183, %dma_start3A_184] : memref<48x32xi32, #tpu.memory_space<vmem>> -> memref<1x32xi32, #tpu.memory_space<vmem>>
          %dma_start3A_186 = tpu.memref_squeeze %dma_start3A_185 : memref<1x32xi32, #tpu.memory_space<vmem>> -> memref<32xi32, #tpu.memory_space<vmem>>
          %dma_start3A_187 = arith.constant 0 : i32
          %dma_start3A_188 = arith.constant 0 : i32
          %dma_start3A_189 = tpu.memref_slice %arg2[%dma_start3A_187, %dma_start3A_188] : memref<10000x256xf32, #tpu.memory_space<hbm>> -> memref<10000x256xf32, #tpu.memory_space<hbm>>
          tpu.enqueue_indirect_dma source(%dma_start3A_189 : memref<10000x256xf32, #tpu.memory_space<hbm>>) target(%arg14 : memref<32x256xf32, #tpu.memory_space<vmem>>) offsets(%dma_start3A_186 : memref<32xi32, #tpu.memory_space<vmem>>) semaphore(%arg18 : memref<!tpu.dma_semaphore, #tpu.memory_space<semaphore_mem>>)
        } else {
        }
        %parallel_loop3A = arith.constant 0 : i32
        %parallel_loop3A_140 = arith.constant 32 : i32
        %parallel_loop3A_141 = arith.constant 1 : i32
        scf.for %parallel_loop3A_182 = %parallel_loop3A to %parallel_loop3A_140 step %parallel_loop3A_141  : i32 {
          %parallel_loop3A_183 = vector.broadcast %add3A_130 : i32 to vector<16xi32>
          %parallel_loop3A_184 = vector.broadcast %parallel_loop3A_182 : i32 to vector<16xi32>
          %parallel_loop3A_185 = tpu.vector_load_idx %arg11[%parallel_loop3A_183, %parallel_loop3A_184] : memref<48x32xf32, #tpu.memory_space<vmem>>[vector<16xi32>, vector<16xi32>], vector<16xf32>,
          %parallel_loop3A_186 = tpu.vector_load_idx %arg10[%parallel_loop3A_183, %parallel_loop3A_184] : memref<48x32xi32, #tpu.memory_space<vmem>>[vector<16xi32>, vector<16xi32>], vector<16xi32>,
          %parallel_loop3A_187 = arith.index_cast %parallel_loop3A_182 : i32 to index
          %parallel_loop3A_188 = arith.constant 0 : index
          %parallel_loop3A_189 = tpu.vector_load %arg12[%parallel_loop3A_187, %parallel_loop3A_188] {strides = array<i32>} : memref<32x256xf32, #tpu.memory_space<vmem>>, vector<16xf32>,
          %parallel_loop3A_190 = arith.index_cast %parallel_loop3A_182 : i32 to index
          %parallel_loop3A_191 = arith.constant 16 : index
          %parallel_loop3A_192 = tpu.vector_load %arg12[%parallel_loop3A_190, %parallel_loop3A_191] {strides = array<i32>} : memref<32x256xf32, #tpu.memory_space<vmem>>, vector<16xf32>,
          %parallel_loop3A_193 = arith.index_cast %parallel_loop3A_182 : i32 to index
          %parallel_loop3A_194 = arith.constant 32 : index
          %parallel_loop3A_195 = tpu.vector_load %arg12[%parallel_loop3A_193, %parallel_loop3A_194] {strides = array<i32>} : memref<32x256xf32, #tpu.memory_space<vmem>>, vector<16xf32>,
          %parallel_loop3A_196 = arith.index_cast %parallel_loop3A_182 : i32 to index
          %parallel_loop3A_197 = arith.constant 48 : index
          %parallel_loop3A_198 = tpu.vector_load %arg12[%parallel_loop3A_196, %parallel_loop3A_197] {strides = array<i32>} : memref<32x256xf32, #tpu.memory_space<vmem>>, vector<16xf32>,
          %parallel_loop3A_199 = arith.index_cast %parallel_loop3A_182 : i32 to index
          %parallel_loop3A_200 = arith.constant 64 : index
          %parallel_loop3A_201 = tpu.vector_load %arg12[%parallel_loop3A_199, %parallel_loop3A_200] {strides = array<i32>} : memref<32x256xf32, #tpu.memory_space<vmem>>, vector<16xf32>,
          %parallel_loop3A_202 = arith.index_cast %parallel_loop3A_182 : i32 to index
          %parallel_loop3A_203 = arith.constant 80 : index
          %parallel_loop3A_204 = tpu.vector_load %arg12[%parallel_loop3A_202, %parallel_loop3A_203] {strides = array<i32>} : memref<32x256xf32, #tpu.memory_space<vmem>>, vector<16xf32>,
          %parallel_loop3A_205 = arith.index_cast %parallel_loop3A_182 : i32 to index
          %parallel_loop3A_206 = arith.constant 96 : index
          %parallel_loop3A_207 = tpu.vector_load %arg12[%parallel_loop3A_205, %parallel_loop3A_206] {strides = array<i32>} : memref<32x256xf32, #tpu.memory_space<vmem>>, vector<16xf32>,
          %parallel_loop3A_208 = arith.index_cast %parallel_loop3A_182 : i32 to index
          %parallel_loop3A_209 = arith.constant 112 : index
          %parallel_loop3A_210 = tpu.vector_load %arg12[%parallel_loop3A_208, %parallel_loop3A_209] {strides = array<i32>} : memref<32x256xf32, #tpu.memory_space<vmem>>, vector<16xf32>,
          %parallel_loop3A_211 = arith.index_cast %parallel_loop3A_182 : i32 to index
          %parallel_loop3A_212 = arith.constant 128 : index
          %parallel_loop3A_213 = tpu.vector_load %arg12[%parallel_loop3A_211, %parallel_loop3A_212] {strides = array<i32>} : memref<32x256xf32, #tpu.memory_space<vmem>>, vector<16xf32>,
          %parallel_loop3A_214 = arith.index_cast %parallel_loop3A_182 : i32 to index
          %parallel_loop3A_215 = arith.constant 144 : index
          %parallel_loop3A_216 = tpu.vector_load %arg12[%parallel_loop3A_214, %parallel_loop3A_215] {strides = array<i32>} : memref<32x256xf32, #tpu.memory_space<vmem>>, vector<16xf32>,
          %parallel_loop3A_217 = arith.index_cast %parallel_loop3A_182 : i32 to index
          %parallel_loop3A_218 = arith.constant 160 : index
          %parallel_loop3A_219 = tpu.vector_load %arg12[%parallel_loop3A_217, %parallel_loop3A_218] {strides = array<i32>} : memref<32x256xf32, #tpu.memory_space<vmem>>, vector<16xf32>,
          %parallel_loop3A_220 = arith.index_cast %parallel_loop3A_182 : i32 to index
          %parallel_loop3A_221 = arith.constant 176 : index
          %parallel_loop3A_222 = tpu.vector_load %arg12[%parallel_loop3A_220, %parallel_loop3A_221] {strides = array<i32>} : memref<32x256xf32, #tpu.memory_space<vmem>>, vector<16xf32>,
          %parallel_loop3A_223 = arith.index_cast %parallel_loop3A_182 : i32 to index
          %parallel_loop3A_224 = arith.constant 192 : index
          %parallel_loop3A_225 = tpu.vector_load %arg12[%parallel_loop3A_223, %parallel_loop3A_224] {strides = array<i32>} : memref<32x256xf32, #tpu.memory_space<vmem>>, vector<16xf32>,
          %parallel_loop3A_226 = arith.index_cast %parallel_loop3A_182 : i32 to index
          %parallel_loop3A_227 = arith.constant 208 : index
          %parallel_loop3A_228 = tpu.vector_load %arg12[%parallel_loop3A_226, %parallel_loop3A_227] {strides = array<i32>} : memref<32x256xf32, #tpu.memory_space<vmem>>, vector<16xf32>,
          %parallel_loop3A_229 = arith.index_cast %parallel_loop3A_182 : i32 to index
          %parallel_loop3A_230 = arith.constant 224 : index
          %parallel_loop3A_231 = tpu.vector_load %arg12[%parallel_loop3A_229, %parallel_loop3A_230] {strides = array<i32>} : memref<32x256xf32, #tpu.memory_space<vmem>>, vector<16xf32>,
          %parallel_loop3A_232 = arith.index_cast %parallel_loop3A_182 : i32 to index
          %parallel_loop3A_233 = arith.constant 240 : index
          %parallel_loop3A_234 = tpu.vector_load %arg12[%parallel_loop3A_232, %parallel_loop3A_233] {strides = array<i32>} : memref<32x256xf32, #tpu.memory_space<vmem>>, vector<16xf32>,
          %parallel_loop3A_235 = arith.constant 0 : i32
          %parallel_loop3A_236 = vector.broadcast %parallel_loop3A_235 : i32 to vector<16xi32>
          %parallel_loop3A_237 = arith.addi %parallel_loop3A_236, %iota3A : vector<16xi32>
          %parallel_loop3A_238 = arith.mulf %parallel_loop3A_189, %parallel_loop3A_185 : vector<16xf32>
          tpu.vector_store_idx %arg8[%parallel_loop3A_186, %parallel_loop3A_237], %parallel_loop3A_238 {add = true} : memref<320x256xf32, #tpu.memory_space<vmem>>[vector<16xi32>, vector<16xi32>], vector<16xf32>,
          %parallel_loop3A_239 = arith.constant 16 : i32
          %parallel_loop3A_240 = vector.broadcast %parallel_loop3A_239 : i32 to vector<16xi32>
          %parallel_loop3A_241 = arith.addi %parallel_loop3A_240, %iota3A : vector<16xi32>
          %parallel_loop3A_242 = arith.mulf %parallel_loop3A_192, %parallel_loop3A_185 : vector<16xf32>
          tpu.vector_store_idx %arg8[%parallel_loop3A_186, %parallel_loop3A_241], %parallel_loop3A_242 {add = true} : memref<320x256xf32, #tpu.memory_space<vmem>>[vector<16xi32>, vector<16xi32>], vector<16xf32>,
          %parallel_loop3A_243 = arith.constant 32 : i32
          %parallel_loop3A_244 = vector.broadcast %parallel_loop3A_243 : i32 to vector<16xi32>
          %parallel_loop3A_245 = arith.addi %parallel_loop3A_244, %iota3A : vector<16xi32>
          %parallel_loop3A_246 = arith.mulf %parallel_loop3A_195, %parallel_loop3A_185 : vector<16xf32>
          tpu.vector_store_idx %arg8[%parallel_loop3A_186, %parallel_loop3A_245], %parallel_loop3A_246 {add = true} : memref<320x256xf32, #tpu.memory_space<vmem>>[vector<16xi32>, vector<16xi32>], vector<16xf32>,
          %parallel_loop3A_247 = arith.constant 48 : i32
          %parallel_loop3A_248 = vector.broadcast %parallel_loop3A_247 : i32 to vector<16xi32>
          %parallel_loop3A_249 = arith.addi %parallel_loop3A_248, %iota3A : vector<16xi32>
          %parallel_loop3A_250 = arith.mulf %parallel_loop3A_198, %parallel_loop3A_185 : vector<16xf32>
          tpu.vector_store_idx %arg8[%parallel_loop3A_186, %parallel_loop3A_249], %parallel_loop3A_250 {add = true} : memref<320x256xf32, #tpu.memory_space<vmem>>[vector<16xi32>, vector<16xi32>], vector<16xf32>,
          %parallel_loop3A_251 = arith.constant 64 : i32
          %parallel_loop3A_252 = vector.broadcast %parallel_loop3A_251 : i32 to vector<16xi32>
          %parallel_loop3A_253 = arith.addi %parallel_loop3A_252, %iota3A : vector<16xi32>
          %parallel_loop3A_254 = arith.mulf %parallel_loop3A_201, %parallel_loop3A_185 : vector<16xf32>
          tpu.vector_store_idx %arg8[%parallel_loop3A_186, %parallel_loop3A_253], %parallel_loop3A_254 {add = true} : memref<320x256xf32, #tpu.memory_space<vmem>>[vector<16xi32>, vector<16xi32>], vector<16xf32>,
          %parallel_loop3A_255 = arith.constant 80 : i32
          %parallel_loop3A_256 = vector.broadcast %parallel_loop3A_255 : i32 to vector<16xi32>
          %parallel_loop3A_257 = arith.addi %parallel_loop3A_256, %iota3A : vector<16xi32>
          %parallel_loop3A_258 = arith.mulf %parallel_loop3A_204, %parallel_loop3A_185 : vector<16xf32>
          tpu.vector_store_idx %arg8[%parallel_loop3A_186, %parallel_loop3A_257], %parallel_loop3A_258 {add = true} : memref<320x256xf32, #tpu.memory_space<vmem>>[vector<16xi32>, vector<16xi32>], vector<16xf32>,
          %parallel_loop3A_259 = arith.constant 96 : i32
          %parallel_loop3A_260 = vector.broadcast %parallel_loop3A_259 : i32 to vector<16xi32>
          %parallel_loop3A_261 = arith.addi %parallel_loop3A_260, %iota3A : vector<16xi32>
          %parallel_loop3A_262 = arith.mulf %parallel_loop3A_207, %parallel_loop3A_185 : vector<16xf32>
          tpu.vector_store_idx %arg8[%parallel_loop3A_186, %parallel_loop3A_261], %parallel_loop3A_262 {add = true} : memref<320x256xf32, #tpu.memory_space<vmem>>[vector<16xi32>, vector<16xi32>], vector<16xf32>,
          %parallel_loop3A_263 = arith.constant 112 : i32
          %parallel_loop3A_264 = vector.broadcast %parallel_loop3A_263 : i32 to vector<16xi32>
          %parallel_loop3A_265 = arith.addi %parallel_loop3A_264, %iota3A : vector<16xi32>
          %parallel_loop3A_266 = arith.mulf %parallel_loop3A_210, %parallel_loop3A_185 : vector<16xf32>
          tpu.vector_store_idx %arg8[%parallel_loop3A_186, %parallel_loop3A_265], %parallel_loop3A_266 {add = true} : memref<320x256xf32, #tpu.memory_space<vmem>>[vector<16xi32>, vector<16xi32>], vector<16xf32>,
          %parallel_loop3A_267 = arith.constant 128 : i32
          %parallel_loop3A_268 = vector.broadcast %parallel_loop3A_267 : i32 to vector<16xi32>
          %parallel_loop3A_269 = arith.addi %parallel_loop3A_268, %iota3A : vector<16xi32>
          %parallel_loop3A_270 = arith.mulf %parallel_loop3A_213, %parallel_loop3A_185 : vector<16xf32>
          tpu.vector_store_idx %arg8[%parallel_loop3A_186, %parallel_loop3A_269], %parallel_loop3A_270 {add = true} : memref<320x256xf32, #tpu.memory_space<vmem>>[vector<16xi32>, vector<16xi32>], vector<16xf32>,
          %parallel_loop3A_271 = arith.constant 144 : i32
          %parallel_loop3A_272 = vector.broadcast %parallel_loop3A_271 : i32 to vector<16xi32>
          %parallel_loop3A_273 = arith.addi %parallel_loop3A_272, %iota3A : vector<16xi32>
          %parallel_loop3A_274 = arith.mulf %parallel_loop3A_216, %parallel_loop3A_185 : vector<16xf32>
          tpu.vector_store_idx %arg8[%parallel_loop3A_186, %parallel_loop3A_273], %parallel_loop3A_274 {add = true} : memref<320x256xf32, #tpu.memory_space<vmem>>[vector<16xi32>, vector<16xi32>], vector<16xf32>,
          %parallel_loop3A_275 = arith.constant 160 : i32
          %parallel_loop3A_276 = vector.broadcast %parallel_loop3A_275 : i32 to vector<16xi32>
          %parallel_loop3A_277 = arith.addi %parallel_loop3A_276, %iota3A : vector<16xi32>
          %parallel_loop3A_278 = arith.mulf %parallel_loop3A_219, %parallel_loop3A_185 : vector<16xf32>
          tpu.vector_store_idx %arg8[%parallel_loop3A_186, %parallel_loop3A_277], %parallel_loop3A_278 {add = true} : memref<320x256xf32, #tpu.memory_space<vmem>>[vector<16xi32>, vector<16xi32>], vector<16xf32>,
          %parallel_loop3A_279 = arith.constant 176 : i32
          %parallel_loop3A_280 = vector.broadcast %parallel_loop3A_279 : i32 to vector<16xi32>
          %parallel_loop3A_281 = arith.addi %parallel_loop3A_280, %iota3A : vector<16xi32>
          %parallel_loop3A_282 = arith.mulf %parallel_loop3A_222, %parallel_loop3A_185 : vector<16xf32>
          tpu.vector_store_idx %arg8[%parallel_loop3A_186, %parallel_loop3A_281], %parallel_loop3A_282 {add = true} : memref<320x256xf32, #tpu.memory_space<vmem>>[vector<16xi32>, vector<16xi32>], vector<16xf32>,
          %parallel_loop3A_283 = arith.constant 192 : i32
          %parallel_loop3A_284 = vector.broadcast %parallel_loop3A_283 : i32 to vector<16xi32>
          %parallel_loop3A_285 = arith.addi %parallel_loop3A_284, %iota3A : vector<16xi32>
          %parallel_loop3A_286 = arith.mulf %parallel_loop3A_225, %parallel_loop3A_185 : vector<16xf32>
          tpu.vector_store_idx %arg8[%parallel_loop3A_186, %parallel_loop3A_285], %parallel_loop3A_286 {add = true} : memref<320x256xf32, #tpu.memory_space<vmem>>[vector<16xi32>, vector<16xi32>], vector<16xf32>,
          %parallel_loop3A_287 = arith.constant 208 : i32
          %parallel_loop3A_288 = vector.broadcast %parallel_loop3A_287 : i32 to vector<16xi32>
          %parallel_loop3A_289 = arith.addi %parallel_loop3A_288, %iota3A : vector<16xi32>
          %parallel_loop3A_290 = arith.mulf %parallel_loop3A_228, %parallel_loop3A_185 : vector<16xf32>
          tpu.vector_store_idx %arg8[%parallel_loop3A_186, %parallel_loop3A_289], %parallel_loop3A_290 {add = true} : memref<320x256xf32, #tpu.memory_space<vmem>>[vector<16xi32>, vector<16xi32>], vector<16xf32>,
          %parallel_loop3A_291 = arith.constant 224 : i32
          %parallel_loop3A_292 = vector.broadcast %parallel_loop3A_291 : i32 to vector<16xi32>
          %parallel_loop3A_293 = arith.addi %parallel_loop3A_292, %iota3A : vector<16xi32>
          %parallel_loop3A_294 = arith.mulf %parallel_loop3A_231, %parallel_loop3A_185 : vector<16xf32>
          tpu.vector_store_idx %arg8[%parallel_loop3A_186, %parallel_loop3A_293], %parallel_loop3A_294 {add = true} : memref<320x256xf32, #tpu.memory_space<vmem>>[vector<16xi32>, vector<16xi32>], vector<16xf32>,
          %parallel_loop3A_295 = arith.constant 240 : i32
          %parallel_loop3A_296 = vector.broadcast %parallel_loop3A_295 : i32 to vector<16xi32>
          %parallel_loop3A_297 = arith.addi %parallel_loop3A_296, %iota3A : vector<16xi32>
          %parallel_loop3A_298 = arith.mulf %parallel_loop3A_234, %parallel_loop3A_185 : vector<16xf32>
          tpu.vector_store_idx %arg8[%parallel_loop3A_186, %parallel_loop3A_297], %parallel_loop3A_298 {add = true} : memref<320x256xf32, #tpu.memory_space<vmem>>[vector<16xi32>, vector<16xi32>], vector<16xf32>,
        } {sc.loop_unroll_factor = 2 : i64, sc.parallel_access}
        %mul3A_142 = arith.constant 3 : i32
        %mul3A_143 = arith.muli %scan3A_126, %mul3A_142 : i32
        %add3A_144 = arith.constant 1 : i32
        %add3A_145 = arith.addi %mul3A_143, %add3A_144 : i32
        %dma_wait3A_146 = arith.constant 0 : i32
        %dma_wait3A_147 = tpu.memref_slice %arg9[%add3A_145, %dma_wait3A_146] : memref<48x32xi32, #tpu.memory_space<vmem>> -> memref<1x32xi32, #tpu.memory_space<vmem>>
        %dma_wait3A_148 = tpu.memref_squeeze %dma_wait3A_147 : memref<1x32xi32, #tpu.memory_space<vmem>> -> memref<32xi32, #tpu.memory_space<vmem>>
        %dma_wait3A_149 = arith.constant 0 : i32
        %dma_wait3A_150 = arith.constant 0 : i32
        %dma_wait3A_151 = tpu.memref_slice %arg2[%dma_wait3A_149, %dma_wait3A_150] : memref<10000x256xf32, #tpu.memory_space<hbm>> -> memref<10000x256xf32, #tpu.memory_space<hbm>>
        tpu.wait_indirect_dma semaphore(%arg17 : memref<!tpu.dma_semaphore, #tpu.memory_space<semaphore_mem>>) src(%dma_wait3A_151 : memref<10000x256xf32, #tpu.memory_space<hbm>>) dst(%arg13 : memref<32x256xf32, #tpu.memory_space<vmem>>)
        %add3A_152 = arith.constant 2 : i32
        %add3A_153 = arith.addi %add3A_145, %add3A_152 : i32
        %lt3A_154 = arith.constant 48 : i32
        %lt3A_155 = arith.cmpi slt, %add3A_153, %lt3A_154 : i32
        %convert_element_type3A_156 = arith.extui %lt3A_155 : i1 to i32
        %cond3A_157 = arith.constant 0 : i32
        %cond3A_158 = arith.cmpi ne, %convert_element_type3A_156, %cond3A_157 : i32
        scf.if %cond3A_158 {
          %add3A_182 = arith.constant 2 : i32
          %add3A_183 = arith.addi %add3A_145, %add3A_182 : i32
          %dma_start3A_184 = arith.constant 0 : i32
          %dma_start3A_185 = tpu.memref_slice %arg9[%add3A_183, %dma_start3A_184] : memref<48x32xi32, #tpu.memory_space<vmem>> -> memref<1x32xi32, #tpu.memory_space<vmem>>
          %dma_start3A_186 = tpu.memref_squeeze %dma_start3A_185 : memref<1x32xi32, #tpu.memory_space<vmem>> -> memref<32xi32, #tpu.memory_space<vmem>>
          %dma_start3A_187 = arith.constant 0 : i32
          %dma_start3A_188 = arith.constant 0 : i32
          %dma_start3A_189 = tpu.memref_slice %arg2[%dma_start3A_187, %dma_start3A_188] : memref<10000x256xf32, #tpu.memory_space<hbm>> -> memref<10000x256xf32, #tpu.memory_space<hbm>>
          tpu.enqueue_indirect_dma source(%dma_start3A_189 : memref<10000x256xf32, #tpu.memory_space<hbm>>) target(%arg12 : memref<32x256xf32, #tpu.memory_space<vmem>>) offsets(%dma_start3A_186 : memref<32xi32, #tpu.memory_space<vmem>>) semaphore(%arg16 : memref<!tpu.dma_semaphore, #tpu.memory_space<semaphore_mem>>)
        } else {
        }
        %parallel_loop3A_159 = arith.constant 0 : i32
        %parallel_loop3A_160 = arith.constant 32 : i32
        %parallel_loop3A_161 = arith.constant 1 : i32
        scf.for %parallel_loop3A_182 = %parallel_loop3A_159 to %parallel_loop3A_160 step %parallel_loop3A_161  : i32 {
          %parallel_loop3A_183 = vector.broadcast %add3A_145 : i32 to vector<16xi32>
          %parallel_loop3A_184 = vector.broadcast %parallel_loop3A_182 : i32 to vector<16xi32>
          %parallel_loop3A_185 = tpu.vector_load_idx %arg11[%parallel_loop3A_183, %parallel_loop3A_184] : memref<48x32xf32, #tpu.memory_space<vmem>>[vector<16xi32>, vector<16xi32>], vector<16xf32>,
          %parallel_loop3A_186 = tpu.vector_load_idx %arg10[%parallel_loop3A_183, %parallel_loop3A_184] : memref<48x32xi32, #tpu.memory_space<vmem>>[vector<16xi32>, vector<16xi32>], vector<16xi32>,
          %parallel_loop3A_187 = arith.index_cast %parallel_loop3A_182 : i32 to index
          %parallel_loop3A_188 = arith.constant 0 : index
          %parallel_loop3A_189 = tpu.vector_load %arg13[%parallel_loop3A_187, %parallel_loop3A_188] {strides = array<i32>} : memref<32x256xf32, #tpu.memory_space<vmem>>, vector<16xf32>,
          %parallel_loop3A_190 = arith.index_cast %parallel_loop3A_182 : i32 to index
          %parallel_loop3A_191 = arith.constant 16 : index
          %parallel_loop3A_192 = tpu.vector_load %arg13[%parallel_loop3A_190, %parallel_loop3A_191] {strides = array<i32>} : memref<32x256xf32, #tpu.memory_space<vmem>>, vector<16xf32>,
          %parallel_loop3A_193 = arith.index_cast %parallel_loop3A_182 : i32 to index
          %parallel_loop3A_194 = arith.constant 32 : index
          %parallel_loop3A_195 = tpu.vector_load %arg13[%parallel_loop3A_193, %parallel_loop3A_194] {strides = array<i32>} : memref<32x256xf32, #tpu.memory_space<vmem>>, vector<16xf32>,
          %parallel_loop3A_196 = arith.index_cast %parallel_loop3A_182 : i32 to index
          %parallel_loop3A_197 = arith.constant 48 : index
          %parallel_loop3A_198 = tpu.vector_load %arg13[%parallel_loop3A_196, %parallel_loop3A_197] {strides = array<i32>} : memref<32x256xf32, #tpu.memory_space<vmem>>, vector<16xf32>,
          %parallel_loop3A_199 = arith.index_cast %parallel_loop3A_182 : i32 to index
          %parallel_loop3A_200 = arith.constant 64 : index
          %parallel_loop3A_201 = tpu.vector_load %arg13[%parallel_loop3A_199, %parallel_loop3A_200] {strides = array<i32>} : memref<32x256xf32, #tpu.memory_space<vmem>>, vector<16xf32>,
          %parallel_loop3A_202 = arith.index_cast %parallel_loop3A_182 : i32 to index
          %parallel_loop3A_203 = arith.constant 80 : index
          %parallel_loop3A_204 = tpu.vector_load %arg13[%parallel_loop3A_202, %parallel_loop3A_203] {strides = array<i32>} : memref<32x256xf32, #tpu.memory_space<vmem>>, vector<16xf32>,
          %parallel_loop3A_205 = arith.index_cast %parallel_loop3A_182 : i32 to index
          %parallel_loop3A_206 = arith.constant 96 : index
          %parallel_loop3A_207 = tpu.vector_load %arg13[%parallel_loop3A_205, %parallel_loop3A_206] {strides = array<i32>} : memref<32x256xf32, #tpu.memory_space<vmem>>, vector<16xf32>,
          %parallel_loop3A_208 = arith.index_cast %parallel_loop3A_182 : i32 to index
          %parallel_loop3A_209 = arith.constant 112 : index
          %parallel_loop3A_210 = tpu.vector_load %arg13[%parallel_loop3A_208, %parallel_loop3A_209] {strides = array<i32>} : memref<32x256xf32, #tpu.memory_space<vmem>>, vector<16xf32>,
          %parallel_loop3A_211 = arith.index_cast %parallel_loop3A_182 : i32 to index
          %parallel_loop3A_212 = arith.constant 128 : index
          %parallel_loop3A_213 = tpu.vector_load %arg13[%parallel_loop3A_211, %parallel_loop3A_212] {strides = array<i32>} : memref<32x256xf32, #tpu.memory_space<vmem>>, vector<16xf32>,
          %parallel_loop3A_214 = arith.index_cast %parallel_loop3A_182 : i32 to index
          %parallel_loop3A_215 = arith.constant 144 : index
          %parallel_loop3A_216 = tpu.vector_load %arg13[%parallel_loop3A_214, %parallel_loop3A_215] {strides = array<i32>} : memref<32x256xf32, #tpu.memory_space<vmem>>, vector<16xf32>,
          %parallel_loop3A_217 = arith.index_cast %parallel_loop3A_182 : i32 to index
          %parallel_loop3A_218 = arith.constant 160 : index
          %parallel_loop3A_219 = tpu.vector_load %arg13[%parallel_loop3A_217, %parallel_loop3A_218] {strides = array<i32>} : memref<32x256xf32, #tpu.memory_space<vmem>>, vector<16xf32>,
          %parallel_loop3A_220 = arith.index_cast %parallel_loop3A_182 : i32 to index
          %parallel_loop3A_221 = arith.constant 176 : index
          %parallel_loop3A_222 = tpu.vector_load %arg13[%parallel_loop3A_220, %parallel_loop3A_221] {strides = array<i32>} : memref<32x256xf32, #tpu.memory_space<vmem>>, vector<16xf32>,
          %parallel_loop3A_223 = arith.index_cast %parallel_loop3A_182 : i32 to index
          %parallel_loop3A_224 = arith.constant 192 : index
          %parallel_loop3A_225 = tpu.vector_load %arg13[%parallel_loop3A_223, %parallel_loop3A_224] {strides = array<i32>} : memref<32x256xf32, #tpu.memory_space<vmem>>, vector<16xf32>,
          %parallel_loop3A_226 = arith.index_cast %parallel_loop3A_182 : i32 to index
          %parallel_loop3A_227 = arith.constant 208 : index
          %parallel_loop3A_228 = tpu.vector_load %arg13[%parallel_loop3A_226, %parallel_loop3A_227] {strides = array<i32>} : memref<32x256xf32, #tpu.memory_space<vmem>>, vector<16xf32>,
          %parallel_loop3A_229 = arith.index_cast %parallel_loop3A_182 : i32 to index
          %parallel_loop3A_230 = arith.constant 224 : index
          %parallel_loop3A_231 = tpu.vector_load %arg13[%parallel_loop3A_229, %parallel_loop3A_230] {strides = array<i32>} : memref<32x256xf32, #tpu.memory_space<vmem>>, vector<16xf32>,
          %parallel_loop3A_232 = arith.index_cast %parallel_loop3A_182 : i32 to index
          %parallel_loop3A_233 = arith.constant 240 : index
          %parallel_loop3A_234 = tpu.vector_load %arg13[%parallel_loop3A_232, %parallel_loop3A_233] {strides = array<i32>} : memref<32x256xf32, #tpu.memory_space<vmem>>, vector<16xf32>,
          %parallel_loop3A_235 = arith.constant 0 : i32
          %parallel_loop3A_236 = vector.broadcast %parallel_loop3A_235 : i32 to vector<16xi32>
          %parallel_loop3A_237 = arith.addi %parallel_loop3A_236, %iota3A : vector<16xi32>
          %parallel_loop3A_238 = arith.mulf %parallel_loop3A_189, %parallel_loop3A_185 : vector<16xf32>
          tpu.vector_store_idx %arg8[%parallel_loop3A_186, %parallel_loop3A_237], %parallel_loop3A_238 {add = true} : memref<320x256xf32, #tpu.memory_space<vmem>>[vector<16xi32>, vector<16xi32>], vector<16xf32>,
          %parallel_loop3A_239 = arith.constant 16 : i32
          %parallel_loop3A_240 = vector.broadcast %parallel_loop3A_239 : i32 to vector<16xi32>
          %parallel_loop3A_241 = arith.addi %parallel_loop3A_240, %iota3A : vector<16xi32>
          %parallel_loop3A_242 = arith.mulf %parallel_loop3A_192, %parallel_loop3A_185 : vector<16xf32>
          tpu.vector_store_idx %arg8[%parallel_loop3A_186, %parallel_loop3A_241], %parallel_loop3A_242 {add = true} : memref<320x256xf32, #tpu.memory_space<vmem>>[vector<16xi32>, vector<16xi32>], vector<16xf32>,
          %parallel_loop3A_243 = arith.constant 32 : i32
          %parallel_loop3A_244 = vector.broadcast %parallel_loop3A_243 : i32 to vector<16xi32>
          %parallel_loop3A_245 = arith.addi %parallel_loop3A_244, %iota3A : vector<16xi32>
          %parallel_loop3A_246 = arith.mulf %parallel_loop3A_195, %parallel_loop3A_185 : vector<16xf32>
          tpu.vector_store_idx %arg8[%parallel_loop3A_186, %parallel_loop3A_245], %parallel_loop3A_246 {add = true} : memref<320x256xf32, #tpu.memory_space<vmem>>[vector<16xi32>, vector<16xi32>], vector<16xf32>,
          %parallel_loop3A_247 = arith.constant 48 : i32
          %parallel_loop3A_248 = vector.broadcast %parallel_loop3A_247 : i32 to vector<16xi32>
          %parallel_loop3A_249 = arith.addi %parallel_loop3A_248, %iota3A : vector<16xi32>
          %parallel_loop3A_250 = arith.mulf %parallel_loop3A_198, %parallel_loop3A_185 : vector<16xf32>
          tpu.vector_store_idx %arg8[%parallel_loop3A_186, %parallel_loop3A_249], %parallel_loop3A_250 {add = true} : memref<320x256xf32, #tpu.memory_space<vmem>>[vector<16xi32>, vector<16xi32>], vector<16xf32>,
          %parallel_loop3A_251 = arith.constant 64 : i32
          %parallel_loop3A_252 = vector.broadcast %parallel_loop3A_251 : i32 to vector<16xi32>
          %parallel_loop3A_253 = arith.addi %parallel_loop3A_252, %iota3A : vector<16xi32>
          %parallel_loop3A_254 = arith.mulf %parallel_loop3A_201, %parallel_loop3A_185 : vector<16xf32>
          tpu.vector_store_idx %arg8[%parallel_loop3A_186, %parallel_loop3A_253], %parallel_loop3A_254 {add = true} : memref<320x256xf32, #tpu.memory_space<vmem>>[vector<16xi32>, vector<16xi32>], vector<16xf32>,
          %parallel_loop3A_255 = arith.constant 80 : i32
          %parallel_loop3A_256 = vector.broadcast %parallel_loop3A_255 : i32 to vector<16xi32>
          %parallel_loop3A_257 = arith.addi %parallel_loop3A_256, %iota3A : vector<16xi32>
          %parallel_loop3A_258 = arith.mulf %parallel_loop3A_204, %parallel_loop3A_185 : vector<16xf32>
          tpu.vector_store_idx %arg8[%parallel_loop3A_186, %parallel_loop3A_257], %parallel_loop3A_258 {add = true} : memref<320x256xf32, #tpu.memory_space<vmem>>[vector<16xi32>, vector<16xi32>], vector<16xf32>,
          %parallel_loop3A_259 = arith.constant 96 : i32
          %parallel_loop3A_260 = vector.broadcast %parallel_loop3A_259 : i32 to vector<16xi32>
          %parallel_loop3A_261 = arith.addi %parallel_loop3A_260, %iota3A : vector<16xi32>
          %parallel_loop3A_262 = arith.mulf %parallel_loop3A_207, %parallel_loop3A_185 : vector<16xf32>
          tpu.vector_store_idx %arg8[%parallel_loop3A_186, %parallel_loop3A_261], %parallel_loop3A_262 {add = true} : memref<320x256xf32, #tpu.memory_space<vmem>>[vector<16xi32>, vector<16xi32>], vector<16xf32>,
          %parallel_loop3A_263 = arith.constant 112 : i32
          %parallel_loop3A_264 = vector.broadcast %parallel_loop3A_263 : i32 to vector<16xi32>
          %parallel_loop3A_265 = arith.addi %parallel_loop3A_264, %iota3A : vector<16xi32>
          %parallel_loop3A_266 = arith.mulf %parallel_loop3A_210, %parallel_loop3A_185 : vector<16xf32>
          tpu.vector_store_idx %arg8[%parallel_loop3A_186, %parallel_loop3A_265], %parallel_loop3A_266 {add = true} : memref<320x256xf32, #tpu.memory_space<vmem>>[vector<16xi32>, vector<16xi32>], vector<16xf32>,
          %parallel_loop3A_267 = arith.constant 128 : i32
          %parallel_loop3A_268 = vector.broadcast %parallel_loop3A_267 : i32 to vector<16xi32>
          %parallel_loop3A_269 = arith.addi %parallel_loop3A_268, %iota3A : vector<16xi32>
          %parallel_loop3A_270 = arith.mulf %parallel_loop3A_213, %parallel_loop3A_185 : vector<16xf32>
          tpu.vector_store_idx %arg8[%parallel_loop3A_186, %parallel_loop3A_269], %parallel_loop3A_270 {add = true} : memref<320x256xf32, #tpu.memory_space<vmem>>[vector<16xi32>, vector<16xi32>], vector<16xf32>,
          %parallel_loop3A_271 = arith.constant 144 : i32
          %parallel_loop3A_272 = vector.broadcast %parallel_loop3A_271 : i32 to vector<16xi32>
          %parallel_loop3A_273 = arith.addi %parallel_loop3A_272, %iota3A : vector<16xi32>
          %parallel_loop3A_274 = arith.mulf %parallel_loop3A_216, %parallel_loop3A_185 : vector<16xf32>
          tpu.vector_store_idx %arg8[%parallel_loop3A_186, %parallel_loop3A_273], %parallel_loop3A_274 {add = true} : memref<320x256xf32, #tpu.memory_space<vmem>>[vector<16xi32>, vector<16xi32>], vector<16xf32>,
          %parallel_loop3A_275 = arith.constant 160 : i32
          %parallel_loop3A_276 = vector.broadcast %parallel_loop3A_275 : i32 to vector<16xi32>
          %parallel_loop3A_277 = arith.addi %parallel_loop3A_276, %iota3A : vector<16xi32>
          %parallel_loop3A_278 = arith.mulf %parallel_loop3A_219, %parallel_loop3A_185 : vector<16xf32>
          tpu.vector_store_idx %arg8[%parallel_loop3A_186, %parallel_loop3A_277], %parallel_loop3A_278 {add = true} : memref<320x256xf32, #tpu.memory_space<vmem>>[vector<16xi32>, vector<16xi32>], vector<16xf32>,
          %parallel_loop3A_279 = arith.constant 176 : i32
          %parallel_loop3A_280 = vector.broadcast %parallel_loop3A_279 : i32 to vector<16xi32>
          %parallel_loop3A_281 = arith.addi %parallel_loop3A_280, %iota3A : vector<16xi32>
          %parallel_loop3A_282 = arith.mulf %parallel_loop3A_222, %parallel_loop3A_185 : vector<16xf32>
          tpu.vector_store_idx %arg8[%parallel_loop3A_186, %parallel_loop3A_281], %parallel_loop3A_282 {add = true} : memref<320x256xf32, #tpu.memory_space<vmem>>[vector<16xi32>, vector<16xi32>], vector<16xf32>,
          %parallel_loop3A_283 = arith.constant 192 : i32
          %parallel_loop3A_284 = vector.broadcast %parallel_loop3A_283 : i32 to vector<16xi32>
          %parallel_loop3A_285 = arith.addi %parallel_loop3A_284, %iota3A : vector<16xi32>
          %parallel_loop3A_286 = arith.mulf %parallel_loop3A_225, %parallel_loop3A_185 : vector<16xf32>
          tpu.vector_store_idx %arg8[%parallel_loop3A_186, %parallel_loop3A_285], %parallel_loop3A_286 {add = true} : memref<320x256xf32, #tpu.memory_space<vmem>>[vector<16xi32>, vector<16xi32>], vector<16xf32>,
          %parallel_loop3A_287 = arith.constant 208 : i32
          %parallel_loop3A_288 = vector.broadcast %parallel_loop3A_287 : i32 to vector<16xi32>
          %parallel_loop3A_289 = arith.addi %parallel_loop3A_288, %iota3A : vector<16xi32>
          %parallel_loop3A_290 = arith.mulf %parallel_loop3A_228, %parallel_loop3A_185 : vector<16xf32>
          tpu.vector_store_idx %arg8[%parallel_loop3A_186, %parallel_loop3A_289], %parallel_loop3A_290 {add = true} : memref<320x256xf32, #tpu.memory_space<vmem>>[vector<16xi32>, vector<16xi32>], vector<16xf32>,
          %parallel_loop3A_291 = arith.constant 224 : i32
          %parallel_loop3A_292 = vector.broadcast %parallel_loop3A_291 : i32 to vector<16xi32>
          %parallel_loop3A_293 = arith.addi %parallel_loop3A_292, %iota3A : vector<16xi32>
          %parallel_loop3A_294 = arith.mulf %parallel_loop3A_231, %parallel_loop3A_185 : vector<16xf32>
          tpu.vector_store_idx %arg8[%parallel_loop3A_186, %parallel_loop3A_293], %parallel_loop3A_294 {add = true} : memref<320x256xf32, #tpu.memory_space<vmem>>[vector<16xi32>, vector<16xi32>], vector<16xf32>,
          %parallel_loop3A_295 = arith.constant 240 : i32
          %parallel_loop3A_296 = vector.broadcast %parallel_loop3A_295 : i32 to vector<16xi32>
          %parallel_loop3A_297 = arith.addi %parallel_loop3A_296, %iota3A : vector<16xi32>
          %parallel_loop3A_298 = arith.mulf %parallel_loop3A_234, %parallel_loop3A_185 : vector<16xf32>
          tpu.vector_store_idx %arg8[%parallel_loop3A_186, %parallel_loop3A_297], %parallel_loop3A_298 {add = true} : memref<320x256xf32, #tpu.memory_space<vmem>>[vector<16xi32>, vector<16xi32>], vector<16xf32>,
        } {sc.loop_unroll_factor = 2 : i64, sc.parallel_access}
        %mul3A_162 = arith.constant 3 : i32
        %mul3A_163 = arith.muli %scan3A_126, %mul3A_162 : i32
        %add3A_164 = arith.constant 2 : i32
        %add3A_165 = arith.addi %mul3A_163, %add3A_164 : i32
        %dma_wait3A_166 = arith.constant 0 : i32
        %dma_wait3A_167 = tpu.memref_slice %arg9[%add3A_165, %dma_wait3A_166] : memref<48x32xi32, #tpu.memory_space<vmem>> -> memref<1x32xi32, #tpu.memory_space<vmem>>
        %dma_wait3A_168 = tpu.memref_squeeze %dma_wait3A_167 : memref<1x32xi32, #tpu.memory_space<vmem>> -> memref<32xi32, #tpu.memory_space<vmem>>
        %dma_wait3A_169 = arith.constant 0 : i32
        %dma_wait3A_170 = arith.constant 0 : i32
        %dma_wait3A_171 = tpu.memref_slice %arg2[%dma_wait3A_169, %dma_wait3A_170] : memref<10000x256xf32, #tpu.memory_space<hbm>> -> memref<10000x256xf32, #tpu.memory_space<hbm>>
        tpu.wait_indirect_dma semaphore(%arg18 : memref<!tpu.dma_semaphore, #tpu.memory_space<semaphore_mem>>) src(%dma_wait3A_171 : memref<10000x256xf32, #tpu.memory_space<hbm>>) dst(%arg14 : memref<32x256xf32, #tpu.memory_space<vmem>>)
        %add3A_172 = arith.constant 2 : i32
        %add3A_173 = arith.addi %add3A_165, %add3A_172 : i32
        %lt3A_174 = arith.constant 48 : i32
        %lt3A_175 = arith.cmpi slt, %add3A_173, %lt3A_174 : i32
        %convert_element_type3A_176 = arith.extui %lt3A_175 : i1 to i32
        %cond3A_177 = arith.constant 0 : i32
        %cond3A_178 = arith.cmpi ne, %convert_element_type3A_176, %cond3A_177 : i32
        scf.if %cond3A_178 {
          %add3A_182 = arith.constant 2 : i32
          %add3A_183 = arith.addi %add3A_165, %add3A_182 : i32
          %dma_start3A_184 = arith.constant 0 : i32
          %dma_start3A_185 = tpu.memref_slice %arg9[%add3A_183, %dma_start3A_184] : memref<48x32xi32, #tpu.memory_space<vmem>> -> memref<1x32xi32, #tpu.memory_space<vmem>>
          %dma_start3A_186 = tpu.memref_squeeze %dma_start3A_185 : memref<1x32xi32, #tpu.memory_space<vmem>> -> memref<32xi32, #tpu.memory_space<vmem>>
          %dma_start3A_187 = arith.constant 0 : i32
          %dma_start3A_188 = arith.constant 0 : i32
          %dma_start3A_189 = tpu.memref_slice %arg2[%dma_start3A_187, %dma_start3A_188] : memref<10000x256xf32, #tpu.memory_space<hbm>> -> memref<10000x256xf32, #tpu.memory_space<hbm>>
          tpu.enqueue_indirect_dma source(%dma_start3A_189 : memref<10000x256xf32, #tpu.memory_space<hbm>>) target(%arg13 : memref<32x256xf32, #tpu.memory_space<vmem>>) offsets(%dma_start3A_186 : memref<32xi32, #tpu.memory_space<vmem>>) semaphore(%arg17 : memref<!tpu.dma_semaphore, #tpu.memory_space<semaphore_mem>>)
        } else {
        }
        %parallel_loop3A_179 = arith.constant 0 : i32
        %parallel_loop3A_180 = arith.constant 32 : i32
        %parallel_loop3A_181 = arith.constant 1 : i32
        scf.for %parallel_loop3A_182 = %parallel_loop3A_179 to %parallel_loop3A_180 step %parallel_loop3A_181  : i32 {
          %parallel_loop3A_183 = vector.broadcast %add3A_165 : i32 to vector<16xi32>
          %parallel_loop3A_184 = vector.broadcast %parallel_loop3A_182 : i32 to vector<16xi32>
          %parallel_loop3A_185 = tpu.vector_load_idx %arg11[%parallel_loop3A_183, %parallel_loop3A_184] : memref<48x32xf32, #tpu.memory_space<vmem>>[vector<16xi32>, vector<16xi32>], vector<16xf32>,
          %parallel_loop3A_186 = tpu.vector_load_idx %arg10[%parallel_loop3A_183, %parallel_loop3A_184] : memref<48x32xi32, #tpu.memory_space<vmem>>[vector<16xi32>, vector<16xi32>], vector<16xi32>,
          %parallel_loop3A_187 = arith.index_cast %parallel_loop3A_182 : i32 to index
          %parallel_loop3A_188 = arith.constant 0 : index
          %parallel_loop3A_189 = tpu.vector_load %arg14[%parallel_loop3A_187, %parallel_loop3A_188] {strides = array<i32>} : memref<32x256xf32, #tpu.memory_space<vmem>>, vector<16xf32>,
          %parallel_loop3A_190 = arith.index_cast %parallel_loop3A_182 : i32 to index
          %parallel_loop3A_191 = arith.constant 16 : index
          %parallel_loop3A_192 = tpu.vector_load %arg14[%parallel_loop3A_190, %parallel_loop3A_191] {strides = array<i32>} : memref<32x256xf32, #tpu.memory_space<vmem>>, vector<16xf32>,
          %parallel_loop3A_193 = arith.index_cast %parallel_loop3A_182 : i32 to index
          %parallel_loop3A_194 = arith.constant 32 : index
          %parallel_loop3A_195 = tpu.vector_load %arg14[%parallel_loop3A_193, %parallel_loop3A_194] {strides = array<i32>} : memref<32x256xf32, #tpu.memory_space<vmem>>, vector<16xf32>,
          %parallel_loop3A_196 = arith.index_cast %parallel_loop3A_182 : i32 to index
          %parallel_loop3A_197 = arith.constant 48 : index
          %parallel_loop3A_198 = tpu.vector_load %arg14[%parallel_loop3A_196, %parallel_loop3A_197] {strides = array<i32>} : memref<32x256xf32, #tpu.memory_space<vmem>>, vector<16xf32>,
          %parallel_loop3A_199 = arith.index_cast %parallel_loop3A_182 : i32 to index
          %parallel_loop3A_200 = arith.constant 64 : index
          %parallel_loop3A_201 = tpu.vector_load %arg14[%parallel_loop3A_199, %parallel_loop3A_200] {strides = array<i32>} : memref<32x256xf32, #tpu.memory_space<vmem>>, vector<16xf32>,
          %parallel_loop3A_202 = arith.index_cast %parallel_loop3A_182 : i32 to index
          %parallel_loop3A_203 = arith.constant 80 : index
          %parallel_loop3A_204 = tpu.vector_load %arg14[%parallel_loop3A_202, %parallel_loop3A_203] {strides = array<i32>} : memref<32x256xf32, #tpu.memory_space<vmem>>, vector<16xf32>,
          %parallel_loop3A_205 = arith.index_cast %parallel_loop3A_182 : i32 to index
          %parallel_loop3A_206 = arith.constant 96 : index
          %parallel_loop3A_207 = tpu.vector_load %arg14[%parallel_loop3A_205, %parallel_loop3A_206] {strides = array<i32>} : memref<32x256xf32, #tpu.memory_space<vmem>>, vector<16xf32>,
          %parallel_loop3A_208 = arith.index_cast %parallel_loop3A_182 : i32 to index
          %parallel_loop3A_209 = arith.constant 112 : index
          %parallel_loop3A_210 = tpu.vector_load %arg14[%parallel_loop3A_208, %parallel_loop3A_209] {strides = array<i32>} : memref<32x256xf32, #tpu.memory_space<vmem>>, vector<16xf32>,
          %parallel_loop3A_211 = arith.index_cast %parallel_loop3A_182 : i32 to index
          %parallel_loop3A_212 = arith.constant 128 : index
          %parallel_loop3A_213 = tpu.vector_load %arg14[%parallel_loop3A_211, %parallel_loop3A_212] {strides = array<i32>} : memref<32x256xf32, #tpu.memory_space<vmem>>, vector<16xf32>,
          %parallel_loop3A_214 = arith.index_cast %parallel_loop3A_182 : i32 to index
          %parallel_loop3A_215 = arith.constant 144 : index
          %parallel_loop3A_216 = tpu.vector_load %arg14[%parallel_loop3A_214, %parallel_loop3A_215] {strides = array<i32>} : memref<32x256xf32, #tpu.memory_space<vmem>>, vector<16xf32>,
          %parallel_loop3A_217 = arith.index_cast %parallel_loop3A_182 : i32 to index
          %parallel_loop3A_218 = arith.constant 160 : index
          %parallel_loop3A_219 = tpu.vector_load %arg14[%parallel_loop3A_217, %parallel_loop3A_218] {strides = array<i32>} : memref<32x256xf32, #tpu.memory_space<vmem>>, vector<16xf32>,
          %parallel_loop3A_220 = arith.index_cast %parallel_loop3A_182 : i32 to index
          %parallel_loop3A_221 = arith.constant 176 : index
          %parallel_loop3A_222 = tpu.vector_load %arg14[%parallel_loop3A_220, %parallel_loop3A_221] {strides = array<i32>} : memref<32x256xf32, #tpu.memory_space<vmem>>, vector<16xf32>,
          %parallel_loop3A_223 = arith.index_cast %parallel_loop3A_182 : i32 to index
          %parallel_loop3A_224 = arith.constant 192 : index
          %parallel_loop3A_225 = tpu.vector_load %arg14[%parallel_loop3A_223, %parallel_loop3A_224] {strides = array<i32>} : memref<32x256xf32, #tpu.memory_space<vmem>>, vector<16xf32>,
          %parallel_loop3A_226 = arith.index_cast %parallel_loop3A_182 : i32 to index
          %parallel_loop3A_227 = arith.constant 208 : index
          %parallel_loop3A_228 = tpu.vector_load %arg14[%parallel_loop3A_226, %parallel_loop3A_227] {strides = array<i32>} : memref<32x256xf32, #tpu.memory_space<vmem>>, vector<16xf32>,
          %parallel_loop3A_229 = arith.index_cast %parallel_loop3A_182 : i32 to index
          %parallel_loop3A_230 = arith.constant 224 : index
          %parallel_loop3A_231 = tpu.vector_load %arg14[%parallel_loop3A_229, %parallel_loop3A_230] {strides = array<i32>} : memref<32x256xf32, #tpu.memory_space<vmem>>, vector<16xf32>,
          %parallel_loop3A_232 = arith.index_cast %parallel_loop3A_182 : i32 to index
          %parallel_loop3A_233 = arith.constant 240 : index
          %parallel_loop3A_234 = tpu.vector_load %arg14[%parallel_loop3A_232, %parallel_loop3A_233] {strides = array<i32>} : memref<32x256xf32, #tpu.memory_space<vmem>>, vector<16xf32>,
          %parallel_loop3A_235 = arith.constant 0 : i32
          %parallel_loop3A_236 = vector.broadcast %parallel_loop3A_235 : i32 to vector<16xi32>
          %parallel_loop3A_237 = arith.addi %parallel_loop3A_236, %iota3A : vector<16xi32>
          %parallel_loop3A_238 = arith.mulf %parallel_loop3A_189, %parallel_loop3A_185 : vector<16xf32>
          tpu.vector_store_idx %arg8[%parallel_loop3A_186, %parallel_loop3A_237], %parallel_loop3A_238 {add = true} : memref<320x256xf32, #tpu.memory_space<vmem>>[vector<16xi32>, vector<16xi32>], vector<16xf32>,
          %parallel_loop3A_239 = arith.constant 16 : i32
          %parallel_loop3A_240 = vector.broadcast %parallel_loop3A_239 : i32 to vector<16xi32>
          %parallel_loop3A_241 = arith.addi %parallel_loop3A_240, %iota3A : vector<16xi32>
          %parallel_loop3A_242 = arith.mulf %parallel_loop3A_192, %parallel_loop3A_185 : vector<16xf32>
          tpu.vector_store_idx %arg8[%parallel_loop3A_186, %parallel_loop3A_241], %parallel_loop3A_242 {add = true} : memref<320x256xf32, #tpu.memory_space<vmem>>[vector<16xi32>, vector<16xi32>], vector<16xf32>,
          %parallel_loop3A_243 = arith.constant 32 : i32
          %parallel_loop3A_244 = vector.broadcast %parallel_loop3A_243 : i32 to vector<16xi32>
          %parallel_loop3A_245 = arith.addi %parallel_loop3A_244, %iota3A : vector<16xi32>
          %parallel_loop3A_246 = arith.mulf %parallel_loop3A_195, %parallel_loop3A_185 : vector<16xf32>
          tpu.vector_store_idx %arg8[%parallel_loop3A_186, %parallel_loop3A_245], %parallel_loop3A_246 {add = true} : memref<320x256xf32, #tpu.memory_space<vmem>>[vector<16xi32>, vector<16xi32>], vector<16xf32>,
          %parallel_loop3A_247 = arith.constant 48 : i32
          %parallel_loop3A_248 = vector.broadcast %parallel_loop3A_247 : i32 to vector<16xi32>
          %parallel_loop3A_249 = arith.addi %parallel_loop3A_248, %iota3A : vector<16xi32>
          %parallel_loop3A_250 = arith.mulf %parallel_loop3A_198, %parallel_loop3A_185 : vector<16xf32>
          tpu.vector_store_idx %arg8[%parallel_loop3A_186, %parallel_loop3A_249], %parallel_loop3A_250 {add = true} : memref<320x256xf32, #tpu.memory_space<vmem>>[vector<16xi32>, vector<16xi32>], vector<16xf32>,
          %parallel_loop3A_251 = arith.constant 64 : i32
          %parallel_loop3A_252 = vector.broadcast %parallel_loop3A_251 : i32 to vector<16xi32>
          %parallel_loop3A_253 = arith.addi %parallel_loop3A_252, %iota3A : vector<16xi32>
          %parallel_loop3A_254 = arith.mulf %parallel_loop3A_201, %parallel_loop3A_185 : vector<16xf32>
          tpu.vector_store_idx %arg8[%parallel_loop3A_186, %parallel_loop3A_253], %parallel_loop3A_254 {add = true} : memref<320x256xf32, #tpu.memory_space<vmem>>[vector<16xi32>, vector<16xi32>], vector<16xf32>,
          %parallel_loop3A_255 = arith.constant 80 : i32
          %parallel_loop3A_256 = vector.broadcast %parallel_loop3A_255 : i32 to vector<16xi32>
          %parallel_loop3A_257 = arith.addi %parallel_loop3A_256, %iota3A : vector<16xi32>
          %parallel_loop3A_258 = arith.mulf %parallel_loop3A_204, %parallel_loop3A_185 : vector<16xf32>
          tpu.vector_store_idx %arg8[%parallel_loop3A_186, %parallel_loop3A_257], %parallel_loop3A_258 {add = true} : memref<320x256xf32, #tpu.memory_space<vmem>>[vector<16xi32>, vector<16xi32>], vector<16xf32>,
          %parallel_loop3A_259 = arith.constant 96 : i32
          %parallel_loop3A_260 = vector.broadcast %parallel_loop3A_259 : i32 to vector<16xi32>
          %parallel_loop3A_261 = arith.addi %parallel_loop3A_260, %iota3A : vector<16xi32>
          %parallel_loop3A_262 = arith.mulf %parallel_loop3A_207, %parallel_loop3A_185 : vector<16xf32>
          tpu.vector_store_idx %arg8[%parallel_loop3A_186, %parallel_loop3A_261], %parallel_loop3A_262 {add = true} : memref<320x256xf32, #tpu.memory_space<vmem>>[vector<16xi32>, vector<16xi32>], vector<16xf32>,
          %parallel_loop3A_263 = arith.constant 112 : i32
          %parallel_loop3A_264 = vector.broadcast %parallel_loop3A_263 : i32 to vector<16xi32>
          %parallel_loop3A_265 = arith.addi %parallel_loop3A_264, %iota3A : vector<16xi32>
          %parallel_loop3A_266 = arith.mulf %parallel_loop3A_210, %parallel_loop3A_185 : vector<16xf32>
          tpu.vector_store_idx %arg8[%parallel_loop3A_186, %parallel_loop3A_265], %parallel_loop3A_266 {add = true} : memref<320x256xf32, #tpu.memory_space<vmem>>[vector<16xi32>, vector<16xi32>], vector<16xf32>,
          %parallel_loop3A_267 = arith.constant 128 : i32
          %parallel_loop3A_268 = vector.broadcast %parallel_loop3A_267 : i32 to vector<16xi32>
          %parallel_loop3A_269 = arith.addi %parallel_loop3A_268, %iota3A : vector<16xi32>
          %parallel_loop3A_270 = arith.mulf %parallel_loop3A_213, %parallel_loop3A_185 : vector<16xf32>
          tpu.vector_store_idx %arg8[%parallel_loop3A_186, %parallel_loop3A_269], %parallel_loop3A_270 {add = true} : memref<320x256xf32, #tpu.memory_space<vmem>>[vector<16xi32>, vector<16xi32>], vector<16xf32>,
          %parallel_loop3A_271 = arith.constant 144 : i32
          %parallel_loop3A_272 = vector.broadcast %parallel_loop3A_271 : i32 to vector<16xi32>
          %parallel_loop3A_273 = arith.addi %parallel_loop3A_272, %iota3A : vector<16xi32>
          %parallel_loop3A_274 = arith.mulf %parallel_loop3A_216, %parallel_loop3A_185 : vector<16xf32>
          tpu.vector_store_idx %arg8[%parallel_loop3A_186, %parallel_loop3A_273], %parallel_loop3A_274 {add = true} : memref<320x256xf32, #tpu.memory_space<vmem>>[vector<16xi32>, vector<16xi32>], vector<16xf32>,
          %parallel_loop3A_275 = arith.constant 160 : i32
          %parallel_loop3A_276 = vector.broadcast %parallel_loop3A_275 : i32 to vector<16xi32>
          %parallel_loop3A_277 = arith.addi %parallel_loop3A_276, %iota3A : vector<16xi32>
          %parallel_loop3A_278 = arith.mulf %parallel_loop3A_219, %parallel_loop3A_185 : vector<16xf32>
          tpu.vector_store_idx %arg8[%parallel_loop3A_186, %parallel_loop3A_277], %parallel_loop3A_278 {add = true} : memref<320x256xf32, #tpu.memory_space<vmem>>[vector<16xi32>, vector<16xi32>], vector<16xf32>,
          %parallel_loop3A_279 = arith.constant 176 : i32
          %parallel_loop3A_280 = vector.broadcast %parallel_loop3A_279 : i32 to vector<16xi32>
          %parallel_loop3A_281 = arith.addi %parallel_loop3A_280, %iota3A : vector<16xi32>
          %parallel_loop3A_282 = arith.mulf %parallel_loop3A_222, %parallel_loop3A_185 : vector<16xf32>
          tpu.vector_store_idx %arg8[%parallel_loop3A_186, %parallel_loop3A_281], %parallel_loop3A_282 {add = true} : memref<320x256xf32, #tpu.memory_space<vmem>>[vector<16xi32>, vector<16xi32>], vector<16xf32>,
          %parallel_loop3A_283 = arith.constant 192 : i32
          %parallel_loop3A_284 = vector.broadcast %parallel_loop3A_283 : i32 to vector<16xi32>
          %parallel_loop3A_285 = arith.addi %parallel_loop3A_284, %iota3A : vector<16xi32>
          %parallel_loop3A_286 = arith.mulf %parallel_loop3A_225, %parallel_loop3A_185 : vector<16xf32>
          tpu.vector_store_idx %arg8[%parallel_loop3A_186, %parallel_loop3A_285], %parallel_loop3A_286 {add = true} : memref<320x256xf32, #tpu.memory_space<vmem>>[vector<16xi32>, vector<16xi32>], vector<16xf32>,
          %parallel_loop3A_287 = arith.constant 208 : i32
          %parallel_loop3A_288 = vector.broadcast %parallel_loop3A_287 : i32 to vector<16xi32>
          %parallel_loop3A_289 = arith.addi %parallel_loop3A_288, %iota3A : vector<16xi32>
          %parallel_loop3A_290 = arith.mulf %parallel_loop3A_228, %parallel_loop3A_185 : vector<16xf32>
          tpu.vector_store_idx %arg8[%parallel_loop3A_186, %parallel_loop3A_289], %parallel_loop3A_290 {add = true} : memref<320x256xf32, #tpu.memory_space<vmem>>[vector<16xi32>, vector<16xi32>], vector<16xf32>,
          %parallel_loop3A_291 = arith.constant 224 : i32
          %parallel_loop3A_292 = vector.broadcast %parallel_loop3A_291 : i32 to vector<16xi32>
          %parallel_loop3A_293 = arith.addi %parallel_loop3A_292, %iota3A : vector<16xi32>
          %parallel_loop3A_294 = arith.mulf %parallel_loop3A_231, %parallel_loop3A_185 : vector<16xf32>
          tpu.vector_store_idx %arg8[%parallel_loop3A_186, %parallel_loop3A_293], %parallel_loop3A_294 {add = true} : memref<320x256xf32, #tpu.memory_space<vmem>>[vector<16xi32>, vector<16xi32>], vector<16xf32>,
          %parallel_loop3A_295 = arith.constant 240 : i32
          %parallel_loop3A_296 = vector.broadcast %parallel_loop3A_295 : i32 to vector<16xi32>
          %parallel_loop3A_297 = arith.addi %parallel_loop3A_296, %iota3A : vector<16xi32>
          %parallel_loop3A_298 = arith.mulf %parallel_loop3A_234, %parallel_loop3A_185 : vector<16xf32>
          tpu.vector_store_idx %arg8[%parallel_loop3A_186, %parallel_loop3A_297], %parallel_loop3A_298 {add = true} : memref<320x256xf32, #tpu.memory_space<vmem>>[vector<16xi32>, vector<16xi32>], vector<16xf32>,
        } {sc.loop_unroll_factor = 2 : i64, sc.parallel_access}
      }
      %scan3A_125 = arith.constant 16 : i32
    }
    %while3A_96 = arith.constant 1 : i32
    scf.for %while3A_97 = %while3A_94 to %while3A_90 step %while3A_96  : i32 {
      %mul3A_98 = arith.constant 48 : i32
      %mul3A_99 = arith.muli %while3A_97, %mul3A_98 : i32
      %add3A_100 = arith.addi %mul3A_55, %mul3A_99 : i32
      "tpu.region"() ({
        %run_scoped3A = tpu.sem_alloc : memref<!tpu.dma_semaphore, #tpu.memory_space<semaphore_mem>>
        %dma_start3A_126 = arith.constant 0 : i32
        %dma_start3A_127 = tpu.memref_slice %arg5[%add3A_100, %dma_start3A_126] : memref<5096x32xi32, #tpu.memory_space<hbm>> -> memref<48x32xi32, #tpu.memory_space<hbm>>
        %dma_start3A_128 = arith.constant 0 : i32
        %dma_start3A_129 = tpu.memref_slice %arg5[%add3A_100, %dma_start3A_128] : memref<5096x32xi32, #tpu.memory_space<hbm>> -> memref<48x32xi32, #tpu.memory_space<hbm>>
        tpu.enqueue_dma source(%dma_start3A_129 : memref<48x32xi32, #tpu.memory_space<hbm>>) target(%arg9 : memref<48x32xi32, #tpu.memory_space<vmem>>) target_semaphore(%run_scoped3A : memref<!tpu.dma_semaphore, #tpu.memory_space<semaphore_mem>>)
        %dma_wait3A = arith.constant 0 : i32
        %dma_wait3A_130 = tpu.memref_slice %arg5[%add3A_100, %dma_wait3A] : memref<5096x32xi32, #tpu.memory_space<hbm>> -> memref<48x32xi32, #tpu.memory_space<hbm>>
        %dma_wait3A_131 = arith.constant 0 : i32
        %dma_wait3A_132 = tpu.memref_slice %arg5[%add3A_100, %dma_wait3A_131] : memref<5096x32xi32, #tpu.memory_space<hbm>> -> memref<48x32xi32, #tpu.memory_space<hbm>>
        tpu.wait_dma2 semaphore(%run_scoped3A : memref<!tpu.dma_semaphore, #tpu.memory_space<semaphore_mem>>) src(%dma_wait3A_132 : memref<48x32xi32, #tpu.memory_space<hbm>>) dst(%arg9 : memref<48x32xi32, #tpu.memory_space<vmem>>)
        tpu.yield
      }) : () -> ()
      "tpu.region"() ({
        %run_scoped3A = tpu.sem_alloc : memref<!tpu.dma_semaphore, #tpu.memory_space<semaphore_mem>>
        %dma_start3A_126 = arith.constant 0 : i32
        %dma_start3A_127 = tpu.memref_slice %arg4[%add3A_100, %dma_start3A_126] : memref<5096x32xi32, #tpu.memory_space<hbm>> -> memref<48x32xi32, #tpu.memory_space<hbm>>
        %dma_start3A_128 = arith.constant 0 : i32
        %dma_start3A_129 = tpu.memref_slice %arg4[%add3A_100, %dma_start3A_128] : memref<5096x32xi32, #tpu.memory_space<hbm>> -> memref<48x32xi32, #tpu.memory_space<hbm>>
        tpu.enqueue_dma source(%dma_start3A_129 : memref<48x32xi32, #tpu.memory_space<hbm>>) target(%arg10 : memref<48x32xi32, #tpu.memory_space<vmem>>) target_semaphore(%run_scoped3A : memref<!tpu.dma_semaphore, #tpu.memory_space<semaphore_mem>>)
        %dma_wait3A = arith.constant 0 : i32
        %dma_wait3A_130 = tpu.memref_slice %arg4[%add3A_100, %dma_wait3A] : memref<5096x32xi32, #tpu.memory_space<hbm>> -> memref<48x32xi32, #tpu.memory_space<hbm>>
        %dma_wait3A_131 = arith.constant 0 : i32
        %dma_wait3A_132 = tpu.memref_slice %arg4[%add3A_100, %dma_wait3A_131] : memref<5096x32xi32, #tpu.memory_space<hbm>> -> memref<48x32xi32, #tpu.memory_space<hbm>>
        tpu.wait_dma2 semaphore(%run_scoped3A : memref<!tpu.dma_semaphore, #tpu.memory_space<semaphore_mem>>) src(%dma_wait3A_132 : memref<48x32xi32, #tpu.memory_space<hbm>>) dst(%arg10 : memref<48x32xi32, #tpu.memory_space<vmem>>)
        tpu.yield
      }) : () -> ()
      "tpu.region"() ({
        %run_scoped3A = tpu.sem_alloc : memref<!tpu.dma_semaphore, #tpu.memory_space<semaphore_mem>>
        %dma_start3A_126 = arith.constant 0 : i32
        %dma_start3A_127 = tpu.memref_slice %arg3[%add3A_100, %dma_start3A_126] : memref<5096x32xf32, #tpu.memory_space<hbm>> -> memref<48x32xf32, #tpu.memory_space<hbm>>
        %dma_start3A_128 = arith.constant 0 : i32
        %dma_start3A_129 = tpu.memref_slice %arg3[%add3A_100, %dma_start3A_128] : memref<5096x32xf32, #tpu.memory_space<hbm>> -> memref<48x32xf32, #tpu.memory_space<hbm>>
        tpu.enqueue_dma source(%dma_start3A_129 : memref<48x32xf32, #tpu.memory_space<hbm>>) target(%arg11 : memref<48x32xf32, #tpu.memory_space<vmem>>) target_semaphore(%run_scoped3A : memref<!tpu.dma_semaphore, #tpu.memory_space<semaphore_mem>>)
        %dma_wait3A = arith.constant 0 : i32
        %dma_wait3A_130 = tpu.memref_slice %arg3[%add3A_100, %dma_wait3A] : memref<5096x32xf32, #tpu.memory_space<hbm>> -> memref<48x32xf32, #tpu.memory_space<hbm>>
        %dma_wait3A_131 = arith.constant 0 : i32
        %dma_wait3A_132 = tpu.memref_slice %arg3[%add3A_100, %dma_wait3A_131] : memref<5096x32xf32, #tpu.memory_space<hbm>> -> memref<48x32xf32, #tpu.memory_space<hbm>>
        tpu.wait_dma2 semaphore(%run_scoped3A : memref<!tpu.dma_semaphore, #tpu.memory_space<semaphore_mem>>) src(%dma_wait3A_132 : memref<48x32xf32, #tpu.memory_space<hbm>>) dst(%arg11 : memref<48x32xf32, #tpu.memory_space<vmem>>)
        tpu.yield
      }) : () -> ()
      %scan3A_101 = arith.constant 0 : i32
      %scan3A_102 = arith.constant 0 : i32
      %scan3A_103 = arith.constant 48 : i32
      %scan3A_104 = arith.addi %scan3A_102, %scan3A_103 : i32
      %scan3A_105 = arith.constant 1 : i32
      scf.for %scan3A_126 = %scan3A_102 to %scan3A_104 step %scan3A_105  : i32 {
        %add3A_127 = arith.addi %add3A_100, %scan3A_126 : i32
        %mul3A_128 = arith.constant 32 : i32
        %mul3A_129 = arith.muli %add3A_127, %mul3A_128 : i32
        %add3A_130 = arith.constant 0 : i32
        %add3A_131 = arith.addi %mul3A_129, %add3A_130 : i32
        %iota3A_132 = tpu.iota {dimensions = array<i32: 0>} : vector<16xi32>
        %add3A_133 = vector.broadcast %add3A_131 : i32 to vector<16xi32>
        %add3A_134 = arith.addi %add3A_133, %iota3A_132 : vector<16xi32>
        %get3A = arith.index_cast %scan3A_126 : i32 to index
        %get3A_135 = arith.constant 0 : index
        %get3A_136 = tpu.vector_load %arg11[%get3A, %get3A_135] {strides = array<i32>} : memref<48x32xf32, #tpu.memory_space<vmem>>, vector<16xf32>,
        %ge3A = vector.broadcast %squeeze3A : i32 to vector<16xi32>
        %ge3A_137 = arith.cmpi sge, %add3A_134, %ge3A : vector<16xi32>
        %lt3A = vector.broadcast %squeeze3A_8 : i32 to vector<16xi32>
        %lt3A_138 = arith.cmpi slt, %add3A_134, %lt3A : vector<16xi32>
        %and3A_139 = arith.andi %ge3A_137, %lt3A_138 : vector<16xi1>
        %jit3A_140 = arith.constant 0.000000e+00 : f32
        %broadcast_in_dim3A_141 = vector.broadcast %jit3A_140 : f32 to vector<16xf32>
        %select_n3A_142 = arith.select %and3A_139, %get3A_136, %broadcast_in_dim3A_141 : vector<16xi1>, vector<16xf32>
        %swap3A = arith.index_cast %scan3A_126 : i32 to index
        %swap3A_143 = arith.constant 0 : index
        %swap3A_144 = tpu.vector_load %arg11[%swap3A, %swap3A_143] {strides = array<i32>} : memref<48x32xf32, #tpu.memory_space<vmem>>, vector<16xf32>,
        tpu.vector_store %arg11[%swap3A, %swap3A_143], %select_n3A_142 {strides = array<i32>} : memref<48x32xf32, #tpu.memory_space<vmem>>, vector<16xf32>,
        %add3A_145 = arith.constant 16 : i32
        %add3A_146 = arith.addi %mul3A_129, %add3A_145 : i32
        %iota3A_147 = tpu.iota {dimensions = array<i32: 0>} : vector<16xi32>
        %add3A_148 = vector.broadcast %add3A_146 : i32 to vector<16xi32>
        %add3A_149 = arith.addi %add3A_148, %iota3A_147 : vector<16xi32>
        %get3A_150 = arith.index_cast %scan3A_126 : i32 to index
        %get3A_151 = arith.constant 16 : index
        %get3A_152 = tpu.vector_load %arg11[%get3A_150, %get3A_151] {strides = array<i32>} : memref<48x32xf32, #tpu.memory_space<vmem>>, vector<16xf32>,
        %ge3A_153 = vector.broadcast %squeeze3A : i32 to vector<16xi32>
        %ge3A_154 = arith.cmpi sge, %add3A_149, %ge3A_153 : vector<16xi32>
        %lt3A_155 = vector.broadcast %squeeze3A_8 : i32 to vector<16xi32>
        %lt3A_156 = arith.cmpi slt, %add3A_149, %lt3A_155 : vector<16xi32>
        %and3A_157 = arith.andi %ge3A_154, %lt3A_156 : vector<16xi1>
        %jit3A_158 = arith.constant 0.000000e+00 : f32
        %broadcast_in_dim3A_159 = vector.broadcast %jit3A_158 : f32 to vector<16xf32>
        %select_n3A_160 = arith.select %and3A_157, %get3A_152, %broadcast_in_dim3A_159 : vector<16xi1>, vector<16xf32>
        %swap3A_161 = arith.index_cast %scan3A_126 : i32 to index
        %swap3A_162 = arith.constant 16 : index
        %swap3A_163 = tpu.vector_load %arg11[%swap3A_161, %swap3A_162] {strides = array<i32>} : memref<48x32xf32, #tpu.memory_space<vmem>>, vector<16xf32>,
        tpu.vector_store %arg11[%swap3A_161, %swap3A_162], %select_n3A_160 {strides = array<i32>} : memref<48x32xf32, #tpu.memory_space<vmem>>, vector<16xf32>,
      }
      %scan3A_106 = arith.constant 48 : i32
      %iota3A = tpu.iota {dimensions = array<i32: 0>} : vector<16xi32>
      %dma_start3A = arith.constant 0 : i32
      %dma_start3A_107 = arith.constant 0 : i32
      %dma_start3A_108 = tpu.memref_slice %arg9[%dma_start3A, %dma_start3A_107] : memref<48x32xi32, #tpu.memory_space<vmem>> -> memref<1x32xi32, #tpu.memory_space<vmem>>
      %dma_start3A_109 = tpu.memref_squeeze %dma_start3A_108 : memref<1x32xi32, #tpu.memory_space<vmem>> -> memref<32xi32, #tpu.memory_space<vmem>>
      %dma_start3A_110 = arith.constant 0 : i32
      %dma_start3A_111 = arith.constant 0 : i32
      %dma_start3A_112 = tpu.memref_slice %arg2[%dma_start3A_110, %dma_start3A_111] : memref<10000x256xf32, #tpu.memory_space<hbm>> -> memref<10000x256xf32, #tpu.memory_space<hbm>>
      tpu.enqueue_indirect_dma source(%dma_start3A_112 : memref<10000x256xf32, #tpu.memory_space<hbm>>) target(%arg12 : memref<32x256xf32, #tpu.memory_space<vmem>>) offsets(%dma_start3A_109 : memref<32xi32, #tpu.memory_space<vmem>>) semaphore(%arg16 : memref<!tpu.dma_semaphore, #tpu.memory_space<semaphore_mem>>)
      %dma_start3A_113 = arith.constant 1 : i32
      %dma_start3A_114 = arith.constant 0 : i32
      %dma_start3A_115 = tpu.memref_slice %arg9[%dma_start3A_113, %dma_start3A_114] : memref<48x32xi32, #tpu.memory_space<vmem>> -> memref<1x32xi32, #tpu.memory_space<vmem>>
      %dma_start3A_116 = tpu.memref_squeeze %dma_start3A_115 : memref<1x32xi32, #tpu.memory_space<vmem>> -> memref<32xi32, #tpu.memory_space<vmem>>
      %dma_start3A_117 = arith.constant 0 : i32
      %dma_start3A_118 = arith.constant 0 : i32
      %dma_start3A_119 = tpu.memref_slice %arg2[%dma_start3A_117, %dma_start3A_118] : memref<10000x256xf32, #tpu.memory_space<hbm>> -> memref<10000x256xf32, #tpu.memory_space<hbm>>
      tpu.enqueue_indirect_dma source(%dma_start3A_119 : memref<10000x256xf32, #tpu.memory_space<hbm>>) target(%arg13 : memref<32x256xf32, #tpu.memory_space<vmem>>) offsets(%dma_start3A_116 : memref<32xi32, #tpu.memory_space<vmem>>) semaphore(%arg17 : memref<!tpu.dma_semaphore, #tpu.memory_space<semaphore_mem>>)
      %scan3A_120 = arith.constant 0 : i32
      %scan3A_121 = arith.constant 0 : i32
      %scan3A_122 = arith.constant 16 : i32
      %scan3A_123 = arith.addi %scan3A_121, %scan3A_122 : i32
      %scan3A_124 = arith.constant 1 : i32
      scf.for %scan3A_126 = %scan3A_121 to %scan3A_123 step %scan3A_124  : i32 {
        %mul3A_127 = arith.constant 3 : i32
        %mul3A_128 = arith.muli %scan3A_126, %mul3A_127 : i32
        %add3A_129 = arith.constant 0 : i32
        %add3A_130 = arith.addi %mul3A_128, %add3A_129 : i32
        %dma_wait3A = arith.constant 0 : i32
        %dma_wait3A_131 = tpu.memref_slice %arg9[%add3A_130, %dma_wait3A] : memref<48x32xi32, #tpu.memory_space<vmem>> -> memref<1x32xi32, #tpu.memory_space<vmem>>
        %dma_wait3A_132 = tpu.memref_squeeze %dma_wait3A_131 : memref<1x32xi32, #tpu.memory_space<vmem>> -> memref<32xi32, #tpu.memory_space<vmem>>
        %dma_wait3A_133 = arith.constant 0 : i32
        %dma_wait3A_134 = arith.constant 0 : i32
        %dma_wait3A_135 = tpu.memref_slice %arg2[%dma_wait3A_133, %dma_wait3A_134] : memref<10000x256xf32, #tpu.memory_space<hbm>> -> memref<10000x256xf32, #tpu.memory_space<hbm>>
        tpu.wait_indirect_dma semaphore(%arg16 : memref<!tpu.dma_semaphore, #tpu.memory_space<semaphore_mem>>) src(%dma_wait3A_135 : memref<10000x256xf32, #tpu.memory_space<hbm>>) dst(%arg12 : memref<32x256xf32, #tpu.memory_space<vmem>>)
        %add3A_136 = arith.constant 2 : i32
        %add3A_137 = arith.addi %add3A_130, %add3A_136 : i32
        %lt3A = arith.constant 48 : i32
        %lt3A_138 = arith.cmpi slt, %add3A_137, %lt3A : i32
        %convert_element_type3A = arith.extui %lt3A_138 : i1 to i32
        %cond3A = arith.constant 0 : i32
        %cond3A_139 = arith.cmpi ne, %convert_element_type3A, %cond3A : i32
        scf.if %cond3A_139 {
          %add3A_182 = arith.constant 2 : i32
          %add3A_183 = arith.addi %add3A_130, %add3A_182 : i32
          %dma_start3A_184 = arith.constant 0 : i32
          %dma_start3A_185 = tpu.memref_slice %arg9[%add3A_183, %dma_start3A_184] : memref<48x32xi32, #tpu.memory_space<vmem>> -> memref<1x32xi32, #tpu.memory_space<vmem>>
          %dma_start3A_186 = tpu.memref_squeeze %dma_start3A_185 : memref<1x32xi32, #tpu.memory_space<vmem>> -> memref<32xi32, #tpu.memory_space<vmem>>
          %dma_start3A_187 = arith.constant 0 : i32
          %dma_start3A_188 = arith.constant 0 : i32
          %dma_start3A_189 = tpu.memref_slice %arg2[%dma_start3A_187, %dma_start3A_188] : memref<10000x256xf32, #tpu.memory_space<hbm>> -> memref<10000x256xf32, #tpu.memory_space<hbm>>
          tpu.enqueue_indirect_dma source(%dma_start3A_189 : memref<10000x256xf32, #tpu.memory_space<hbm>>) target(%arg14 : memref<32x256xf32, #tpu.memory_space<vmem>>) offsets(%dma_start3A_186 : memref<32xi32, #tpu.memory_space<vmem>>) semaphore(%arg18 : memref<!tpu.dma_semaphore, #tpu.memory_space<semaphore_mem>>)
        } else {
        }
        %parallel_loop3A = arith.constant 0 : i32
        %parallel_loop3A_140 = arith.constant 32 : i32
        %parallel_loop3A_141 = arith.constant 1 : i32
        scf.for %parallel_loop3A_182 = %parallel_loop3A to %parallel_loop3A_140 step %parallel_loop3A_141  : i32 {
          %parallel_loop3A_183 = vector.broadcast %add3A_130 : i32 to vector<16xi32>
          %parallel_loop3A_184 = vector.broadcast %parallel_loop3A_182 : i32 to vector<16xi32>
          %parallel_loop3A_185 = tpu.vector_load_idx %arg11[%parallel_loop3A_183, %parallel_loop3A_184] : memref<48x32xf32, #tpu.memory_space<vmem>>[vector<16xi32>, vector<16xi32>], vector<16xf32>,
          %parallel_loop3A_186 = tpu.vector_load_idx %arg10[%parallel_loop3A_183, %parallel_loop3A_184] : memref<48x32xi32, #tpu.memory_space<vmem>>[vector<16xi32>, vector<16xi32>], vector<16xi32>,
          %parallel_loop3A_187 = arith.index_cast %parallel_loop3A_182 : i32 to index
          %parallel_loop3A_188 = arith.constant 0 : index
          %parallel_loop3A_189 = tpu.vector_load %arg12[%parallel_loop3A_187, %parallel_loop3A_188] {strides = array<i32>} : memref<32x256xf32, #tpu.memory_space<vmem>>, vector<16xf32>,
          %parallel_loop3A_190 = arith.index_cast %parallel_loop3A_182 : i32 to index
          %parallel_loop3A_191 = arith.constant 16 : index
          %parallel_loop3A_192 = tpu.vector_load %arg12[%parallel_loop3A_190, %parallel_loop3A_191] {strides = array<i32>} : memref<32x256xf32, #tpu.memory_space<vmem>>, vector<16xf32>,
          %parallel_loop3A_193 = arith.index_cast %parallel_loop3A_182 : i32 to index
          %parallel_loop3A_194 = arith.constant 32 : index
          %parallel_loop3A_195 = tpu.vector_load %arg12[%parallel_loop3A_193, %parallel_loop3A_194] {strides = array<i32>} : memref<32x256xf32, #tpu.memory_space<vmem>>, vector<16xf32>,
          %parallel_loop3A_196 = arith.index_cast %parallel_loop3A_182 : i32 to index
          %parallel_loop3A_197 = arith.constant 48 : index
          %parallel_loop3A_198 = tpu.vector_load %arg12[%parallel_loop3A_196, %parallel_loop3A_197] {strides = array<i32>} : memref<32x256xf32, #tpu.memory_space<vmem>>, vector<16xf32>,
          %parallel_loop3A_199 = arith.index_cast %parallel_loop3A_182 : i32 to index
          %parallel_loop3A_200 = arith.constant 64 : index
          %parallel_loop3A_201 = tpu.vector_load %arg12[%parallel_loop3A_199, %parallel_loop3A_200] {strides = array<i32>} : memref<32x256xf32, #tpu.memory_space<vmem>>, vector<16xf32>,
          %parallel_loop3A_202 = arith.index_cast %parallel_loop3A_182 : i32 to index
          %parallel_loop3A_203 = arith.constant 80 : index
          %parallel_loop3A_204 = tpu.vector_load %arg12[%parallel_loop3A_202, %parallel_loop3A_203] {strides = array<i32>} : memref<32x256xf32, #tpu.memory_space<vmem>>, vector<16xf32>,
          %parallel_loop3A_205 = arith.index_cast %parallel_loop3A_182 : i32 to index
          %parallel_loop3A_206 = arith.constant 96 : index
          %parallel_loop3A_207 = tpu.vector_load %arg12[%parallel_loop3A_205, %parallel_loop3A_206] {strides = array<i32>} : memref<32x256xf32, #tpu.memory_space<vmem>>, vector<16xf32>,
          %parallel_loop3A_208 = arith.index_cast %parallel_loop3A_182 : i32 to index
          %parallel_loop3A_209 = arith.constant 112 : index
          %parallel_loop3A_210 = tpu.vector_load %arg12[%parallel_loop3A_208, %parallel_loop3A_209] {strides = array<i32>} : memref<32x256xf32, #tpu.memory_space<vmem>>, vector<16xf32>,
          %parallel_loop3A_211 = arith.index_cast %parallel_loop3A_182 : i32 to index
          %parallel_loop3A_212 = arith.constant 128 : index
          %parallel_loop3A_213 = tpu.vector_load %arg12[%parallel_loop3A_211, %parallel_loop3A_212] {strides = array<i32>} : memref<32x256xf32, #tpu.memory_space<vmem>>, vector<16xf32>,
          %parallel_loop3A_214 = arith.index_cast %parallel_loop3A_182 : i32 to index
          %parallel_loop3A_215 = arith.constant 144 : index
          %parallel_loop3A_216 = tpu.vector_load %arg12[%parallel_loop3A_214, %parallel_loop3A_215] {strides = array<i32>} : memref<32x256xf32, #tpu.memory_space<vmem>>, vector<16xf32>,
          %parallel_loop3A_217 = arith.index_cast %parallel_loop3A_182 : i32 to index
          %parallel_loop3A_218 = arith.constant 160 : index
          %parallel_loop3A_219 = tpu.vector_load %arg12[%parallel_loop3A_217, %parallel_loop3A_218] {strides = array<i32>} : memref<32x256xf32, #tpu.memory_space<vmem>>, vector<16xf32>,
          %parallel_loop3A_220 = arith.index_cast %parallel_loop3A_182 : i32 to index
          %parallel_loop3A_221 = arith.constant 176 : index
          %parallel_loop3A_222 = tpu.vector_load %arg12[%parallel_loop3A_220, %parallel_loop3A_221] {strides = array<i32>} : memref<32x256xf32, #tpu.memory_space<vmem>>, vector<16xf32>,
          %parallel_loop3A_223 = arith.index_cast %parallel_loop3A_182 : i32 to index
          %parallel_loop3A_224 = arith.constant 192 : index
          %parallel_loop3A_225 = tpu.vector_load %arg12[%parallel_loop3A_223, %parallel_loop3A_224] {strides = array<i32>} : memref<32x256xf32, #tpu.memory_space<vmem>>, vector<16xf32>,
          %parallel_loop3A_226 = arith.index_cast %parallel_loop3A_182 : i32 to index
          %parallel_loop3A_227 = arith.constant 208 : index
          %parallel_loop3A_228 = tpu.vector_load %arg12[%parallel_loop3A_226, %parallel_loop3A_227] {strides = array<i32>} : memref<32x256xf32, #tpu.memory_space<vmem>>, vector<16xf32>,
          %parallel_loop3A_229 = arith.index_cast %parallel_loop3A_182 : i32 to index
          %parallel_loop3A_230 = arith.constant 224 : index
          %parallel_loop3A_231 = tpu.vector_load %arg12[%parallel_loop3A_229, %parallel_loop3A_230] {strides = array<i32>} : memref<32x256xf32, #tpu.memory_space<vmem>>, vector<16xf32>,
          %parallel_loop3A_232 = arith.index_cast %parallel_loop3A_182 : i32 to index
          %parallel_loop3A_233 = arith.constant 240 : index
          %parallel_loop3A_234 = tpu.vector_load %arg12[%parallel_loop3A_232, %parallel_loop3A_233] {strides = array<i32>} : memref<32x256xf32, #tpu.memory_space<vmem>>, vector<16xf32>,
          %parallel_loop3A_235 = arith.constant 0 : i32
          %parallel_loop3A_236 = vector.broadcast %parallel_loop3A_235 : i32 to vector<16xi32>
          %parallel_loop3A_237 = arith.addi %parallel_loop3A_236, %iota3A : vector<16xi32>
          %parallel_loop3A_238 = arith.mulf %parallel_loop3A_189, %parallel_loop3A_185 : vector<16xf32>
          tpu.vector_store_idx %arg8[%parallel_loop3A_186, %parallel_loop3A_237], %parallel_loop3A_238 {add = true} : memref<320x256xf32, #tpu.memory_space<vmem>>[vector<16xi32>, vector<16xi32>], vector<16xf32>,
          %parallel_loop3A_239 = arith.constant 16 : i32
          %parallel_loop3A_240 = vector.broadcast %parallel_loop3A_239 : i32 to vector<16xi32>
          %parallel_loop3A_241 = arith.addi %parallel_loop3A_240, %iota3A : vector<16xi32>
          %parallel_loop3A_242 = arith.mulf %parallel_loop3A_192, %parallel_loop3A_185 : vector<16xf32>
          tpu.vector_store_idx %arg8[%parallel_loop3A_186, %parallel_loop3A_241], %parallel_loop3A_242 {add = true} : memref<320x256xf32, #tpu.memory_space<vmem>>[vector<16xi32>, vector<16xi32>], vector<16xf32>,
          %parallel_loop3A_243 = arith.constant 32 : i32
          %parallel_loop3A_244 = vector.broadcast %parallel_loop3A_243 : i32 to vector<16xi32>
          %parallel_loop3A_245 = arith.addi %parallel_loop3A_244, %iota3A : vector<16xi32>
          %parallel_loop3A_246 = arith.mulf %parallel_loop3A_195, %parallel_loop3A_185 : vector<16xf32>
          tpu.vector_store_idx %arg8[%parallel_loop3A_186, %parallel_loop3A_245], %parallel_loop3A_246 {add = true} : memref<320x256xf32, #tpu.memory_space<vmem>>[vector<16xi32>, vector<16xi32>], vector<16xf32>,
          %parallel_loop3A_247 = arith.constant 48 : i32
          %parallel_loop3A_248 = vector.broadcast %parallel_loop3A_247 : i32 to vector<16xi32>
          %parallel_loop3A_249 = arith.addi %parallel_loop3A_248, %iota3A : vector<16xi32>
          %parallel_loop3A_250 = arith.mulf %parallel_loop3A_198, %parallel_loop3A_185 : vector<16xf32>
          tpu.vector_store_idx %arg8[%parallel_loop3A_186, %parallel_loop3A_249], %parallel_loop3A_250 {add = true} : memref<320x256xf32, #tpu.memory_space<vmem>>[vector<16xi32>, vector<16xi32>], vector<16xf32>,
          %parallel_loop3A_251 = arith.constant 64 : i32
          %parallel_loop3A_252 = vector.broadcast %parallel_loop3A_251 : i32 to vector<16xi32>
          %parallel_loop3A_253 = arith.addi %parallel_loop3A_252, %iota3A : vector<16xi32>
          %parallel_loop3A_254 = arith.mulf %parallel_loop3A_201, %parallel_loop3A_185 : vector<16xf32>
          tpu.vector_store_idx %arg8[%parallel_loop3A_186, %parallel_loop3A_253], %parallel_loop3A_254 {add = true} : memref<320x256xf32, #tpu.memory_space<vmem>>[vector<16xi32>, vector<16xi32>], vector<16xf32>,
          %parallel_loop3A_255 = arith.constant 80 : i32
          %parallel_loop3A_256 = vector.broadcast %parallel_loop3A_255 : i32 to vector<16xi32>
          %parallel_loop3A_257 = arith.addi %parallel_loop3A_256, %iota3A : vector<16xi32>
          %parallel_loop3A_258 = arith.mulf %parallel_loop3A_204, %parallel_loop3A_185 : vector<16xf32>
          tpu.vector_store_idx %arg8[%parallel_loop3A_186, %parallel_loop3A_257], %parallel_loop3A_258 {add = true} : memref<320x256xf32, #tpu.memory_space<vmem>>[vector<16xi32>, vector<16xi32>], vector<16xf32>,
          %parallel_loop3A_259 = arith.constant 96 : i32
          %parallel_loop3A_260 = vector.broadcast %parallel_loop3A_259 : i32 to vector<16xi32>
          %parallel_loop3A_261 = arith.addi %parallel_loop3A_260, %iota3A : vector<16xi32>
          %parallel_loop3A_262 = arith.mulf %parallel_loop3A_207, %parallel_loop3A_185 : vector<16xf32>
          tpu.vector_store_idx %arg8[%parallel_loop3A_186, %parallel_loop3A_261], %parallel_loop3A_262 {add = true} : memref<320x256xf32, #tpu.memory_space<vmem>>[vector<16xi32>, vector<16xi32>], vector<16xf32>,
          %parallel_loop3A_263 = arith.constant 112 : i32
          %parallel_loop3A_264 = vector.broadcast %parallel_loop3A_263 : i32 to vector<16xi32>
          %parallel_loop3A_265 = arith.addi %parallel_loop3A_264, %iota3A : vector<16xi32>
          %parallel_loop3A_266 = arith.mulf %parallel_loop3A_210, %parallel_loop3A_185 : vector<16xf32>
          tpu.vector_store_idx %arg8[%parallel_loop3A_186, %parallel_loop3A_265], %parallel_loop3A_266 {add = true} : memref<320x256xf32, #tpu.memory_space<vmem>>[vector<16xi32>, vector<16xi32>], vector<16xf32>,
          %parallel_loop3A_267 = arith.constant 128 : i32
          %parallel_loop3A_268 = vector.broadcast %parallel_loop3A_267 : i32 to vector<16xi32>
          %parallel_loop3A_269 = arith.addi %parallel_loop3A_268, %iota3A : vector<16xi32>
          %parallel_loop3A_270 = arith.mulf %parallel_loop3A_213, %parallel_loop3A_185 : vector<16xf32>
          tpu.vector_store_idx %arg8[%parallel_loop3A_186, %parallel_loop3A_269], %parallel_loop3A_270 {add = true} : memref<320x256xf32, #tpu.memory_space<vmem>>[vector<16xi32>, vector<16xi32>], vector<16xf32>,
          %parallel_loop3A_271 = arith.constant 144 : i32
          %parallel_loop3A_272 = vector.broadcast %parallel_loop3A_271 : i32 to vector<16xi32>
          %parallel_loop3A_273 = arith.addi %parallel_loop3A_272, %iota3A : vector<16xi32>
          %parallel_loop3A_274 = arith.mulf %parallel_loop3A_216, %parallel_loop3A_185 : vector<16xf32>
          tpu.vector_store_idx %arg8[%parallel_loop3A_186, %parallel_loop3A_273], %parallel_loop3A_274 {add = true} : memref<320x256xf32, #tpu.memory_space<vmem>>[vector<16xi32>, vector<16xi32>], vector<16xf32>,
          %parallel_loop3A_275 = arith.constant 160 : i32
          %parallel_loop3A_276 = vector.broadcast %parallel_loop3A_275 : i32 to vector<16xi32>
          %parallel_loop3A_277 = arith.addi %parallel_loop3A_276, %iota3A : vector<16xi32>
          %parallel_loop3A_278 = arith.mulf %parallel_loop3A_219, %parallel_loop3A_185 : vector<16xf32>
          tpu.vector_store_idx %arg8[%parallel_loop3A_186, %parallel_loop3A_277], %parallel_loop3A_278 {add = true} : memref<320x256xf32, #tpu.memory_space<vmem>>[vector<16xi32>, vector<16xi32>], vector<16xf32>,
          %parallel_loop3A_279 = arith.constant 176 : i32
          %parallel_loop3A_280 = vector.broadcast %parallel_loop3A_279 : i32 to vector<16xi32>
          %parallel_loop3A_281 = arith.addi %parallel_loop3A_280, %iota3A : vector<16xi32>
          %parallel_loop3A_282 = arith.mulf %parallel_loop3A_222, %parallel_loop3A_185 : vector<16xf32>
          tpu.vector_store_idx %arg8[%parallel_loop3A_186, %parallel_loop3A_281], %parallel_loop3A_282 {add = true} : memref<320x256xf32, #tpu.memory_space<vmem>>[vector<16xi32>, vector<16xi32>], vector<16xf32>,
          %parallel_loop3A_283 = arith.constant 192 : i32
          %parallel_loop3A_284 = vector.broadcast %parallel_loop3A_283 : i32 to vector<16xi32>
          %parallel_loop3A_285 = arith.addi %parallel_loop3A_284, %iota3A : vector<16xi32>
          %parallel_loop3A_286 = arith.mulf %parallel_loop3A_225, %parallel_loop3A_185 : vector<16xf32>
          tpu.vector_store_idx %arg8[%parallel_loop3A_186, %parallel_loop3A_285], %parallel_loop3A_286 {add = true} : memref<320x256xf32, #tpu.memory_space<vmem>>[vector<16xi32>, vector<16xi32>], vector<16xf32>,
          %parallel_loop3A_287 = arith.constant 208 : i32
          %parallel_loop3A_288 = vector.broadcast %parallel_loop3A_287 : i32 to vector<16xi32>
          %parallel_loop3A_289 = arith.addi %parallel_loop3A_288, %iota3A : vector<16xi32>
          %parallel_loop3A_290 = arith.mulf %parallel_loop3A_228, %parallel_loop3A_185 : vector<16xf32>
          tpu.vector_store_idx %arg8[%parallel_loop3A_186, %parallel_loop3A_289], %parallel_loop3A_290 {add = true} : memref<320x256xf32, #tpu.memory_space<vmem>>[vector<16xi32>, vector<16xi32>], vector<16xf32>,
          %parallel_loop3A_291 = arith.constant 224 : i32
          %parallel_loop3A_292 = vector.broadcast %parallel_loop3A_291 : i32 to vector<16xi32>
          %parallel_loop3A_293 = arith.addi %parallel_loop3A_292, %iota3A : vector<16xi32>
          %parallel_loop3A_294 = arith.mulf %parallel_loop3A_231, %parallel_loop3A_185 : vector<16xf32>
          tpu.vector_store_idx %arg8[%parallel_loop3A_186, %parallel_loop3A_293], %parallel_loop3A_294 {add = true} : memref<320x256xf32, #tpu.memory_space<vmem>>[vector<16xi32>, vector<16xi32>], vector<16xf32>,
          %parallel_loop3A_295 = arith.constant 240 : i32
          %parallel_loop3A_296 = vector.broadcast %parallel_loop3A_295 : i32 to vector<16xi32>
          %parallel_loop3A_297 = arith.addi %parallel_loop3A_296, %iota3A : vector<16xi32>
          %parallel_loop3A_298 = arith.mulf %parallel_loop3A_234, %parallel_loop3A_185 : vector<16xf32>
          tpu.vector_store_idx %arg8[%parallel_loop3A_186, %parallel_loop3A_297], %parallel_loop3A_298 {add = true} : memref<320x256xf32, #tpu.memory_space<vmem>>[vector<16xi32>, vector<16xi32>], vector<16xf32>,
        } {sc.loop_unroll_factor = 2 : i64, sc.parallel_access}
        %mul3A_142 = arith.constant 3 : i32
        %mul3A_143 = arith.muli %scan3A_126, %mul3A_142 : i32
        %add3A_144 = arith.constant 1 : i32
        %add3A_145 = arith.addi %mul3A_143, %add3A_144 : i32
        %dma_wait3A_146 = arith.constant 0 : i32
        %dma_wait3A_147 = tpu.memref_slice %arg9[%add3A_145, %dma_wait3A_146] : memref<48x32xi32, #tpu.memory_space<vmem>> -> memref<1x32xi32, #tpu.memory_space<vmem>>
        %dma_wait3A_148 = tpu.memref_squeeze %dma_wait3A_147 : memref<1x32xi32, #tpu.memory_space<vmem>> -> memref<32xi32, #tpu.memory_space<vmem>>
        %dma_wait3A_149 = arith.constant 0 : i32
        %dma_wait3A_150 = arith.constant 0 : i32
        %dma_wait3A_151 = tpu.memref_slice %arg2[%dma_wait3A_149, %dma_wait3A_150] : memref<10000x256xf32, #tpu.memory_space<hbm>> -> memref<10000x256xf32, #tpu.memory_space<hbm>>
        tpu.wait_indirect_dma semaphore(%arg17 : memref<!tpu.dma_semaphore, #tpu.memory_space<semaphore_mem>>) src(%dma_wait3A_151 : memref<10000x256xf32, #tpu.memory_space<hbm>>) dst(%arg13 : memref<32x256xf32, #tpu.memory_space<vmem>>)
        %add3A_152 = arith.constant 2 : i32
        %add3A_153 = arith.addi %add3A_145, %add3A_152 : i32
        %lt3A_154 = arith.constant 48 : i32
        %lt3A_155 = arith.cmpi slt, %add3A_153, %lt3A_154 : i32
        %convert_element_type3A_156 = arith.extui %lt3A_155 : i1 to i32
        %cond3A_157 = arith.constant 0 : i32
        %cond3A_158 = arith.cmpi ne, %convert_element_type3A_156, %cond3A_157 : i32
        scf.if %cond3A_158 {
          %add3A_182 = arith.constant 2 : i32
          %add3A_183 = arith.addi %add3A_145, %add3A_182 : i32
          %dma_start3A_184 = arith.constant 0 : i32
          %dma_start3A_185 = tpu.memref_slice %arg9[%add3A_183, %dma_start3A_184] : memref<48x32xi32, #tpu.memory_space<vmem>> -> memref<1x32xi32, #tpu.memory_space<vmem>>
          %dma_start3A_186 = tpu.memref_squeeze %dma_start3A_185 : memref<1x32xi32, #tpu.memory_space<vmem>> -> memref<32xi32, #tpu.memory_space<vmem>>
          %dma_start3A_187 = arith.constant 0 : i32
          %dma_start3A_188 = arith.constant 0 : i32
          %dma_start3A_189 = tpu.memref_slice %arg2[%dma_start3A_187, %dma_start3A_188] : memref<10000x256xf32, #tpu.memory_space<hbm>> -> memref<10000x256xf32, #tpu.memory_space<hbm>>
          tpu.enqueue_indirect_dma source(%dma_start3A_189 : memref<10000x256xf32, #tpu.memory_space<hbm>>) target(%arg12 : memref<32x256xf32, #tpu.memory_space<vmem>>) offsets(%dma_start3A_186 : memref<32xi32, #tpu.memory_space<vmem>>) semaphore(%arg16 : memref<!tpu.dma_semaphore, #tpu.memory_space<semaphore_mem>>)
        } else {
        }
        %parallel_loop3A_159 = arith.constant 0 : i32
        %parallel_loop3A_160 = arith.constant 32 : i32
        %parallel_loop3A_161 = arith.constant 1 : i32
        scf.for %parallel_loop3A_182 = %parallel_loop3A_159 to %parallel_loop3A_160 step %parallel_loop3A_161  : i32 {
          %parallel_loop3A_183 = vector.broadcast %add3A_145 : i32 to vector<16xi32>
          %parallel_loop3A_184 = vector.broadcast %parallel_loop3A_182 : i32 to vector<16xi32>
          %parallel_loop3A_185 = tpu.vector_load_idx %arg11[%parallel_loop3A_183, %parallel_loop3A_184] : memref<48x32xf32, #tpu.memory_space<vmem>>[vector<16xi32>, vector<16xi32>], vector<16xf32>,
          %parallel_loop3A_186 = tpu.vector_load_idx %arg10[%parallel_loop3A_183, %parallel_loop3A_184] : memref<48x32xi32, #tpu.memory_space<vmem>>[vector<16xi32>, vector<16xi32>], vector<16xi32>,
          %parallel_loop3A_187 = arith.index_cast %parallel_loop3A_182 : i32 to index
          %parallel_loop3A_188 = arith.constant 0 : index
          %parallel_loop3A_189 = tpu.vector_load %arg13[%parallel_loop3A_187, %parallel_loop3A_188] {strides = array<i32>} : memref<32x256xf32, #tpu.memory_space<vmem>>, vector<16xf32>,
          %parallel_loop3A_190 = arith.index_cast %parallel_loop3A_182 : i32 to index
          %parallel_loop3A_191 = arith.constant 16 : index
          %parallel_loop3A_192 = tpu.vector_load %arg13[%parallel_loop3A_190, %parallel_loop3A_191] {strides = array<i32>} : memref<32x256xf32, #tpu.memory_space<vmem>>, vector<16xf32>,
          %parallel_loop3A_193 = arith.index_cast %parallel_loop3A_182 : i32 to index
          %parallel_loop3A_194 = arith.constant 32 : index
          %parallel_loop3A_195 = tpu.vector_load %arg13[%parallel_loop3A_193, %parallel_loop3A_194] {strides = array<i32>} : memref<32x256xf32, #tpu.memory_space<vmem>>, vector<16xf32>,
          %parallel_loop3A_196 = arith.index_cast %parallel_loop3A_182 : i32 to index
          %parallel_loop3A_197 = arith.constant 48 : index
          %parallel_loop3A_198 = tpu.vector_load %arg13[%parallel_loop3A_196, %parallel_loop3A_197] {strides = array<i32>} : memref<32x256xf32, #tpu.memory_space<vmem>>, vector<16xf32>,
          %parallel_loop3A_199 = arith.index_cast %parallel_loop3A_182 : i32 to index
          %parallel_loop3A_200 = arith.constant 64 : index
          %parallel_loop3A_201 = tpu.vector_load %arg13[%parallel_loop3A_199, %parallel_loop3A_200] {strides = array<i32>} : memref<32x256xf32, #tpu.memory_space<vmem>>, vector<16xf32>,
          %parallel_loop3A_202 = arith.index_cast %parallel_loop3A_182 : i32 to index
          %parallel_loop3A_203 = arith.constant 80 : index
          %parallel_loop3A_204 = tpu.vector_load %arg13[%parallel_loop3A_202, %parallel_loop3A_203] {strides = array<i32>} : memref<32x256xf32, #tpu.memory_space<vmem>>, vector<16xf32>,
          %parallel_loop3A_205 = arith.index_cast %parallel_loop3A_182 : i32 to index
          %parallel_loop3A_206 = arith.constant 96 : index
          %parallel_loop3A_207 = tpu.vector_load %arg13[%parallel_loop3A_205, %parallel_loop3A_206] {strides = array<i32>} : memref<32x256xf32, #tpu.memory_space<vmem>>, vector<16xf32>,
          %parallel_loop3A_208 = arith.index_cast %parallel_loop3A_182 : i32 to index
          %parallel_loop3A_209 = arith.constant 112 : index
          %parallel_loop3A_210 = tpu.vector_load %arg13[%parallel_loop3A_208, %parallel_loop3A_209] {strides = array<i32>} : memref<32x256xf32, #tpu.memory_space<vmem>>, vector<16xf32>,
          %parallel_loop3A_211 = arith.index_cast %parallel_loop3A_182 : i32 to index
          %parallel_loop3A_212 = arith.constant 128 : index
          %parallel_loop3A_213 = tpu.vector_load %arg13[%parallel_loop3A_211, %parallel_loop3A_212] {strides = array<i32>} : memref<32x256xf32, #tpu.memory_space<vmem>>, vector<16xf32>,
          %parallel_loop3A_214 = arith.index_cast %parallel_loop3A_182 : i32 to index
          %parallel_loop3A_215 = arith.constant 144 : index
          %parallel_loop3A_216 = tpu.vector_load %arg13[%parallel_loop3A_214, %parallel_loop3A_215] {strides = array<i32>} : memref<32x256xf32, #tpu.memory_space<vmem>>, vector<16xf32>,
          %parallel_loop3A_217 = arith.index_cast %parallel_loop3A_182 : i32 to index
          %parallel_loop3A_218 = arith.constant 160 : index
          %parallel_loop3A_219 = tpu.vector_load %arg13[%parallel_loop3A_217, %parallel_loop3A_218] {strides = array<i32>} : memref<32x256xf32, #tpu.memory_space<vmem>>, vector<16xf32>,
          %parallel_loop3A_220 = arith.index_cast %parallel_loop3A_182 : i32 to index
          %parallel_loop3A_221 = arith.constant 176 : index
          %parallel_loop3A_222 = tpu.vector_load %arg13[%parallel_loop3A_220, %parallel_loop3A_221] {strides = array<i32>} : memref<32x256xf32, #tpu.memory_space<vmem>>, vector<16xf32>,
          %parallel_loop3A_223 = arith.index_cast %parallel_loop3A_182 : i32 to index
          %parallel_loop3A_224 = arith.constant 192 : index
          %parallel_loop3A_225 = tpu.vector_load %arg13[%parallel_loop3A_223, %parallel_loop3A_224] {strides = array<i32>} : memref<32x256xf32, #tpu.memory_space<vmem>>, vector<16xf32>,
          %parallel_loop3A_226 = arith.index_cast %parallel_loop3A_182 : i32 to index
          %parallel_loop3A_227 = arith.constant 208 : index
          %parallel_loop3A_228 = tpu.vector_load %arg13[%parallel_loop3A_226, %parallel_loop3A_227] {strides = array<i32>} : memref<32x256xf32, #tpu.memory_space<vmem>>, vector<16xf32>,
          %parallel_loop3A_229 = arith.index_cast %parallel_loop3A_182 : i32 to index
          %parallel_loop3A_230 = arith.constant 224 : index
          %parallel_loop3A_231 = tpu.vector_load %arg13[%parallel_loop3A_229, %parallel_loop3A_230] {strides = array<i32>} : memref<32x256xf32, #tpu.memory_space<vmem>>, vector<16xf32>,
          %parallel_loop3A_232 = arith.index_cast %parallel_loop3A_182 : i32 to index
          %parallel_loop3A_233 = arith.constant 240 : index
          %parallel_loop3A_234 = tpu.vector_load %arg13[%parallel_loop3A_232, %parallel_loop3A_233] {strides = array<i32>} : memref<32x256xf32, #tpu.memory_space<vmem>>, vector<16xf32>,
          %parallel_loop3A_235 = arith.constant 0 : i32
          %parallel_loop3A_236 = vector.broadcast %parallel_loop3A_235 : i32 to vector<16xi32>
          %parallel_loop3A_237 = arith.addi %parallel_loop3A_236, %iota3A : vector<16xi32>
          %parallel_loop3A_238 = arith.mulf %parallel_loop3A_189, %parallel_loop3A_185 : vector<16xf32>
          tpu.vector_store_idx %arg8[%parallel_loop3A_186, %parallel_loop3A_237], %parallel_loop3A_238 {add = true} : memref<320x256xf32, #tpu.memory_space<vmem>>[vector<16xi32>, vector<16xi32>], vector<16xf32>,
          %parallel_loop3A_239 = arith.constant 16 : i32
          %parallel_loop3A_240 = vector.broadcast %parallel_loop3A_239 : i32 to vector<16xi32>
          %parallel_loop3A_241 = arith.addi %parallel_loop3A_240, %iota3A : vector<16xi32>
          %parallel_loop3A_242 = arith.mulf %parallel_loop3A_192, %parallel_loop3A_185 : vector<16xf32>
          tpu.vector_store_idx %arg8[%parallel_loop3A_186, %parallel_loop3A_241], %parallel_loop3A_242 {add = true} : memref<320x256xf32, #tpu.memory_space<vmem>>[vector<16xi32>, vector<16xi32>], vector<16xf32>,
          %parallel_loop3A_243 = arith.constant 32 : i32
          %parallel_loop3A_244 = vector.broadcast %parallel_loop3A_243 : i32 to vector<16xi32>
          %parallel_loop3A_245 = arith.addi %parallel_loop3A_244, %iota3A : vector<16xi32>
          %parallel_loop3A_246 = arith.mulf %parallel_loop3A_195, %parallel_loop3A_185 : vector<16xf32>
          tpu.vector_store_idx %arg8[%parallel_loop3A_186, %parallel_loop3A_245], %parallel_loop3A_246 {add = true} : memref<320x256xf32, #tpu.memory_space<vmem>>[vector<16xi32>, vector<16xi32>], vector<16xf32>,
          %parallel_loop3A_247 = arith.constant 48 : i32
          %parallel_loop3A_248 = vector.broadcast %parallel_loop3A_247 : i32 to vector<16xi32>
          %parallel_loop3A_249 = arith.addi %parallel_loop3A_248, %iota3A : vector<16xi32>
          %parallel_loop3A_250 = arith.mulf %parallel_loop3A_198, %parallel_loop3A_185 : vector<16xf32>
          tpu.vector_store_idx %arg8[%parallel_loop3A_186, %parallel_loop3A_249], %parallel_loop3A_250 {add = true} : memref<320x256xf32, #tpu.memory_space<vmem>>[vector<16xi32>, vector<16xi32>], vector<16xf32>,
          %parallel_loop3A_251 = arith.constant 64 : i32
          %parallel_loop3A_252 = vector.broadcast %parallel_loop3A_251 : i32 to vector<16xi32>
          %parallel_loop3A_253 = arith.addi %parallel_loop3A_252, %iota3A : vector<16xi32>
          %parallel_loop3A_254 = arith.mulf %parallel_loop3A_201, %parallel_loop3A_185 : vector<16xf32>
          tpu.vector_store_idx %arg8[%parallel_loop3A_186, %parallel_loop3A_253], %parallel_loop3A_254 {add = true} : memref<320x256xf32, #tpu.memory_space<vmem>>[vector<16xi32>, vector<16xi32>], vector<16xf32>,
          %parallel_loop3A_255 = arith.constant 80 : i32
          %parallel_loop3A_256 = vector.broadcast %parallel_loop3A_255 : i32 to vector<16xi32>
          %parallel_loop3A_257 = arith.addi %parallel_loop3A_256, %iota3A : vector<16xi32>
          %parallel_loop3A_258 = arith.mulf %parallel_loop3A_204, %parallel_loop3A_185 : vector<16xf32>
          tpu.vector_store_idx %arg8[%parallel_loop3A_186, %parallel_loop3A_257], %parallel_loop3A_258 {add = true} : memref<320x256xf32, #tpu.memory_space<vmem>>[vector<16xi32>, vector<16xi32>], vector<16xf32>,
          %parallel_loop3A_259 = arith.constant 96 : i32
          %parallel_loop3A_260 = vector.broadcast %parallel_loop3A_259 : i32 to vector<16xi32>
          %parallel_loop3A_261 = arith.addi %parallel_loop3A_260, %iota3A : vector<16xi32>
          %parallel_loop3A_262 = arith.mulf %parallel_loop3A_207, %parallel_loop3A_185 : vector<16xf32>
          tpu.vector_store_idx %arg8[%parallel_loop3A_186, %parallel_loop3A_261], %parallel_loop3A_262 {add = true} : memref<320x256xf32, #tpu.memory_space<vmem>>[vector<16xi32>, vector<16xi32>], vector<16xf32>,
          %parallel_loop3A_263 = arith.constant 112 : i32
          %parallel_loop3A_264 = vector.broadcast %parallel_loop3A_263 : i32 to vector<16xi32>
          %parallel_loop3A_265 = arith.addi %parallel_loop3A_264, %iota3A : vector<16xi32>
          %parallel_loop3A_266 = arith.mulf %parallel_loop3A_210, %parallel_loop3A_185 : vector<16xf32>
          tpu.vector_store_idx %arg8[%parallel_loop3A_186, %parallel_loop3A_265], %parallel_loop3A_266 {add = true} : memref<320x256xf32, #tpu.memory_space<vmem>>[vector<16xi32>, vector<16xi32>], vector<16xf32>,
          %parallel_loop3A_267 = arith.constant 128 : i32
          %parallel_loop3A_268 = vector.broadcast %parallel_loop3A_267 : i32 to vector<16xi32>
          %parallel_loop3A_269 = arith.addi %parallel_loop3A_268, %iota3A : vector<16xi32>
          %parallel_loop3A_270 = arith.mulf %parallel_loop3A_213, %parallel_loop3A_185 : vector<16xf32>
          tpu.vector_store_idx %arg8[%parallel_loop3A_186, %parallel_loop3A_269], %parallel_loop3A_270 {add = true} : memref<320x256xf32, #tpu.memory_space<vmem>>[vector<16xi32>, vector<16xi32>], vector<16xf32>,
          %parallel_loop3A_271 = arith.constant 144 : i32
          %parallel_loop3A_272 = vector.broadcast %parallel_loop3A_271 : i32 to vector<16xi32>
          %parallel_loop3A_273 = arith.addi %parallel_loop3A_272, %iota3A : vector<16xi32>
          %parallel_loop3A_274 = arith.mulf %parallel_loop3A_216, %parallel_loop3A_185 : vector<16xf32>
          tpu.vector_store_idx %arg8[%parallel_loop3A_186, %parallel_loop3A_273], %parallel_loop3A_274 {add = true} : memref<320x256xf32, #tpu.memory_space<vmem>>[vector<16xi32>, vector<16xi32>], vector<16xf32>,
          %parallel_loop3A_275 = arith.constant 160 : i32
          %parallel_loop3A_276 = vector.broadcast %parallel_loop3A_275 : i32 to vector<16xi32>
          %parallel_loop3A_277 = arith.addi %parallel_loop3A_276, %iota3A : vector<16xi32>
          %parallel_loop3A_278 = arith.mulf %parallel_loop3A_219, %parallel_loop3A_185 : vector<16xf32>
          tpu.vector_store_idx %arg8[%parallel_loop3A_186, %parallel_loop3A_277], %parallel_loop3A_278 {add = true} : memref<320x256xf32, #tpu.memory_space<vmem>>[vector<16xi32>, vector<16xi32>], vector<16xf32>,
          %parallel_loop3A_279 = arith.constant 176 : i32
          %parallel_loop3A_280 = vector.broadcast %parallel_loop3A_279 : i32 to vector<16xi32>
          %parallel_loop3A_281 = arith.addi %parallel_loop3A_280, %iota3A : vector<16xi32>
          %parallel_loop3A_282 = arith.mulf %parallel_loop3A_222, %parallel_loop3A_185 : vector<16xf32>
          tpu.vector_store_idx %arg8[%parallel_loop3A_186, %parallel_loop3A_281], %parallel_loop3A_282 {add = true} : memref<320x256xf32, #tpu.memory_space<vmem>>[vector<16xi32>, vector<16xi32>], vector<16xf32>,
          %parallel_loop3A_283 = arith.constant 192 : i32
          %parallel_loop3A_284 = vector.broadcast %parallel_loop3A_283 : i32 to vector<16xi32>
          %parallel_loop3A_285 = arith.addi %parallel_loop3A_284, %iota3A : vector<16xi32>
          %parallel_loop3A_286 = arith.mulf %parallel_loop3A_225, %parallel_loop3A_185 : vector<16xf32>
          tpu.vector_store_idx %arg8[%parallel_loop3A_186, %parallel_loop3A_285], %parallel_loop3A_286 {add = true} : memref<320x256xf32, #tpu.memory_space<vmem>>[vector<16xi32>, vector<16xi32>], vector<16xf32>,
          %parallel_loop3A_287 = arith.constant 208 : i32
          %parallel_loop3A_288 = vector.broadcast %parallel_loop3A_287 : i32 to vector<16xi32>
          %parallel_loop3A_289 = arith.addi %parallel_loop3A_288, %iota3A : vector<16xi32>
          %parallel_loop3A_290 = arith.mulf %parallel_loop3A_228, %parallel_loop3A_185 : vector<16xf32>
          tpu.vector_store_idx %arg8[%parallel_loop3A_186, %parallel_loop3A_289], %parallel_loop3A_290 {add = true} : memref<320x256xf32, #tpu.memory_space<vmem>>[vector<16xi32>, vector<16xi32>], vector<16xf32>,
          %parallel_loop3A_291 = arith.constant 224 : i32
          %parallel_loop3A_292 = vector.broadcast %parallel_loop3A_291 : i32 to vector<16xi32>
          %parallel_loop3A_293 = arith.addi %parallel_loop3A_292, %iota3A : vector<16xi32>
          %parallel_loop3A_294 = arith.mulf %parallel_loop3A_231, %parallel_loop3A_185 : vector<16xf32>
          tpu.vector_store_idx %arg8[%parallel_loop3A_186, %parallel_loop3A_293], %parallel_loop3A_294 {add = true} : memref<320x256xf32, #tpu.memory_space<vmem>>[vector<16xi32>, vector<16xi32>], vector<16xf32>,
          %parallel_loop3A_295 = arith.constant 240 : i32
          %parallel_loop3A_296 = vector.broadcast %parallel_loop3A_295 : i32 to vector<16xi32>
          %parallel_loop3A_297 = arith.addi %parallel_loop3A_296, %iota3A : vector<16xi32>
          %parallel_loop3A_298 = arith.mulf %parallel_loop3A_234, %parallel_loop3A_185 : vector<16xf32>
          tpu.vector_store_idx %arg8[%parallel_loop3A_186, %parallel_loop3A_297], %parallel_loop3A_298 {add = true} : memref<320x256xf32, #tpu.memory_space<vmem>>[vector<16xi32>, vector<16xi32>], vector<16xf32>,
        } {sc.loop_unroll_factor = 2 : i64, sc.parallel_access}
        %mul3A_162 = arith.constant 3 : i32
        %mul3A_163 = arith.muli %scan3A_126, %mul3A_162 : i32
        %add3A_164 = arith.constant 2 : i32
        %add3A_165 = arith.addi %mul3A_163, %add3A_164 : i32
        %dma_wait3A_166 = arith.constant 0 : i32
        %dma_wait3A_167 = tpu.memref_slice %arg9[%add3A_165, %dma_wait3A_166] : memref<48x32xi32, #tpu.memory_space<vmem>> -> memref<1x32xi32, #tpu.memory_space<vmem>>
        %dma_wait3A_168 = tpu.memref_squeeze %dma_wait3A_167 : memref<1x32xi32, #tpu.memory_space<vmem>> -> memref<32xi32, #tpu.memory_space<vmem>>
        %dma_wait3A_169 = arith.constant 0 : i32
        %dma_wait3A_170 = arith.constant 0 : i32
        %dma_wait3A_171 = tpu.memref_slice %arg2[%dma_wait3A_169, %dma_wait3A_170] : memref<10000x256xf32, #tpu.memory_space<hbm>> -> memref<10000x256xf32, #tpu.memory_space<hbm>>
        tpu.wait_indirect_dma semaphore(%arg18 : memref<!tpu.dma_semaphore, #tpu.memory_space<semaphore_mem>>) src(%dma_wait3A_171 : memref<10000x256xf32, #tpu.memory_space<hbm>>) dst(%arg14 : memref<32x256xf32, #tpu.memory_space<vmem>>)
        %add3A_172 = arith.constant 2 : i32
        %add3A_173 = arith.addi %add3A_165, %add3A_172 : i32
        %lt3A_174 = arith.constant 48 : i32
        %lt3A_175 = arith.cmpi slt, %add3A_173, %lt3A_174 : i32
        %convert_element_type3A_176 = arith.extui %lt3A_175 : i1 to i32
        %cond3A_177 = arith.constant 0 : i32
        %cond3A_178 = arith.cmpi ne, %convert_element_type3A_176, %cond3A_177 : i32
        scf.if %cond3A_178 {
          %add3A_182 = arith.constant 2 : i32
          %add3A_183 = arith.addi %add3A_165, %add3A_182 : i32
          %dma_start3A_184 = arith.constant 0 : i32
          %dma_start3A_185 = tpu.memref_slice %arg9[%add3A_183, %dma_start3A_184] : memref<48x32xi32, #tpu.memory_space<vmem>> -> memref<1x32xi32, #tpu.memory_space<vmem>>
          %dma_start3A_186 = tpu.memref_squeeze %dma_start3A_185 : memref<1x32xi32, #tpu.memory_space<vmem>> -> memref<32xi32, #tpu.memory_space<vmem>>
          %dma_start3A_187 = arith.constant 0 : i32
          %dma_start3A_188 = arith.constant 0 : i32
          %dma_start3A_189 = tpu.memref_slice %arg2[%dma_start3A_187, %dma_start3A_188] : memref<10000x256xf32, #tpu.memory_space<hbm>> -> memref<10000x256xf32, #tpu.memory_space<hbm>>
          tpu.enqueue_indirect_dma source(%dma_start3A_189 : memref<10000x256xf32, #tpu.memory_space<hbm>>) target(%arg13 : memref<32x256xf32, #tpu.memory_space<vmem>>) offsets(%dma_start3A_186 : memref<32xi32, #tpu.memory_space<vmem>>) semaphore(%arg17 : memref<!tpu.dma_semaphore, #tpu.memory_space<semaphore_mem>>)
        } else {
        }
        %parallel_loop3A_179 = arith.constant 0 : i32
        %parallel_loop3A_180 = arith.constant 32 : i32
        %parallel_loop3A_181 = arith.constant 1 : i32
        scf.for %parallel_loop3A_182 = %parallel_loop3A_179 to %parallel_loop3A_180 step %parallel_loop3A_181  : i32 {
          %parallel_loop3A_183 = vector.broadcast %add3A_165 : i32 to vector<16xi32>
          %parallel_loop3A_184 = vector.broadcast %parallel_loop3A_182 : i32 to vector<16xi32>
          %parallel_loop3A_185 = tpu.vector_load_idx %arg11[%parallel_loop3A_183, %parallel_loop3A_184] : memref<48x32xf32, #tpu.memory_space<vmem>>[vector<16xi32>, vector<16xi32>], vector<16xf32>,
          %parallel_loop3A_186 = tpu.vector_load_idx %arg10[%parallel_loop3A_183, %parallel_loop3A_184] : memref<48x32xi32, #tpu.memory_space<vmem>>[vector<16xi32>, vector<16xi32>], vector<16xi32>,
          %parallel_loop3A_187 = arith.index_cast %parallel_loop3A_182 : i32 to index
          %parallel_loop3A_188 = arith.constant 0 : index
          %parallel_loop3A_189 = tpu.vector_load %arg14[%parallel_loop3A_187, %parallel_loop3A_188] {strides = array<i32>} : memref<32x256xf32, #tpu.memory_space<vmem>>, vector<16xf32>,
          %parallel_loop3A_190 = arith.index_cast %parallel_loop3A_182 : i32 to index
          %parallel_loop3A_191 = arith.constant 16 : index
          %parallel_loop3A_192 = tpu.vector_load %arg14[%parallel_loop3A_190, %parallel_loop3A_191] {strides = array<i32>} : memref<32x256xf32, #tpu.memory_space<vmem>>, vector<16xf32>,
          %parallel_loop3A_193 = arith.index_cast %parallel_loop3A_182 : i32 to index
          %parallel_loop3A_194 = arith.constant 32 : index
          %parallel_loop3A_195 = tpu.vector_load %arg14[%parallel_loop3A_193, %parallel_loop3A_194] {strides = array<i32>} : memref<32x256xf32, #tpu.memory_space<vmem>>, vector<16xf32>,
          %parallel_loop3A_196 = arith.index_cast %parallel_loop3A_182 : i32 to index
          %parallel_loop3A_197 = arith.constant 48 : index
          %parallel_loop3A_198 = tpu.vector_load %arg14[%parallel_loop3A_196, %parallel_loop3A_197] {strides = array<i32>} : memref<32x256xf32, #tpu.memory_space<vmem>>, vector<16xf32>,
          %parallel_loop3A_199 = arith.index_cast %parallel_loop3A_182 : i32 to index
          %parallel_loop3A_200 = arith.constant 64 : index
          %parallel_loop3A_201 = tpu.vector_load %arg14[%parallel_loop3A_199, %parallel_loop3A_200] {strides = array<i32>} : memref<32x256xf32, #tpu.memory_space<vmem>>, vector<16xf32>,
          %parallel_loop3A_202 = arith.index_cast %parallel_loop3A_182 : i32 to index
          %parallel_loop3A_203 = arith.constant 80 : index
          %parallel_loop3A_204 = tpu.vector_load %arg14[%parallel_loop3A_202, %parallel_loop3A_203] {strides = array<i32>} : memref<32x256xf32, #tpu.memory_space<vmem>>, vector<16xf32>,
          %parallel_loop3A_205 = arith.index_cast %parallel_loop3A_182 : i32 to index
          %parallel_loop3A_206 = arith.constant 96 : index
          %parallel_loop3A_207 = tpu.vector_load %arg14[%parallel_loop3A_205, %parallel_loop3A_206] {strides = array<i32>} : memref<32x256xf32, #tpu.memory_space<vmem>>, vector<16xf32>,
          %parallel_loop3A_208 = arith.index_cast %parallel_loop3A_182 : i32 to index
          %parallel_loop3A_209 = arith.constant 112 : index
          %parallel_loop3A_210 = tpu.vector_load %arg14[%parallel_loop3A_208, %parallel_loop3A_209] {strides = array<i32>} : memref<32x256xf32, #tpu.memory_space<vmem>>, vector<16xf32>,
          %parallel_loop3A_211 = arith.index_cast %parallel_loop3A_182 : i32 to index
          %parallel_loop3A_212 = arith.constant 128 : index
          %parallel_loop3A_213 = tpu.vector_load %arg14[%parallel_loop3A_211, %parallel_loop3A_212] {strides = array<i32>} : memref<32x256xf32, #tpu.memory_space<vmem>>, vector<16xf32>,
          %parallel_loop3A_214 = arith.index_cast %parallel_loop3A_182 : i32 to index
          %parallel_loop3A_215 = arith.constant 144 : index
          %parallel_loop3A_216 = tpu.vector_load %arg14[%parallel_loop3A_214, %parallel_loop3A_215] {strides = array<i32>} : memref<32x256xf32, #tpu.memory_space<vmem>>, vector<16xf32>,
          %parallel_loop3A_217 = arith.index_cast %parallel_loop3A_182 : i32 to index
          %parallel_loop3A_218 = arith.constant 160 : index
          %parallel_loop3A_219 = tpu.vector_load %arg14[%parallel_loop3A_217, %parallel_loop3A_218] {strides = array<i32>} : memref<32x256xf32, #tpu.memory_space<vmem>>, vector<16xf32>,
          %parallel_loop3A_220 = arith.index_cast %parallel_loop3A_182 : i32 to index
          %parallel_loop3A_221 = arith.constant 176 : index
          %parallel_loop3A_222 = tpu.vector_load %arg14[%parallel_loop3A_220, %parallel_loop3A_221] {strides = array<i32>} : memref<32x256xf32, #tpu.memory_space<vmem>>, vector<16xf32>,
          %parallel_loop3A_223 = arith.index_cast %parallel_loop3A_182 : i32 to index
          %parallel_loop3A_224 = arith.constant 192 : index
          %parallel_loop3A_225 = tpu.vector_load %arg14[%parallel_loop3A_223, %parallel_loop3A_224] {strides = array<i32>} : memref<32x256xf32, #tpu.memory_space<vmem>>, vector<16xf32>,
          %parallel_loop3A_226 = arith.index_cast %parallel_loop3A_182 : i32 to index
          %parallel_loop3A_227 = arith.constant 208 : index
          %parallel_loop3A_228 = tpu.vector_load %arg14[%parallel_loop3A_226, %parallel_loop3A_227] {strides = array<i32>} : memref<32x256xf32, #tpu.memory_space<vmem>>, vector<16xf32>,
          %parallel_loop3A_229 = arith.index_cast %parallel_loop3A_182 : i32 to index
          %parallel_loop3A_230 = arith.constant 224 : index
          %parallel_loop3A_231 = tpu.vector_load %arg14[%parallel_loop3A_229, %parallel_loop3A_230] {strides = array<i32>} : memref<32x256xf32, #tpu.memory_space<vmem>>, vector<16xf32>,
          %parallel_loop3A_232 = arith.index_cast %parallel_loop3A_182 : i32 to index
          %parallel_loop3A_233 = arith.constant 240 : index
          %parallel_loop3A_234 = tpu.vector_load %arg14[%parallel_loop3A_232, %parallel_loop3A_233] {strides = array<i32>} : memref<32x256xf32, #tpu.memory_space<vmem>>, vector<16xf32>,
          %parallel_loop3A_235 = arith.constant 0 : i32
          %parallel_loop3A_236 = vector.broadcast %parallel_loop3A_235 : i32 to vector<16xi32>
          %parallel_loop3A_237 = arith.addi %parallel_loop3A_236, %iota3A : vector<16xi32>
          %parallel_loop3A_238 = arith.mulf %parallel_loop3A_189, %parallel_loop3A_185 : vector<16xf32>
          tpu.vector_store_idx %arg8[%parallel_loop3A_186, %parallel_loop3A_237], %parallel_loop3A_238 {add = true} : memref<320x256xf32, #tpu.memory_space<vmem>>[vector<16xi32>, vector<16xi32>], vector<16xf32>,
          %parallel_loop3A_239 = arith.constant 16 : i32
          %parallel_loop3A_240 = vector.broadcast %parallel_loop3A_239 : i32 to vector<16xi32>
          %parallel_loop3A_241 = arith.addi %parallel_loop3A_240, %iota3A : vector<16xi32>
          %parallel_loop3A_242 = arith.mulf %parallel_loop3A_192, %parallel_loop3A_185 : vector<16xf32>
          tpu.vector_store_idx %arg8[%parallel_loop3A_186, %parallel_loop3A_241], %parallel_loop3A_242 {add = true} : memref<320x256xf32, #tpu.memory_space<vmem>>[vector<16xi32>, vector<16xi32>], vector<16xf32>,
          %parallel_loop3A_243 = arith.constant 32 : i32
          %parallel_loop3A_244 = vector.broadcast %parallel_loop3A_243 : i32 to vector<16xi32>
          %parallel_loop3A_245 = arith.addi %parallel_loop3A_244, %iota3A : vector<16xi32>
          %parallel_loop3A_246 = arith.mulf %parallel_loop3A_195, %parallel_loop3A_185 : vector<16xf32>
          tpu.vector_store_idx %arg8[%parallel_loop3A_186, %parallel_loop3A_245], %parallel_loop3A_246 {add = true} : memref<320x256xf32, #tpu.memory_space<vmem>>[vector<16xi32>, vector<16xi32>], vector<16xf32>,
          %parallel_loop3A_247 = arith.constant 48 : i32
          %parallel_loop3A_248 = vector.broadcast %parallel_loop3A_247 : i32 to vector<16xi32>
          %parallel_loop3A_249 = arith.addi %parallel_loop3A_248, %iota3A : vector<16xi32>
          %parallel_loop3A_250 = arith.mulf %parallel_loop3A_198, %parallel_loop3A_185 : vector<16xf32>
          tpu.vector_store_idx %arg8[%parallel_loop3A_186, %parallel_loop3A_249], %parallel_loop3A_250 {add = true} : memref<320x256xf32, #tpu.memory_space<vmem>>[vector<16xi32>, vector<16xi32>], vector<16xf32>,
          %parallel_loop3A_251 = arith.constant 64 : i32
          %parallel_loop3A_252 = vector.broadcast %parallel_loop3A_251 : i32 to vector<16xi32>
          %parallel_loop3A_253 = arith.addi %parallel_loop3A_252, %iota3A : vector<16xi32>
          %parallel_loop3A_254 = arith.mulf %parallel_loop3A_201, %parallel_loop3A_185 : vector<16xf32>
          tpu.vector_store_idx %arg8[%parallel_loop3A_186, %parallel_loop3A_253], %parallel_loop3A_254 {add = true} : memref<320x256xf32, #tpu.memory_space<vmem>>[vector<16xi32>, vector<16xi32>], vector<16xf32>,
          %parallel_loop3A_255 = arith.constant 80 : i32
          %parallel_loop3A_256 = vector.broadcast %parallel_loop3A_255 : i32 to vector<16xi32>
          %parallel_loop3A_257 = arith.addi %parallel_loop3A_256, %iota3A : vector<16xi32>
          %parallel_loop3A_258 = arith.mulf %parallel_loop3A_204, %parallel_loop3A_185 : vector<16xf32>
          tpu.vector_store_idx %arg8[%parallel_loop3A_186, %parallel_loop3A_257], %parallel_loop3A_258 {add = true} : memref<320x256xf32, #tpu.memory_space<vmem>>[vector<16xi32>, vector<16xi32>], vector<16xf32>,
          %parallel_loop3A_259 = arith.constant 96 : i32
          %parallel_loop3A_260 = vector.broadcast %parallel_loop3A_259 : i32 to vector<16xi32>
          %parallel_loop3A_261 = arith.addi %parallel_loop3A_260, %iota3A : vector<16xi32>
          %parallel_loop3A_262 = arith.mulf %parallel_loop3A_207, %parallel_loop3A_185 : vector<16xf32>
          tpu.vector_store_idx %arg8[%parallel_loop3A_186, %parallel_loop3A_261], %parallel_loop3A_262 {add = true} : memref<320x256xf32, #tpu.memory_space<vmem>>[vector<16xi32>, vector<16xi32>], vector<16xf32>,
          %parallel_loop3A_263 = arith.constant 112 : i32
          %parallel_loop3A_264 = vector.broadcast %parallel_loop3A_263 : i32 to vector<16xi32>
          %parallel_loop3A_265 = arith.addi %parallel_loop3A_264, %iota3A : vector<16xi32>
          %parallel_loop3A_266 = arith.mulf %parallel_loop3A_210, %parallel_loop3A_185 : vector<16xf32>
          tpu.vector_store_idx %arg8[%parallel_loop3A_186, %parallel_loop3A_265], %parallel_loop3A_266 {add = true} : memref<320x256xf32, #tpu.memory_space<vmem>>[vector<16xi32>, vector<16xi32>], vector<16xf32>,
          %parallel_loop3A_267 = arith.constant 128 : i32
          %parallel_loop3A_268 = vector.broadcast %parallel_loop3A_267 : i32 to vector<16xi32>
          %parallel_loop3A_269 = arith.addi %parallel_loop3A_268, %iota3A : vector<16xi32>
          %parallel_loop3A_270 = arith.mulf %parallel_loop3A_213, %parallel_loop3A_185 : vector<16xf32>
          tpu.vector_store_idx %arg8[%parallel_loop3A_186, %parallel_loop3A_269], %parallel_loop3A_270 {add = true} : memref<320x256xf32, #tpu.memory_space<vmem>>[vector<16xi32>, vector<16xi32>], vector<16xf32>,
          %parallel_loop3A_271 = arith.constant 144 : i32
          %parallel_loop3A_272 = vector.broadcast %parallel_loop3A_271 : i32 to vector<16xi32>
          %parallel_loop3A_273 = arith.addi %parallel_loop3A_272, %iota3A : vector<16xi32>
          %parallel_loop3A_274 = arith.mulf %parallel_loop3A_216, %parallel_loop3A_185 : vector<16xf32>
          tpu.vector_store_idx %arg8[%parallel_loop3A_186, %parallel_loop3A_273], %parallel_loop3A_274 {add = true} : memref<320x256xf32, #tpu.memory_space<vmem>>[vector<16xi32>, vector<16xi32>], vector<16xf32>,
          %parallel_loop3A_275 = arith.constant 160 : i32
          %parallel_loop3A_276 = vector.broadcast %parallel_loop3A_275 : i32 to vector<16xi32>
          %parallel_loop3A_277 = arith.addi %parallel_loop3A_276, %iota3A : vector<16xi32>
          %parallel_loop3A_278 = arith.mulf %parallel_loop3A_219, %parallel_loop3A_185 : vector<16xf32>
          tpu.vector_store_idx %arg8[%parallel_loop3A_186, %parallel_loop3A_277], %parallel_loop3A_278 {add = true} : memref<320x256xf32, #tpu.memory_space<vmem>>[vector<16xi32>, vector<16xi32>], vector<16xf32>,
          %parallel_loop3A_279 = arith.constant 176 : i32
          %parallel_loop3A_280 = vector.broadcast %parallel_loop3A_279 : i32 to vector<16xi32>
          %parallel_loop3A_281 = arith.addi %parallel_loop3A_280, %iota3A : vector<16xi32>
          %parallel_loop3A_282 = arith.mulf %parallel_loop3A_222, %parallel_loop3A_185 : vector<16xf32>
          tpu.vector_store_idx %arg8[%parallel_loop3A_186, %parallel_loop3A_281], %parallel_loop3A_282 {add = true} : memref<320x256xf32, #tpu.memory_space<vmem>>[vector<16xi32>, vector<16xi32>], vector<16xf32>,
          %parallel_loop3A_283 = arith.constant 192 : i32
          %parallel_loop3A_284 = vector.broadcast %parallel_loop3A_283 : i32 to vector<16xi32>
          %parallel_loop3A_285 = arith.addi %parallel_loop3A_284, %iota3A : vector<16xi32>
          %parallel_loop3A_286 = arith.mulf %parallel_loop3A_225, %parallel_loop3A_185 : vector<16xf32>
          tpu.vector_store_idx %arg8[%parallel_loop3A_186, %parallel_loop3A_285], %parallel_loop3A_286 {add = true} : memref<320x256xf32, #tpu.memory_space<vmem>>[vector<16xi32>, vector<16xi32>], vector<16xf32>,
          %parallel_loop3A_287 = arith.constant 208 : i32
          %parallel_loop3A_288 = vector.broadcast %parallel_loop3A_287 : i32 to vector<16xi32>
          %parallel_loop3A_289 = arith.addi %parallel_loop3A_288, %iota3A : vector<16xi32>
          %parallel_loop3A_290 = arith.mulf %parallel_loop3A_228, %parallel_loop3A_185 : vector<16xf32>
          tpu.vector_store_idx %arg8[%parallel_loop3A_186, %parallel_loop3A_289], %parallel_loop3A_290 {add = true} : memref<320x256xf32, #tpu.memory_space<vmem>>[vector<16xi32>, vector<16xi32>], vector<16xf32>,
          %parallel_loop3A_291 = arith.constant 224 : i32
          %parallel_loop3A_292 = vector.broadcast %parallel_loop3A_291 : i32 to vector<16xi32>
          %parallel_loop3A_293 = arith.addi %parallel_loop3A_292, %iota3A : vector<16xi32>
          %parallel_loop3A_294 = arith.mulf %parallel_loop3A_231, %parallel_loop3A_185 : vector<16xf32>
          tpu.vector_store_idx %arg8[%parallel_loop3A_186, %parallel_loop3A_293], %parallel_loop3A_294 {add = true} : memref<320x256xf32, #tpu.memory_space<vmem>>[vector<16xi32>, vector<16xi32>], vector<16xf32>,
          %parallel_loop3A_295 = arith.constant 240 : i32
          %parallel_loop3A_296 = vector.broadcast %parallel_loop3A_295 : i32 to vector<16xi32>
          %parallel_loop3A_297 = arith.addi %parallel_loop3A_296, %iota3A : vector<16xi32>
          %parallel_loop3A_298 = arith.mulf %parallel_loop3A_234, %parallel_loop3A_185 : vector<16xf32>
          tpu.vector_store_idx %arg8[%parallel_loop3A_186, %parallel_loop3A_297], %parallel_loop3A_298 {add = true} : memref<320x256xf32, #tpu.memory_space<vmem>>[vector<16xi32>, vector<16xi32>], vector<16xf32>,
        } {sc.loop_unroll_factor = 2 : i64, sc.parallel_access}
      }
      %scan3A_125 = arith.constant 16 : i32
    }
    "tpu.region"() ({
      %run_scoped3A = tpu.sem_alloc : memref<!tpu.dma_semaphore, #tpu.memory_space<semaphore_mem>>
      %dma_start3A = arith.constant 0 : i32
      %dma_start3A_97 = tpu.memref_slice %arg7[%mul3A_2, %dma_start3A] : memref<10240x256xf32, #tpu.memory_space<hbm>> -> memref<320x256xf32, #tpu.memory_space<hbm>>
      %dma_start3A_98 = arith.constant 0 : i32
      %dma_start3A_99 = tpu.memref_slice %arg7[%mul3A_2, %dma_start3A_98] : memref<10240x256xf32, #tpu.memory_space<hbm>> -> memref<320x256xf32, #tpu.memory_space<hbm>>
      tpu.enqueue_dma source(%arg8 : memref<320x256xf32, #tpu.memory_space<vmem>>) target(%dma_start3A_99 : memref<320x256xf32, #tpu.memory_space<hbm>>) target_semaphore(%run_scoped3A : memref<!tpu.dma_semaphore, #tpu.memory_space<semaphore_mem>>)
      %dma_wait3A = arith.constant 0 : i32
      %dma_wait3A_100 = tpu.memref_slice %arg7[%mul3A_2, %dma_wait3A] : memref<10240x256xf32, #tpu.memory_space<hbm>> -> memref<320x256xf32, #tpu.memory_space<hbm>>
      %dma_wait3A_101 = arith.constant 0 : i32
      %dma_wait3A_102 = tpu.memref_slice %arg7[%mul3A_2, %dma_wait3A_101] : memref<10240x256xf32, #tpu.memory_space<hbm>> -> memref<320x256xf32, #tpu.memory_space<hbm>>
      tpu.wait_dma2 semaphore(%run_scoped3A : memref<!tpu.dma_semaphore, #tpu.memory_space<semaphore_mem>>) src(%arg8 : memref<320x256xf32, #tpu.memory_space<vmem>>) dst(%dma_wait3A_102 : memref<320x256xf32, #tpu.memory_space<hbm>>)
      tpu.yield
    }) : () -> ()
    return
  }
}

module attributes {stable_mosaic.version = 14 : i64} {
  func.func @_tc_final_body(%arg0: i32, %arg1: memref<1x1xf32, #tpu.memory_space<vmem>>, %arg2: memref<2000x256xf32, #tpu.memory_space<vmem>>, %arg3: memref<2000x256xf32, #tpu.memory_space<vmem>>, %arg4: memref<256x256xf32, #tpu.memory_space<vmem>>, %arg5: memref<1x256xf32, #tpu.memory_space<vmem>>, %arg6: memref<256x256xf32, #tpu.memory_space<vmem>>, %arg7: memref<1x256xf32, #tpu.memory_space<vmem>>, %arg8: memref<256x64xf32, #tpu.memory_space<vmem>>, %arg9: memref<1x64xf32, #tpu.memory_space<vmem>>, %arg10: memref<2000x64xf32, #tpu.memory_space<vmem>>) attributes {dimension_semantics = [#tpu.dimension_semantics<arbitrary>], iteration_bounds = array<i64: 5>, scalar_prefetch = 0 : i64, scratch_operands = 0 : i64, tpu.core_type = #tpu.core_type<tc>, window_params = [{pipeline_mode = #tpu.pipeline_mode<synchronous>, transform_indices = @transform_0, window_bounds = array<i64: 1, 1>}, {transform_indices = @transform_1, window_bounds = array<i64: 2000, 256>}, {transform_indices = @transform_2, window_bounds = array<i64: 2000, 256>}, {pipeline_mode = #tpu.pipeline_mode<synchronous>, transform_indices = @transform_3, window_bounds = array<i64: 256, 256>}, {pipeline_mode = #tpu.pipeline_mode<synchronous>, transform_indices = @transform_4, window_bounds = array<i64: 1, 256>}, {pipeline_mode = #tpu.pipeline_mode<synchronous>, transform_indices = @transform_5, window_bounds = array<i64: 256, 256>}, {pipeline_mode = #tpu.pipeline_mode<synchronous>, transform_indices = @transform_6, window_bounds = array<i64: 1, 256>}, {pipeline_mode = #tpu.pipeline_mode<synchronous>, transform_indices = @transform_7, window_bounds = array<i64: 256, 64>}, {pipeline_mode = #tpu.pipeline_mode<synchronous>, transform_indices = @transform_8, window_bounds = array<i64: 1, 64>}, {transform_indices = @transform_9, window_bounds = array<i64: 2000, 64>}]} {
    %get3A = arith.constant 0 : index
    %get3A_0 = arith.constant 0 : index
    %get3A_1 = vector.load %arg2[%get3A, %get3A_0] : memref<2000x256xf32, #tpu.memory_space<vmem>>, vector<2000x256xf32>
    %get3A_2 = arith.constant 0 : index
    %get3A_3 = arith.constant 0 : index
    %get3A_4 = vector.load %arg4[%get3A_2, %get3A_3] : memref<256x256xf32, #tpu.memory_space<vmem>>, vector<256x256xf32>
    %dot_general3A = arith.constant dense<0.000000e+00> : vector<2000x256xf32>
    %dot_general3A_5 = tpu.matmul %get3A_1, %get3A_4, %dot_general3A {dimension_numbers = #tpu.dot_dimension_numbers<[1], [0], [0], [1], [0, 0, 1, 1], [], []>, transpose_lhs_hint = false} : vector<2000x256xf32>, vector<256x256xf32>, vector<2000x256xf32> -> vector<2000x256xf32>
    %get3A_6 = arith.constant 0 : index
    %get3A_7 = arith.constant 0 : index
    %get3A_8 = vector.load %arg5[%get3A_6, %get3A_7] : memref<1x256xf32, #tpu.memory_space<vmem>>, vector<1x256xf32>
    %add3A = vector.broadcast %get3A_8 : vector<1x256xf32> to vector<2000x256xf32>
    %add3A_9 = arith.addf %dot_general3A_5, %add3A : vector<2000x256xf32>
    %max3A = arith.constant 0.000000e+00 : f32
    %max3A_10 = vector.broadcast %max3A : f32 to vector<2000x256xf32>
    %max3A_11 = arith.maximumf %add3A_9, %max3A_10 : vector<2000x256xf32>
    %get3A_12 = arith.constant 0 : index
    %get3A_13 = arith.constant 0 : index
    %get3A_14 = vector.load %arg3[%get3A_12, %get3A_13] : memref<2000x256xf32, #tpu.memory_space<vmem>>, vector<2000x256xf32>
    %get3A_15 = arith.constant 0 : index
    %get3A_16 = arith.constant 0 : index
    %get3A_17 = vector.load %arg6[%get3A_15, %get3A_16] : memref<256x256xf32, #tpu.memory_space<vmem>>, vector<256x256xf32>
    %dot_general3A_18 = arith.constant dense<0.000000e+00> : vector<2000x256xf32>
    %dot_general3A_19 = tpu.matmul %get3A_14, %get3A_17, %dot_general3A_18 {dimension_numbers = #tpu.dot_dimension_numbers<[1], [0], [0], [1], [0, 0, 1, 1], [], []>, transpose_lhs_hint = false} : vector<2000x256xf32>, vector<256x256xf32>, vector<2000x256xf32> -> vector<2000x256xf32>
    %get3A_20 = arith.constant 0 : index
    %get3A_21 = arith.constant 0 : index
    %get3A_22 = vector.load %arg7[%get3A_20, %get3A_21] : memref<1x256xf32, #tpu.memory_space<vmem>>, vector<1x256xf32>
    %add3A_23 = vector.broadcast %get3A_22 : vector<1x256xf32> to vector<2000x256xf32>
    %add3A_24 = arith.addf %dot_general3A_19, %add3A_23 : vector<2000x256xf32>
    %max3A_25 = arith.constant 0.000000e+00 : f32
    %max3A_26 = vector.broadcast %max3A_25 : f32 to vector<2000x256xf32>
    %max3A_27 = arith.maximumf %add3A_24, %max3A_26 : vector<2000x256xf32>
    %get3A_28 = arith.constant 0 : index
    %get3A_29 = arith.constant 0 : index
    %get3A_30 = vector.load %arg1[%get3A_28, %get3A_29] : memref<1x1xf32, #tpu.memory_space<vmem>>, vector<1x1xf32>
    %get3A_31 = vector.extract %get3A_30[0, 0] : f32 from vector<1x1xf32>
    %logistic3A = arith.negf %get3A_31 : f32
    %logistic3A_32 = math.exp %logistic3A : f32
    %logistic3A_33 = arith.constant 1.000000e+00 : f32
    %logistic3A_34 = arith.addf %logistic3A_33, %logistic3A_32 : f32
    %logistic3A_35 = arith.divf %logistic3A_33, %logistic3A_34 : f32
    %mul3A = vector.broadcast %logistic3A_35 : f32 to vector<2000x256xf32>
    %mul3A_36 = arith.mulf %mul3A, %max3A_11 : vector<2000x256xf32>
    %sub3A = arith.constant 1.000000e+00 : f32
    %sub3A_37 = arith.subf %sub3A, %logistic3A_35 : f32
    %mul3A_38 = vector.broadcast %sub3A_37 : f32 to vector<2000x256xf32>
    %mul3A_39 = arith.mulf %mul3A_38, %max3A_27 : vector<2000x256xf32>
    %add3A_40 = arith.addf %mul3A_36, %mul3A_39 : vector<2000x256xf32>
    %get3A_41 = arith.constant 0 : index
    %get3A_42 = arith.constant 0 : index
    %get3A_43 = vector.load %arg8[%get3A_41, %get3A_42] : memref<256x64xf32, #tpu.memory_space<vmem>>, vector<256x64xf32>
    %dot_general3A_44 = arith.constant dense<0.000000e+00> : vector<2000x64xf32>
    %dot_general3A_45 = tpu.matmul %add3A_40, %get3A_43, %dot_general3A_44 {dimension_numbers = #tpu.dot_dimension_numbers<[1], [0], [0], [1], [0, 0, 1, 1], [], []>, transpose_lhs_hint = false} : vector<2000x256xf32>, vector<256x64xf32>, vector<2000x64xf32> -> vector<2000x64xf32>
    %get3A_46 = arith.constant 0 : index
    %get3A_47 = arith.constant 0 : index
    %get3A_48 = vector.load %arg9[%get3A_46, %get3A_47] : memref<1x64xf32, #tpu.memory_space<vmem>>, vector<1x64xf32>
    %add3A_49 = vector.broadcast %get3A_48 : vector<1x64xf32> to vector<2000x64xf32>
    %add3A_50 = arith.addf %dot_general3A_45, %add3A_49 : vector<2000x64xf32>
    %reduce_max3A = arith.constant dense<0xFF800000> : vector<2000xf32>
    %reduce_max3A_51 = vector.multi_reduction <maximumf>, %add3A_50, %reduce_max3A [1] : vector<2000x64xf32> to vector<2000xf32>
    %broadcast_in_dim3A = vector.shape_cast %reduce_max3A_51 : vector<2000xf32> to vector<2000x1xf32>
    %sub3A_52 = vector.broadcast %broadcast_in_dim3A : vector<2000x1xf32> to vector<2000x64xf32>
    %sub3A_53 = arith.subf %add3A_50, %sub3A_52 : vector<2000x64xf32>
    %exp3A = math.exp %sub3A_53 : vector<2000x64xf32>
    %reduce_sum3A = arith.constant dense<0.000000e+00> : vector<2000xf32>
    %reduce_sum3A_54 = vector.multi_reduction <add>, %exp3A, %reduce_sum3A [1] : vector<2000x64xf32> to vector<2000xf32>
    %broadcast_in_dim3A_55 = vector.shape_cast %reduce_sum3A_54 : vector<2000xf32> to vector<2000x1xf32>
    %log3A = math.log %broadcast_in_dim3A_55 : vector<2000x1xf32>
    %add3A_56 = arith.addf %log3A, %broadcast_in_dim3A : vector<2000x1xf32>
    %sub3A_57 = vector.broadcast %add3A_56 : vector<2000x1xf32> to vector<2000x64xf32>
    %sub3A_58 = arith.subf %add3A_50, %sub3A_57 : vector<2000x64xf32>
    %swap3A = arith.constant 0 : index
    %swap3A_59 = arith.constant 0 : index
    %swap3A_60 = vector.load %arg10[%swap3A, %swap3A_59] : memref<2000x64xf32, #tpu.memory_space<vmem>>, vector<2000x64xf32>
    tpu.vector_store %arg10[%swap3A, %swap3A_59], %sub3A_58 {strides = array<i32>} : memref<2000x64xf32, #tpu.memory_space<vmem>>, vector<2000x64xf32>,
    return
  }
  func.func @transform_0(%arg0: i32) -> (i32, i32) {
    %c0_i32 = arith.constant 0 : i32
    %c0_i32_0 = arith.constant 0 : i32
    %c0_i32_1 = arith.constant 0 : i32
    return %c0_i32, %c0_i32_0 : i32, i32
  }
  func.func @transform_1(%arg0: i32) -> (i32, i32) {
    %c0_i32 = arith.constant 0 : i32
    %c0_i32_0 = arith.constant 0 : i32
    return %arg0, %c0_i32 : i32, i32
  }
  func.func @transform_2(%arg0: i32) -> (i32, i32) {
    %c0_i32 = arith.constant 0 : i32
    %c0_i32_0 = arith.constant 0 : i32
    return %arg0, %c0_i32 : i32, i32
  }
  func.func @transform_3(%arg0: i32) -> (i32, i32) {
    %c0_i32 = arith.constant 0 : i32
    %c0_i32_0 = arith.constant 0 : i32
    %c0_i32_1 = arith.constant 0 : i32
    return %c0_i32, %c0_i32_0 : i32, i32
  }
  func.func @transform_4(%arg0: i32) -> (i32, i32) {
    %c0_i32 = arith.constant 0 : i32
    %c0_i32_0 = arith.constant 0 : i32
    %c0_i32_1 = arith.constant 0 : i32
    return %c0_i32, %c0_i32_0 : i32, i32
  }
  func.func @transform_5(%arg0: i32) -> (i32, i32) {
    %c0_i32 = arith.constant 0 : i32
    %c0_i32_0 = arith.constant 0 : i32
    %c0_i32_1 = arith.constant 0 : i32
    return %c0_i32, %c0_i32_0 : i32, i32
  }
  func.func @transform_6(%arg0: i32) -> (i32, i32) {
    %c0_i32 = arith.constant 0 : i32
    %c0_i32_0 = arith.constant 0 : i32
    %c0_i32_1 = arith.constant 0 : i32
    return %c0_i32, %c0_i32_0 : i32, i32
  }
  func.func @transform_7(%arg0: i32) -> (i32, i32) {
    %c0_i32 = arith.constant 0 : i32
    %c0_i32_0 = arith.constant 0 : i32
    %c0_i32_1 = arith.constant 0 : i32
    return %c0_i32, %c0_i32_0 : i32, i32
  }
  func.func @transform_8(%arg0: i32) -> (i32, i32) {
    %c0_i32 = arith.constant 0 : i32
    %c0_i32_0 = arith.constant 0 : i32
    %c0_i32_1 = arith.constant 0 : i32
    return %c0_i32, %c0_i32_0 : i32, i32
  }
  func.func @transform_9(%arg0: i32) -> (i32, i32) {
    %c0_i32 = arith.constant 0 : i32
    %c0_i32_0 = arith.constant 0 : i32
    return %arg0, %c0_i32 : i32, i32
  }
}

module attributes {stable_mosaic.version = 14 : i64} {
  func.func @_tc_layer_body(%arg0: i32, %arg1: memref<1x1xf32, #tpu.memory_space<vmem>>, %arg2: memref<2000x256xf32, #tpu.memory_space<vmem>>, %arg3: memref<2000x256xf32, #tpu.memory_space<vmem>>, %arg4: memref<256x256xf32, #tpu.memory_space<vmem>>, %arg5: memref<1x256xf32, #tpu.memory_space<vmem>>, %arg6: memref<256x256xf32, #tpu.memory_space<vmem>>, %arg7: memref<1x256xf32, #tpu.memory_space<vmem>>, %arg8: memref<2000x256xf32, #tpu.memory_space<vmem>>) attributes {dimension_semantics = [#tpu.dimension_semantics<arbitrary>], iteration_bounds = array<i64: 5>, scalar_prefetch = 0 : i64, scratch_operands = 0 : i64, tpu.core_type = #tpu.core_type<tc>, window_params = [{pipeline_mode = #tpu.pipeline_mode<synchronous>, transform_indices = @transform_0, window_bounds = array<i64: 1, 1>}, {transform_indices = @transform_1, window_bounds = array<i64: 2000, 256>}, {transform_indices = @transform_2, window_bounds = array<i64: 2000, 256>}, {pipeline_mode = #tpu.pipeline_mode<synchronous>, transform_indices = @transform_3, window_bounds = array<i64: 256, 256>}, {pipeline_mode = #tpu.pipeline_mode<synchronous>, transform_indices = @transform_4, window_bounds = array<i64: 1, 256>}, {pipeline_mode = #tpu.pipeline_mode<synchronous>, transform_indices = @transform_5, window_bounds = array<i64: 256, 256>}, {pipeline_mode = #tpu.pipeline_mode<synchronous>, transform_indices = @transform_6, window_bounds = array<i64: 1, 256>}, {transform_indices = @transform_7, window_bounds = array<i64: 2000, 256>}]} {
    %get3A = arith.constant 0 : index
    %get3A_0 = arith.constant 0 : index
    %get3A_1 = vector.load %arg2[%get3A, %get3A_0] : memref<2000x256xf32, #tpu.memory_space<vmem>>, vector<2000x256xf32>
    %get3A_2 = arith.constant 0 : index
    %get3A_3 = arith.constant 0 : index
    %get3A_4 = vector.load %arg4[%get3A_2, %get3A_3] : memref<256x256xf32, #tpu.memory_space<vmem>>, vector<256x256xf32>
    %dot_general3A = arith.constant dense<0.000000e+00> : vector<2000x256xf32>
    %dot_general3A_5 = tpu.matmul %get3A_1, %get3A_4, %dot_general3A {dimension_numbers = #tpu.dot_dimension_numbers<[1], [0], [0], [1], [0, 0, 1, 1], [], []>, transpose_lhs_hint = false} : vector<2000x256xf32>, vector<256x256xf32>, vector<2000x256xf32> -> vector<2000x256xf32>
    %get3A_6 = arith.constant 0 : index
    %get3A_7 = arith.constant 0 : index
    %get3A_8 = vector.load %arg5[%get3A_6, %get3A_7] : memref<1x256xf32, #tpu.memory_space<vmem>>, vector<1x256xf32>
    %add3A = vector.broadcast %get3A_8 : vector<1x256xf32> to vector<2000x256xf32>
    %add3A_9 = arith.addf %dot_general3A_5, %add3A : vector<2000x256xf32>
    %max3A = arith.constant 0.000000e+00 : f32
    %max3A_10 = vector.broadcast %max3A : f32 to vector<2000x256xf32>
    %max3A_11 = arith.maximumf %add3A_9, %max3A_10 : vector<2000x256xf32>
    %get3A_12 = arith.constant 0 : index
    %get3A_13 = arith.constant 0 : index
    %get3A_14 = vector.load %arg3[%get3A_12, %get3A_13] : memref<2000x256xf32, #tpu.memory_space<vmem>>, vector<2000x256xf32>
    %get3A_15 = arith.constant 0 : index
    %get3A_16 = arith.constant 0 : index
    %get3A_17 = vector.load %arg6[%get3A_15, %get3A_16] : memref<256x256xf32, #tpu.memory_space<vmem>>, vector<256x256xf32>
    %dot_general3A_18 = arith.constant dense<0.000000e+00> : vector<2000x256xf32>
    %dot_general3A_19 = tpu.matmul %get3A_14, %get3A_17, %dot_general3A_18 {dimension_numbers = #tpu.dot_dimension_numbers<[1], [0], [0], [1], [0, 0, 1, 1], [], []>, transpose_lhs_hint = false} : vector<2000x256xf32>, vector<256x256xf32>, vector<2000x256xf32> -> vector<2000x256xf32>
    %get3A_20 = arith.constant 0 : index
    %get3A_21 = arith.constant 0 : index
    %get3A_22 = vector.load %arg7[%get3A_20, %get3A_21] : memref<1x256xf32, #tpu.memory_space<vmem>>, vector<1x256xf32>
    %add3A_23 = vector.broadcast %get3A_22 : vector<1x256xf32> to vector<2000x256xf32>
    %add3A_24 = arith.addf %dot_general3A_19, %add3A_23 : vector<2000x256xf32>
    %max3A_25 = arith.constant 0.000000e+00 : f32
    %max3A_26 = vector.broadcast %max3A_25 : f32 to vector<2000x256xf32>
    %max3A_27 = arith.maximumf %add3A_24, %max3A_26 : vector<2000x256xf32>
    %get3A_28 = arith.constant 0 : index
    %get3A_29 = arith.constant 0 : index
    %get3A_30 = vector.load %arg1[%get3A_28, %get3A_29] : memref<1x1xf32, #tpu.memory_space<vmem>>, vector<1x1xf32>
    %get3A_31 = vector.extract %get3A_30[0, 0] : f32 from vector<1x1xf32>
    %logistic3A = arith.negf %get3A_31 : f32
    %logistic3A_32 = math.exp %logistic3A : f32
    %logistic3A_33 = arith.constant 1.000000e+00 : f32
    %logistic3A_34 = arith.addf %logistic3A_33, %logistic3A_32 : f32
    %logistic3A_35 = arith.divf %logistic3A_33, %logistic3A_34 : f32
    %mul3A = vector.broadcast %logistic3A_35 : f32 to vector<2000x256xf32>
    %mul3A_36 = arith.mulf %mul3A, %max3A_11 : vector<2000x256xf32>
    %sub3A = arith.constant 1.000000e+00 : f32
    %sub3A_37 = arith.subf %sub3A, %logistic3A_35 : f32
    %mul3A_38 = vector.broadcast %sub3A_37 : f32 to vector<2000x256xf32>
    %mul3A_39 = arith.mulf %mul3A_38, %max3A_27 : vector<2000x256xf32>
    %add3A_40 = arith.addf %mul3A_36, %mul3A_39 : vector<2000x256xf32>
    %swap3A = arith.constant 0 : index
    %swap3A_41 = arith.constant 0 : index
    %swap3A_42 = vector.load %arg8[%swap3A, %swap3A_41] : memref<2000x256xf32, #tpu.memory_space<vmem>>, vector<2000x256xf32>
    tpu.vector_store %arg8[%swap3A, %swap3A_41], %add3A_40 {strides = array<i32>} : memref<2000x256xf32, #tpu.memory_space<vmem>>, vector<2000x256xf32>,
    return
  }
  func.func @transform_0(%arg0: i32) -> (i32, i32) {
    %c0_i32 = arith.constant 0 : i32
    %c0_i32_0 = arith.constant 0 : i32
    %c0_i32_1 = arith.constant 0 : i32
    return %c0_i32, %c0_i32_0 : i32, i32
  }
  func.func @transform_1(%arg0: i32) -> (i32, i32) {
    %c0_i32 = arith.constant 0 : i32
    %c0_i32_0 = arith.constant 0 : i32
    return %arg0, %c0_i32 : i32, i32
  }
  func.func @transform_2(%arg0: i32) -> (i32, i32) {
    %c0_i32 = arith.constant 0 : i32
    %c0_i32_0 = arith.constant 0 : i32
    return %arg0, %c0_i32 : i32, i32
  }
  func.func @transform_3(%arg0: i32) -> (i32, i32) {
    %c0_i32 = arith.constant 0 : i32
    %c0_i32_0 = arith.constant 0 : i32
    %c0_i32_1 = arith.constant 0 : i32
    return %c0_i32, %c0_i32_0 : i32, i32
  }
  func.func @transform_4(%arg0: i32) -> (i32, i32) {
    %c0_i32 = arith.constant 0 : i32
    %c0_i32_0 = arith.constant 0 : i32
    %c0_i32_1 = arith.constant 0 : i32
    return %c0_i32, %c0_i32_0 : i32, i32
  }
  func.func @transform_5(%arg0: i32) -> (i32, i32) {
    %c0_i32 = arith.constant 0 : i32
    %c0_i32_0 = arith.constant 0 : i32
    %c0_i32_1 = arith.constant 0 : i32
    return %c0_i32, %c0_i32_0 : i32, i32
  }
  func.func @transform_6(%arg0: i32) -> (i32, i32) {
    %c0_i32 = arith.constant 0 : i32
    %c0_i32_0 = arith.constant 0 : i32
    %c0_i32_1 = arith.constant 0 : i32
    return %c0_i32, %c0_i32_0 : i32, i32
  }
  func.func @transform_7(%arg0: i32) -> (i32, i32) {
    %c0_i32 = arith.constant 0 : i32
    %c0_i32_0 = arith.constant 0 : i32
    return %arg0, %c0_i32 : i32, i32
  }
}

</mosaic_0001>

<sc_bundles>
// kernel: kernel.6.cloned.1.call-start
scs
__scs_entry_jumppad:
0x0: {  	(pc) =	sbr.rel $0x88, $3  }
0x1: {  	(tag) =	ssettag $0x0;
	lr =	simm.s32 $0x1  }
0x2: {  	[smem:$0x3F91] =	sst lr;
	_ =	strace $0xD0000000  }
0x3: {  	_ = 	snop  }
0x4: {  	_ = 	snop  }
0x5: {  	_ = 	snop  }
0x6: {  	_ = 	snop  }
0x7: {  	_ = 	snop  }
__scs_overlays_trampoline_lowered:
0x8: {  	[smem:$0x3FA0] =	sst s0  }
0x9: {  	[smem:$0x3FA1] =	sst s1  }
0xa: {  	[smem:$0x3FA2] =	sst s2  }
0xb: {  	[smem:$0x3FA3] =	sst s3  }
0xc: {  	[smem:$0x3FA4] =	sst s4  }
0xd: {  	[smem:$0x3FA5] =	sst s5  }
0xe: {  	[smem:$0x3FA6] =	sst s6  }
0xf: {  	[smem:$0x3FA7] =	sst s7  }
0x10: {  	[smem:$0x3FA8] =	sst s8  }
0x11: {  	[smem:$0x3FA9] =	sst s9;
	s0 =	simm.s32 @!p0 $0x0  }
0x12: {  	s1 =	sld [smem:$0x3F8F];
	s0 =	simm.s32 @p0 $0x1  }
0x13: {  	[smem:$0x3FAA] =	sst s0;
	s0 =	simm.s32 @!p1 $0x0  }
0x14: {  	s2 =	sld [smem:$0x3F8E];
	s0 =	simm.s32 @p1 $0x1  }
0x15: {  	[smem:$0x3FAB] =	sst s0;
	s0 =	simm.s32 @!p2 $0x0  }
0x16: {  	s3 =	sld [smem:$0x3FDB];
	s0 =	simm.s32 @p2 $0x1  }
0x17: {  	s4 =	simm.s32 $0x1BF5;
	[smem:$0x3FAD] =	sst s0  }
0x18: {  	s0 =	sld [smem:$0x3F90];
	_ =	swait.ge [sflag:s4], $0x0  }
0x19: {  	s7 =	sld [smem:$0x3F91]  }
0x1a: {  	s8 =	sadd.s32 $0xFFFFE003, lr  }
0x1b: {  	s9 =	sadd.s32 $0xFFFFFEF7, lr;
	s5 =	simm.s32 $0xFFFFFFFF;
	p2 =	slt.u32 s8, $0xFFFFF086  }
0x1c: {  	p1 =	slt.u32 s9, $0xF7A;
	s5 =	simm.s32 @!p2 $0x0  }
0x1d: {  	s5 =	simm.s32 @p1 $0x1;
	p0 =	seq.s32 s7, s2  }
0x1e: {  	s7 =	smul.u32 @!p0 $0xF7A, s2;
	p2 =	seq.s32 @!p0 s5, $0x0  }
0x1f: {  	s9 =	smul.u32 $0xF7A, s1;
	s8 =	simm.s32 @!p0 $0x1BF5;
	p2 =	por !p2, p0  }
0x20: {  	[sflag:s8] =	ssyncset.s32 @!p0 $0xFFFFF086;
	s6 =	sadd.s32 @!p0 s3, s7;
	s7 =	simm.s32 @!p0 $0x108  }
0x21: {  	s3 =	sadd.s32 s3, s9;
	s6 =	sadd.s32 @!p0 $0x88, s6;
	s7 =	simm.s32 @p2 $0x1082  }
0x22: {  	[simem:s7], [sflag:s8] =	dma.local @!p0 [hbm:s6], $0xF7A  }
0x23: {  	s9 =	sor.u32 $0xD0000000, s2;
	s6 =	simm.s32 $0x108;
	_ =	swait.ge @!p0 [sflag:s8], $0x0  }
0x24: {  	s3 =	sadd.s32 $0x88, s3;
	s6 =	simm.s32 @!p1 $0x1082;
	[sflag:s4] =	ssyncset.s32 $0xFFFFF086  }
0x25: {  	[simem:s6], [sflag:s4] =	dma.local [hbm:s3], $0xF7A  }
0x26: {  	[smem:$0x3F91] =	sst s1;
	(tag) =	ssettag s2;
	_ =	strace s9  }
0x27: {  	s1 =	sld [smem:$0x3FA1]  }
0x28: {  	s2 =	sld [smem:$0x3FA2]  }
0x29: {  	s4 =	sld [smem:$0x3FA4]  }
0x2a: {  	p0 =	seq.s32 s5, $0x0;
	s5 =	sld [smem:$0x3FA5]  }
0x2b: {  	s6 =	sld [smem:$0x3FA6]  }
0x2c: {  	s7 =	sld [smem:$0x3FA7]  }
0x2d: {  	s3 =	simm.s32 $0x108;
	s8 =	sld [smem:$0x3FA8]  }
0x2e: {  	s3 =	simm.s32 @!p0 $0x1082;
	s9 =	sld [smem:$0x3FA9]  }
0x2f: {  	lr =	sadd.s32 s0, s3;
	s0 =	sld [smem:$0x3FA0]  }
0x30: {  	s3 =	sld [smem:$0x3FA3]  }
0x31: {  	[smem:$0x3FAC] =	sst s10  }
0x32: {  	s10 =	sld [smem:$0x3FAA];
	_ =	sdelay $0x3  }
0x33: {  	p0 =	seq.s32 s10, $0x1;
	s10 =	sld [smem:$0x3FAC];
	_ =	sdelay $0x3  }
0x34: {  	[smem:$0x3FAC] =	sst s10  }
0x35: {  	s10 =	sld [smem:$0x3FAB];
	_ =	sdelay $0x3  }
0x36: {  	p1 =	seq.s32 s10, $0x1;
	s10 =	sld [smem:$0x3FAC];
	_ =	sdelay $0x3  }
0x37: {  	[smem:$0x3FAC] =	sst s10  }
0x38: {  	s10 =	sld [smem:$0x3FAD]  }
0x39: {  	_ = 	snop;
	(pc) =	sbr.ind lr, $3  }
0x3a: {  	_ = 	snop  }
0x3b: {  	_ = 	snop  }
0x3c: {  	p2 =	seq.s32 s10, $0x1;
	s10 =	sld [smem:$0x3FAC]  }
0x3d: {  	_ =	shalt  }
0x3e: {  	_ =	shalt  }
0x3f: {  	_ =	shalt  }
0x40: {  	_ =	shalt  }
0x41: {  	_ =	shalt  }
0x42: {  	_ =	shalt  }
0x43: {  	_ =	shalt  }
0x44: {  	_ =	shalt  }
0x45: {  	_ =	shalt  }
0x46: {  	_ =	shalt  }
0x47: {  	_ =	shalt  }
0x48: {  	_ =	shalt  }
0x49: {  	_ =	shalt  }
0x4a: {  	_ =	shalt  }
0x4b: {  	_ =	shalt  }
0x4c: {  	_ =	shalt  }
0x4d: {  	_ =	shalt  }
0x4e: {  	_ =	shalt  }
0x4f: {  	_ =	shalt  }
0x50: {  	_ =	shalt  }
0x51: {  	_ =	shalt  }
0x52: {  	_ =	shalt  }
0x53: {  	_ =	shalt  }
0x54: {  	_ =	shalt  }
0x55: {  	_ =	shalt  }
0x56: {  	_ =	shalt  }
0x57: {  	_ =	shalt  }
0x58: {  	_ =	shalt  }
0x59: {  	_ =	shalt  }
0x5a: {  	_ =	shalt  }
0x5b: {  	_ =	shalt  }
0x5c: {  	_ =	shalt  }
0x5d: {  	_ =	shalt  }
0x5e: {  	_ =	shalt  }
0x5f: {  	_ =	shalt  }
0x60: {  	_ =	shalt  }
0x61: {  	_ =	shalt  }
0x62: {  	_ =	shalt  }
0x63: {  	_ =	shalt  }
0x64: {  	_ =	shalt  }
0x65: {  	_ =	shalt  }
0x66: {  	_ =	shalt  }
0x67: {  	_ =	shalt  }
0x68: {  	_ =	shalt  }
0x69: {  	_ =	shalt  }
0x6a: {  	_ =	shalt  }
0x6b: {  	_ =	shalt  }
0x6c: {  	_ =	shalt  }
0x6d: {  	_ =	shalt  }
0x6e: {  	_ =	shalt  }
0x6f: {  	_ =	shalt  }
0x70: {  	_ =	shalt  }
0x71: {  	_ =	shalt  }
0x72: {  	_ =	shalt  }
0x73: {  	_ =	shalt  }
0x74: {  	_ =	shalt  }
0x75: {  	_ =	shalt  }
0x76: {  	_ =	shalt  }
0x77: {  	_ =	shalt  }
0x78: {  	_ =	shalt  }
0x79: {  	_ =	shalt  }
0x7a: {  	_ =	shalt  }
0x7b: {  	_ =	shalt  }
0x7c: {  	_ =	shalt  }
0x7d: {  	_ =	shalt  }
0x7e: {  	_ =	shalt  }
0x7f: {  	_ =	shalt  }
0x80: {  	_ =	shalt  }
0x81: {  	_ =	shalt  }
0x82: {  	_ =	shalt  }
0x83: {  	_ =	shalt  }
0x84: {  	_ =	shalt  }
0x85: {  	_ =	shalt  }
0x86: {  	_ =	shalt  }
0x87: {  	_ =	shalt  }
.Lfunc_end0:
.L_simem_size_0:
called_computation_lowered:
.L_overlay_start_0:
0x88: {  	s2 =	sld [smem:$0x3FD9]  }
0x89: {  	s3 =	sld [smem:$0x3FFE];
	_ =	sdelay $0x1  }
0x8a: {  	s1 =	srdreg.scid  }
0x8b: {  	s0 =	sand.u32 $0x1, s1  }
0x8c: {  	s17 =	sshll.u32 s0, $0xA;
	s2 =	sadd.s32 s3, s2  }
0x8d: {  	s2 =	sadd.s32 s2, s17  }
0x8e: {  	[smem:$0x3FB8] =	sst s2  }
0x8f: {  	_ = 	snop  }
0x90: {  	s2 =	sld [smem:$0x3FC9];
	(tm) =	ssettm $0x1  }
0x91: {  	s18 =	sld [smem:$0x3FFB];
	_ =	sdelay $0x3  }
0x92: {  	_ =	strace s18  }
0x93: {  	s3 =	sld [smem:$0x3FFC];
	_ =	sdelay $0x3  }
0x94: {  	_ =	strace s3  }
0x95: {  	s3 =	sld [smem:$0x3FFD];
	_ =	sdelay $0x3  }
0x96: {  	_ =	strace s3  }
0x97: {  	_ =	strace $0x8FFFFFFF  }
0x98: {  	s19 =	sld [smem:$0x3FDB];
	_ =	sdelay $0x1  }
0x99: {  	s4 =	simm.s32 $_scs_section_size  }
0x9a: {  	s5 =	simm.s32 $_size__tile_overlayer_lowered;
	s6 =	simm.s32 $_tile_overlayer_lowered  }
0x9b: {  	s22 =	simm.s32 $0x1BFF;
	s21 =	sshll.u32 s6, $0x1;
	s3 =	sadd.s32 s4, s19  }
0x9c: {  	s7 =	simm.s32 $0x0;
	s20 =	sshll.u32 s5, $0x1;
	s5 =	sadd.s32 s21, s3  }
0x9d: {  	[timem:s7], [sflag:s22] =	dma.local [hbm:s5], s20  }
0x9e: {  	_ =	swait.ge [sflag:s22], s20  }
0x9f: {  	s4 =	ssub.s32 $0x0, s20;
	[sflag:s22] =	ssyncset.done $0x0  }
0xa0: {  	[sflag:s22] =	ssyncadd.s32 s4;
	_ =	sdelay $0x1  }
0xa1: {  	s23 =	simm.s32 $0x1B8B  }
0xa2: {  	_ =	swait.ge [sflag:s23], $0x1  }
0xa3: {  	[sflag:s23] =	ssyncset.done $0x0  }
0xa4: {  	s25 =	simm.s32 $0x1B8E;
	s24 =	sld [smem:$0x3FFE];
	[sflag:s23] =	ssyncadd.s32 $0xFFFFFFFF  }
0xa5: {  	s26 =	simm.s32 $execute0_lowered;
	[smem:$0x3FD2] =	sst s25  }
0xa6: {  	s5 =	sshll.u32 s26, $0x1;
	_ =	strace $0x80000046;
	[dreg:$0x1] =	wrdreg $0xFFFFFFFF  }
0xa7: {  	s28 =	simm.s32 $_size_execute0_lowered;
	s3 =	sadd.s32 s3, s5;
	[dreg:$0x0] =	wrdreg $0x0  }
0xa8: {  	s5 =	sshll.u32 s28, $0x1;
	[dreg:$0x2] =	wrdreg s3  }
0xa9: {  	[dreg:$0x3] =	wrdreg s5  }
0xaa: {  	[dreg:$0x4] =	wrdreg $0xC0  }
0xab: {  	_ =	task [dreg:s7], $0x5FFFF  }
0xac: {  	[dreg:$0x1] =	wrdreg $0xFFFFFFFF  }
0xad: {  	[dreg:$0x0] =	wrdreg $0x60  }
0xae: {  	[dreg:$0x2] =	wrdreg s2  }
0xaf: {  	[dreg:$0x3] =	wrdreg s24  }
0xb0: {  	[dreg:$0x4] =	wrdreg $0x9  }
0xb1: {  	_ =	task.clear_ibuf [dreg:s7], $0x5FFFF;
	_ =	strace $0x90000046  }
0xb2: {  	s29 =	simm.s32 $0x9;
	_ =	strace $0x80000048  }
0xb3: {  	_ =	swait.ge [sflag:s29], $0x1  }
0xb4: {  	[sflag:s29] =	ssyncadd.s32 $0xFFFFFFFF  }
0xb5: {  	_ =	strace $0x90000048  }
0xb6: {  	_ =	sfence  }
0xb7: {  	s30 =	sld [smem:$0x0];
	_ =	sdelay $0x2  }
0xb8: {  	s31 =	sshll.u32 s1, $0xD;
	s1 =	sshrl.u32 s1, $0x2  }
0xb9: {  	s3 =	sand.u32 $0x4000, s31;
	s1 =	sadd.s32 s1, s30  }
0xba: {  	s0 =	sor.u32 s3, s0;
	s1 =	sshll.u32 s1, $0x11  }
0xbb: {  	s0 =	sor.u32 s1, s0  }
0xbc: {  	s0 =	sadd.s32 $0x8F2B, s0  }
0xbd: {  	[sflag:s0] =	ssyncadd.remote.s32 $0x1  }
0xbe: {  	_ =	sfence.sel $0xFFFF  }
0xbf: {  	[dreg:$0x0] =	wrdreg $0xFFFFFFFF;
	(pc) =	sbr.abs _section_cstart, $3  }
0xc0: {  	[dreg:$0x1] =	wrdreg $0xFFFFFFFF  }
0xc1: {  	_ =	task.clear_ibuf [dreg:s7], $0x2FFFF;
	_ =	strace $0x9FFFFFFF  }
0xc2: {  	(tm) =	ssettm $0x7FFFFFFF  }
0xc3: {  	_ =	shalt  }
tec
execute0_lowered:
.L_overlay_start_1:
0x0: {  	(tag) =	ssettag $0x1  }
0x1: {  	s1 =	rddreg [dreg:$0x0]  }
0x2: {  	s0 =	rddreg [dreg:$0x1];
	s2 =	srdreg.scid;
	s3 =	simm.s32 $0x0  }
0x3: {  	s5 =	stileid.u32;
	s11 =	simm.s32 $0x4;
	s12 =	simm.s32 $0x1  }
0x4: {  	s14 =	simm.s32 $0x15800;
	s15 =	simm.s32 $0x17000;
	s24 =	simm.s32 $0x1C800  }
0x5: {  	s28 =	simm.s32 $0x1E000;
	s29 =	simm.s32 $0x2;
	s2 =	sand.u32 $0x1, s2  }
0x6: {  	v2 =	vlaneseq.u32;
	v3 =	vimm.f32 $0.0e+00;
	vm0 =	vmmov $0xffff;
	s30 =	simm.s32 $0x3;
	[smem:$0x7FF] =	sst s3;
	s4 =	sshll.u32 s2, $0x4  }
0x7: {  	s6 =	sadd.s32 $0x2B400, s0;
	v4 =	vand.u32 $0x7, v2;
	v5 =	vshrl.u32 v2, $0x3;
	v6 =	vor.u32 $0x8, v2;
	s2 =	ssub.s32 $0x2, s2;
	s7 =	sor.u32 s5, s4  }
0x8: {  	v7 =	vor.u32 $0x10, v2;
	v8 =	vor.u32 $0x20, v2;
	v9 =	vor.u32 $0x30, v2;
	_ =	strace $0x80000047;
	s9 =	sshrl.u32 s2, $0x1;
	s8 =	smul.u32 $0x2800, s7  }
.Ltmp0:
0x9: {  	v10 =	vor.u32 $0x40, v2;
	v11 =	vor.u32 $0x50, v2;
	v12 =	vor.u32 $0x60, v2;
	s4 =	sadd.s32 $0x3400, s0;
	s2 =	ssub.s32 s2, s9;
	(pc) =	sbr.rel .LBB2_1-.Ltmp0, $4  }
0xa: {  	v13 =	vor.u32 $0x70, v2;
	v14 =	vor.u32 $0x400, v2;
	v15 =	vor.u32 $0x410, v2;
	s5 =	sadd.s32 $0x17400, s0;
	s25 =	sadd.s32 $0x1, s7;
	s31 =	smax.u32 s2, $0x1  }
0xb: {  	v16 =	vor.u32 $0x420, v2;
	v17 =	vor.u32 $0x430, v2;
	v18 =	vor.u32 $0x440, v2;
	s8 =	sadd.s32 s8, s0;
	s0 =	sadd.s32 $0x3F400, s0;
	[dreg:$0x5] =	wrdreg s31  }
0xc: {  	v19 =	vor.u32 $0x450, v2;
	v20 =	vor.u32 $0x460, v2;
	v1 =	vmov s25;
	s25 =	simm.s32 $0x1D000;
	[dreg:$0x3] =	wrdreg s0;
	s26 =	sadd.s32 $0x3F600, s8  }
0xd: {  	v21 =	vor.u32 $0x470, v2;
	v5 =	vmul.u32 $0x8, v5;
	v0 =	vmov s7;
	s2 =	simm.s32 $0x0;
	[dreg:$0x4] =	wrdreg s26;
	s26 =	simm.s32 $0x1D800  }
.LBB2_16:
0xe: {  	s0 =	rddreg [dreg:$0x4]  }
0xf: {  	[hbm4b:s0+s3] =	stream.linear.scatter [tilespmem:s3], [sflag:$0x4], $0x14000, $0x38;
	[tilespmem:$0x1E880] =	vst v63  }
0x10: {  	_ =	swait.ge [sflag:s11], $0x14000  }
0x11: {  	s2 =	rddreg [dreg:$0x6]  }
0x12: {  	s31 =	rddreg [dreg:$0x5];
	s2 =	sadd.s32 $0x1, s2  }
0x13: {  	p0 =	sne.s32 s2, s31  }
.Ltmp1:
0x14: {  	_ = 	snop;
	(pc) =	sbr.rel @!p0 .LBB2_17-.Ltmp1, $3  }
0x15: {  	_ =	sdelay $0x1  }
0x16: {  	[sflag:s11] =	ssyncset.done $0x0  }
0x17: {  	[sflag:s11] =	ssyncadd.s32 $0xFFFEC000  }
.LBB2_1:
0x18: {  	[dreg:$0x6] =	wrdreg s2  }
0x19: {  	s0 =	rddreg [dreg:$0x3];
	s7 =	simm.s32 $0x1E800  }
0x1a: {  	[tilespmem:s7], [sflag:$0x4] =	stream.linear.gather [hbm4b:s0+s3], $0x80, $0x38;
	[tilespmem:$0x1E880] =	vst v63  }
0x1b: {  	_ =	swait.ge [sflag:s11], $0x80  }
0x1c: {  	[sflag:s11] =	ssyncset.done $0x0  }
0x1d: {  	s22 =	sand.u32 $0x1F800, s3;
	s23 =	sand.u32 $0x380, s3;
	[sflag:s11] =	ssyncadd.s32 $0xFFFFFF80  }
0x1e: {  	s2 =	sor.u32 s23, s22;
	v22 =	vld.idx.msk [tilespmem:v0+s7+$0x0], $0xffff  }
0x1f: {  	v23 =	vld.idx.msk [tilespmem:v1+s7+$0x0], $0xffff;
	[tilespmem:s2+$0x470] =	vst v3  }
0x20: {  	[tilespmem:s2+$0x0] =	vst v3  }
0x21: {  	[tilespmem:s2+$0x10] =	vst v3  }
0x22: {  	[tilespmem:s2+$0x20] =	vst v3  }
0x23: {  	[tilespmem:s2+$0x30] =	vst v3  }
0x24: {  	[tilespmem:s2+$0x40] =	vst v3  }
0x25: {  	[tilespmem:s2+$0x50] =	vst v3  }
0x26: {  	[tilespmem:s2+$0x60] =	vst v3  }
0x27: {  	[tilespmem:s2+$0x70] =	vst v3  }
0x28: {  	[tilespmem:s2+$0x400] =	vst v3  }
0x29: {  	[tilespmem:s2+$0x410] =	vst v3  }
0x2a: {  	[tilespmem:s2+$0x420] =	vst v3  }
0x2b: {  	[tilespmem:s2+$0x430] =	vst v3  }
0x2c: {  	s31 =	simm.s32 $0x100;
	s0 =	simm.s32 $0x80;
	[tilespmem:s2+$0x440] =	vst v3  }
0x2d: {  	s8 =	sand.u32 $0x1F800, s31;
	s9 =	sand.u32 $0x380, s0;
	s7 =	simm.s32 $0x200;
	[tilespmem:s2+$0x450] =	vst v3  }
.LBB2_2:
0x2e: {  	p0 =	sne.s32 s7, $0x13F00;
	[tilespmem:s2+$0x460] =	vst v3;
	s2 =	sor.u32 s9, s8  }
0x2f: {  	[tilespmem:s2+$0x470] =	vst v3  }
0x30: {  	[tilespmem:s2+$0x0] =	vst v3  }
0x31: {  	[tilespmem:s2+$0x10] =	vst v3  }
0x32: {  	[tilespmem:s2+$0x20] =	vst v3  }
0x33: {  	[tilespmem:s2+$0x30] =	vst v3  }
0x34: {  	[tilespmem:s2+$0x40] =	vst v3  }
0x35: {  	[tilespmem:s2+$0x50] =	vst v3  }
0x36: {  	[tilespmem:s2+$0x60] =	vst v3  }
0x37: {  	[tilespmem:s2+$0x70] =	vst v3  }
0x38: {  	[tilespmem:s2+$0x400] =	vst v3  }
.Ltmp2:
0x39: {  	[tilespmem:s2+$0x410] =	vst v3;
	(pc) =	sbr.rel @p0 .LBB2_2-.Ltmp2, $4  }
0x3a: {  	[tilespmem:s2+$0x420] =	vst v3  }
0x3b: {  	[tilespmem:s2+$0x430] =	vst v3  }
0x3c: {  	s0 =	sadd.s32 $0x80, s0;
	[tilespmem:s2+$0x440] =	vst v3  }
0x3d: {  	s8 =	sand.u32 $0x1F800, s7;
	s7 =	sadd.s32 $0x100, s7;
	s9 =	sand.u32 $0x380, s0;
	[tilespmem:s2+$0x450] =	vst v3  }
0x3e: {  	(v2sf) =	vpush v22, $0x0;
	_ =	sdelay $0xc  }
0x3f: {  	(v2sf) =	vpush v23, $0x0;
	_ =	sdelay $0x1  }
0x40: {  	s0 =	spop (v2sf)  }
0x41: {  	s7 =	sand.u32 $0x1F, s0  }
0x42: {  	s10 =	sshra.s32 s0, $0x1F;
	p0 =	slt.s32 s0, $0x1;
	p1 =	sne.s32 s7, $0x0  }
0x43: {  	s20 =	sshrl.u32 s10, $0x1B;
	p0 =	por !p0, !p1  }
0x44: {  	s7 =	simm.s32 $0x1;
	s0 =	sadd.s32 s20, s0;
	p0 =	por !p0, !p0  }
0x45: {  	s0 =	sshra.s32 s0, $0x5;
	s7 =	simm.s32 @!p0 $0x0  }
0x46: {  	s0 =	ssub.s32 s0, s7  }
0x47: {  	s7 =	sand.u32 $0x7, s0  }
0x48: {  	p3 =	slt.s32 s0, $0x1;
	p4 =	sne.s32 s7, $0x0  }
0x49: {  	s21 =	sshrl.u32 s0, $0x1D;
	p0 =	por !p3, !p4  }
0x4a: {  	s0 =	sadd.s32 s21, s0;
	s7 =	simm.s32 $0x1;
	p0 =	por !p0, !p0  }
0x4b: {  	s0 =	sshra.s32 s0, $0x3;
	s7 =	simm.s32 @!p0 $0x0  }
0x4c: {  	s7 =	ssub.s32 s0, s7  }
0x4d: {  	s22 =	spop (v2sf);
	s0 =	sshll.u32 s7, $0x8  }
0x4e: {  	s10 =	ssub.s32 s22, s0  }
0x4f: {  	p0 =	sgt.s32 s10, $0x0  }
0x50: {  	s10 =	simm.s32 @!p0 $0x0  }
0x51: {  	s23 =	sadd.s32 $0x5FF, s10  }
0x52: {  	s31 =	smulhi.u32 $0x2AAAAAAB, s23;
	s13 =	sshra.s32 s23, $0x1F  }
0x53: {  	s13 =	smul.u32 $0x2AAAAAAB, s13  }
0x54: {  	s8 =	sor.u32 s9, s8;
	[tilespmem:s2+$0x460] =	vst v3  }
0x55: {  	[tilespmem:s8+$0x470] =	vst v3;
	s9 =	sadd.s32 s13, s31  }
0x56: {  	[tilespmem:s8+$0x0] =	vst v3;
	s13 =	sshrl.u32 s9, $0x1F;
	s9 =	sshra.s32 s9, $0x8  }
0x57: {  	[tilespmem:s8+$0x10] =	vst v3;
	s9 =	sadd.s32 s13, s9  }
0x58: {  	[tilespmem:s8+$0x20] =	vst v3;
	s13 =	smul.u32 $0xFFFFFA00, s9  }
0x59: {  	[tilespmem:s8+$0x30] =	vst v3;
	s10 =	ssub.s32 $0xFFFFFA01, s10  }
0x5a: {  	[tilespmem:s8+$0x40] =	vst v3;
	p5 =	slt.s32 s23, $0x0;
	p6 =	sne.s32 s13, s10  }
0x5b: {  	[tilespmem:s8+$0x50] =	vst v3;
	p0 =	por !p5, !p6  }
0x5c: {  	s2 =	simm.s32 $0x1;
	[tilespmem:s8+$0x60] =	vst v3;
	p0 =	por !p0, !p0  }
0x5d: {  	[tilespmem:s8+$0x70] =	vst v3;
	s2 =	simm.s32 @!p0 $0x0  }
0x5e: {  	[tilespmem:s8+$0x400] =	vst v3;
	s2 =	ssub.s32 s9, s2  }
0x5f: {  	[tilespmem:s8+$0x410] =	vst v3;
	p0 =	slt.s32 s2, $0x1  }
.Ltmp3:
0x60: {  	[tilespmem:s8+$0x420] =	vst v3;
	(pc) =	sbr.rel @p0 .LBB2_16-.Ltmp3, $4  }
0x61: {  	[tilespmem:s8+$0x430] =	vst v3  }
0x62: {  	[tilespmem:s8+$0x440] =	vst v3  }
0x63: {  	[tilespmem:s8+$0x450] =	vst v3  }
0x64: {  	[tilespmem:s8+$0x460] =	vst v3  }
0x65: {  	s7 =	sshll.u32 s7, $0x3;
	v22 =	vbroadcast v22, $0x0;
	v23 =	vbroadcast v23, $0x0;
	s8 =	simm.s32 $0x0;
	s9 =	simm.s32 $0x0  }
.LBB2_5:
0x66: {  	s10 =	smul.u32 $0x30, s9;
	_ =	sdelay $0x1  }
0x67: {  	s10 =	sadd.s32 s7, s10  }
0x68: {  	s10 =	sshll.u32 s10, $0x4  }
0x69: {  	s16 =	simm.s32 $0x14000;
	s13 =	sadd.s32 s6, s10  }
0x6a: {  	[tilespmem:s16], [sflag:$0x4] =	stream.linear.gather [hbm4b:s13+s8], $0x1800, $0x38;
	[tilespmem:$0x1E880] =	vst v63  }
0x6b: {  	_ =	swait.ge [sflag:s11], $0x1800  }
0x6c: {  	[sflag:s11] =	ssyncset.done $0x0  }
0x6d: {  	s31 =	sadd.s32 s5, s10;
	[sflag:s11] =	ssyncadd.s32 $0xFFFFE800  }
0x6e: {  	[tilespmem:s14], [sflag:$0x4] =	stream.linear.gather [hbm4b:s31+s8], $0x1800, $0x38;
	[tilespmem:$0x1E880] =	vst v63  }
0x6f: {  	_ =	swait.ge [sflag:s11], $0x1800  }
0x70: {  	[sflag:s11] =	ssyncset.done $0x0  }
0x71: {  	s10 =	sadd.s32 s4, s10;
	[sflag:s11] =	ssyncadd.s32 $0xFFFFE800  }
0x72: {  	[tilespmem:s15], [sflag:$0x4] =	stream.linear.gather [hbm4b:s10+s8], $0x1800, $0x38;
	[tilespmem:$0x1E880] =	vst v63  }
0x73: {  	_ =	swait.ge [sflag:s11], $0x1800  }
0x74: {  	[sflag:s11] =	ssyncset.done $0x0  }
0x75: {  	s13 =	simm.s32 $0x17010;
	[sflag:s11] =	ssyncadd.s32 $0xFFFFE800  }
0x76: {  	s17 =	sadd.s32 $0x0, s0;
	s16 =	simm.s32 $0x20;
	s10 =	simm.s32 $0x17010;
	v24 =	vld [tilespmem:s13+$0x0]  }
.LBB2_6:
0x77: {  	p0 =	sne.s32 s16, $0x5E0;
	v25 =	vor.u32 s17, v2;
	v26 =	vld [tilespmem:s13+$0xFFFFFFF0];
	s17 =	sadd.s32 $0x10, s17  }
0x78: {  	vm1 =	vge.s32 v25, v22;
	vm2 =	vlt.s32 v25, v23;
	v25 =	vor.u32 s17, v2  }
.Ltmp4:
0x79: {  	vm1 =	vmand vm1, vm2;
	vm2 =	vge.s32 v25, v22;
	vm3 =	vlt.s32 v25, v23;
	(pc) =	sbr.rel @p0 .LBB2_6-.Ltmp4, $4  }
0x7a: {  	vm2 =	vmand vm2, vm3  }
0x7b: {  	v24 =	vnsel vm2, $0x0, v24  }
0x7c: {  	s13 =	sadd.s32 $0x80, s13;
	v25 =	vnsel vm1, $0x0, v26;
	[tilespmem:s10+$0x0] =	vst v24  }
0x7d: {  	s17 =	sadd.s32 s16, s0;
	s16 =	sadd.s32 $0x20, s16;
	v24 =	vld [tilespmem:s13+$0x0];
	[tilespmem:s10+$0xFFFFFFF0] =	vst v25;
	s10 =	smov.u32 s13  }
0x7e: {  	v25 =	vld [tilespmem:s13+$0xFFFFFFF0];
	s23 =	sadd.s32 $0x10, s17  }
0x7f: {  	v26 =	vor.u32 s23, v2  }
0x80: {  	v59 =	vor.u32 s17, v2;
	vm1 =	vge.s32 v26, v22;
	vm2 =	vlt.s32 v26, v23  }
0x81: {  	vm3 =	vlt.s32 v59, v23;
	vm1 =	vmand vm1, vm2;
	vm2 =	vge.s32 v59, v22  }
0x82: {  	vm2 =	vmand vm2, vm3;
	v24 =	vnsel vm1, $0x0, v24  }
0x83: {  	v25 =	vnsel vm2, $0x0, v25;
	[tilespmem:s10+$0x0] =	vst v24  }
0x84: {  	[tilespmem:s10+$0xFFFFFFF0] =	vst v25  }
0x85: {  	v24 =	vld [tilespmem:$0x14000];
	_ =	sdelay $0x4  }
0x86: {  	v60 =	vshll.u32 v24, $0x1  }
0x87: {  	v24 =	vand.u32 $0x7, v24;
	v25 =	vand.u32 $0xFFFFFFF0, v60  }
0x88: {  	v24 =	vor.u32 v24, v25  }
0x89: {  	v25 =	vperm.xlane v24, v4;
	_ =	sdelay $0x1  }
0x8a: {  	v24 =	vperm.xlane v24, v6;
	v25 =	vadd.s32 v5, v25;
	_ =	sdelay $0x1  }
0x8b: {  	v24 =	vadd.s32 v5, v24;
	_ =	sdelay $0x1  }
0x8c: {  	s16 =	simm.s32 $0x18800;
	s10 =	simm.s32 $0x0  }
0x8d: {  	[tilespmem:s16], [sflag:$0x1] =	stream.indirect_vreg.gather [hbm4b:s1+s10], $0x80, v25, vm0, $0xb8;
	[tilespmem:$0x1E880] =	vst v63  }
0x8e: {  	s17 =	simm.s32 $0x19000  }
0x8f: {  	[tilespmem:s17], [sflag:$0x1] =	stream.indirect_vreg.gather [hbm4b:s1+s10], $0x80, v24, vm0, $0xb8;
	[tilespmem:$0x1E880] =	vst v63  }
0x90: {  	v24 =	vld [tilespmem:$0x14010];
	_ =	sdelay $0x4  }
0x91: {  	v61 =	vshll.u32 v24, $0x1  }
0x92: {  	v24 =	vand.u32 $0x7, v24;
	v25 =	vand.u32 $0xFFFFFFF0, v61  }
0x93: {  	v24 =	vor.u32 v24, v25  }
0x94: {  	v25 =	vperm.xlane v24, v4;
	_ =	sdelay $0x1  }
0x95: {  	v24 =	vperm.xlane v24, v6;
	v25 =	vadd.s32 v5, v25;
	_ =	sdelay $0x1  }
0x96: {  	v24 =	vadd.s32 v5, v24;
	_ =	sdelay $0x1  }
0x97: {  	s18 =	simm.s32 $0x19800  }
0x98: {  	[tilespmem:s18], [sflag:$0x1] =	stream.indirect_vreg.gather [hbm4b:s1+s10], $0x80, v25, vm0, $0xb8;
	[tilespmem:$0x1E880] =	vst v63  }
0x99: {  	s19 =	simm.s32 $0x1A000  }
0x9a: {  	[tilespmem:s19], [sflag:$0x1] =	stream.indirect_vreg.gather [hbm4b:s1+s10], $0x80, v24, vm0, $0xb8;
	[tilespmem:$0x1E880] =	vst v63  }
0x9b: {  	v24 =	vld [tilespmem:$0x14080];
	_ =	sdelay $0x4  }
0x9c: {  	v62 =	vshll.u32 v24, $0x1  }
0x9d: {  	v24 =	vand.u32 $0x7, v24;
	v25 =	vand.u32 $0xFFFFFFF0, v62  }
0x9e: {  	v24 =	vor.u32 v24, v25  }
0x9f: {  	v25 =	vperm.xlane v24, v4;
	_ =	sdelay $0x1  }
0xa0: {  	v24 =	vperm.xlane v24, v6;
	v25 =	vadd.s32 v5, v25;
	_ =	sdelay $0x1  }
0xa1: {  	v24 =	vadd.s32 v5, v24;
	_ =	sdelay $0x1  }
0xa2: {  	s20 =	simm.s32 $0x1A800  }
0xa3: {  	[tilespmem:s20], [sflag:$0x2] =	stream.indirect_vreg.gather [hbm4b:s1+s10], $0x80, v25, vm0, $0xb8;
	[tilespmem:$0x1E880] =	vst v63  }
0xa4: {  	s21 =	simm.s32 $0x1B000  }
0xa5: {  	[tilespmem:s21], [sflag:$0x2] =	stream.indirect_vreg.gather [hbm4b:s1+s10], $0x80, v24, vm0, $0xb8;
	[tilespmem:$0x1E880] =	vst v63  }
0xa6: {  	v24 =	vld [tilespmem:$0x14090];
	_ =	sdelay $0x4  }
0xa7: {  	v63 =	vshll.u32 v24, $0x1  }
0xa8: {  	v24 =	vand.u32 $0x7, v24;
	v25 =	vand.u32 $0xFFFFFFF0, v63  }
0xa9: {  	v24 =	vor.u32 v24, v25  }
0xaa: {  	v25 =	vperm.xlane v24, v4;
	_ =	sdelay $0x1  }
0xab: {  	v24 =	vperm.xlane v24, v6;
	v25 =	vadd.s32 v5, v25;
	_ =	sdelay $0x1  }
0xac: {  	v24 =	vadd.s32 v5, v24;
	_ =	sdelay $0x1  }
0xad: {  	s22 =	simm.s32 $0x1B800  }
0xae: {  	[tilespmem:s22], [sflag:$0x2] =	stream.indirect_vreg.gather [hbm4b:s1+s10], $0x80, v25, vm0, $0xb8;
	[tilespmem:$0x1E880] =	vst v63  }
0xaf: {  	s31 =	simm.s32 $0x0;
	s23 =	simm.s32 $0x1C000  }
0xb0: {  	[tilespmem:s23], [sflag:$0x2] =	stream.indirect_vreg.gather [hbm4b:s1+s10], $0x80, v24, vm0, $0xb8;
	[tilespmem:$0x1E880] =	vst v63  }
.LBB2_8:
0xb1: {  	s16 =	smul.u32 $0x3, s31;
	_ =	sdelay $0x1  }
0xb2: {  	_ =	swait.ge [sflag:s12], $0x2000;
	s13 =	sadd.s32 $0x2, s16  }
0xb3: {  	[sflag:s12] =	ssyncset.done $0x0;
	s13 =	sshll.u32 s13, $0x7  }
0xb4: {  	[sflag:s12] =	ssyncadd.s32 $0xFFFFE000;
	s17 =	sand.u32 $0x3FFFFF80, s13  }
0xb5: {  	v24 =	vld [tilespmem:s17+$0x14000];
	_ =	sdelay $0x4  }
0xb6: {  	v25 =	vshll.u32 v24, $0x1  }
0xb7: {  	v24 =	vand.u32 $0x7, v24;
	v25 =	vand.u32 $0xFFFFFFF0, v25  }
0xb8: {  	v24 =	vor.u32 v24, v25  }
0xb9: {  	v25 =	vperm.xlane v24, v4;
	_ =	sdelay $0x1  }
0xba: {  	v24 =	vperm.xlane v24, v6;
	v25 =	vadd.s32 v5, v25;
	_ =	sdelay $0x1  }
0xbb: {  	v24 =	vadd.s32 v5, v24;
	_ =	sdelay $0x2  }
0xbc: {  	[tilespmem:s24], [sflag:$0x3] =	stream.indirect_vreg.gather [hbm4b:s1+s10], $0x80, v25, vm0, $0xb8;
	[tilespmem:$0x1E880] =	vst v63  }
0xbd: {  	_ = 	snop  }
0xbe: {  	[tilespmem:s25], [sflag:$0x3] =	stream.indirect_vreg.gather [hbm4b:s1+s10], $0x80, v24, vm0, $0xb8;
	[tilespmem:$0x1E880] =	vst v63  }
0xbf: {  	v24 =	vld [tilespmem:s17+$0x14010];
	_ =	sdelay $0x4  }
0xc0: {  	v25 =	vshll.u32 v24, $0x1  }
0xc1: {  	v24 =	vand.u32 $0x7, v24;
	v25 =	vand.u32 $0xFFFFFFF0, v25  }
0xc2: {  	v24 =	vor.u32 v24, v25  }
0xc3: {  	v27 =	vmov s10;
	v25 =	vperm.xlane v24, v4  }
0xc4: {  	v27 =	vand.u32 $0x7E, v27;
	s21 =	sshll.u32 s16, $0x7  }
0xc5: {  	v24 =	vperm.xlane v24, v6;
	v26 =	vadd.s32 v5, v25;
	v25 =	vmov s21  }
0xc6: {  	v27 =	vor.u32 v25, v27  }
0xc7: {  	v24 =	vadd.s32 v5, v24;
	v27 =	vbroadcast v27, $0x0;
	_ =	sdelay $0x1  }
0xc8: {  	s22 =	simm.s32 $0x1;
	s18 =	sand.u32 $0x1800, s10;
	s17 =	simm.s32 $0x80  }
0xc9: {  	[tilespmem:s26], [sflag:$0x3] =	stream.indirect_vreg.gather [hbm4b:s1+s10], $0x80, v26, vm0, $0xb8;
	[tilespmem:$0x1E880] =	vst v63  }
0xca: {  	s18 =	sadd.s32 $0x18800, s18;
	s19 =	sand.u32 $0x380, s17;
	v26 =	vmov s22  }
0xcb: {  	[tilespmem:s28], [sflag:$0x3] =	stream.indirect_vreg.gather [hbm4b:s1+s10], $0x80, v24, vm0, $0xb8;
	v24 =	vand.u32 $0x7F, v26;
	[tilespmem:$0x1E880] =	vst v63  }
0xcc: {  	s21 =	sor.u32 s19, s18;
	v26 =	vor.u32 v25, v24;
	v24 =	vld.idx.msk [tilespmem:v27+s15+$0x0], $0xffff  }
0xcd: {  	v35 =	vld [tilespmem:s21+$0x0];
	v36 =	vbroadcast v26, $0x0  }
0xce: {  	v34 =	vld [tilespmem:s21+$0x10]  }
0xcf: {  	v33 =	vld [tilespmem:s21+$0x20]  }
0xd0: {  	v32 =	vld [tilespmem:s21+$0x30]  }
0xd1: {  	v31 =	vld [tilespmem:s21+$0x40]  }
0xd2: {  	v30 =	vld [tilespmem:s21+$0x50]  }
0xd3: {  	v37 =	vld.idx.msk [tilespmem:v36+s14+$0x0], $0xffff  }
0xd4: {  	v29 =	vld [tilespmem:s21+$0x60]  }
0xd5: {  	s23 =	simm.s32 $0x0;
	v28 =	vld [tilespmem:s21+$0x70]  }
0xd6: {  	s19 =	sand.u32 $0x300, s23;
	v26 =	vld.idx.msk [tilespmem:v27+s14+$0x0], $0xffff  }
0xd7: {  	s20 =	simm.s32 $0x0;
	s18 =	sor.u32 s19, s18;
	s19 =	simm.s32 $0x2;
	v27 =	vld [tilespmem:s21+$0x400]  }
.LBB2_9:
0xd8: {  	p0 =	slt.u32 s19, $0x1E;
	v36 =	vld.idx.msk [tilespmem:v36+s15+$0x0], $0xffff;
	v38 =	vshll.u32 v37, $0x8;
	v37 =	vshll.u32 v37, $0x7  }
0xd9: {  	v39 =	vld [tilespmem:s21+$0x410];
	v38 =	vand.u32 $0xFFFFF800, v38;
	v37 =	vand.u32 $0x380, v37  }
0xda: {  	v40 =	vld [tilespmem:s21+$0x420];
	v37 =	vor.u32 v37, v38  }
0xdb: {  	v38 =	vld [tilespmem:s21+$0x430];
	v41 =	vor.u32 v2, v37  }
0xdc: {  	v43 =	vor.u32 v7, v37;
	v42 =	vld [tilespmem:s21+$0x440]  }
0xdd: {  	v45 =	vor.u32 v8, v37;
	v44 =	vld [tilespmem:s21+$0x450]  }
0xde: {  	v47 =	vor.u32 v9, v37;
	v35 =	vmul.f32 v35, v36;
	v46 =	vld [tilespmem:s21+$0x460]  }
0xdf: {  	v49 =	vor.u32 v10, v37;
	v34 =	vmul.f32 v34, v36;
	v48 =	vld [tilespmem:s21+$0x470]  }
0xe0: {  	v33 =	vmul.f32 v33, v36;
	[tilespmem:v41+s3+$0x0] =	vst.idx.add.f32.msk $0xffff, v35;
	v35 =	vor.u32 v11, v37  }
0xe1: {  	v32 =	vmul.f32 v32, v36;
	[tilespmem:v43+s3+$0x0] =	vst.idx.add.f32.msk $0xffff, v34;
	v34 =	vor.u32 v12, v37  }
0xe2: {  	v31 =	vmul.f32 v31, v36;
	[tilespmem:v45+s3+$0x0] =	vst.idx.add.f32.msk $0xffff, v33;
	v33 =	vor.u32 v13, v37  }
0xe3: {  	v30 =	vmul.f32 v30, v36;
	[tilespmem:v47+s3+$0x0] =	vst.idx.add.f32.msk $0xffff, v32;
	v32 =	vor.u32 v14, v37  }
0xe4: {  	v29 =	vmul.f32 v29, v36;
	[tilespmem:v49+s3+$0x0] =	vst.idx.add.f32.msk $0xffff, v31;
	v31 =	vor.u32 v15, v37  }
0xe5: {  	v28 =	vmul.f32 v28, v36;
	[tilespmem:v35+s3+$0x0] =	vst.idx.add.f32.msk $0xffff, v30;
	v30 =	vor.u32 v16, v37  }
0xe6: {  	v27 =	vmul.f32 v27, v36;
	[tilespmem:v34+s3+$0x0] =	vst.idx.add.f32.msk $0xffff, v29;
	v29 =	vor.u32 v17, v37  }
0xe7: {  	[tilespmem:v33+s3+$0x0] =	vst.idx.add.f32.msk $0xffff, v28;
	v28 =	vmul.f32 v39, v36;
	v33 =	vor.u32 v18, v37  }
0xe8: {  	[tilespmem:v32+s3+$0x0] =	vst.idx.add.f32.msk $0xffff, v27;
	v27 =	vmul.f32 v40, v36;
	v32 =	vor.u32 v19, v37  }
0xe9: {  	[tilespmem:v31+s3+$0x0] =	vst.idx.add.f32.msk $0xffff, v28;
	v28 =	vmul.f32 v38, v36;
	v31 =	vor.u32 v20, v37  }
0xea: {  	[tilespmem:v30+s3+$0x0] =	vst.idx.add.f32.msk $0xffff, v27;
	v27 =	vmul.f32 v42, v36;
	v30 =	vor.u32 v21, v37  }
0xeb: {  	[tilespmem:v29+s3+$0x0] =	vst.idx.add.f32.msk $0xffff, v28;
	v28 =	vmul.f32 v44, v36  }
0xec: {  	[tilespmem:v33+s3+$0x0] =	vst.idx.add.f32.msk $0xffff, v27;
	v27 =	vmul.f32 v46, v36  }
0xed: {  	[tilespmem:v32+s3+$0x0] =	vst.idx.add.f32.msk $0xffff, v28;
	v28 =	vmul.f32 v48, v36  }
0xee: {  	[tilespmem:v31+s3+$0x0] =	vst.idx.add.f32.msk $0xffff, v27  }
0xef: {  	[tilespmem:v30+s3+$0x0] =	vst.idx.add.f32.msk $0xffff, v28  }
0xf0: {  	v27 =	vld [tilespmem:s18+$0x0]  }
0xf1: {  	v28 =	vld [tilespmem:s18+$0x10]  }
0xf2: {  	v29 =	vld [tilespmem:s18+$0x20]  }
0xf3: {  	v30 =	vld [tilespmem:s18+$0x30]  }
0xf4: {  	v31 =	vld [tilespmem:s18+$0x40]  }
0xf5: {  	v32 =	vld [tilespmem:s18+$0x50];
	v27 =	vmul.f32 v27, v24  }
0xf6: {  	v33 =	vld [tilespmem:s18+$0x60];
	v28 =	vmul.f32 v28, v24  }
0xf7: {  	v34 =	vld [tilespmem:s18+$0x70];
	v29 =	vmul.f32 v29, v24  }
0xf8: {  	v36 =	vshll.u32 v26, $0x8;
	v26 =	vshll.u32 v26, $0x7;
	v35 =	vld [tilespmem:s18+$0x400];
	v30 =	vmul.f32 v30, v24  }
0xf9: {  	v36 =	vand.u32 $0xFFFFF800, v36;
	v26 =	vand.u32 $0x380, v26;
	v37 =	vld [tilespmem:s18+$0x410];
	v31 =	vmul.f32 v31, v24  }
0xfa: {  	v26 =	vor.u32 v26, v36;
	v38 =	vld [tilespmem:s18+$0x420];
	v32 =	vmul.f32 v32, v24  }
0xfb: {  	v39 =	vor.u32 v2, v26;
	v36 =	vld [tilespmem:s18+$0x430];
	v33 =	vmul.f32 v33, v24  }
0xfc: {  	v41 =	vor.u32 v7, v26;
	v40 =	vld [tilespmem:s18+$0x440];
	v34 =	vmul.f32 v34, v24  }
0xfd: {  	v43 =	vor.u32 v8, v26;
	v42 =	vld [tilespmem:s18+$0x450];
	v35 =	vmul.f32 v35, v24  }
0xfe: {  	v45 =	vor.u32 v9, v26;
	v44 =	vld [tilespmem:s18+$0x460];
	v37 =	vmul.f32 v37, v24  }
0xff: {  	v47 =	vor.u32 v10, v26;
	v46 =	vld [tilespmem:s18+$0x470];
	v38 =	vmul.f32 v38, v24  }
0x100: {  	[tilespmem:v39+s3+$0x0] =	vst.idx.add.f32.msk $0xffff, v27;
	v27 =	vor.u32 v11, v26;
	v36 =	vmul.f32 v36, v24  }
0x101: {  	[tilespmem:v41+s3+$0x0] =	vst.idx.add.f32.msk $0xffff, v28;
	v28 =	vor.u32 v12, v26;
	v39 =	vmul.f32 v40, v24  }
0x102: {  	[tilespmem:v43+s3+$0x0] =	vst.idx.add.f32.msk $0xffff, v29;
	v29 =	vor.u32 v13, v26;
	v40 =	vmul.f32 v42, v24  }
0x103: {  	[tilespmem:v45+s3+$0x0] =	vst.idx.add.f32.msk $0xffff, v30;
	v30 =	vor.u32 v14, v26;
	v41 =	vmul.f32 v44, v24  }
0x104: {  	[tilespmem:v47+s3+$0x0] =	vst.idx.add.f32.msk $0xffff, v31;
	v31 =	vor.u32 v15, v26;
	v24 =	vmul.f32 v46, v24  }
0x105: {  	[tilespmem:v27+s3+$0x0] =	vst.idx.add.f32.msk $0xffff, v32;
	v27 =	vor.u32 v16, v26  }
0x106: {  	[tilespmem:v28+s3+$0x0] =	vst.idx.add.f32.msk $0xffff, v33;
	v28 =	vor.u32 v17, v26  }
0x107: {  	v32 =	vmov s19;
	[tilespmem:v29+s3+$0x0] =	vst.idx.add.f32.msk $0xffff, v34;
	v29 =	vor.u32 v18, v26  }
0x108: {  	v32 =	vand.u32 $0x7E, v32;
	[tilespmem:v30+s3+$0x0] =	vst.idx.add.f32.msk $0xffff, v35;
	v30 =	vor.u32 v19, v26  }
0x109: {  	v32 =	vor.u32 v25, v32;
	[tilespmem:v31+s3+$0x0] =	vst.idx.add.f32.msk $0xffff, v37;
	v31 =	vor.u32 v20, v26  }
0x10a: {  	v32 =	vbroadcast v32, $0x0;
	v26 =	vor.u32 v21, v26;
	[tilespmem:v27+s3+$0x0] =	vst.idx.add.f32.msk $0xffff, v38  }
0x10b: {  	[tilespmem:v28+s3+$0x0] =	vst.idx.add.f32.msk $0xffff, v36  }
0x10c: {  	s18 =	sadd.s32 $0x1, s19;
	[tilespmem:v29+s3+$0x0] =	vst.idx.add.f32.msk $0xffff, v39  }
0x10d: {  	v27 =	vmov s18;
	[tilespmem:v30+s3+$0x0] =	vst.idx.add.f32.msk $0xffff, v40  }
0x10e: {  	s20 =	sadd.s32 $0x200, s20;
	v27 =	vand.u32 $0x7F, v27;
	[tilespmem:v31+s3+$0x0] =	vst.idx.add.f32.msk $0xffff, v41  }
0x10f: {  	s17 =	sadd.s32 $0x100, s17;
	s18 =	sand.u32 $0x1800, s20;
	v27 =	vor.u32 v25, v27;
	[tilespmem:v26+s3+$0x0] =	vst.idx.add.f32.msk $0xffff, v24  }
0x110: {  	s22 =	sand.u32 $0x380, s17;
	s21 =	sadd.s32 $0xFFFFFF80, s17;
	s18 =	sadd.s32 $0x18800, s18;
	v36 =	vbroadcast v27, $0x0;
	v24 =	vld.idx.msk [tilespmem:v32+s15+$0x0], $0xffff  }
0x111: {  	s23 =	sand.u32 $0x300, s21;
	s21 =	sor.u32 s22, s18;
	v26 =	vld.idx.msk [tilespmem:v32+s14+$0x0], $0xffff  }
0x112: {  	s18 =	sor.u32 s23, s18;
	v35 =	vld [tilespmem:s21+$0x0]  }
0x113: {  	v34 =	vld [tilespmem:s21+$0x10]  }
0x114: {  	v33 =	vld [tilespmem:s21+$0x20]  }
0x115: {  	v32 =	vld [tilespmem:s21+$0x30]  }
0x116: {  	v37 =	vld.idx.msk [tilespmem:v36+s14+$0x0], $0xffff  }
.Ltmp5:
0x117: {  	v31 =	vld [tilespmem:s21+$0x40];
	(pc) =	sbr.rel @p0 .LBB2_9-.Ltmp5, $4  }
0x118: {  	v30 =	vld [tilespmem:s21+$0x50]  }
0x119: {  	v29 =	vld [tilespmem:s21+$0x60]  }
0x11a: {  	v28 =	vld [tilespmem:s21+$0x70]  }
0x11b: {  	s19 =	sadd.s32 $0x2, s19;
	v27 =	vld [tilespmem:s21+$0x400]  }
0x11c: {  	_ =	sdelay $0x3  }
0x11d: {  	v25 =	vld.idx.msk [tilespmem:v36+s15+$0x0], $0xffff  }
0x11e: {  	v38 =	vld [tilespmem:s21+$0x410]  }
0x11f: {  	v39 =	vld [tilespmem:s21+$0x420]  }
0x120: {  	v54 =	vld [tilespmem:s21+$0x430]  }
0x121: {  	v41 =	vld [tilespmem:s21+$0x440]  }
0x122: {  	v43 =	vld [tilespmem:s21+$0x450]  }
0x123: {  	v45 =	vld [tilespmem:s21+$0x460]  }
0x124: {  	v52 =	vshll.u32 v37, $0x8;
	v53 =	vshll.u32 v37, $0x7;
	v47 =	vld [tilespmem:s21+$0x470]  }
0x125: {  	v61 =	vld [tilespmem:s18+$0x60];
	v36 =	vand.u32 $0xFFFFF800, v52;
	v37 =	vand.u32 $0x380, v53  }
0x126: {  	v62 =	vld [tilespmem:s18+$0x70];
	v36 =	vor.u32 v37, v36  }
0x127: {  	v63 =	vld [tilespmem:s18+$0x400];
	v40 =	vor.u32 v2, v36  }
0x128: {  	v49 =	vld [tilespmem:s18+$0x410];
	v42 =	vor.u32 v7, v36  }
0x129: {  	v50 =	vld [tilespmem:s18+$0x420];
	v44 =	vor.u32 v8, v36  }
0x12a: {  	v51 =	vld [tilespmem:s18+$0x430];
	v46 =	vor.u32 v9, v36;
	v35 =	vmul.f32 v35, v25  }
0x12b: {  	v53 =	vld [tilespmem:s18+$0x440];
	v48 =	vor.u32 v10, v36;
	v34 =	vmul.f32 v34, v25  }
0x12c: {  	v55 =	vor.u32 v11, v36;
	v33 =	vmul.f32 v33, v25;
	[tilespmem:v40+s3+$0x0] =	vst.idx.add.f32.msk $0xffff, v35  }
0x12d: {  	v32 =	vmul.f32 v32, v25;
	[tilespmem:v42+s3+$0x0] =	vst.idx.add.f32.msk $0xffff, v34  }
0x12e: {  	v56 =	vor.u32 v12, v36;
	v31 =	vmul.f32 v31, v25;
	[tilespmem:v44+s3+$0x0] =	vst.idx.add.f32.msk $0xffff, v33  }
0x12f: {  	v57 =	vor.u32 v13, v36;
	v30 =	vmul.f32 v30, v25;
	[tilespmem:v46+s3+$0x0] =	vst.idx.add.f32.msk $0xffff, v32  }
0x130: {  	[tilespmem:v48+s3+$0x0] =	vst.idx.add.f32.msk $0xffff, v31  }
0x131: {  	v58 =	vor.u32 v14, v36;
	v29 =	vmul.f32 v29, v25;
	[tilespmem:v55+s3+$0x0] =	vst.idx.add.f32.msk $0xffff, v30  }
0x132: {  	v28 =	vmul.f32 v28, v25;
	v31 =	vor.u32 v15, v36;
	v55 =	vld [tilespmem:s18+$0x450]  }
0x133: {  	v30 =	vor.u32 v16, v36;
	[tilespmem:v56+s3+$0x0] =	vst.idx.add.f32.msk $0xffff, v29  }
0x134: {  	v27 =	vmul.f32 v27, v25;
	v29 =	vor.u32 v17, v36;
	[tilespmem:v57+s3+$0x0] =	vst.idx.add.f32.msk $0xffff, v28  }
0x135: {  	v59 =	vor.u32 v18, v36;
	v28 =	vmul.f32 v38, v25;
	v57 =	vld [tilespmem:s18+$0x460]  }
0x136: {  	v60 =	vor.u32 v19, v36;
	[tilespmem:v58+s3+$0x0] =	vst.idx.add.f32.msk $0xffff, v27;
	v27 =	vmul.f32 v39, v25  }
0x137: {  	[tilespmem:v31+s3+$0x0] =	vst.idx.add.f32.msk $0xffff, v28;
	v28 =	vmul.f32 v54, v25;
	v31 =	vor.u32 v20, v36  }
0x138: {  	[tilespmem:v30+s3+$0x0] =	vst.idx.add.f32.msk $0xffff, v27;
	v27 =	vmul.f32 v41, v25;
	v30 =	vor.u32 v21, v36  }
0x139: {  	[tilespmem:v29+s3+$0x0] =	vst.idx.add.f32.msk $0xffff, v28;
	v28 =	vmul.f32 v43, v25  }
0x13a: {  	[tilespmem:v59+s3+$0x0] =	vst.idx.add.f32.msk $0xffff, v27;
	v27 =	vmul.f32 v45, v25  }
0x13b: {  	v25 =	vmul.f32 v47, v25;
	[tilespmem:v60+s3+$0x0] =	vst.idx.add.f32.msk $0xffff, v28  }
0x13c: {  	[tilespmem:v31+s3+$0x0] =	vst.idx.add.f32.msk $0xffff, v27  }
0x13d: {  	v48 =	vshll.u32 v26, $0x8;
	v26 =	vshll.u32 v26, $0x7;
	[tilespmem:v30+s3+$0x0] =	vst.idx.add.f32.msk $0xffff, v25  }
0x13e: {  	v35 =	vand.u32 $0xFFFFF800, v48;
	v26 =	vand.u32 $0x380, v26;
	v25 =	vld [tilespmem:s18+$0x0]  }
0x13f: {  	v26 =	vor.u32 v26, v35;
	v27 =	vld [tilespmem:s18+$0x10]  }
0x140: {  	v52 =	vor.u32 v2, v26;
	v28 =	vld [tilespmem:s18+$0x20]  }
0x141: {  	v54 =	vor.u32 v7, v26;
	v29 =	vld [tilespmem:s18+$0x30]  }
0x142: {  	v56 =	vor.u32 v8, v26;
	v30 =	vld [tilespmem:s18+$0x40]  }
0x143: {  	v58 =	vor.u32 v9, v26;
	v31 =	vld [tilespmem:s18+$0x50];
	v25 =	vmul.f32 v25, v24  }
0x144: {  	v59 =	vld [tilespmem:s18+$0x470];
	v60 =	vor.u32 v10, v26;
	v27 =	vmul.f32 v27, v24  }
0x145: {  	v28 =	vmul.f32 v28, v24;
	[tilespmem:v52+s3+$0x0] =	vst.idx.add.f32.msk $0xffff, v25;
	v25 =	vor.u32 v11, v26  }
0x146: {  	v29 =	vmul.f32 v29, v24;
	[tilespmem:v54+s3+$0x0] =	vst.idx.add.f32.msk $0xffff, v27;
	v27 =	vor.u32 v12, v26  }
0x147: {  	v30 =	vmul.f32 v30, v24;
	[tilespmem:v56+s3+$0x0] =	vst.idx.add.f32.msk $0xffff, v28;
	v28 =	vor.u32 v13, v26  }
0x148: {  	v31 =	vmul.f32 v31, v24;
	[tilespmem:v58+s3+$0x0] =	vst.idx.add.f32.msk $0xffff, v29;
	v29 =	vor.u32 v14, v26  }
0x149: {  	v32 =	vmul.f32 v61, v24;
	[tilespmem:v60+s3+$0x0] =	vst.idx.add.f32.msk $0xffff, v30;
	v30 =	vor.u32 v15, v26  }
0x14a: {  	v33 =	vmul.f32 v62, v24;
	[tilespmem:v25+s3+$0x0] =	vst.idx.add.f32.msk $0xffff, v31;
	v25 =	vor.u32 v16, v26  }
0x14b: {  	v31 =	vmul.f32 v63, v24;
	[tilespmem:v27+s3+$0x0] =	vst.idx.add.f32.msk $0xffff, v32;
	v27 =	vor.u32 v17, v26  }
0x14c: {  	v61 =	vmul.f32 v49, v24;
	[tilespmem:v28+s3+$0x0] =	vst.idx.add.f32.msk $0xffff, v33;
	v28 =	vor.u32 v18, v26  }
0x14d: {  	v62 =	vmul.f32 v50, v24;
	[tilespmem:v29+s3+$0x0] =	vst.idx.add.f32.msk $0xffff, v31;
	v29 =	vor.u32 v19, v26  }
0x14e: {  	v31 =	vmul.f32 v51, v24;
	[tilespmem:v30+s3+$0x0] =	vst.idx.add.f32.msk $0xffff, v61;
	v30 =	vor.u32 v20, v26  }
0x14f: {  	v63 =	vmul.f32 v53, v24;
	[tilespmem:v25+s3+$0x0] =	vst.idx.add.f32.msk $0xffff, v62;
	v25 =	vor.u32 v21, v26  }
0x150: {  	v26 =	vmul.f32 v55, v24;
	[tilespmem:v27+s3+$0x0] =	vst.idx.add.f32.msk $0xffff, v31  }
0x151: {  	v27 =	vmul.f32 v57, v24;
	[tilespmem:v28+s3+$0x0] =	vst.idx.add.f32.msk $0xffff, v63  }
0x152: {  	v24 =	vmul.f32 v59, v24;
	[tilespmem:v29+s3+$0x0] =	vst.idx.add.f32.msk $0xffff, v26  }
0x153: {  	[tilespmem:v30+s3+$0x0] =	vst.idx.add.f32.msk $0xffff, v27  }
0x154: {  	p0 =	seq.s32 s31, $0xF;
	[tilespmem:v25+s3+$0x0] =	vst.idx.add.f32.msk $0xffff, v24  }
0x155: {  	s17 =	smul.u32 @!p0 $0x600, s31;
	_ =	swait.ge [sflag:s29], $0x2000  }
0x156: {  	[sflag:s29] =	ssyncset.done $0x0  }
0x157: {  	s17 =	sshra.s32 @!p0 s17, $0x2;
	[sflag:s29] =	ssyncadd.s32 $0xFFFFE000  }
0x158: {  	v24 =	vld @!p0 [tilespmem:s17+$0x14180];
	_ =	sdelay $0x4  }
0x159: {  	v25 =	vshll.u32 @!p0 v24, $0x1  }
0x15a: {  	v26 =	vlaneseq.u32 @!p0;
	v24 =	vand.u32 @!p0 $0x7, v24;
	v25 =	vand.u32 @!p0 $0xFFFFFFF0, v25  }
0x15b: {  	v27 =	vshrl.u32 @!p0 v26, $0x3;
	v24 =	vor.u32 @!p0 v24, v25;
	v25 =	vand.u32 @!p0 $0x7, v26  }
0x15c: {  	v27 =	vmul.u32 @!p0 $0x8, v27;
	v28 =	vperm.xlane @!p0 v24, v25  }
0x15d: {  	v26 =	vor.u32 @!p0 $0x8, v26  }
0x15e: {  	v24 =	vperm.xlane @!p0 v24, v26;
	v28 =	vadd.s32 @!p0 v27, v28;
	_ =	sdelay $0x1  }
0x15f: {  	v24 =	vadd.s32 @!p0 v27, v24;
	_ =	sdelay $0x1  }
0x160: {  	vm1 =	vmmov @!p0 $0xffff;
	s19 =	simm.s32 @!p0 $0x18800;
	s18 =	simm.s32 @!p0 $0x0  }
0x161: {  	[tilespmem:s19], [sflag:$0x1] =	stream.indirect_vreg.gather @!p0 [hbm4b:s1+s18], $0x80, v28, vm1, $0xb8;
	[tilespmem:$0x1E880] =	vst v63  }
0x162: {  	s19 =	simm.s32 @!p0 $0x19000  }
0x163: {  	[tilespmem:s19], [sflag:$0x1] =	stream.indirect_vreg.gather @!p0 [hbm4b:s1+s18], $0x80, v24, vm1, $0xb8;
	[tilespmem:$0x1E880] =	vst v63  }
0x164: {  	v24 =	vld @!p0 [tilespmem:s17+$0x14190];
	_ =	sdelay $0x4  }
0x165: {  	v28 =	vshll.u32 @!p0 v24, $0x1  }
0x166: {  	v24 =	vand.u32 @!p0 $0x7, v24;
	v28 =	vand.u32 @!p0 $0xFFFFFFF0, v28  }
0x167: {  	v24 =	vor.u32 @!p0 v24, v28  }
0x168: {  	v25 =	vperm.xlane @!p0 v24, v25  }
0x169: {  	s22 =	sadd.s32 $0x1, s16;
	s16 =	simm.s32 $0x0  }
0x16a: {  	s19 =	sshll.u32 s22, $0x7;
	v24 =	vperm.xlane @!p0 v24, v26;
	v26 =	vmov s16;
	v28 =	vadd.s32 @!p0 v27, v25  }
0x16b: {  	v26 =	vand.u32 $0x7E, v26;
	v25 =	vmov s19  }
0x16c: {  	v24 =	vadd.s32 @!p0 v27, v24;
	v26 =	vor.u32 v25, v26  }
0x16d: {  	v26 =	vbroadcast v26, $0x0  }
0x16e: {  	s19 =	simm.s32 @!p0 $0x19800  }
0x16f: {  	[tilespmem:s19], [sflag:$0x1] =	stream.indirect_vreg.gather @!p0 [hbm4b:s1+s18], $0x80, v28, vm1, $0xb8;
	[tilespmem:$0x1E880] =	vst v63  }
0x170: {  	s23 =	simm.s32 $0x1;
	s20 =	simm.s32 @!p0 $0x1A000  }
0x171: {  	v27 =	vmov s23;
	[tilespmem:s20], [sflag:$0x1] =	stream.indirect_vreg.gather @!p0 [hbm4b:s1+s18], $0x80, v24, vm1, $0xb8;
	[tilespmem:$0x1E880] =	vst v63  }
0x172: {  	s21 =	sand.u32 $0x1800, s16;
	v24 =	vand.u32 $0x7F, v27;
	s18 =	simm.s32 $0x80  }
0x173: {  	s19 =	sadd.s32 $0x1A800, s21;
	v27 =	vor.u32 v25, v24;
	v24 =	vld.idx.msk [tilespmem:v26+s15+$0x0], $0xffff;
	s22 =	sand.u32 $0x380, s18  }
0x174: {  	v26 =	vld.idx.msk [tilespmem:v26+s14+$0x0], $0xffff;
	v36 =	vbroadcast v27, $0x0;
	s21 =	sor.u32 s22, s19  }
0x175: {  	v35 =	vld [tilespmem:s21+$0x0]  }
0x176: {  	v34 =	vld [tilespmem:s21+$0x10]  }
0x177: {  	v33 =	vld [tilespmem:s21+$0x20]  }
0x178: {  	v32 =	vld [tilespmem:s21+$0x30]  }
0x179: {  	v31 =	vld [tilespmem:s21+$0x40]  }
0x17a: {  	v37 =	vld.idx.msk [tilespmem:v36+s14+$0x0], $0xffff  }
0x17b: {  	v30 =	vld [tilespmem:s21+$0x50]  }
0x17c: {  	s23 =	simm.s32 $0x0;
	v29 =	vld [tilespmem:s21+$0x60]  }
0x17d: {  	s20 =	sand.u32 $0x300, s23;
	v28 =	vld [tilespmem:s21+$0x70]  }
0x17e: {  	s19 =	sor.u32 s20, s19;
	s20 =	simm.s32 $0x2;
	v27 =	vld [tilespmem:s21+$0x400]  }
.LBB2_11:
0x17f: {  	p1 =	slt.u32 s20, $0x1E;
	v36 =	vld.idx.msk [tilespmem:v36+s15+$0x0], $0xffff;
	v38 =	vshll.u32 v37, $0x8;
	v37 =	vshll.u32 v37, $0x7  }
0x180: {  	v39 =	vld [tilespmem:s21+$0x410];
	v38 =	vand.u32 $0xFFFFF800, v38;
	v37 =	vand.u32 $0x380, v37  }
0x181: {  	v40 =	vld [tilespmem:s21+$0x420];
	v37 =	vor.u32 v37, v38  }
0x182: {  	v38 =	vld [tilespmem:s21+$0x430];
	v41 =	vor.u32 v2, v37  }
0x183: {  	v43 =	vor.u32 v7, v37;
	v42 =	vld [tilespmem:s21+$0x440]  }
0x184: {  	v45 =	vor.u32 v8, v37;
	v44 =	vld [tilespmem:s21+$0x450]  }
0x185: {  	v47 =	vor.u32 v9, v37;
	v35 =	vmul.f32 v35, v36;
	v46 =	vld [tilespmem:s21+$0x460]  }
0x186: {  	v49 =	vor.u32 v10, v37;
	v34 =	vmul.f32 v34, v36;
	v48 =	vld [tilespmem:s21+$0x470]  }
0x187: {  	v33 =	vmul.f32 v33, v36;
	[tilespmem:v41+s3+$0x0] =	vst.idx.add.f32.msk $0xffff, v35;
	v35 =	vor.u32 v11, v37  }
0x188: {  	v32 =	vmul.f32 v32, v36;
	[tilespmem:v43+s3+$0x0] =	vst.idx.add.f32.msk $0xffff, v34;
	v34 =	vor.u32 v12, v37  }
0x189: {  	v31 =	vmul.f32 v31, v36;
	[tilespmem:v45+s3+$0x0] =	vst.idx.add.f32.msk $0xffff, v33;
	v33 =	vor.u32 v13, v37  }
0x18a: {  	v30 =	vmul.f32 v30, v36;
	[tilespmem:v47+s3+$0x0] =	vst.idx.add.f32.msk $0xffff, v32;
	v32 =	vor.u32 v14, v37  }
0x18b: {  	v29 =	vmul.f32 v29, v36;
	[tilespmem:v49+s3+$0x0] =	vst.idx.add.f32.msk $0xffff, v31;
	v31 =	vor.u32 v15, v37  }
0x18c: {  	v28 =	vmul.f32 v28, v36;
	[tilespmem:v35+s3+$0x0] =	vst.idx.add.f32.msk $0xffff, v30;
	v30 =	vor.u32 v16, v37  }
0x18d: {  	v27 =	vmul.f32 v27, v36;
	[tilespmem:v34+s3+$0x0] =	vst.idx.add.f32.msk $0xffff, v29;
	v29 =	vor.u32 v17, v37  }
0x18e: {  	[tilespmem:v33+s3+$0x0] =	vst.idx.add.f32.msk $0xffff, v28;
	v28 =	vmul.f32 v39, v36;
	v33 =	vor.u32 v18, v37  }
0x18f: {  	[tilespmem:v32+s3+$0x0] =	vst.idx.add.f32.msk $0xffff, v27;
	v27 =	vmul.f32 v40, v36;
	v32 =	vor.u32 v19, v37  }
0x190: {  	[tilespmem:v31+s3+$0x0] =	vst.idx.add.f32.msk $0xffff, v28;
	v28 =	vmul.f32 v38, v36;
	v31 =	vor.u32 v20, v37  }
0x191: {  	[tilespmem:v30+s3+$0x0] =	vst.idx.add.f32.msk $0xffff, v27;
	v27 =	vmul.f32 v42, v36;
	v30 =	vor.u32 v21, v37  }
0x192: {  	[tilespmem:v29+s3+$0x0] =	vst.idx.add.f32.msk $0xffff, v28;
	v28 =	vmul.f32 v44, v36  }
0x193: {  	[tilespmem:v33+s3+$0x0] =	vst.idx.add.f32.msk $0xffff, v27;
	v27 =	vmul.f32 v46, v36  }
0x194: {  	[tilespmem:v32+s3+$0x0] =	vst.idx.add.f32.msk $0xffff, v28;
	v28 =	vmul.f32 v48, v36  }
0x195: {  	[tilespmem:v31+s3+$0x0] =	vst.idx.add.f32.msk $0xffff, v27  }
0x196: {  	[tilespmem:v30+s3+$0x0] =	vst.idx.add.f32.msk $0xffff, v28  }
0x197: {  	v27 =	vld [tilespmem:s19+$0x0]  }
0x198: {  	v28 =	vld [tilespmem:s19+$0x10]  }
0x199: {  	v29 =	vld [tilespmem:s19+$0x20]  }
0x19a: {  	v30 =	vld [tilespmem:s19+$0x30]  }
0x19b: {  	v31 =	vld [tilespmem:s19+$0x40]  }
0x19c: {  	v32 =	vld [tilespmem:s19+$0x50];
	v27 =	vmul.f32 v27, v24  }
0x19d: {  	v33 =	vld [tilespmem:s19+$0x60];
	v28 =	vmul.f32 v28, v24  }
0x19e: {  	v34 =	vld [tilespmem:s19+$0x70];
	v29 =	vmul.f32 v29, v24  }
0x19f: {  	v36 =	vshll.u32 v26, $0x8;
	v26 =	vshll.u32 v26, $0x7;
	v35 =	vld [tilespmem:s19+$0x400];
	v30 =	vmul.f32 v30, v24  }
0x1a0: {  	v36 =	vand.u32 $0xFFFFF800, v36;
	v26 =	vand.u32 $0x380, v26;
	v37 =	vld [tilespmem:s19+$0x410];
	v31 =	vmul.f32 v31, v24  }
0x1a1: {  	v26 =	vor.u32 v26, v36;
	v38 =	vld [tilespmem:s19+$0x420];
	v32 =	vmul.f32 v32, v24  }
0x1a2: {  	v39 =	vor.u32 v2, v26;
	v36 =	vld [tilespmem:s19+$0x430];
	v33 =	vmul.f32 v33, v24  }
0x1a3: {  	v41 =	vor.u32 v7, v26;
	v40 =	vld [tilespmem:s19+$0x440];
	v34 =	vmul.f32 v34, v24  }
0x1a4: {  	v43 =	vor.u32 v8, v26;
	v42 =	vld [tilespmem:s19+$0x450];
	v35 =	vmul.f32 v35, v24  }
0x1a5: {  	v45 =	vor.u32 v9, v26;
	v44 =	vld [tilespmem:s19+$0x460];
	v37 =	vmul.f32 v37, v24  }
0x1a6: {  	v47 =	vor.u32 v10, v26;
	v46 =	vld [tilespmem:s19+$0x470];
	v38 =	vmul.f32 v38, v24  }
0x1a7: {  	[tilespmem:v39+s3+$0x0] =	vst.idx.add.f32.msk $0xffff, v27;
	v27 =	vor.u32 v11, v26;
	v36 =	vmul.f32 v36, v24  }
0x1a8: {  	[tilespmem:v41+s3+$0x0] =	vst.idx.add.f32.msk $0xffff, v28;
	v28 =	vor.u32 v12, v26;
	v39 =	vmul.f32 v40, v24  }
0x1a9: {  	[tilespmem:v43+s3+$0x0] =	vst.idx.add.f32.msk $0xffff, v29;
	v29 =	vor.u32 v13, v26;
	v40 =	vmul.f32 v42, v24  }
0x1aa: {  	[tilespmem:v45+s3+$0x0] =	vst.idx.add.f32.msk $0xffff, v30;
	v30 =	vor.u32 v14, v26;
	v41 =	vmul.f32 v44, v24  }
0x1ab: {  	[tilespmem:v47+s3+$0x0] =	vst.idx.add.f32.msk $0xffff, v31;
	v31 =	vor.u32 v15, v26;
	v24 =	vmul.f32 v46, v24  }
0x1ac: {  	[tilespmem:v27+s3+$0x0] =	vst.idx.add.f32.msk $0xffff, v32;
	v27 =	vor.u32 v16, v26  }
0x1ad: {  	[tilespmem:v28+s3+$0x0] =	vst.idx.add.f32.msk $0xffff, v33;
	v28 =	vor.u32 v17, v26  }
0x1ae: {  	v32 =	vmov s20;
	[tilespmem:v29+s3+$0x0] =	vst.idx.add.f32.msk $0xffff, v34;
	v29 =	vor.u32 v18, v26  }
0x1af: {  	v32 =	vand.u32 $0x7E, v32;
	[tilespmem:v30+s3+$0x0] =	vst.idx.add.f32.msk $0xffff, v35;
	v30 =	vor.u32 v19, v26  }
0x1b0: {  	v32 =	vor.u32 v25, v32;
	[tilespmem:v31+s3+$0x0] =	vst.idx.add.f32.msk $0xffff, v37;
	v31 =	vor.u32 v20, v26  }
0x1b1: {  	v32 =	vbroadcast v32, $0x0;
	v26 =	vor.u32 v21, v26;
	[tilespmem:v27+s3+$0x0] =	vst.idx.add.f32.msk $0xffff, v38  }
0x1b2: {  	[tilespmem:v28+s3+$0x0] =	vst.idx.add.f32.msk $0xffff, v36  }
0x1b3: {  	s19 =	sadd.s32 $0x1, s20;
	[tilespmem:v29+s3+$0x0] =	vst.idx.add.f32.msk $0xffff, v39  }
0x1b4: {  	v27 =	vmov s19;
	[tilespmem:v30+s3+$0x0] =	vst.idx.add.f32.msk $0xffff, v40  }
0x1b5: {  	s16 =	sadd.s32 $0x200, s16;
	v27 =	vand.u32 $0x7F, v27;
	[tilespmem:v31+s3+$0x0] =	vst.idx.add.f32.msk $0xffff, v41  }
0x1b6: {  	s18 =	sadd.s32 $0x100, s18;
	s19 =	sand.u32 $0x1800, s16;
	v27 =	vor.u32 v25, v27;
	[tilespmem:v26+s3+$0x0] =	vst.idx.add.f32.msk $0xffff, v24  }
0x1b7: {  	s22 =	sand.u32 $0x380, s18;
	s21 =	sadd.s32 $0xFFFFFF80, s18;
	s19 =	sadd.s32 $0x1A800, s19;
	v36 =	vbroadcast v27, $0x0;
	v24 =	vld.idx.msk [tilespmem:v32+s15+$0x0], $0xffff  }
0x1b8: {  	s23 =	sand.u32 $0x300, s21;
	s21 =	sor.u32 s22, s19;
	v26 =	vld.idx.msk [tilespmem:v32+s14+$0x0], $0xffff  }
0x1b9: {  	s19 =	sor.u32 s23, s19;
	v35 =	vld [tilespmem:s21+$0x0]  }
0x1ba: {  	v34 =	vld [tilespmem:s21+$0x10]  }
0x1bb: {  	v33 =	vld [tilespmem:s21+$0x20]  }
0x1bc: {  	v32 =	vld [tilespmem:s21+$0x30]  }
0x1bd: {  	v37 =	vld.idx.msk [tilespmem:v36+s14+$0x0], $0xffff  }
.Ltmp6:
0x1be: {  	v31 =	vld [tilespmem:s21+$0x40];
	(pc) =	sbr.rel @p1 .LBB2_11-.Ltmp6, $4  }
0x1bf: {  	v30 =	vld [tilespmem:s21+$0x50]  }
0x1c0: {  	v29 =	vld [tilespmem:s21+$0x60]  }
0x1c1: {  	v28 =	vld [tilespmem:s21+$0x70]  }
0x1c2: {  	s20 =	sadd.s32 $0x2, s20;
	v27 =	vld [tilespmem:s21+$0x400]  }
0x1c3: {  	_ =	sdelay $0x3  }
0x1c4: {  	v25 =	vld.idx.msk [tilespmem:v36+s15+$0x0], $0xffff  }
0x1c5: {  	v38 =	vld [tilespmem:s21+$0x410]  }
0x1c6: {  	v39 =	vld [tilespmem:s21+$0x420]  }
0x1c7: {  	v54 =	vld [tilespmem:s21+$0x430]  }
0x1c8: {  	v41 =	vld [tilespmem:s21+$0x440]  }
0x1c9: {  	v43 =	vld [tilespmem:s21+$0x450]  }
0x1ca: {  	v45 =	vld [tilespmem:s21+$0x460]  }
0x1cb: {  	v52 =	vshll.u32 v37, $0x8;
	v53 =	vshll.u32 v37, $0x7;
	v47 =	vld [tilespmem:s21+$0x470]  }
0x1cc: {  	v61 =	vld [tilespmem:s19+$0x60];
	v36 =	vand.u32 $0xFFFFF800, v52;
	v37 =	vand.u32 $0x380, v53  }
0x1cd: {  	v62 =	vld [tilespmem:s19+$0x70];
	v36 =	vor.u32 v37, v36  }
0x1ce: {  	v63 =	vld [tilespmem:s19+$0x400];
	v40 =	vor.u32 v2, v36  }
0x1cf: {  	v49 =	vld [tilespmem:s19+$0x410];
	v42 =	vor.u32 v7, v36  }
0x1d0: {  	v50 =	vld [tilespmem:s19+$0x420];
	v44 =	vor.u32 v8, v36  }
0x1d1: {  	v51 =	vld [tilespmem:s19+$0x430];
	v46 =	vor.u32 v9, v36;
	v35 =	vmul.f32 v35, v25  }
0x1d2: {  	v53 =	vld [tilespmem:s19+$0x440];
	v48 =	vor.u32 v10, v36;
	v34 =	vmul.f32 v34, v25  }
0x1d3: {  	v55 =	vor.u32 v11, v36;
	v33 =	vmul.f32 v33, v25;
	[tilespmem:v40+s3+$0x0] =	vst.idx.add.f32.msk $0xffff, v35  }
0x1d4: {  	v32 =	vmul.f32 v32, v25;
	[tilespmem:v42+s3+$0x0] =	vst.idx.add.f32.msk $0xffff, v34  }
0x1d5: {  	v56 =	vor.u32 v12, v36;
	v31 =	vmul.f32 v31, v25;
	[tilespmem:v44+s3+$0x0] =	vst.idx.add.f32.msk $0xffff, v33  }
0x1d6: {  	v57 =	vor.u32 v13, v36;
	v30 =	vmul.f32 v30, v25;
	[tilespmem:v46+s3+$0x0] =	vst.idx.add.f32.msk $0xffff, v32  }
0x1d7: {  	[tilespmem:v48+s3+$0x0] =	vst.idx.add.f32.msk $0xffff, v31  }
0x1d8: {  	v58 =	vor.u32 v14, v36;
	v29 =	vmul.f32 v29, v25;
	[tilespmem:v55+s3+$0x0] =	vst.idx.add.f32.msk $0xffff, v30  }
0x1d9: {  	v28 =	vmul.f32 v28, v25;
	v31 =	vor.u32 v15, v36;
	v55 =	vld [tilespmem:s19+$0x450]  }
0x1da: {  	v30 =	vor.u32 v16, v36;
	[tilespmem:v56+s3+$0x0] =	vst.idx.add.f32.msk $0xffff, v29  }
0x1db: {  	v27 =	vmul.f32 v27, v25;
	v29 =	vor.u32 v17, v36;
	[tilespmem:v57+s3+$0x0] =	vst.idx.add.f32.msk $0xffff, v28  }
0x1dc: {  	v59 =	vor.u32 v18, v36;
	v28 =	vmul.f32 v38, v25;
	v57 =	vld [tilespmem:s19+$0x460]  }
0x1dd: {  	v60 =	vor.u32 v19, v36;
	[tilespmem:v58+s3+$0x0] =	vst.idx.add.f32.msk $0xffff, v27;
	v27 =	vmul.f32 v39, v25  }
0x1de: {  	[tilespmem:v31+s3+$0x0] =	vst.idx.add.f32.msk $0xffff, v28;
	v28 =	vmul.f32 v54, v25;
	v31 =	vor.u32 v20, v36  }
0x1df: {  	[tilespmem:v30+s3+$0x0] =	vst.idx.add.f32.msk $0xffff, v27;
	v27 =	vmul.f32 v41, v25;
	v30 =	vor.u32 v21, v36  }
0x1e0: {  	[tilespmem:v29+s3+$0x0] =	vst.idx.add.f32.msk $0xffff, v28;
	v28 =	vmul.f32 v43, v25  }
0x1e1: {  	[tilespmem:v59+s3+$0x0] =	vst.idx.add.f32.msk $0xffff, v27;
	v27 =	vmul.f32 v45, v25  }
0x1e2: {  	v25 =	vmul.f32 v47, v25;
	[tilespmem:v60+s3+$0x0] =	vst.idx.add.f32.msk $0xffff, v28  }
0x1e3: {  	[tilespmem:v31+s3+$0x0] =	vst.idx.add.f32.msk $0xffff, v27  }
0x1e4: {  	v48 =	vshll.u32 v26, $0x8;
	v26 =	vshll.u32 v26, $0x7;
	[tilespmem:v30+s3+$0x0] =	vst.idx.add.f32.msk $0xffff, v25  }
0x1e5: {  	v35 =	vand.u32 $0xFFFFF800, v48;
	v26 =	vand.u32 $0x380, v26;
	v25 =	vld [tilespmem:s19+$0x0]  }
0x1e6: {  	v26 =	vor.u32 v26, v35;
	v27 =	vld [tilespmem:s19+$0x10]  }
0x1e7: {  	v52 =	vor.u32 v2, v26;
	v28 =	vld [tilespmem:s19+$0x20]  }
0x1e8: {  	v54 =	vor.u32 v7, v26;
	v29 =	vld [tilespmem:s19+$0x30]  }
0x1e9: {  	v56 =	vor.u32 v8, v26;
	v30 =	vld [tilespmem:s19+$0x40]  }
0x1ea: {  	v58 =	vor.u32 v9, v26;
	v31 =	vld [tilespmem:s19+$0x50];
	v25 =	vmul.f32 v25, v24  }
0x1eb: {  	v59 =	vld [tilespmem:s19+$0x470];
	v60 =	vor.u32 v10, v26;
	v27 =	vmul.f32 v27, v24  }
0x1ec: {  	v28 =	vmul.f32 v28, v24;
	[tilespmem:v52+s3+$0x0] =	vst.idx.add.f32.msk $0xffff, v25;
	v25 =	vor.u32 v11, v26  }
0x1ed: {  	v29 =	vmul.f32 v29, v24;
	[tilespmem:v54+s3+$0x0] =	vst.idx.add.f32.msk $0xffff, v27;
	v27 =	vor.u32 v12, v26  }
0x1ee: {  	v30 =	vmul.f32 v30, v24;
	[tilespmem:v56+s3+$0x0] =	vst.idx.add.f32.msk $0xffff, v28;
	v28 =	vor.u32 v13, v26  }
0x1ef: {  	v31 =	vmul.f32 v31, v24;
	[tilespmem:v58+s3+$0x0] =	vst.idx.add.f32.msk $0xffff, v29;
	v29 =	vor.u32 v14, v26  }
0x1f0: {  	v32 =	vmul.f32 v61, v24;
	[tilespmem:v60+s3+$0x0] =	vst.idx.add.f32.msk $0xffff, v30;
	v30 =	vor.u32 v15, v26  }
0x1f1: {  	v33 =	vmul.f32 v62, v24;
	[tilespmem:v25+s3+$0x0] =	vst.idx.add.f32.msk $0xffff, v31;
	v25 =	vor.u32 v16, v26  }
0x1f2: {  	v31 =	vmul.f32 v63, v24;
	[tilespmem:v27+s3+$0x0] =	vst.idx.add.f32.msk $0xffff, v32;
	v27 =	vor.u32 v17, v26  }
0x1f3: {  	v61 =	vmul.f32 v49, v24;
	[tilespmem:v28+s3+$0x0] =	vst.idx.add.f32.msk $0xffff, v33;
	v28 =	vor.u32 v18, v26  }
0x1f4: {  	v62 =	vmul.f32 v50, v24;
	[tilespmem:v29+s3+$0x0] =	vst.idx.add.f32.msk $0xffff, v31;
	v29 =	vor.u32 v19, v26  }
0x1f5: {  	v31 =	vmul.f32 v51, v24;
	[tilespmem:v30+s3+$0x0] =	vst.idx.add.f32.msk $0xffff, v61;
	v30 =	vor.u32 v20, v26  }
0x1f6: {  	v63 =	vmul.f32 v53, v24;
	[tilespmem:v25+s3+$0x0] =	vst.idx.add.f32.msk $0xffff, v62;
	v25 =	vor.u32 v21, v26  }
0x1f7: {  	v26 =	vmul.f32 v55, v24;
	[tilespmem:v27+s3+$0x0] =	vst.idx.add.f32.msk $0xffff, v31  }
0x1f8: {  	v27 =	vmul.f32 v57, v24;
	[tilespmem:v28+s3+$0x0] =	vst.idx.add.f32.msk $0xffff, v63  }
0x1f9: {  	v24 =	vmul.f32 v59, v24;
	[tilespmem:v29+s3+$0x0] =	vst.idx.add.f32.msk $0xffff, v26  }
0x1fa: {  	[tilespmem:v30+s3+$0x0] =	vst.idx.add.f32.msk $0xffff, v27  }
0x1fb: {  	[tilespmem:v25+s3+$0x0] =	vst.idx.add.f32.msk $0xffff, v24  }
0x1fc: {  	_ =	swait.ge [sflag:s30], $0x2000  }
0x1fd: {  	[sflag:s30] =	ssyncset.done $0x0  }
0x1fe: {  	[sflag:s30] =	ssyncadd.s32 $0xFFFFE000  }
0x1ff: {  	v24 =	vld @!p0 [tilespmem:s17+$0x14200];
	_ =	sdelay $0x4  }
0x200: {  	v25 =	vshll.u32 @!p0 v24, $0x1  }
0x201: {  	v26 =	vlaneseq.u32 @!p0;
	v24 =	vand.u32 @!p0 $0x7, v24;
	v25 =	vand.u32 @!p0 $0xFFFFFFF0, v25  }
0x202: {  	v27 =	vshrl.u32 @!p0 v26, $0x3;
	v24 =	vor.u32 @!p0 v24, v25;
	v25 =	vand.u32 @!p0 $0x7, v26  }
0x203: {  	v27 =	vmul.u32 @!p0 $0x8, v27;
	v28 =	vperm.xlane @!p0 v24, v25  }
0x204: {  	v26 =	vor.u32 @!p0 $0x8, v26  }
0x205: {  	v24 =	vperm.xlane @!p0 v24, v26;
	v28 =	vadd.s32 @!p0 v27, v28;
	_ =	sdelay $0x1  }
0x206: {  	v24 =	vadd.s32 @!p0 v27, v24;
	_ =	sdelay $0x1  }
0x207: {  	s18 =	simm.s32 @!p0 $0x0;
	s16 =	simm.s32 @!p0 $0x1A800  }
0x208: {  	[tilespmem:s16], [sflag:$0x2] =	stream.indirect_vreg.gather @!p0 [hbm4b:s1+s18], $0x80, v28, vm1, $0xb8;
	[tilespmem:$0x1E880] =	vst v63  }
0x209: {  	s16 =	simm.s32 @!p0 $0x1B000  }
0x20a: {  	[tilespmem:s16], [sflag:$0x2] =	stream.indirect_vreg.gather @!p0 [hbm4b:s1+s18], $0x80, v24, vm1, $0xb8;
	[tilespmem:$0x1E880] =	vst v63  }
0x20b: {  	v24 =	vld @!p0 [tilespmem:s17+$0x14210];
	_ =	sdelay $0x4  }
0x20c: {  	v28 =	vshll.u32 @!p0 v24, $0x1  }
0x20d: {  	v24 =	vand.u32 @!p0 $0x7, v24;
	v28 =	vand.u32 @!p0 $0xFFFFFFF0, v28  }
0x20e: {  	v24 =	vor.u32 @!p0 v24, v28  }
0x20f: {  	s16 =	simm.s32 $0x0;
	v25 =	vperm.xlane @!p0 v24, v25  }
0x210: {  	v24 =	vperm.xlane @!p0 v24, v26;
	v26 =	vmov s16  }
0x211: {  	v26 =	vand.u32 $0x7E, v26;
	v28 =	vadd.s32 @!p0 v27, v25;
	v25 =	vmov s13  }
0x212: {  	v26 =	vor.u32 v25, v26  }
0x213: {  	v24 =	vadd.s32 @!p0 v27, v24;
	v26 =	vbroadcast v26, $0x0;
	_ =	sdelay $0x1  }
0x214: {  	s20 =	simm.s32 $0x1;
	s13 =	simm.s32 @!p0 $0x1B800  }
0x215: {  	[tilespmem:s13], [sflag:$0x2] =	stream.indirect_vreg.gather @!p0 [hbm4b:s1+s18], $0x80, v28, vm1, $0xb8;
	[tilespmem:$0x1E880] =	vst v63  }
0x216: {  	s17 =	simm.s32 @!p0 $0x1C000;
	s21 =	sand.u32 $0x1800, s16;
	v27 =	vmov s20;
	s13 =	simm.s32 $0x80  }
0x217: {  	[tilespmem:s17], [sflag:$0x2] =	stream.indirect_vreg.gather @!p0 [hbm4b:s1+s18], $0x80, v24, vm1, $0xb8;
	v24 =	vand.u32 $0x7F, v27;
	[tilespmem:$0x1E880] =	vst v63  }
0x218: {  	s22 =	sand.u32 $0x380, s13;
	s17 =	sadd.s32 $0x1C800, s21;
	v27 =	vor.u32 v25, v24;
	v24 =	vld.idx.msk [tilespmem:v26+s15+$0x0], $0xffff  }
0x219: {  	v26 =	vld.idx.msk [tilespmem:v26+s14+$0x0], $0xffff;
	s19 =	sor.u32 s22, s17;
	v36 =	vbroadcast v27, $0x0  }
0x21a: {  	v35 =	vld [tilespmem:s19+$0x0]  }
0x21b: {  	v34 =	vld [tilespmem:s19+$0x10]  }
0x21c: {  	v33 =	vld [tilespmem:s19+$0x20]  }
0x21d: {  	v32 =	vld [tilespmem:s19+$0x30]  }
0x21e: {  	v31 =	vld [tilespmem:s19+$0x40]  }
0x21f: {  	v37 =	vld.idx.msk [tilespmem:v36+s14+$0x0], $0xffff  }
0x220: {  	v30 =	vld [tilespmem:s19+$0x50]  }
0x221: {  	s23 =	simm.s32 $0x0;
	v29 =	vld [tilespmem:s19+$0x60]  }
0x222: {  	s18 =	sand.u32 $0x300, s23;
	v28 =	vld [tilespmem:s19+$0x70]  }
0x223: {  	s17 =	sor.u32 s18, s17;
	s18 =	simm.s32 $0x2;
	v27 =	vld [tilespmem:s19+$0x400]  }
.LBB2_13:
0x224: {  	p0 =	slt.u32 s18, $0x1E;
	v36 =	vld.idx.msk [tilespmem:v36+s15+$0x0], $0xffff;
	v38 =	vshll.u32 v37, $0x8;
	v37 =	vshll.u32 v37, $0x7  }
0x225: {  	v39 =	vld [tilespmem:s19+$0x410];
	v38 =	vand.u32 $0xFFFFF800, v38;
	v37 =	vand.u32 $0x380, v37  }
0x226: {  	v40 =	vld [tilespmem:s19+$0x420];
	v37 =	vor.u32 v37, v38  }
0x227: {  	v38 =	vld [tilespmem:s19+$0x430];
	v41 =	vor.u32 v2, v37  }
0x228: {  	v43 =	vor.u32 v7, v37;
	v42 =	vld [tilespmem:s19+$0x440]  }
0x229: {  	v45 =	vor.u32 v8, v37;
	v44 =	vld [tilespmem:s19+$0x450]  }
0x22a: {  	v47 =	vor.u32 v9, v37;
	v35 =	vmul.f32 v35, v36;
	v46 =	vld [tilespmem:s19+$0x460]  }
0x22b: {  	v49 =	vor.u32 v10, v37;
	v34 =	vmul.f32 v34, v36;
	v48 =	vld [tilespmem:s19+$0x470]  }
0x22c: {  	v33 =	vmul.f32 v33, v36;
	[tilespmem:v41+s3+$0x0] =	vst.idx.add.f32.msk $0xffff, v35;
	v35 =	vor.u32 v11, v37  }
0x22d: {  	v32 =	vmul.f32 v32, v36;
	[tilespmem:v43+s3+$0x0] =	vst.idx.add.f32.msk $0xffff, v34;
	v34 =	vor.u32 v12, v37  }
0x22e: {  	v31 =	vmul.f32 v31, v36;
	[tilespmem:v45+s3+$0x0] =	vst.idx.add.f32.msk $0xffff, v33;
	v33 =	vor.u32 v13, v37  }
0x22f: {  	v30 =	vmul.f32 v30, v36;
	[tilespmem:v47+s3+$0x0] =	vst.idx.add.f32.msk $0xffff, v32;
	v32 =	vor.u32 v14, v37  }
0x230: {  	v29 =	vmul.f32 v29, v36;
	[tilespmem:v49+s3+$0x0] =	vst.idx.add.f32.msk $0xffff, v31;
	v31 =	vor.u32 v15, v37  }
0x231: {  	v28 =	vmul.f32 v28, v36;
	[tilespmem:v35+s3+$0x0] =	vst.idx.add.f32.msk $0xffff, v30;
	v30 =	vor.u32 v16, v37  }
0x232: {  	v27 =	vmul.f32 v27, v36;
	[tilespmem:v34+s3+$0x0] =	vst.idx.add.f32.msk $0xffff, v29;
	v29 =	vor.u32 v17, v37  }
0x233: {  	[tilespmem:v33+s3+$0x0] =	vst.idx.add.f32.msk $0xffff, v28;
	v28 =	vmul.f32 v39, v36;
	v33 =	vor.u32 v18, v37  }
0x234: {  	[tilespmem:v32+s3+$0x0] =	vst.idx.add.f32.msk $0xffff, v27;
	v27 =	vmul.f32 v40, v36;
	v32 =	vor.u32 v19, v37  }
0x235: {  	[tilespmem:v31+s3+$0x0] =	vst.idx.add.f32.msk $0xffff, v28;
	v28 =	vmul.f32 v38, v36;
	v31 =	vor.u32 v20, v37  }
0x236: {  	[tilespmem:v30+s3+$0x0] =	vst.idx.add.f32.msk $0xffff, v27;
	v27 =	vmul.f32 v42, v36;
	v30 =	vor.u32 v21, v37  }
0x237: {  	[tilespmem:v29+s3+$0x0] =	vst.idx.add.f32.msk $0xffff, v28;
	v28 =	vmul.f32 v44, v36  }
0x238: {  	[tilespmem:v33+s3+$0x0] =	vst.idx.add.f32.msk $0xffff, v27;
	v27 =	vmul.f32 v46, v36  }
0x239: {  	[tilespmem:v32+s3+$0x0] =	vst.idx.add.f32.msk $0xffff, v28;
	v28 =	vmul.f32 v48, v36  }
0x23a: {  	[tilespmem:v31+s3+$0x0] =	vst.idx.add.f32.msk $0xffff, v27  }
0x23b: {  	[tilespmem:v30+s3+$0x0] =	vst.idx.add.f32.msk $0xffff, v28  }
0x23c: {  	v27 =	vld [tilespmem:s17+$0x0]  }
0x23d: {  	v28 =	vld [tilespmem:s17+$0x10]  }
0x23e: {  	v29 =	vld [tilespmem:s17+$0x20]  }
0x23f: {  	v30 =	vld [tilespmem:s17+$0x30]  }
0x240: {  	v31 =	vld [tilespmem:s17+$0x40]  }
0x241: {  	v32 =	vld [tilespmem:s17+$0x50];
	v27 =	vmul.f32 v27, v24  }
0x242: {  	v33 =	vld [tilespmem:s17+$0x60];
	v28 =	vmul.f32 v28, v24  }
0x243: {  	v34 =	vld [tilespmem:s17+$0x70];
	v29 =	vmul.f32 v29, v24  }
0x244: {  	v36 =	vshll.u32 v26, $0x8;
	v26 =	vshll.u32 v26, $0x7;
	v35 =	vld [tilespmem:s17+$0x400];
	v30 =	vmul.f32 v30, v24  }
0x245: {  	v36 =	vand.u32 $0xFFFFF800, v36;
	v26 =	vand.u32 $0x380, v26;
	v37 =	vld [tilespmem:s17+$0x410];
	v31 =	vmul.f32 v31, v24  }
0x246: {  	v26 =	vor.u32 v26, v36;
	v38 =	vld [tilespmem:s17+$0x420];
	v32 =	vmul.f32 v32, v24  }
0x247: {  	v39 =	vor.u32 v2, v26;
	v36 =	vld [tilespmem:s17+$0x430];
	v33 =	vmul.f32 v33, v24  }
0x248: {  	v41 =	vor.u32 v7, v26;
	v40 =	vld [tilespmem:s17+$0x440];
	v34 =	vmul.f32 v34, v24  }
0x249: {  	v43 =	vor.u32 v8, v26;
	v42 =	vld [tilespmem:s17+$0x450];
	v35 =	vmul.f32 v35, v24  }
0x24a: {  	v45 =	vor.u32 v9, v26;
	v44 =	vld [tilespmem:s17+$0x460];
	v37 =	vmul.f32 v37, v24  }
0x24b: {  	v47 =	vor.u32 v10, v26;
	v46 =	vld [tilespmem:s17+$0x470];
	v38 =	vmul.f32 v38, v24  }
0x24c: {  	[tilespmem:v39+s3+$0x0] =	vst.idx.add.f32.msk $0xffff, v27;
	v27 =	vor.u32 v11, v26;
	v36 =	vmul.f32 v36, v24  }
0x24d: {  	[tilespmem:v41+s3+$0x0] =	vst.idx.add.f32.msk $0xffff, v28;
	v28 =	vor.u32 v12, v26;
	v39 =	vmul.f32 v40, v24  }
0x24e: {  	[tilespmem:v43+s3+$0x0] =	vst.idx.add.f32.msk $0xffff, v29;
	v29 =	vor.u32 v13, v26;
	v40 =	vmul.f32 v42, v24  }
0x24f: {  	[tilespmem:v45+s3+$0x0] =	vst.idx.add.f32.msk $0xffff, v30;
	v30 =	vor.u32 v14, v26;
	v41 =	vmul.f32 v44, v24  }
0x250: {  	[tilespmem:v47+s3+$0x0] =	vst.idx.add.f32.msk $0xffff, v31;
	v31 =	vor.u32 v15, v26;
	v24 =	vmul.f32 v46, v24  }
0x251: {  	[tilespmem:v27+s3+$0x0] =	vst.idx.add.f32.msk $0xffff, v32;
	v27 =	vor.u32 v16, v26  }
0x252: {  	[tilespmem:v28+s3+$0x0] =	vst.idx.add.f32.msk $0xffff, v33;
	v28 =	vor.u32 v17, v26  }
0x253: {  	v32 =	vmov s18;
	[tilespmem:v29+s3+$0x0] =	vst.idx.add.f32.msk $0xffff, v34;
	v29 =	vor.u32 v18, v26  }
0x254: {  	v32 =	vand.u32 $0x7E, v32;
	[tilespmem:v30+s3+$0x0] =	vst.idx.add.f32.msk $0xffff, v35;
	v30 =	vor.u32 v19, v26  }
0x255: {  	v32 =	vor.u32 v25, v32;
	[tilespmem:v31+s3+$0x0] =	vst.idx.add.f32.msk $0xffff, v37;
	v31 =	vor.u32 v20, v26  }
0x256: {  	v32 =	vbroadcast v32, $0x0;
	v26 =	vor.u32 v21, v26;
	[tilespmem:v27+s3+$0x0] =	vst.idx.add.f32.msk $0xffff, v38  }
0x257: {  	[tilespmem:v28+s3+$0x0] =	vst.idx.add.f32.msk $0xffff, v36  }
0x258: {  	s17 =	sadd.s32 $0x1, s18;
	[tilespmem:v29+s3+$0x0] =	vst.idx.add.f32.msk $0xffff, v39  }
0x259: {  	v27 =	vmov s17;
	[tilespmem:v30+s3+$0x0] =	vst.idx.add.f32.msk $0xffff, v40  }
0x25a: {  	s16 =	sadd.s32 $0x200, s16;
	v27 =	vand.u32 $0x7F, v27;
	[tilespmem:v31+s3+$0x0] =	vst.idx.add.f32.msk $0xffff, v41  }
0x25b: {  	s13 =	sadd.s32 $0x100, s13;
	s17 =	sand.u32 $0x1800, s16;
	v27 =	vor.u32 v25, v27;
	[tilespmem:v26+s3+$0x0] =	vst.idx.add.f32.msk $0xffff, v24  }
0x25c: {  	s20 =	sand.u32 $0x380, s13;
	s19 =	sadd.s32 $0xFFFFFF80, s13;
	s17 =	sadd.s32 $0x1C800, s17;
	v36 =	vbroadcast v27, $0x0;
	v24 =	vld.idx.msk [tilespmem:v32+s15+$0x0], $0xffff  }
0x25d: {  	s21 =	sand.u32 $0x300, s19;
	s19 =	sor.u32 s20, s17;
	v26 =	vld.idx.msk [tilespmem:v32+s14+$0x0], $0xffff  }
0x25e: {  	s17 =	sor.u32 s21, s17;
	v35 =	vld [tilespmem:s19+$0x0]  }
0x25f: {  	v34 =	vld [tilespmem:s19+$0x10]  }
0x260: {  	v33 =	vld [tilespmem:s19+$0x20]  }
0x261: {  	v32 =	vld [tilespmem:s19+$0x30]  }
0x262: {  	v37 =	vld.idx.msk [tilespmem:v36+s14+$0x0], $0xffff  }
.Ltmp7:
0x263: {  	v31 =	vld [tilespmem:s19+$0x40];
	(pc) =	sbr.rel @p0 .LBB2_13-.Ltmp7, $4  }
0x264: {  	v30 =	vld [tilespmem:s19+$0x50]  }
0x265: {  	v29 =	vld [tilespmem:s19+$0x60]  }
0x266: {  	v28 =	vld [tilespmem:s19+$0x70]  }
0x267: {  	s18 =	sadd.s32 $0x2, s18;
	v27 =	vld [tilespmem:s19+$0x400]  }
0x268: {  	_ =	sdelay $0x3  }
0x269: {  	v25 =	vld.idx.msk [tilespmem:v36+s15+$0x0], $0xffff  }
0x26a: {  	v38 =	vld [tilespmem:s19+$0x410]  }
0x26b: {  	v39 =	vld [tilespmem:s19+$0x420]  }
0x26c: {  	v63 =	vld [tilespmem:s19+$0x430]  }
0x26d: {  	v41 =	vld [tilespmem:s19+$0x440]  }
0x26e: {  	v61 =	vshll.u32 v37, $0x8;
	v62 =	vshll.u32 v37, $0x7;
	v43 =	vld [tilespmem:s19+$0x450]  }
0x26f: {  	v45 =	vld [tilespmem:s19+$0x460];
	v36 =	vand.u32 $0xFFFFF800, v61;
	v37 =	vand.u32 $0x380, v62  }
0x270: {  	v47 =	vld [tilespmem:s19+$0x470];
	v36 =	vor.u32 v37, v36  }
0x271: {  	v62 =	vld [tilespmem:s17+$0x0];
	v40 =	vor.u32 v2, v36  }
0x272: {  	v42 =	vor.u32 v7, v36;
	v56 =	vmul.f32 v63, v25;
	v63 =	vld [tilespmem:s17+$0x10]  }
0x273: {  	v44 =	vor.u32 v8, v36;
	v58 =	vmul.f32 v41, v25;
	v41 =	vld [tilespmem:s17+$0x450]  }
0x274: {  	v46 =	vor.u32 v9, v36;
	v35 =	vmul.f32 v35, v25;
	v60 =	vmul.f32 v43, v25;
	v43 =	vld [tilespmem:s17+$0x460]  }
0x275: {  	v48 =	vor.u32 v10, v36;
	v34 =	vmul.f32 v34, v25;
	v61 =	vmul.f32 v45, v25;
	v45 =	vld [tilespmem:s17+$0x470]  }
0x276: {  	v33 =	vmul.f32 v33, v25;
	[tilespmem:v40+s3+$0x0] =	vst.idx.add.f32.msk $0xffff, v35  }
0x277: {  	v32 =	vmul.f32 v32, v25;
	v40 =	vor.u32 v11, v36;
	[tilespmem:v42+s3+$0x0] =	vst.idx.add.f32.msk $0xffff, v34  }
0x278: {  	v31 =	vmul.f32 v31, v25;
	v42 =	vor.u32 v12, v36;
	[tilespmem:v44+s3+$0x0] =	vst.idx.add.f32.msk $0xffff, v33  }
0x279: {  	[tilespmem:v46+s3+$0x0] =	vst.idx.add.f32.msk $0xffff, v32  }
0x27a: {  	v30 =	vmul.f32 v30, v25;
	v44 =	vor.u32 v13, v36;
	[tilespmem:v48+s3+$0x0] =	vst.idx.add.f32.msk $0xffff, v31  }
0x27b: {  	v29 =	vmul.f32 v29, v25;
	v48 =	vld [tilespmem:s17+$0x40]  }
0x27c: {  	v46 =	vor.u32 v14, v36;
	[tilespmem:v40+s3+$0x0] =	vst.idx.add.f32.msk $0xffff, v30  }
0x27d: {  	v49 =	vor.u32 v15, v36;
	v28 =	vmul.f32 v28, v25;
	[tilespmem:v42+s3+$0x0] =	vst.idx.add.f32.msk $0xffff, v29  }
0x27e: {  	v29 =	vld [tilespmem:s17+$0x30]  }
0x27f: {  	v27 =	vmul.f32 v27, v25;
	[tilespmem:v44+s3+$0x0] =	vst.idx.add.f32.msk $0xffff, v28  }
0x280: {  	v50 =	vor.u32 v16, v36;
	v52 =	vmul.f32 v38, v25;
	v28 =	vld [tilespmem:s17+$0x20]  }
0x281: {  	[tilespmem:v46+s3+$0x0] =	vst.idx.add.f32.msk $0xffff, v27  }
0x282: {  	v51 =	vor.u32 v17, v36;
	[tilespmem:v49+s3+$0x0] =	vst.idx.add.f32.msk $0xffff, v52  }
0x283: {  	v54 =	vmul.f32 v39, v25;
	v49 =	vld [tilespmem:s17+$0x50]  }
0x284: {  	v53 =	vor.u32 v18, v36;
	v52 =	vld [tilespmem:s17+$0x400]  }
0x285: {  	[tilespmem:v50+s3+$0x0] =	vst.idx.add.f32.msk $0xffff, v54  }
0x286: {  	v55 =	vor.u32 v19, v36;
	v50 =	vld [tilespmem:s17+$0x60]  }
0x287: {  	[tilespmem:v51+s3+$0x0] =	vst.idx.add.f32.msk $0xffff, v56  }
0x288: {  	v57 =	vor.u32 v20, v36;
	v51 =	vld [tilespmem:s17+$0x70]  }
0x289: {  	v54 =	vshll.u32 v26, $0x7;
	[tilespmem:v53+s3+$0x0] =	vst.idx.add.f32.msk $0xffff, v58;
	v53 =	vshll.u32 v26, $0x8  }
0x28a: {  	v59 =	vor.u32 v21, v36;
	v56 =	vld [tilespmem:s17+$0x420];
	v26 =	vand.u32 $0x380, v54;
	v35 =	vand.u32 $0xFFFFF800, v53  }
0x28b: {  	[tilespmem:v55+s3+$0x0] =	vst.idx.add.f32.msk $0xffff, v60;
	v26 =	vor.u32 v26, v35  }
0x28c: {  	v55 =	vld [tilespmem:s17+$0x410];
	v58 =	vor.u32 v2, v26  }
0x28d: {  	v25 =	vmul.f32 v47, v25;
	[tilespmem:v57+s3+$0x0] =	vst.idx.add.f32.msk $0xffff, v61;
	v60 =	vor.u32 v7, v26  }
0x28e: {  	v57 =	vld [tilespmem:s17+$0x430];
	v61 =	vor.u32 v8, v26  }
0x28f: {  	[tilespmem:v59+s3+$0x0] =	vst.idx.add.f32.msk $0xffff, v25;
	v25 =	vmul.f32 v62, v24;
	v62 =	vor.u32 v9, v26  }
0x290: {  	v27 =	vmul.f32 v63, v24;
	v59 =	vld [tilespmem:s17+$0x440];
	v63 =	vor.u32 v10, v26  }
0x291: {  	v28 =	vmul.f32 v28, v24;
	v38 =	vor.u32 v11, v26;
	[tilespmem:v58+s3+$0x0] =	vst.idx.add.f32.msk $0xffff, v25  }
0x292: {  	v29 =	vmul.f32 v29, v24;
	v40 =	vor.u32 v12, v26;
	[tilespmem:v60+s3+$0x0] =	vst.idx.add.f32.msk $0xffff, v27  }
0x293: {  	v30 =	vmul.f32 v48, v24;
	v47 =	vor.u32 v13, v26;
	[tilespmem:v61+s3+$0x0] =	vst.idx.add.f32.msk $0xffff, v28  }
0x294: {  	v31 =	vmul.f32 v49, v24;
	v48 =	vor.u32 v14, v26;
	[tilespmem:v62+s3+$0x0] =	vst.idx.add.f32.msk $0xffff, v29  }
0x295: {  	v32 =	vmul.f32 v50, v24;
	v49 =	vor.u32 v15, v26;
	[tilespmem:v63+s3+$0x0] =	vst.idx.add.f32.msk $0xffff, v30  }
0x296: {  	v50 =	vor.u32 v16, v26;
	v33 =	vmul.f32 v51, v24;
	[tilespmem:v38+s3+$0x0] =	vst.idx.add.f32.msk $0xffff, v31  }
0x297: {  	v51 =	vmul.f32 v52, v24;
	v52 =	vor.u32 v17, v26;
	[tilespmem:v40+s3+$0x0] =	vst.idx.add.f32.msk $0xffff, v32  }
0x298: {  	v54 =	vor.u32 v18, v26;
	v53 =	vmul.f32 v55, v24;
	[tilespmem:v47+s3+$0x0] =	vst.idx.add.f32.msk $0xffff, v33  }
0x299: {  	v55 =	vmul.f32 v56, v24;
	v56 =	vor.u32 v19, v26;
	[tilespmem:v48+s3+$0x0] =	vst.idx.add.f32.msk $0xffff, v51  }
0x29a: {  	s31 =	sadd.s32 $0x1, s31;
	v57 =	vmul.f32 v57, v24;
	v58 =	vor.u32 v20, v26;
	[tilespmem:v49+s3+$0x0] =	vst.idx.add.f32.msk $0xffff, v53  }
0x29b: {  	p0 =	sne.s32 s31, $0x10;
	v59 =	vmul.f32 v59, v24;
	v60 =	vor.u32 v21, v26;
	[tilespmem:v50+s3+$0x0] =	vst.idx.add.f32.msk $0xffff, v55  }
.Ltmp8:
0x29c: {  	v61 =	vmul.f32 v41, v24;
	[tilespmem:v52+s3+$0x0] =	vst.idx.add.f32.msk $0xffff, v57;
	(pc) =	sbr.rel @p0 .LBB2_8-.Ltmp8, $4  }
0x29d: {  	v62 =	vmul.f32 v43, v24;
	[tilespmem:v54+s3+$0x0] =	vst.idx.add.f32.msk $0xffff, v59  }
0x29e: {  	v63 =	vmul.f32 v45, v24;
	[tilespmem:v56+s3+$0x0] =	vst.idx.add.f32.msk $0xffff, v61  }
0x29f: {  	[tilespmem:v58+s3+$0x0] =	vst.idx.add.f32.msk $0xffff, v62  }
0x2a0: {  	[tilespmem:v60+s3+$0x0] =	vst.idx.add.f32.msk $0xffff, v63  }
0x2a1: {  	s9 =	sadd.s32 $0x1, s9  }
0x2a2: {  	p0 =	sne.s32 s9, s2  }
.Ltmp9:
0x2a3: {  	_ = 	snop;
	(pc) =	sbr.rel @p0 .LBB2_5-.Ltmp9, $4  }
.Ltmp10:
0x2a4: {  	_ = 	snop;
	(pc) =	sbr.rel @!p0 .LBB2_16-.Ltmp10, $4  }
0x2a5: {  	_ = 	snop  }
0x2a6: {  	_ = 	snop  }
0x2a7: {  	s0 =	sadd.s32 $0x600, s0  }
0x2a8: {  	_ = 	snop  }
.LBB2_17:
0x2a9: {  	_ =	sfence.sel $0x180000  }
0x2aa: {  	[bflag:$0x0] =	sbarrier.arrive $0xFFFF  }
0x2ab: {  	_ =	strace $0x90000047  }
0x2ac: {  	s0 =	stileid.u32;
	[bflag:$0x2] =	sbarrier.arrive $0xFFFF  }
0x2ad: {  	p0 =	sne.s32 s0, $0x0;
	s0 =	rddreg [dreg:$0x2]  }
0x2ae: {  	s0 =	sadd.s32 @!p0 $0x100000, s0  }
0x2af: {  	[sflag:s0] =	ssyncadd.tile.s32 @!p0 $0x1;
	_ =	shalt  }
.Lfunc_end2:
_tile_overlayer_lowered:
.L_overlay_start_2:
0x2b0: {  	(tag) =	ssettag $0x2  }
0x2b1: {  	s0 =	rddreg [dreg:$0x0];
	s2 =	stileid.u32  }
0x2b2: {  	s1 =	rddreg [dreg:$0x1];
	p0 =	sne.s32 s2, $0x0  }
0x2b3: {  	s3 =	rddreg [dreg:$0x2];
	[bflag:$0x3] =	sbarrier.arrive $0xFFFF;
	s2 =	simm.s32 @!p0 $0x1C04  }
0x2b4: {  	[timem:s3], [sflag:s2] =	dma.local @!p0 [hbm:s0], s1  }
0x2b5: {  	s0 =	simm.s32 @!p0 $0x4  }
0x2b6: {  	_ =	swait.ge @!p0 [sflag:s0], s1  }
0x2b7: {  	s1 =	ssub.s32 @!p0 $0x0, s1;
	[sflag:s0] =	ssyncset.done @!p0 $0x0  }
0x2b8: {  	[sflag:s0] =	ssyncadd.s32 @!p0 s1  }
0x2b9: {  	[bflag:$0x3] =	sbarrier.arrive $0xFFFF  }
0x2ba: {  	_ =	shalt  }

// kernel: kernel.9.cloned.1.call-start
scs
__scs_entry_jumppad:
0x0: {  	(pc) =	sbr.rel $0x88, $3  }
0x1: {  	(tag) =	ssettag $0x0;
	lr =	simm.s32 $0x1  }
0x2: {  	[smem:$0x3F91] =	sst lr;
	_ =	strace $0xD0000000  }
0x3: {  	_ = 	snop  }
0x4: {  	_ = 	snop  }
0x5: {  	_ = 	snop  }
0x6: {  	_ = 	snop  }
0x7: {  	_ = 	snop  }
__scs_overlays_trampoline_lowered:
0x8: {  	[smem:$0x3FA0] =	sst s0  }
0x9: {  	[smem:$0x3FA1] =	sst s1  }
0xa: {  	[smem:$0x3FA2] =	sst s2  }
0xb: {  	[smem:$0x3FA3] =	sst s3  }
0xc: {  	[smem:$0x3FA4] =	sst s4  }
0xd: {  	[smem:$0x3FA5] =	sst s5  }
0xe: {  	[smem:$0x3FA6] =	sst s6  }
0xf: {  	[smem:$0x3FA7] =	sst s7  }
0x10: {  	[smem:$0x3FA8] =	sst s8  }
0x11: {  	[smem:$0x3FA9] =	sst s9;
	s0 =	simm.s32 @!p0 $0x0  }
0x12: {  	s1 =	sld [smem:$0x3F8F];
	s0 =	simm.s32 @p0 $0x1  }
0x13: {  	[smem:$0x3FAA] =	sst s0;
	s0 =	simm.s32 @!p1 $0x0  }
0x14: {  	s2 =	sld [smem:$0x3F8E];
	s0 =	simm.s32 @p1 $0x1  }
0x15: {  	[smem:$0x3FAB] =	sst s0;
	s0 =	simm.s32 @!p2 $0x0  }
0x16: {  	s3 =	sld [smem:$0x3FDB];
	s0 =	simm.s32 @p2 $0x1  }
0x17: {  	s4 =	simm.s32 $0x1BF5;
	[smem:$0x3FAD] =	sst s0  }
0x18: {  	s0 =	sld [smem:$0x3F90];
	_ =	swait.ge [sflag:s4], $0x0  }
0x19: {  	s7 =	sld [smem:$0x3F91]  }
0x1a: {  	s8 =	sadd.s32 $0xFFFFE003, lr  }
0x1b: {  	s9 =	sadd.s32 $0xFFFFFEF7, lr;
	s5 =	simm.s32 $0xFFFFFFFF;
	p2 =	slt.u32 s8, $0xFFFFF086  }
0x1c: {  	p1 =	slt.u32 s9, $0xF7A;
	s5 =	simm.s32 @!p2 $0x0  }
0x1d: {  	s5 =	simm.s32 @p1 $0x1;
	p0 =	seq.s32 s7, s2  }
0x1e: {  	s7 =	smul.u32 @!p0 $0xF7A, s2;
	p2 =	seq.s32 @!p0 s5, $0x0  }
0x1f: {  	s9 =	smul.u32 $0xF7A, s1;
	s8 =	simm.s32 @!p0 $0x1BF5;
	p2 =	por !p2, p0  }
0x20: {  	[sflag:s8] =	ssyncset.s32 @!p0 $0xFFFFF086;
	s6 =	sadd.s32 @!p0 s3, s7;
	s7 =	simm.s32 @!p0 $0x108  }
0x21: {  	s3 =	sadd.s32 s3, s9;
	s6 =	sadd.s32 @!p0 $0x88, s6;
	s7 =	simm.s32 @p2 $0x1082  }
0x22: {  	[simem:s7], [sflag:s8] =	dma.local @!p0 [hbm:s6], $0xF7A  }
0x23: {  	s9 =	sor.u32 $0xD0000000, s2;
	s6 =	simm.s32 $0x108;
	_ =	swait.ge @!p0 [sflag:s8], $0x0  }
0x24: {  	s3 =	sadd.s32 $0x88, s3;
	s6 =	simm.s32 @!p1 $0x1082;
	[sflag:s4] =	ssyncset.s32 $0xFFFFF086  }
0x25: {  	[simem:s6], [sflag:s4] =	dma.local [hbm:s3], $0xF7A  }
0x26: {  	[smem:$0x3F91] =	sst s1;
	(tag) =	ssettag s2;
	_ =	strace s9  }
0x27: {  	s1 =	sld [smem:$0x3FA1]  }
0x28: {  	s2 =	sld [smem:$0x3FA2]  }
0x29: {  	s4 =	sld [smem:$0x3FA4]  }
0x2a: {  	p0 =	seq.s32 s5, $0x0;
	s5 =	sld [smem:$0x3FA5]  }
0x2b: {  	s6 =	sld [smem:$0x3FA6]  }
0x2c: {  	s7 =	sld [smem:$0x3FA7]  }
0x2d: {  	s3 =	simm.s32 $0x108;
	s8 =	sld [smem:$0x3FA8]  }
0x2e: {  	s3 =	simm.s32 @!p0 $0x1082;
	s9 =	sld [smem:$0x3FA9]  }
0x2f: {  	lr =	sadd.s32 s0, s3;
	s0 =	sld [smem:$0x3FA0]  }
0x30: {  	s3 =	sld [smem:$0x3FA3]  }
0x31: {  	[smem:$0x3FAC] =	sst s10  }
0x32: {  	s10 =	sld [smem:$0x3FAA];
	_ =	sdelay $0x3  }
0x33: {  	p0 =	seq.s32 s10, $0x1;
	s10 =	sld [smem:$0x3FAC];
	_ =	sdelay $0x3  }
0x34: {  	[smem:$0x3FAC] =	sst s10  }
0x35: {  	s10 =	sld [smem:$0x3FAB];
	_ =	sdelay $0x3  }
0x36: {  	p1 =	seq.s32 s10, $0x1;
	s10 =	sld [smem:$0x3FAC];
	_ =	sdelay $0x3  }
0x37: {  	[smem:$0x3FAC] =	sst s10  }
0x38: {  	s10 =	sld [smem:$0x3FAD]  }
0x39: {  	_ = 	snop;
	(pc) =	sbr.ind lr, $3  }
0x3a: {  	_ = 	snop  }
0x3b: {  	_ = 	snop  }
0x3c: {  	p2 =	seq.s32 s10, $0x1;
	s10 =	sld [smem:$0x3FAC]  }
0x3d: {  	_ =	shalt  }
0x3e: {  	_ =	shalt  }
0x3f: {  	_ =	shalt  }
0x40: {  	_ =	shalt  }
0x41: {  	_ =	shalt  }
0x42: {  	_ =	shalt  }
0x43: {  	_ =	shalt  }
0x44: {  	_ =	shalt  }
0x45: {  	_ =	shalt  }
0x46: {  	_ =	shalt  }
0x47: {  	_ =	shalt  }
0x48: {  	_ =	shalt  }
0x49: {  	_ =	shalt  }
0x4a: {  	_ =	shalt  }
0x4b: {  	_ =	shalt  }
0x4c: {  	_ =	shalt  }
0x4d: {  	_ =	shalt  }
0x4e: {  	_ =	shalt  }
0x4f: {  	_ =	shalt  }
0x50: {  	_ =	shalt  }
0x51: {  	_ =	shalt  }
0x52: {  	_ =	shalt  }
0x53: {  	_ =	shalt  }
0x54: {  	_ =	shalt  }
0x55: {  	_ =	shalt  }
0x56: {  	_ =	shalt  }
0x57: {  	_ =	shalt  }
0x58: {  	_ =	shalt  }
0x59: {  	_ =	shalt  }
0x5a: {  	_ =	shalt  }
0x5b: {  	_ =	shalt  }
0x5c: {  	_ =	shalt  }
0x5d: {  	_ =	shalt  }
0x5e: {  	_ =	shalt  }
0x5f: {  	_ =	shalt  }
0x60: {  	_ =	shalt  }
0x61: {  	_ =	shalt  }
0x62: {  	_ =	shalt  }
0x63: {  	_ =	shalt  }
0x64: {  	_ =	shalt  }
0x65: {  	_ =	shalt  }
0x66: {  	_ =	shalt  }
0x67: {  	_ =	shalt  }
0x68: {  	_ =	shalt  }
0x69: {  	_ =	shalt  }
0x6a: {  	_ =	shalt  }
0x6b: {  	_ =	shalt  }
0x6c: {  	_ =	shalt  }
0x6d: {  	_ =	shalt  }
0x6e: {  	_ =	shalt  }
0x6f: {  	_ =	shalt  }
0x70: {  	_ =	shalt  }
0x71: {  	_ =	shalt  }
0x72: {  	_ =	shalt  }
0x73: {  	_ =	shalt  }
0x74: {  	_ =	shalt  }
0x75: {  	_ =	shalt  }
0x76: {  	_ =	shalt  }
0x77: {  	_ =	shalt  }
0x78: {  	_ =	shalt  }
0x79: {  	_ =	shalt  }
0x7a: {  	_ =	shalt  }
0x7b: {  	_ =	shalt  }
0x7c: {  	_ =	shalt  }
0x7d: {  	_ =	shalt  }
0x7e: {  	_ =	shalt  }
0x7f: {  	_ =	shalt  }
0x80: {  	_ =	shalt  }
0x81: {  	_ =	shalt  }
0x82: {  	_ =	shalt  }
0x83: {  	_ =	shalt  }
0x84: {  	_ =	shalt  }
0x85: {  	_ =	shalt  }
0x86: {  	_ =	shalt  }
0x87: {  	_ =	shalt  }
.Lfunc_end0:
.L_simem_size_0:
called_computation.1_lowered:
.L_overlay_start_0:
0x88: {  	s2 =	sld [smem:$0x3FD9]  }
0x89: {  	s3 =	sld [smem:$0x3FFE];
	_ =	sdelay $0x1  }
0x8a: {  	s1 =	srdreg.scid  }
0x8b: {  	s0 =	sand.u32 $0x1, s1  }
0x8c: {  	s16 =	sshll.u32 s0, $0xA;
	s2 =	sadd.s32 s3, s2  }
0x8d: {  	s2 =	sadd.s32 s2, s16  }
0x8e: {  	[smem:$0x3FB8] =	sst s2  }
0x8f: {  	_ = 	snop  }
0x90: {  	(tm) =	ssettm $0x1  }
0x91: {  	s17 =	sld [smem:$0x3FFB];
	_ =	sdelay $0x3  }
0x92: {  	_ =	strace s17  }
0x93: {  	s2 =	sld [smem:$0x3FFC];
	_ =	sdelay $0x3  }
0x94: {  	_ =	strace s2  }
0x95: {  	s2 =	sld [smem:$0x3FFD];
	_ =	sdelay $0x3  }
0x96: {  	_ =	strace s2  }
0x97: {  	_ =	strace $0x8FFFFFFF  }
0x98: {  	s18 =	sld [smem:$0x3FDB];
	_ =	sdelay $0x1  }
0x99: {  	s19 =	simm.s32 $_scs_section_size  }
0x9a: {  	s4 =	simm.s32 $_size__tile_overlayer_lowered;
	s5 =	simm.s32 $_tile_overlayer_lowered  }
0x9b: {  	s22 =	simm.s32 $0x1BFF;
	s21 =	sshll.u32 s5, $0x1;
	s2 =	sadd.s32 s19, s18  }
0x9c: {  	s6 =	simm.s32 $0x0;
	s20 =	sshll.u32 s4, $0x1;
	s4 =	sadd.s32 s21, s2  }
0x9d: {  	[timem:s6], [sflag:s22] =	dma.local [hbm:s4], s20  }
0x9e: {  	_ =	swait.ge [sflag:s22], s20  }
0x9f: {  	s3 =	ssub.s32 $0x0, s20;
	[sflag:s22] =	ssyncset.done $0x0  }
0xa0: {  	[sflag:s22] =	ssyncadd.s32 s3;
	_ =	sdelay $0x1  }
0xa1: {  	s23 =	simm.s32 $0x1B8B  }
0xa2: {  	_ =	swait.ge [sflag:s23], $0x1  }
0xa3: {  	[sflag:s23] =	ssyncset.done $0x0  }
0xa4: {  	s25 =	simm.s32 $0x1B8E;
	s24 =	sld [smem:$0x3FFE];
	[sflag:s23] =	ssyncadd.s32 $0xFFFFFFFF  }
0xa5: {  	s26 =	simm.s32 $execute0_lowered;
	[smem:$0x3FD2] =	sst s25  }
0xa6: {  	s4 =	sshll.u32 s26, $0x1;
	_ =	strace $0x80000049;
	[dreg:$0x1] =	wrdreg $0xFFFFFFFF  }
0xa7: {  	s28 =	simm.s32 $_size_execute0_lowered;
	s2 =	sadd.s32 s2, s4;
	[dreg:$0x0] =	wrdreg $0x0  }
0xa8: {  	s4 =	sshll.u32 s28, $0x1;
	[dreg:$0x2] =	wrdreg s2  }
0xa9: {  	[dreg:$0x3] =	wrdreg s4  }
0xaa: {  	[dreg:$0x4] =	wrdreg $0xC0  }
0xab: {  	_ =	task [dreg:s6], $0x5FFFF  }
0xac: {  	[dreg:$0x1] =	wrdreg $0xFFFFFFFF  }
0xad: {  	[dreg:$0x0] =	wrdreg $0x60  }
0xae: {  	[dreg:$0x2] =	wrdreg s24  }
0xaf: {  	[dreg:$0x3] =	wrdreg $0x9  }
0xb0: {  	_ =	task.clear_ibuf [dreg:s6], $0x4FFFF;
	_ =	strace $0x90000049  }
0xb1: {  	s29 =	simm.s32 $0x9;
	_ =	strace $0x8000004B  }
0xb2: {  	_ =	swait.ge [sflag:s29], $0x1  }
0xb3: {  	[sflag:s29] =	ssyncadd.s32 $0xFFFFFFFF  }
0xb4: {  	_ =	strace $0x9000004B  }
0xb5: {  	_ =	sfence  }
0xb6: {  	s30 =	sld [smem:$0x0];
	_ =	sdelay $0x2  }
0xb7: {  	s31 =	sshll.u32 s1, $0xD;
	s1 =	sshrl.u32 s1, $0x2  }
0xb8: {  	s3 =	sand.u32 $0x4000, s31;
	s1 =	sadd.s32 s1, s30  }
0xb9: {  	s0 =	sor.u32 s3, s0;
	s1 =	sshll.u32 s1, $0x11  }
0xba: {  	s0 =	sor.u32 s1, s0  }
0xbb: {  	s0 =	sadd.s32 $0x8F2B, s0  }
0xbc: {  	[sflag:s0] =	ssyncadd.remote.s32 $0x1  }
0xbd: {  	_ =	sfence.sel $0xFFFF  }
0xbe: {  	[dreg:$0x0] =	wrdreg $0xFFFFFFFF;
	(pc) =	sbr.abs _section_cstart, $3  }
0xbf: {  	[dreg:$0x1] =	wrdreg $0xFFFFFFFF  }
0xc0: {  	_ =	task.clear_ibuf [dreg:s6], $0x2FFFF;
	_ =	strace $0x9FFFFFFF  }
0xc1: {  	(tm) =	ssettm $0x7FFFFFFF  }
tec
execute0_lowered:
.L_overlay_start_1:
0x0: {  	(tag) =	ssettag $0x1  }
0x1: {  	s0 =	rddreg [dreg:$0x0]  }
0x2: {  	s1 =	srdreg.scid;
	s2 =	simm.s32 $0x0;
	s5 =	stileid.u32  }
0x3: {  	s11 =	simm.s32 $0x4;
	s12 =	simm.s32 $0x1;
	s14 =	simm.s32 $0x15800  }
0x4: {  	s15 =	simm.s32 $0x17000;
	s24 =	simm.s32 $0x1C800;
	s28 =	simm.s32 $0x1E000  }
0x5: {  	s29 =	simm.s32 $0x2;
	s30 =	simm.s32 $0x3;
	s1 =	sand.u32 $0x1, s1  }
0x6: {  	v2 =	vlaneseq.u32;
	v3 =	vimm.f32 $0.0e+00;
	vm0 =	vmmov $0xffff;
	[smem:$0x7FF] =	sst s2;
	s3 =	sadd.s32 $0x3F600, s0;
	s4 =	sshll.u32 s1, $0x4  }
0x7: {  	s6 =	sadd.s32 $0x2B400, s0;
	v4 =	vand.u32 $0x7, v2;
	v5 =	vshrl.u32 v2, $0x3;
	v6 =	vor.u32 $0x8, v2;
	s1 =	ssub.s32 $0x2, s1;
	s7 =	sor.u32 s5, s4  }
0x8: {  	v7 =	vor.u32 $0x10, v2;
	v8 =	vor.u32 $0x20, v2;
	v9 =	vor.u32 $0x30, v2;
	_ =	strace $0x8000004A;
	s9 =	sshrl.u32 s1, $0x1;
	s8 =	smul.u32 $0x2800, s7  }
.Ltmp0:
0x9: {  	v10 =	vor.u32 $0x40, v2;
	v11 =	vor.u32 $0x50, v2;
	v12 =	vor.u32 $0x60, v2;
	s4 =	sadd.s32 $0x3400, s0;
	s1 =	ssub.s32 s1, s9;
	(pc) =	sbr.rel .LBB2_1-.Ltmp0, $4  }
0xa: {  	v13 =	vor.u32 $0x70, v2;
	v14 =	vor.u32 $0x400, v2;
	v15 =	vor.u32 $0x410, v2;
	s5 =	sadd.s32 $0x17400, s0;
	s25 =	sadd.s32 $0x1, s7;
	s31 =	smax.u32 s1, $0x1  }
0xb: {  	v16 =	vor.u32 $0x420, v2;
	v17 =	vor.u32 $0x430, v2;
	v18 =	vor.u32 $0x440, v2;
	s8 =	sadd.s32 s8, s0;
	s0 =	sadd.s32 $0x3F400, s0;
	[dreg:$0x4] =	wrdreg s31  }
0xc: {  	v19 =	vor.u32 $0x450, v2;
	v20 =	vor.u32 $0x460, v2;
	v1 =	vmov s25;
	s25 =	simm.s32 $0x1D000;
	[dreg:$0x2] =	wrdreg s0;
	s26 =	sadd.s32 $0x8D800, s8  }
0xd: {  	v21 =	vor.u32 $0x470, v2;
	v5 =	vmul.u32 $0x8, v5;
	v0 =	vmov s7;
	s1 =	simm.s32 $0x0;
	[dreg:$0x3] =	wrdreg s26;
	s26 =	simm.s32 $0x1D800  }
.LBB2_16:
0xe: {  	s0 =	rddreg [dreg:$0x3]  }
0xf: {  	[hbm4b:s0+s2] =	stream.linear.scatter [tilespmem:s2], [sflag:$0x4], $0x14000, $0x38;
	[tilespmem:$0x1E880] =	vst v63  }
0x10: {  	_ =	swait.ge [sflag:s11], $0x14000  }
0x11: {  	s1 =	rddreg [dreg:$0x5]  }
0x12: {  	s31 =	rddreg [dreg:$0x4];
	s1 =	sadd.s32 $0x1, s1  }
0x13: {  	p0 =	sne.s32 s1, s31  }
.Ltmp1:
0x14: {  	_ = 	snop;
	(pc) =	sbr.rel @!p0 .LBB2_17-.Ltmp1, $3  }
0x15: {  	_ =	sdelay $0x1  }
0x16: {  	[sflag:s11] =	ssyncset.done $0x0  }
0x17: {  	[sflag:s11] =	ssyncadd.s32 $0xFFFEC000  }
.LBB2_1:
0x18: {  	[dreg:$0x5] =	wrdreg s1  }
0x19: {  	s0 =	rddreg [dreg:$0x2];
	s7 =	simm.s32 $0x1E800  }
0x1a: {  	[tilespmem:s7], [sflag:$0x4] =	stream.linear.gather [hbm4b:s0+s2], $0x80, $0x38;
	[tilespmem:$0x1E880] =	vst v63  }
0x1b: {  	_ =	swait.ge [sflag:s11], $0x80  }
0x1c: {  	[sflag:s11] =	ssyncset.done $0x0  }
0x1d: {  	s22 =	sand.u32 $0x1F800, s2;
	s23 =	sand.u32 $0x380, s2;
	[sflag:s11] =	ssyncadd.s32 $0xFFFFFF80  }
0x1e: {  	s1 =	sor.u32 s23, s22;
	v22 =	vld.idx.msk [tilespmem:v0+s7+$0x0], $0xffff  }
0x1f: {  	v23 =	vld.idx.msk [tilespmem:v1+s7+$0x0], $0xffff;
	[tilespmem:s1+$0x470] =	vst v3  }
0x20: {  	[tilespmem:s1+$0x0] =	vst v3  }
0x21: {  	[tilespmem:s1+$0x10] =	vst v3  }
0x22: {  	[tilespmem:s1+$0x20] =	vst v3  }
0x23: {  	[tilespmem:s1+$0x30] =	vst v3  }
0x24: {  	[tilespmem:s1+$0x40] =	vst v3  }
0x25: {  	[tilespmem:s1+$0x50] =	vst v3  }
0x26: {  	[tilespmem:s1+$0x60] =	vst v3  }
0x27: {  	[tilespmem:s1+$0x70] =	vst v3  }
0x28: {  	[tilespmem:s1+$0x400] =	vst v3  }
0x29: {  	[tilespmem:s1+$0x410] =	vst v3  }
0x2a: {  	[tilespmem:s1+$0x420] =	vst v3  }
0x2b: {  	[tilespmem:s1+$0x430] =	vst v3  }
0x2c: {  	s31 =	simm.s32 $0x100;
	s0 =	simm.s32 $0x80;
	[tilespmem:s1+$0x440] =	vst v3  }
0x2d: {  	s8 =	sand.u32 $0x1F800, s31;
	s9 =	sand.u32 $0x380, s0;
	s7 =	simm.s32 $0x200;
	[tilespmem:s1+$0x450] =	vst v3  }
.LBB2_2:
0x2e: {  	p0 =	sne.s32 s7, $0x13F00;
	[tilespmem:s1+$0x460] =	vst v3;
	s1 =	sor.u32 s9, s8  }
0x2f: {  	[tilespmem:s1+$0x470] =	vst v3  }
0x30: {  	[tilespmem:s1+$0x0] =	vst v3  }
0x31: {  	[tilespmem:s1+$0x10] =	vst v3  }
0x32: {  	[tilespmem:s1+$0x20] =	vst v3  }
0x33: {  	[tilespmem:s1+$0x30] =	vst v3  }
0x34: {  	[tilespmem:s1+$0x40] =	vst v3  }
0x35: {  	[tilespmem:s1+$0x50] =	vst v3  }
0x36: {  	[tilespmem:s1+$0x60] =	vst v3  }
0x37: {  	[tilespmem:s1+$0x70] =	vst v3  }
0x38: {  	[tilespmem:s1+$0x400] =	vst v3  }
.Ltmp2:
0x39: {  	[tilespmem:s1+$0x410] =	vst v3;
	(pc) =	sbr.rel @p0 .LBB2_2-.Ltmp2, $4  }
0x3a: {  	[tilespmem:s1+$0x420] =	vst v3  }
0x3b: {  	[tilespmem:s1+$0x430] =	vst v3  }
0x3c: {  	s0 =	sadd.s32 $0x80, s0;
	[tilespmem:s1+$0x440] =	vst v3  }
0x3d: {  	s8 =	sand.u32 $0x1F800, s7;
	s7 =	sadd.s32 $0x100, s7;
	s9 =	sand.u32 $0x380, s0;
	[tilespmem:s1+$0x450] =	vst v3  }
0x3e: {  	(v2sf) =	vpush v22, $0x0;
	_ =	sdelay $0xc  }
0x3f: {  	(v2sf) =	vpush v23, $0x0;
	_ =	sdelay $0x1  }
0x40: {  	s0 =	spop (v2sf)  }
0x41: {  	s7 =	sand.u32 $0x1F, s0  }
0x42: {  	s10 =	sshra.s32 s0, $0x1F;
	p0 =	slt.s32 s0, $0x1;
	p1 =	sne.s32 s7, $0x0  }
0x43: {  	s20 =	sshrl.u32 s10, $0x1B;
	p0 =	por !p0, !p1  }
0x44: {  	s7 =	simm.s32 $0x1;
	s0 =	sadd.s32 s20, s0;
	p0 =	por !p0, !p0  }
0x45: {  	s0 =	sshra.s32 s0, $0x5;
	s7 =	simm.s32 @!p0 $0x0  }
0x46: {  	s0 =	ssub.s32 s0, s7  }
0x47: {  	s7 =	sand.u32 $0x7, s0  }
0x48: {  	p3 =	slt.s32 s0, $0x1;
	p4 =	sne.s32 s7, $0x0  }
0x49: {  	s21 =	sshrl.u32 s0, $0x1D;
	p0 =	por !p3, !p4  }
0x4a: {  	s0 =	sadd.s32 s21, s0;
	s7 =	simm.s32 $0x1;
	p0 =	por !p0, !p0  }
0x4b: {  	s0 =	sshra.s32 s0, $0x3;
	s7 =	simm.s32 @!p0 $0x0  }
0x4c: {  	s7 =	ssub.s32 s0, s7  }
0x4d: {  	s22 =	spop (v2sf);
	s0 =	sshll.u32 s7, $0x8  }
0x4e: {  	s10 =	ssub.s32 s22, s0  }
0x4f: {  	p0 =	sgt.s32 s10, $0x0  }
0x50: {  	s10 =	simm.s32 @!p0 $0x0  }
0x51: {  	s23 =	sadd.s32 $0x5FF, s10  }
0x52: {  	s31 =	smulhi.u32 $0x2AAAAAAB, s23;
	s13 =	sshra.s32 s23, $0x1F  }
0x53: {  	s13 =	smul.u32 $0x2AAAAAAB, s13  }
0x54: {  	s8 =	sor.u32 s9, s8;
	[tilespmem:s1+$0x460] =	vst v3  }
0x55: {  	[tilespmem:s8+$0x470] =	vst v3;
	s9 =	sadd.s32 s13, s31  }
0x56: {  	[tilespmem:s8+$0x0] =	vst v3;
	s13 =	sshrl.u32 s9, $0x1F;
	s9 =	sshra.s32 s9, $0x8  }
0x57: {  	[tilespmem:s8+$0x10] =	vst v3;
	s9 =	sadd.s32 s13, s9  }
0x58: {  	[tilespmem:s8+$0x20] =	vst v3;
	s13 =	smul.u32 $0xFFFFFA00, s9  }
0x59: {  	[tilespmem:s8+$0x30] =	vst v3;
	s10 =	ssub.s32 $0xFFFFFA01, s10  }
0x5a: {  	[tilespmem:s8+$0x40] =	vst v3;
	p5 =	slt.s32 s23, $0x0;
	p6 =	sne.s32 s13, s10  }
0x5b: {  	[tilespmem:s8+$0x50] =	vst v3;
	p0 =	por !p5, !p6  }
0x5c: {  	s1 =	simm.s32 $0x1;
	[tilespmem:s8+$0x60] =	vst v3;
	p0 =	por !p0, !p0  }
0x5d: {  	[tilespmem:s8+$0x70] =	vst v3;
	s1 =	simm.s32 @!p0 $0x0  }
0x5e: {  	[tilespmem:s8+$0x400] =	vst v3;
	s1 =	ssub.s32 s9, s1  }
0x5f: {  	[tilespmem:s8+$0x410] =	vst v3;
	p0 =	slt.s32 s1, $0x1  }
.Ltmp3:
0x60: {  	[tilespmem:s8+$0x420] =	vst v3;
	(pc) =	sbr.rel @p0 .LBB2_16-.Ltmp3, $4  }
0x61: {  	[tilespmem:s8+$0x430] =	vst v3  }
0x62: {  	[tilespmem:s8+$0x440] =	vst v3  }
0x63: {  	[tilespmem:s8+$0x450] =	vst v3  }
0x64: {  	[tilespmem:s8+$0x460] =	vst v3  }
0x65: {  	s7 =	sshll.u32 s7, $0x3;
	v22 =	vbroadcast v22, $0x0;
	v23 =	vbroadcast v23, $0x0;
	s8 =	simm.s32 $0x0;
	s9 =	simm.s32 $0x0  }
.LBB2_5:
0x66: {  	s10 =	smul.u32 $0x30, s9;
	_ =	sdelay $0x1  }
0x67: {  	s10 =	sadd.s32 s7, s10  }
0x68: {  	s10 =	sshll.u32 s10, $0x4  }
0x69: {  	s16 =	simm.s32 $0x14000;
	s13 =	sadd.s32 s6, s10  }
0x6a: {  	[tilespmem:s16], [sflag:$0x4] =	stream.linear.gather [hbm4b:s13+s8], $0x1800, $0x38;
	[tilespmem:$0x1E880] =	vst v63  }
0x6b: {  	_ =	swait.ge [sflag:s11], $0x1800  }
0x6c: {  	[sflag:s11] =	ssyncset.done $0x0  }
0x6d: {  	s31 =	sadd.s32 s5, s10;
	[sflag:s11] =	ssyncadd.s32 $0xFFFFE800  }
0x6e: {  	[tilespmem:s14], [sflag:$0x4] =	stream.linear.gather [hbm4b:s31+s8], $0x1800, $0x38;
	[tilespmem:$0x1E880] =	vst v63  }
0x6f: {  	_ =	swait.ge [sflag:s11], $0x1800  }
0x70: {  	[sflag:s11] =	ssyncset.done $0x0  }
0x71: {  	s10 =	sadd.s32 s4, s10;
	[sflag:s11] =	ssyncadd.s32 $0xFFFFE800  }
0x72: {  	[tilespmem:s15], [sflag:$0x4] =	stream.linear.gather [hbm4b:s10+s8], $0x1800, $0x38;
	[tilespmem:$0x1E880] =	vst v63  }
0x73: {  	_ =	swait.ge [sflag:s11], $0x1800  }
0x74: {  	[sflag:s11] =	ssyncset.done $0x0  }
0x75: {  	s13 =	simm.s32 $0x17010;
	[sflag:s11] =	ssyncadd.s32 $0xFFFFE800  }
0x76: {  	s17 =	sadd.s32 $0x0, s0;
	s16 =	simm.s32 $0x20;
	s10 =	simm.s32 $0x17010;
	v24 =	vld [tilespmem:s13+$0x0]  }
.LBB2_6:
0x77: {  	p0 =	sne.s32 s16, $0x5E0;
	v25 =	vor.u32 s17, v2;
	v26 =	vld [tilespmem:s13+$0xFFFFFFF0];
	s17 =	sadd.s32 $0x10, s17  }
0x78: {  	vm1 =	vge.s32 v25, v22;
	vm2 =	vlt.s32 v25, v23;
	v25 =	vor.u32 s17, v2  }
.Ltmp4:
0x79: {  	vm1 =	vmand vm1, vm2;
	vm2 =	vge.s32 v25, v22;
	vm3 =	vlt.s32 v25, v23;
	(pc) =	sbr.rel @p0 .LBB2_6-.Ltmp4, $4  }
0x7a: {  	vm2 =	vmand vm2, vm3  }
0x7b: {  	v24 =	vnsel vm2, $0x0, v24  }
0x7c: {  	s13 =	sadd.s32 $0x80, s13;
	v25 =	vnsel vm1, $0x0, v26;
	[tilespmem:s10+$0x0] =	vst v24  }
0x7d: {  	s17 =	sadd.s32 s16, s0;
	s16 =	sadd.s32 $0x20, s16;
	v24 =	vld [tilespmem:s13+$0x0];
	[tilespmem:s10+$0xFFFFFFF0] =	vst v25;
	s10 =	smov.u32 s13  }
0x7e: {  	v25 =	vld [tilespmem:s13+$0xFFFFFFF0];
	s23 =	sadd.s32 $0x10, s17  }
0x7f: {  	v26 =	vor.u32 s23, v2  }
0x80: {  	v59 =	vor.u32 s17, v2;
	vm1 =	vge.s32 v26, v22;
	vm2 =	vlt.s32 v26, v23  }
0x81: {  	vm3 =	vlt.s32 v59, v23;
	vm1 =	vmand vm1, vm2;
	vm2 =	vge.s32 v59, v22  }
0x82: {  	vm2 =	vmand vm2, vm3;
	v24 =	vnsel vm1, $0x0, v24  }
0x83: {  	v25 =	vnsel vm2, $0x0, v25;
	[tilespmem:s10+$0x0] =	vst v24  }
0x84: {  	[tilespmem:s10+$0xFFFFFFF0] =	vst v25  }
0x85: {  	v24 =	vld [tilespmem:$0x14000];
	_ =	sdelay $0x4  }
0x86: {  	v60 =	vshll.u32 v24, $0x1  }
0x87: {  	v24 =	vand.u32 $0x7, v24;
	v25 =	vand.u32 $0xFFFFFFF0, v60  }
0x88: {  	v24 =	vor.u32 v24, v25  }
0x89: {  	v25 =	vperm.xlane v24, v4;
	_ =	sdelay $0x1  }
0x8a: {  	v24 =	vperm.xlane v24, v6;
	v25 =	vadd.s32 v5, v25;
	_ =	sdelay $0x1  }
0x8b: {  	v24 =	vadd.s32 v5, v24;
	_ =	sdelay $0x1  }
0x8c: {  	s16 =	simm.s32 $0x18800;
	s10 =	simm.s32 $0x0  }
0x8d: {  	[tilespmem:s16], [sflag:$0x1] =	stream.indirect_vreg.gather [hbm4b:s3+s10], $0x80, v25, vm0, $0xb8;
	[tilespmem:$0x1E880] =	vst v63  }
0x8e: {  	s17 =	simm.s32 $0x19000  }
0x8f: {  	[tilespmem:s17], [sflag:$0x1] =	stream.indirect_vreg.gather [hbm4b:s3+s10], $0x80, v24, vm0, $0xb8;
	[tilespmem:$0x1E880] =	vst v63  }
0x90: {  	v24 =	vld [tilespmem:$0x14010];
	_ =	sdelay $0x4  }
0x91: {  	v61 =	vshll.u32 v24, $0x1  }
0x92: {  	v24 =	vand.u32 $0x7, v24;
	v25 =	vand.u32 $0xFFFFFFF0, v61  }
0x93: {  	v24 =	vor.u32 v24, v25  }
0x94: {  	v25 =	vperm.xlane v24, v4;
	_ =	sdelay $0x1  }
0x95: {  	v24 =	vperm.xlane v24, v6;
	v25 =	vadd.s32 v5, v25;
	_ =	sdelay $0x1  }
0x96: {  	v24 =	vadd.s32 v5, v24;
	_ =	sdelay $0x1  }
0x97: {  	s18 =	simm.s32 $0x19800  }
0x98: {  	[tilespmem:s18], [sflag:$0x1] =	stream.indirect_vreg.gather [hbm4b:s3+s10], $0x80, v25, vm0, $0xb8;
	[tilespmem:$0x1E880] =	vst v63  }
0x99: {  	s19 =	simm.s32 $0x1A000  }
0x9a: {  	[tilespmem:s19], [sflag:$0x1] =	stream.indirect_vreg.gather [hbm4b:s3+s10], $0x80, v24, vm0, $0xb8;
	[tilespmem:$0x1E880] =	vst v63  }
0x9b: {  	v24 =	vld [tilespmem:$0x14080];
	_ =	sdelay $0x4  }
0x9c: {  	v62 =	vshll.u32 v24, $0x1  }
0x9d: {  	v24 =	vand.u32 $0x7, v24;
	v25 =	vand.u32 $0xFFFFFFF0, v62  }
0x9e: {  	v24 =	vor.u32 v24, v25  }
0x9f: {  	v25 =	vperm.xlane v24, v4;
	_ =	sdelay $0x1  }
0xa0: {  	v24 =	vperm.xlane v24, v6;
	v25 =	vadd.s32 v5, v25;
	_ =	sdelay $0x1  }
0xa1: {  	v24 =	vadd.s32 v5, v24;
	_ =	sdelay $0x1  }
0xa2: {  	s20 =	simm.s32 $0x1A800  }
0xa3: {  	[tilespmem:s20], [sflag:$0x2] =	stream.indirect_vreg.gather [hbm4b:s3+s10], $0x80, v25, vm0, $0xb8;
	[tilespmem:$0x1E880] =	vst v63  }
0xa4: {  	s21 =	simm.s32 $0x1B000  }
0xa5: {  	[tilespmem:s21], [sflag:$0x2] =	stream.indirect_vreg.gather [hbm4b:s3+s10], $0x80, v24, vm0, $0xb8;
	[tilespmem:$0x1E880] =	vst v63  }
0xa6: {  	v24 =	vld [tilespmem:$0x14090];
	_ =	sdelay $0x4  }
0xa7: {  	v63 =	vshll.u32 v24, $0x1  }
0xa8: {  	v24 =	vand.u32 $0x7, v24;
	v25 =	vand.u32 $0xFFFFFFF0, v63  }
0xa9: {  	v24 =	vor.u32 v24, v25  }
0xaa: {  	v25 =	vperm.xlane v24, v4;
	_ =	sdelay $0x1  }
0xab: {  	v24 =	vperm.xlane v24, v6;
	v25 =	vadd.s32 v5, v25;
	_ =	sdelay $0x1  }
0xac: {  	v24 =	vadd.s32 v5, v24;
	_ =	sdelay $0x1  }
0xad: {  	s22 =	simm.s32 $0x1B800  }
0xae: {  	[tilespmem:s22], [sflag:$0x2] =	stream.indirect_vreg.gather [hbm4b:s3+s10], $0x80, v25, vm0, $0xb8;
	[tilespmem:$0x1E880] =	vst v63  }
0xaf: {  	s31 =	simm.s32 $0x0;
	s23 =	simm.s32 $0x1C000  }
0xb0: {  	[tilespmem:s23], [sflag:$0x2] =	stream.indirect_vreg.gather [hbm4b:s3+s10], $0x80, v24, vm0, $0xb8;
	[tilespmem:$0x1E880] =	vst v63  }
.LBB2_8:
0xb1: {  	s16 =	smul.u32 $0x3, s31;
	_ =	sdelay $0x1  }
0xb2: {  	_ =	swait.ge [sflag:s12], $0x2000;
	s13 =	sadd.s32 $0x2, s16  }
0xb3: {  	[sflag:s12] =	ssyncset.done $0x0;
	s13 =	sshll.u32 s13, $0x7  }
0xb4: {  	[sflag:s12] =	ssyncadd.s32 $0xFFFFE000;
	s17 =	sand.u32 $0x3FFFFF80, s13  }
0xb5: {  	v24 =	vld [tilespmem:s17+$0x14000];
	_ =	sdelay $0x4  }
0xb6: {  	v25 =	vshll.u32 v24, $0x1  }
0xb7: {  	v24 =	vand.u32 $0x7, v24;
	v25 =	vand.u32 $0xFFFFFFF0, v25  }
0xb8: {  	v24 =	vor.u32 v24, v25  }
0xb9: {  	v25 =	vperm.xlane v24, v4;
	_ =	sdelay $0x1  }
0xba: {  	v24 =	vperm.xlane v24, v6;
	v25 =	vadd.s32 v5, v25;
	_ =	sdelay $0x1  }
0xbb: {  	v24 =	vadd.s32 v5, v24;
	_ =	sdelay $0x2  }
0xbc: {  	[tilespmem:s24], [sflag:$0x3] =	stream.indirect_vreg.gather [hbm4b:s3+s10], $0x80, v25, vm0, $0xb8;
	[tilespmem:$0x1E880] =	vst v63  }
0xbd: {  	_ = 	snop  }
0xbe: {  	[tilespmem:s25], [sflag:$0x3] =	stream.indirect_vreg.gather [hbm4b:s3+s10], $0x80, v24, vm0, $0xb8;
	[tilespmem:$0x1E880] =	vst v63  }
0xbf: {  	v24 =	vld [tilespmem:s17+$0x14010];
	_ =	sdelay $0x4  }
0xc0: {  	v25 =	vshll.u32 v24, $0x1  }
0xc1: {  	v24 =	vand.u32 $0x7, v24;
	v25 =	vand.u32 $0xFFFFFFF0, v25  }
0xc2: {  	v24 =	vor.u32 v24, v25  }
0xc3: {  	v27 =	vmov s10;
	v25 =	vperm.xlane v24, v4  }
0xc4: {  	v27 =	vand.u32 $0x7E, v27;
	s21 =	sshll.u32 s16, $0x7  }
0xc5: {  	v24 =	vperm.xlane v24, v6;
	v26 =	vadd.s32 v5, v25;
	v25 =	vmov s21  }
0xc6: {  	v27 =	vor.u32 v25, v27  }
0xc7: {  	v24 =	vadd.s32 v5, v24;
	v27 =	vbroadcast v27, $0x0;
	_ =	sdelay $0x1  }
0xc8: {  	s22 =	simm.s32 $0x1;
	s18 =	sand.u32 $0x1800, s10;
	s17 =	simm.s32 $0x80  }
0xc9: {  	[tilespmem:s26], [sflag:$0x3] =	stream.indirect_vreg.gather [hbm4b:s3+s10], $0x80, v26, vm0, $0xb8;
	[tilespmem:$0x1E880] =	vst v63  }
0xca: {  	s18 =	sadd.s32 $0x18800, s18;
	s19 =	sand.u32 $0x380, s17;
	v26 =	vmov s22  }
0xcb: {  	[tilespmem:s28], [sflag:$0x3] =	stream.indirect_vreg.gather [hbm4b:s3+s10], $0x80, v24, vm0, $0xb8;
	v24 =	vand.u32 $0x7F, v26;
	[tilespmem:$0x1E880] =	vst v63  }
0xcc: {  	s21 =	sor.u32 s19, s18;
	v26 =	vor.u32 v25, v24;
	v24 =	vld.idx.msk [tilespmem:v27+s15+$0x0], $0xffff  }
0xcd: {  	v35 =	vld [tilespmem:s21+$0x0];
	v36 =	vbroadcast v26, $0x0  }
0xce: {  	v34 =	vld [tilespmem:s21+$0x10]  }
0xcf: {  	v33 =	vld [tilespmem:s21+$0x20]  }
0xd0: {  	v32 =	vld [tilespmem:s21+$0x30]  }
0xd1: {  	v31 =	vld [tilespmem:s21+$0x40]  }
0xd2: {  	v30 =	vld [tilespmem:s21+$0x50]  }
0xd3: {  	v37 =	vld.idx.msk [tilespmem:v36+s14+$0x0], $0xffff  }
0xd4: {  	v29 =	vld [tilespmem:s21+$0x60]  }
0xd5: {  	s23 =	simm.s32 $0x0;
	v28 =	vld [tilespmem:s21+$0x70]  }
0xd6: {  	s19 =	sand.u32 $0x300, s23;
	v26 =	vld.idx.msk [tilespmem:v27+s14+$0x0], $0xffff  }
0xd7: {  	s20 =	simm.s32 $0x0;
	s18 =	sor.u32 s19, s18;
	s19 =	simm.s32 $0x2;
	v27 =	vld [tilespmem:s21+$0x400]  }
.LBB2_9:
0xd8: {  	p0 =	slt.u32 s19, $0x1E;
	v36 =	vld.idx.msk [tilespmem:v36+s15+$0x0], $0xffff;
	v38 =	vshll.u32 v37, $0x8;
	v37 =	vshll.u32 v37, $0x7  }
0xd9: {  	v39 =	vld [tilespmem:s21+$0x410];
	v38 =	vand.u32 $0xFFFFF800, v38;
	v37 =	vand.u32 $0x380, v37  }
0xda: {  	v40 =	vld [tilespmem:s21+$0x420];
	v37 =	vor.u32 v37, v38  }
0xdb: {  	v38 =	vld [tilespmem:s21+$0x430];
	v41 =	vor.u32 v2, v37  }
0xdc: {  	v43 =	vor.u32 v7, v37;
	v42 =	vld [tilespmem:s21+$0x440]  }
0xdd: {  	v45 =	vor.u32 v8, v37;
	v44 =	vld [tilespmem:s21+$0x450]  }
0xde: {  	v47 =	vor.u32 v9, v37;
	v35 =	vmul.f32 v35, v36;
	v46 =	vld [tilespmem:s21+$0x460]  }
0xdf: {  	v49 =	vor.u32 v10, v37;
	v34 =	vmul.f32 v34, v36;
	v48 =	vld [tilespmem:s21+$0x470]  }
0xe0: {  	v33 =	vmul.f32 v33, v36;
	[tilespmem:v41+s2+$0x0] =	vst.idx.add.f32.msk $0xffff, v35;
	v35 =	vor.u32 v11, v37  }
0xe1: {  	v32 =	vmul.f32 v32, v36;
	[tilespmem:v43+s2+$0x0] =	vst.idx.add.f32.msk $0xffff, v34;
	v34 =	vor.u32 v12, v37  }
0xe2: {  	v31 =	vmul.f32 v31, v36;
	[tilespmem:v45+s2+$0x0] =	vst.idx.add.f32.msk $0xffff, v33;
	v33 =	vor.u32 v13, v37  }
0xe3: {  	v30 =	vmul.f32 v30, v36;
	[tilespmem:v47+s2+$0x0] =	vst.idx.add.f32.msk $0xffff, v32;
	v32 =	vor.u32 v14, v37  }
0xe4: {  	v29 =	vmul.f32 v29, v36;
	[tilespmem:v49+s2+$0x0] =	vst.idx.add.f32.msk $0xffff, v31;
	v31 =	vor.u32 v15, v37  }
0xe5: {  	v28 =	vmul.f32 v28, v36;
	[tilespmem:v35+s2+$0x0] =	vst.idx.add.f32.msk $0xffff, v30;
	v30 =	vor.u32 v16, v37  }
0xe6: {  	v27 =	vmul.f32 v27, v36;
	[tilespmem:v34+s2+$0x0] =	vst.idx.add.f32.msk $0xffff, v29;
	v29 =	vor.u32 v17, v37  }
0xe7: {  	[tilespmem:v33+s2+$0x0] =	vst.idx.add.f32.msk $0xffff, v28;
	v28 =	vmul.f32 v39, v36;
	v33 =	vor.u32 v18, v37  }
0xe8: {  	[tilespmem:v32+s2+$0x0] =	vst.idx.add.f32.msk $0xffff, v27;
	v27 =	vmul.f32 v40, v36;
	v32 =	vor.u32 v19, v37  }
0xe9: {  	[tilespmem:v31+s2+$0x0] =	vst.idx.add.f32.msk $0xffff, v28;
	v28 =	vmul.f32 v38, v36;
	v31 =	vor.u32 v20, v37  }
0xea: {  	[tilespmem:v30+s2+$0x0] =	vst.idx.add.f32.msk $0xffff, v27;
	v27 =	vmul.f32 v42, v36;
	v30 =	vor.u32 v21, v37  }
0xeb: {  	[tilespmem:v29+s2+$0x0] =	vst.idx.add.f32.msk $0xffff, v28;
	v28 =	vmul.f32 v44, v36  }
0xec: {  	[tilespmem:v33+s2+$0x0] =	vst.idx.add.f32.msk $0xffff, v27;
	v27 =	vmul.f32 v46, v36  }
0xed: {  	[tilespmem:v32+s2+$0x0] =	vst.idx.add.f32.msk $0xffff, v28;
	v28 =	vmul.f32 v48, v36  }
0xee: {  	[tilespmem:v31+s2+$0x0] =	vst.idx.add.f32.msk $0xffff, v27  }
0xef: {  	[tilespmem:v30+s2+$0x0] =	vst.idx.add.f32.msk $0xffff, v28  }
0xf0: {  	v27 =	vld [tilespmem:s18+$0x0]  }
0xf1: {  	v28 =	vld [tilespmem:s18+$0x10]  }
0xf2: {  	v29 =	vld [tilespmem:s18+$0x20]  }
0xf3: {  	v30 =	vld [tilespmem:s18+$0x30]  }
0xf4: {  	v31 =	vld [tilespmem:s18+$0x40]  }
0xf5: {  	v32 =	vld [tilespmem:s18+$0x50];
	v27 =	vmul.f32 v27, v24  }
0xf6: {  	v33 =	vld [tilespmem:s18+$0x60];
	v28 =	vmul.f32 v28, v24  }
0xf7: {  	v34 =	vld [tilespmem:s18+$0x70];
	v29 =	vmul.f32 v29, v24  }
0xf8: {  	v36 =	vshll.u32 v26, $0x8;
	v26 =	vshll.u32 v26, $0x7;
	v35 =	vld [tilespmem:s18+$0x400];
	v30 =	vmul.f32 v30, v24  }
0xf9: {  	v36 =	vand.u32 $0xFFFFF800, v36;
	v26 =	vand.u32 $0x380, v26;
	v37 =	vld [tilespmem:s18+$0x410];
	v31 =	vmul.f32 v31, v24  }
0xfa: {  	v26 =	vor.u32 v26, v36;
	v38 =	vld [tilespmem:s18+$0x420];
	v32 =	vmul.f32 v32, v24  }
0xfb: {  	v39 =	vor.u32 v2, v26;
	v36 =	vld [tilespmem:s18+$0x430];
	v33 =	vmul.f32 v33, v24  }
0xfc: {  	v41 =	vor.u32 v7, v26;
	v40 =	vld [tilespmem:s18+$0x440];
	v34 =	vmul.f32 v34, v24  }
0xfd: {  	v43 =	vor.u32 v8, v26;
	v42 =	vld [tilespmem:s18+$0x450];
	v35 =	vmul.f32 v35, v24  }
0xfe: {  	v45 =	vor.u32 v9, v26;
	v44 =	vld [tilespmem:s18+$0x460];
	v37 =	vmul.f32 v37, v24  }
0xff: {  	v47 =	vor.u32 v10, v26;
	v46 =	vld [tilespmem:s18+$0x470];
	v38 =	vmul.f32 v38, v24  }
0x100: {  	[tilespmem:v39+s2+$0x0] =	vst.idx.add.f32.msk $0xffff, v27;
	v27 =	vor.u32 v11, v26;
	v36 =	vmul.f32 v36, v24  }
0x101: {  	[tilespmem:v41+s2+$0x0] =	vst.idx.add.f32.msk $0xffff, v28;
	v28 =	vor.u32 v12, v26;
	v39 =	vmul.f32 v40, v24  }
0x102: {  	[tilespmem:v43+s2+$0x0] =	vst.idx.add.f32.msk $0xffff, v29;
	v29 =	vor.u32 v13, v26;
	v40 =	vmul.f32 v42, v24  }
0x103: {  	[tilespmem:v45+s2+$0x0] =	vst.idx.add.f32.msk $0xffff, v30;
	v30 =	vor.u32 v14, v26;
	v41 =	vmul.f32 v44, v24  }
0x104: {  	[tilespmem:v47+s2+$0x0] =	vst.idx.add.f32.msk $0xffff, v31;
	v31 =	vor.u32 v15, v26;
	v24 =	vmul.f32 v46, v24  }
0x105: {  	[tilespmem:v27+s2+$0x0] =	vst.idx.add.f32.msk $0xffff, v32;
	v27 =	vor.u32 v16, v26  }
0x106: {  	[tilespmem:v28+s2+$0x0] =	vst.idx.add.f32.msk $0xffff, v33;
	v28 =	vor.u32 v17, v26  }
0x107: {  	v32 =	vmov s19;
	[tilespmem:v29+s2+$0x0] =	vst.idx.add.f32.msk $0xffff, v34;
	v29 =	vor.u32 v18, v26  }
0x108: {  	v32 =	vand.u32 $0x7E, v32;
	[tilespmem:v30+s2+$0x0] =	vst.idx.add.f32.msk $0xffff, v35;
	v30 =	vor.u32 v19, v26  }
0x109: {  	v32 =	vor.u32 v25, v32;
	[tilespmem:v31+s2+$0x0] =	vst.idx.add.f32.msk $0xffff, v37;
	v31 =	vor.u32 v20, v26  }
0x10a: {  	v32 =	vbroadcast v32, $0x0;
	v26 =	vor.u32 v21, v26;
	[tilespmem:v27+s2+$0x0] =	vst.idx.add.f32.msk $0xffff, v38  }
0x10b: {  	[tilespmem:v28+s2+$0x0] =	vst.idx.add.f32.msk $0xffff, v36  }
0x10c: {  	s18 =	sadd.s32 $0x1, s19;
	[tilespmem:v29+s2+$0x0] =	vst.idx.add.f32.msk $0xffff, v39  }
0x10d: {  	v27 =	vmov s18;
	[tilespmem:v30+s2+$0x0] =	vst.idx.add.f32.msk $0xffff, v40  }
0x10e: {  	s20 =	sadd.s32 $0x200, s20;
	v27 =	vand.u32 $0x7F, v27;
	[tilespmem:v31+s2+$0x0] =	vst.idx.add.f32.msk $0xffff, v41  }
0x10f: {  	s17 =	sadd.s32 $0x100, s17;
	s18 =	sand.u32 $0x1800, s20;
	v27 =	vor.u32 v25, v27;
	[tilespmem:v26+s2+$0x0] =	vst.idx.add.f32.msk $0xffff, v24  }
0x110: {  	s22 =	sand.u32 $0x380, s17;
	s21 =	sadd.s32 $0xFFFFFF80, s17;
	s18 =	sadd.s32 $0x18800, s18;
	v36 =	vbroadcast v27, $0x0;
	v24 =	vld.idx.msk [tilespmem:v32+s15+$0x0], $0xffff  }
0x111: {  	s23 =	sand.u32 $0x300, s21;
	s21 =	sor.u32 s22, s18;
	v26 =	vld.idx.msk [tilespmem:v32+s14+$0x0], $0xffff  }
0x112: {  	s18 =	sor.u32 s23, s18;
	v35 =	vld [tilespmem:s21+$0x0]  }
0x113: {  	v34 =	vld [tilespmem:s21+$0x10]  }
0x114: {  	v33 =	vld [tilespmem:s21+$0x20]  }
0x115: {  	v32 =	vld [tilespmem:s21+$0x30]  }
0x116: {  	v37 =	vld.idx.msk [tilespmem:v36+s14+$0x0], $0xffff  }
.Ltmp5:
0x117: {  	v31 =	vld [tilespmem:s21+$0x40];
	(pc) =	sbr.rel @p0 .LBB2_9-.Ltmp5, $4  }
0x118: {  	v30 =	vld [tilespmem:s21+$0x50]  }
0x119: {  	v29 =	vld [tilespmem:s21+$0x60]  }
0x11a: {  	v28 =	vld [tilespmem:s21+$0x70]  }
0x11b: {  	s19 =	sadd.s32 $0x2, s19;
	v27 =	vld [tilespmem:s21+$0x400]  }
0x11c: {  	_ =	sdelay $0x3  }
0x11d: {  	v25 =	vld.idx.msk [tilespmem:v36+s15+$0x0], $0xffff  }
0x11e: {  	v38 =	vld [tilespmem:s21+$0x410]  }
0x11f: {  	v39 =	vld [tilespmem:s21+$0x420]  }
0x120: {  	v54 =	vld [tilespmem:s21+$0x430]  }
0x121: {  	v41 =	vld [tilespmem:s21+$0x440]  }
0x122: {  	v43 =	vld [tilespmem:s21+$0x450]  }
0x123: {  	v45 =	vld [tilespmem:s21+$0x460]  }
0x124: {  	v52 =	vshll.u32 v37, $0x8;
	v53 =	vshll.u32 v37, $0x7;
	v47 =	vld [tilespmem:s21+$0x470]  }
0x125: {  	v61 =	vld [tilespmem:s18+$0x60];
	v36 =	vand.u32 $0xFFFFF800, v52;
	v37 =	vand.u32 $0x380, v53  }
0x126: {  	v62 =	vld [tilespmem:s18+$0x70];
	v36 =	vor.u32 v37, v36  }
0x127: {  	v63 =	vld [tilespmem:s18+$0x400];
	v40 =	vor.u32 v2, v36  }
0x128: {  	v49 =	vld [tilespmem:s18+$0x410];
	v42 =	vor.u32 v7, v36  }
0x129: {  	v50 =	vld [tilespmem:s18+$0x420];
	v44 =	vor.u32 v8, v36  }
0x12a: {  	v51 =	vld [tilespmem:s18+$0x430];
	v46 =	vor.u32 v9, v36;
	v35 =	vmul.f32 v35, v25  }
0x12b: {  	v53 =	vld [tilespmem:s18+$0x440];
	v48 =	vor.u32 v10, v36;
	v34 =	vmul.f32 v34, v25  }
0x12c: {  	v55 =	vor.u32 v11, v36;
	v33 =	vmul.f32 v33, v25;
	[tilespmem:v40+s2+$0x0] =	vst.idx.add.f32.msk $0xffff, v35  }
0x12d: {  	v32 =	vmul.f32 v32, v25;
	[tilespmem:v42+s2+$0x0] =	vst.idx.add.f32.msk $0xffff, v34  }
0x12e: {  	v56 =	vor.u32 v12, v36;
	v31 =	vmul.f32 v31, v25;
	[tilespmem:v44+s2+$0x0] =	vst.idx.add.f32.msk $0xffff, v33  }
0x12f: {  	v57 =	vor.u32 v13, v36;
	v30 =	vmul.f32 v30, v25;
	[tilespmem:v46+s2+$0x0] =	vst.idx.add.f32.msk $0xffff, v32  }
0x130: {  	[tilespmem:v48+s2+$0x0] =	vst.idx.add.f32.msk $0xffff, v31  }
0x131: {  	v58 =	vor.u32 v14, v36;
	v29 =	vmul.f32 v29, v25;
	[tilespmem:v55+s2+$0x0] =	vst.idx.add.f32.msk $0xffff, v30  }
0x132: {  	v28 =	vmul.f32 v28, v25;
	v31 =	vor.u32 v15, v36;
	v55 =	vld [tilespmem:s18+$0x450]  }
0x133: {  	v30 =	vor.u32 v16, v36;
	[tilespmem:v56+s2+$0x0] =	vst.idx.add.f32.msk $0xffff, v29  }
0x134: {  	v27 =	vmul.f32 v27, v25;
	v29 =	vor.u32 v17, v36;
	[tilespmem:v57+s2+$0x0] =	vst.idx.add.f32.msk $0xffff, v28  }
0x135: {  	v59 =	vor.u32 v18, v36;
	v28 =	vmul.f32 v38, v25;
	v57 =	vld [tilespmem:s18+$0x460]  }
0x136: {  	v60 =	vor.u32 v19, v36;
	[tilespmem:v58+s2+$0x0] =	vst.idx.add.f32.msk $0xffff, v27;
	v27 =	vmul.f32 v39, v25  }
0x137: {  	[tilespmem:v31+s2+$0x0] =	vst.idx.add.f32.msk $0xffff, v28;
	v28 =	vmul.f32 v54, v25;
	v31 =	vor.u32 v20, v36  }
0x138: {  	[tilespmem:v30+s2+$0x0] =	vst.idx.add.f32.msk $0xffff, v27;
	v27 =	vmul.f32 v41, v25;
	v30 =	vor.u32 v21, v36  }
0x139: {  	[tilespmem:v29+s2+$0x0] =	vst.idx.add.f32.msk $0xffff, v28;
	v28 =	vmul.f32 v43, v25  }
0x13a: {  	[tilespmem:v59+s2+$0x0] =	vst.idx.add.f32.msk $0xffff, v27;
	v27 =	vmul.f32 v45, v25  }
0x13b: {  	v25 =	vmul.f32 v47, v25;
	[tilespmem:v60+s2+$0x0] =	vst.idx.add.f32.msk $0xffff, v28  }
0x13c: {  	[tilespmem:v31+s2+$0x0] =	vst.idx.add.f32.msk $0xffff, v27  }
0x13d: {  	v48 =	vshll.u32 v26, $0x8;
	v26 =	vshll.u32 v26, $0x7;
	[tilespmem:v30+s2+$0x0] =	vst.idx.add.f32.msk $0xffff, v25  }
0x13e: {  	v35 =	vand.u32 $0xFFFFF800, v48;
	v26 =	vand.u32 $0x380, v26;
	v25 =	vld [tilespmem:s18+$0x0]  }
0x13f: {  	v26 =	vor.u32 v26, v35;
	v27 =	vld [tilespmem:s18+$0x10]  }
0x140: {  	v52 =	vor.u32 v2, v26;
	v28 =	vld [tilespmem:s18+$0x20]  }
0x141: {  	v54 =	vor.u32 v7, v26;
	v29 =	vld [tilespmem:s18+$0x30]  }
0x142: {  	v56 =	vor.u32 v8, v26;
	v30 =	vld [tilespmem:s18+$0x40]  }
0x143: {  	v58 =	vor.u32 v9, v26;
	v31 =	vld [tilespmem:s18+$0x50];
	v25 =	vmul.f32 v25, v24  }
0x144: {  	v59 =	vld [tilespmem:s18+$0x470];
	v60 =	vor.u32 v10, v26;
	v27 =	vmul.f32 v27, v24  }
0x145: {  	v28 =	vmul.f32 v28, v24;
	[tilespmem:v52+s2+$0x0] =	vst.idx.add.f32.msk $0xffff, v25;
	v25 =	vor.u32 v11, v26  }
0x146: {  	v29 =	vmul.f32 v29, v24;
	[tilespmem:v54+s2+$0x0] =	vst.idx.add.f32.msk $0xffff, v27;
	v27 =	vor.u32 v12, v26  }
0x147: {  	v30 =	vmul.f32 v30, v24;
	[tilespmem:v56+s2+$0x0] =	vst.idx.add.f32.msk $0xffff, v28;
	v28 =	vor.u32 v13, v26  }
0x148: {  	v31 =	vmul.f32 v31, v24;
	[tilespmem:v58+s2+$0x0] =	vst.idx.add.f32.msk $0xffff, v29;
	v29 =	vor.u32 v14, v26  }
0x149: {  	v32 =	vmul.f32 v61, v24;
	[tilespmem:v60+s2+$0x0] =	vst.idx.add.f32.msk $0xffff, v30;
	v30 =	vor.u32 v15, v26  }
0x14a: {  	v33 =	vmul.f32 v62, v24;
	[tilespmem:v25+s2+$0x0] =	vst.idx.add.f32.msk $0xffff, v31;
	v25 =	vor.u32 v16, v26  }
0x14b: {  	v31 =	vmul.f32 v63, v24;
	[tilespmem:v27+s2+$0x0] =	vst.idx.add.f32.msk $0xffff, v32;
	v27 =	vor.u32 v17, v26  }
0x14c: {  	v61 =	vmul.f32 v49, v24;
	[tilespmem:v28+s2+$0x0] =	vst.idx.add.f32.msk $0xffff, v33;
	v28 =	vor.u32 v18, v26  }
0x14d: {  	v62 =	vmul.f32 v50, v24;
	[tilespmem:v29+s2+$0x0] =	vst.idx.add.f32.msk $0xffff, v31;
	v29 =	vor.u32 v19, v26  }
0x14e: {  	v31 =	vmul.f32 v51, v24;
	[tilespmem:v30+s2+$0x0] =	vst.idx.add.f32.msk $0xffff, v61;
	v30 =	vor.u32 v20, v26  }
0x14f: {  	v63 =	vmul.f32 v53, v24;
	[tilespmem:v25+s2+$0x0] =	vst.idx.add.f32.msk $0xffff, v62;
	v25 =	vor.u32 v21, v26  }
0x150: {  	v26 =	vmul.f32 v55, v24;
	[tilespmem:v27+s2+$0x0] =	vst.idx.add.f32.msk $0xffff, v31  }
0x151: {  	v27 =	vmul.f32 v57, v24;
	[tilespmem:v28+s2+$0x0] =	vst.idx.add.f32.msk $0xffff, v63  }
0x152: {  	v24 =	vmul.f32 v59, v24;
	[tilespmem:v29+s2+$0x0] =	vst.idx.add.f32.msk $0xffff, v26  }
0x153: {  	[tilespmem:v30+s2+$0x0] =	vst.idx.add.f32.msk $0xffff, v27  }
0x154: {  	p0 =	seq.s32 s31, $0xF;
	[tilespmem:v25+s2+$0x0] =	vst.idx.add.f32.msk $0xffff, v24  }
0x155: {  	s17 =	smul.u32 @!p0 $0x600, s31;
	_ =	swait.ge [sflag:s29], $0x2000  }
0x156: {  	[sflag:s29] =	ssyncset.done $0x0  }
0x157: {  	s17 =	sshra.s32 @!p0 s17, $0x2;
	[sflag:s29] =	ssyncadd.s32 $0xFFFFE000  }
0x158: {  	v24 =	vld @!p0 [tilespmem:s17+$0x14180];
	_ =	sdelay $0x4  }
0x159: {  	v25 =	vshll.u32 @!p0 v24, $0x1  }
0x15a: {  	v26 =	vlaneseq.u32 @!p0;
	v24 =	vand.u32 @!p0 $0x7, v24;
	v25 =	vand.u32 @!p0 $0xFFFFFFF0, v25  }
0x15b: {  	v27 =	vshrl.u32 @!p0 v26, $0x3;
	v24 =	vor.u32 @!p0 v24, v25;
	v25 =	vand.u32 @!p0 $0x7, v26  }
0x15c: {  	v27 =	vmul.u32 @!p0 $0x8, v27;
	v28 =	vperm.xlane @!p0 v24, v25  }
0x15d: {  	v26 =	vor.u32 @!p0 $0x8, v26  }
0x15e: {  	v24 =	vperm.xlane @!p0 v24, v26;
	v28 =	vadd.s32 @!p0 v27, v28;
	_ =	sdelay $0x1  }
0x15f: {  	v24 =	vadd.s32 @!p0 v27, v24;
	_ =	sdelay $0x1  }
0x160: {  	vm1 =	vmmov @!p0 $0xffff;
	s19 =	simm.s32 @!p0 $0x18800;
	s18 =	simm.s32 @!p0 $0x0  }
0x161: {  	[tilespmem:s19], [sflag:$0x1] =	stream.indirect_vreg.gather @!p0 [hbm4b:s3+s18], $0x80, v28, vm1, $0xb8;
	[tilespmem:$0x1E880] =	vst v63  }
0x162: {  	s19 =	simm.s32 @!p0 $0x19000  }
0x163: {  	[tilespmem:s19], [sflag:$0x1] =	stream.indirect_vreg.gather @!p0 [hbm4b:s3+s18], $0x80, v24, vm1, $0xb8;
	[tilespmem:$0x1E880] =	vst v63  }
0x164: {  	v24 =	vld @!p0 [tilespmem:s17+$0x14190];
	_ =	sdelay $0x4  }
0x165: {  	v28 =	vshll.u32 @!p0 v24, $0x1  }
0x166: {  	v24 =	vand.u32 @!p0 $0x7, v24;
	v28 =	vand.u32 @!p0 $0xFFFFFFF0, v28  }
0x167: {  	v24 =	vor.u32 @!p0 v24, v28  }
0x168: {  	v25 =	vperm.xlane @!p0 v24, v25  }
0x169: {  	s22 =	sadd.s32 $0x1, s16;
	s16 =	simm.s32 $0x0  }
0x16a: {  	s19 =	sshll.u32 s22, $0x7;
	v24 =	vperm.xlane @!p0 v24, v26;
	v26 =	vmov s16;
	v28 =	vadd.s32 @!p0 v27, v25  }
0x16b: {  	v26 =	vand.u32 $0x7E, v26;
	v25 =	vmov s19  }
0x16c: {  	v24 =	vadd.s32 @!p0 v27, v24;
	v26 =	vor.u32 v25, v26  }
0x16d: {  	v26 =	vbroadcast v26, $0x0  }
0x16e: {  	s19 =	simm.s32 @!p0 $0x19800  }
0x16f: {  	[tilespmem:s19], [sflag:$0x1] =	stream.indirect_vreg.gather @!p0 [hbm4b:s3+s18], $0x80, v28, vm1, $0xb8;
	[tilespmem:$0x1E880] =	vst v63  }
0x170: {  	s23 =	simm.s32 $0x1;
	s20 =	simm.s32 @!p0 $0x1A000  }
0x171: {  	v27 =	vmov s23;
	[tilespmem:s20], [sflag:$0x1] =	stream.indirect_vreg.gather @!p0 [hbm4b:s3+s18], $0x80, v24, vm1, $0xb8;
	[tilespmem:$0x1E880] =	vst v63  }
0x172: {  	s21 =	sand.u32 $0x1800, s16;
	v24 =	vand.u32 $0x7F, v27;
	s18 =	simm.s32 $0x80  }
0x173: {  	s19 =	sadd.s32 $0x1A800, s21;
	v27 =	vor.u32 v25, v24;
	v24 =	vld.idx.msk [tilespmem:v26+s15+$0x0], $0xffff;
	s22 =	sand.u32 $0x380, s18  }
0x174: {  	v26 =	vld.idx.msk [tilespmem:v26+s14+$0x0], $0xffff;
	v36 =	vbroadcast v27, $0x0;
	s21 =	sor.u32 s22, s19  }
0x175: {  	v35 =	vld [tilespmem:s21+$0x0]  }
0x176: {  	v34 =	vld [tilespmem:s21+$0x10]  }
0x177: {  	v33 =	vld [tilespmem:s21+$0x20]  }
0x178: {  	v32 =	vld [tilespmem:s21+$0x30]  }
0x179: {  	v31 =	vld [tilespmem:s21+$0x40]  }
0x17a: {  	v37 =	vld.idx.msk [tilespmem:v36+s14+$0x0], $0xffff  }
0x17b: {  	v30 =	vld [tilespmem:s21+$0x50]  }
0x17c: {  	s23 =	simm.s32 $0x0;
	v29 =	vld [tilespmem:s21+$0x60]  }
0x17d: {  	s20 =	sand.u32 $0x300, s23;
	v28 =	vld [tilespmem:s21+$0x70]  }
0x17e: {  	s19 =	sor.u32 s20, s19;
	s20 =	simm.s32 $0x2;
	v27 =	vld [tilespmem:s21+$0x400]  }
.LBB2_11:
0x17f: {  	p1 =	slt.u32 s20, $0x1E;
	v36 =	vld.idx.msk [tilespmem:v36+s15+$0x0], $0xffff;
	v38 =	vshll.u32 v37, $0x8;
	v37 =	vshll.u32 v37, $0x7  }
0x180: {  	v39 =	vld [tilespmem:s21+$0x410];
	v38 =	vand.u32 $0xFFFFF800, v38;
	v37 =	vand.u32 $0x380, v37  }
0x181: {  	v40 =	vld [tilespmem:s21+$0x420];
	v37 =	vor.u32 v37, v38  }
0x182: {  	v38 =	vld [tilespmem:s21+$0x430];
	v41 =	vor.u32 v2, v37  }
0x183: {  	v43 =	vor.u32 v7, v37;
	v42 =	vld [tilespmem:s21+$0x440]  }
0x184: {  	v45 =	vor.u32 v8, v37;
	v44 =	vld [tilespmem:s21+$0x450]  }
0x185: {  	v47 =	vor.u32 v9, v37;
	v35 =	vmul.f32 v35, v36;
	v46 =	vld [tilespmem:s21+$0x460]  }
0x186: {  	v49 =	vor.u32 v10, v37;
	v34 =	vmul.f32 v34, v36;
	v48 =	vld [tilespmem:s21+$0x470]  }
0x187: {  	v33 =	vmul.f32 v33, v36;
	[tilespmem:v41+s2+$0x0] =	vst.idx.add.f32.msk $0xffff, v35;
	v35 =	vor.u32 v11, v37  }
0x188: {  	v32 =	vmul.f32 v32, v36;
	[tilespmem:v43+s2+$0x0] =	vst.idx.add.f32.msk $0xffff, v34;
	v34 =	vor.u32 v12, v37  }
0x189: {  	v31 =	vmul.f32 v31, v36;
	[tilespmem:v45+s2+$0x0] =	vst.idx.add.f32.msk $0xffff, v33;
	v33 =	vor.u32 v13, v37  }
0x18a: {  	v30 =	vmul.f32 v30, v36;
	[tilespmem:v47+s2+$0x0] =	vst.idx.add.f32.msk $0xffff, v32;
	v32 =	vor.u32 v14, v37  }
0x18b: {  	v29 =	vmul.f32 v29, v36;
	[tilespmem:v49+s2+$0x0] =	vst.idx.add.f32.msk $0xffff, v31;
	v31 =	vor.u32 v15, v37  }
0x18c: {  	v28 =	vmul.f32 v28, v36;
	[tilespmem:v35+s2+$0x0] =	vst.idx.add.f32.msk $0xffff, v30;
	v30 =	vor.u32 v16, v37  }
0x18d: {  	v27 =	vmul.f32 v27, v36;
	[tilespmem:v34+s2+$0x0] =	vst.idx.add.f32.msk $0xffff, v29;
	v29 =	vor.u32 v17, v37  }
0x18e: {  	[tilespmem:v33+s2+$0x0] =	vst.idx.add.f32.msk $0xffff, v28;
	v28 =	vmul.f32 v39, v36;
	v33 =	vor.u32 v18, v37  }
0x18f: {  	[tilespmem:v32+s2+$0x0] =	vst.idx.add.f32.msk $0xffff, v27;
	v27 =	vmul.f32 v40, v36;
	v32 =	vor.u32 v19, v37  }
0x190: {  	[tilespmem:v31+s2+$0x0] =	vst.idx.add.f32.msk $0xffff, v28;
	v28 =	vmul.f32 v38, v36;
	v31 =	vor.u32 v20, v37  }
0x191: {  	[tilespmem:v30+s2+$0x0] =	vst.idx.add.f32.msk $0xffff, v27;
	v27 =	vmul.f32 v42, v36;
	v30 =	vor.u32 v21, v37  }
0x192: {  	[tilespmem:v29+s2+$0x0] =	vst.idx.add.f32.msk $0xffff, v28;
	v28 =	vmul.f32 v44, v36  }
0x193: {  	[tilespmem:v33+s2+$0x0] =	vst.idx.add.f32.msk $0xffff, v27;
	v27 =	vmul.f32 v46, v36  }
0x194: {  	[tilespmem:v32+s2+$0x0] =	vst.idx.add.f32.msk $0xffff, v28;
	v28 =	vmul.f32 v48, v36  }
0x195: {  	[tilespmem:v31+s2+$0x0] =	vst.idx.add.f32.msk $0xffff, v27  }
0x196: {  	[tilespmem:v30+s2+$0x0] =	vst.idx.add.f32.msk $0xffff, v28  }
0x197: {  	v27 =	vld [tilespmem:s19+$0x0]  }
0x198: {  	v28 =	vld [tilespmem:s19+$0x10]  }
0x199: {  	v29 =	vld [tilespmem:s19+$0x20]  }
0x19a: {  	v30 =	vld [tilespmem:s19+$0x30]  }
0x19b: {  	v31 =	vld [tilespmem:s19+$0x40]  }
0x19c: {  	v32 =	vld [tilespmem:s19+$0x50];
	v27 =	vmul.f32 v27, v24  }
0x19d: {  	v33 =	vld [tilespmem:s19+$0x60];
	v28 =	vmul.f32 v28, v24  }
0x19e: {  	v34 =	vld [tilespmem:s19+$0x70];
	v29 =	vmul.f32 v29, v24  }
0x19f: {  	v36 =	vshll.u32 v26, $0x8;
	v26 =	vshll.u32 v26, $0x7;
	v35 =	vld [tilespmem:s19+$0x400];
	v30 =	vmul.f32 v30, v24  }
0x1a0: {  	v36 =	vand.u32 $0xFFFFF800, v36;
	v26 =	vand.u32 $0x380, v26;
	v37 =	vld [tilespmem:s19+$0x410];
	v31 =	vmul.f32 v31, v24  }
0x1a1: {  	v26 =	vor.u32 v26, v36;
	v38 =	vld [tilespmem:s19+$0x420];
	v32 =	vmul.f32 v32, v24  }
0x1a2: {  	v39 =	vor.u32 v2, v26;
	v36 =	vld [tilespmem:s19+$0x430];
	v33 =	vmul.f32 v33, v24  }
0x1a3: {  	v41 =	vor.u32 v7, v26;
	v40 =	vld [tilespmem:s19+$0x440];
	v34 =	vmul.f32 v34, v24  }
0x1a4: {  	v43 =	vor.u32 v8, v26;
	v42 =	vld [tilespmem:s19+$0x450];
	v35 =	vmul.f32 v35, v24  }
0x1a5: {  	v45 =	vor.u32 v9, v26;
	v44 =	vld [tilespmem:s19+$0x460];
	v37 =	vmul.f32 v37, v24  }
0x1a6: {  	v47 =	vor.u32 v10, v26;
	v46 =	vld [tilespmem:s19+$0x470];
	v38 =	vmul.f32 v38, v24  }
0x1a7: {  	[tilespmem:v39+s2+$0x0] =	vst.idx.add.f32.msk $0xffff, v27;
	v27 =	vor.u32 v11, v26;
	v36 =	vmul.f32 v36, v24  }
0x1a8: {  	[tilespmem:v41+s2+$0x0] =	vst.idx.add.f32.msk $0xffff, v28;
	v28 =	vor.u32 v12, v26;
	v39 =	vmul.f32 v40, v24  }
0x1a9: {  	[tilespmem:v43+s2+$0x0] =	vst.idx.add.f32.msk $0xffff, v29;
	v29 =	vor.u32 v13, v26;
	v40 =	vmul.f32 v42, v24  }
0x1aa: {  	[tilespmem:v45+s2+$0x0] =	vst.idx.add.f32.msk $0xffff, v30;
	v30 =	vor.u32 v14, v26;
	v41 =	vmul.f32 v44, v24  }
0x1ab: {  	[tilespmem:v47+s2+$0x0] =	vst.idx.add.f32.msk $0xffff, v31;
	v31 =	vor.u32 v15, v26;
	v24 =	vmul.f32 v46, v24  }
0x1ac: {  	[tilespmem:v27+s2+$0x0] =	vst.idx.add.f32.msk $0xffff, v32;
	v27 =	vor.u32 v16, v26  }
0x1ad: {  	[tilespmem:v28+s2+$0x0] =	vst.idx.add.f32.msk $0xffff, v33;
	v28 =	vor.u32 v17, v26  }
0x1ae: {  	v32 =	vmov s20;
	[tilespmem:v29+s2+$0x0] =	vst.idx.add.f32.msk $0xffff, v34;
	v29 =	vor.u32 v18, v26  }
0x1af: {  	v32 =	vand.u32 $0x7E, v32;
	[tilespmem:v30+s2+$0x0] =	vst.idx.add.f32.msk $0xffff, v35;
	v30 =	vor.u32 v19, v26  }
0x1b0: {  	v32 =	vor.u32 v25, v32;
	[tilespmem:v31+s2+$0x0] =	vst.idx.add.f32.msk $0xffff, v37;
	v31 =	vor.u32 v20, v26  }
0x1b1: {  	v32 =	vbroadcast v32, $0x0;
	v26 =	vor.u32 v21, v26;
	[tilespmem:v27+s2+$0x0] =	vst.idx.add.f32.msk $0xffff, v38  }
0x1b2: {  	[tilespmem:v28+s2+$0x0] =	vst.idx.add.f32.msk $0xffff, v36  }
0x1b3: {  	s19 =	sadd.s32 $0x1, s20;
	[tilespmem:v29+s2+$0x0] =	vst.idx.add.f32.msk $0xffff, v39  }
0x1b4: {  	v27 =	vmov s19;
	[tilespmem:v30+s2+$0x0] =	vst.idx.add.f32.msk $0xffff, v40  }
0x1b5: {  	s16 =	sadd.s32 $0x200, s16;
	v27 =	vand.u32 $0x7F, v27;
	[tilespmem:v31+s2+$0x0] =	vst.idx.add.f32.msk $0xffff, v41  }
0x1b6: {  	s18 =	sadd.s32 $0x100, s18;
	s19 =	sand.u32 $0x1800, s16;
	v27 =	vor.u32 v25, v27;
	[tilespmem:v26+s2+$0x0] =	vst.idx.add.f32.msk $0xffff, v24  }
0x1b7: {  	s22 =	sand.u32 $0x380, s18;
	s21 =	sadd.s32 $0xFFFFFF80, s18;
	s19 =	sadd.s32 $0x1A800, s19;
	v36 =	vbroadcast v27, $0x0;
	v24 =	vld.idx.msk [tilespmem:v32+s15+$0x0], $0xffff  }
0x1b8: {  	s23 =	sand.u32 $0x300, s21;
	s21 =	sor.u32 s22, s19;
	v26 =	vld.idx.msk [tilespmem:v32+s14+$0x0], $0xffff  }
0x1b9: {  	s19 =	sor.u32 s23, s19;
	v35 =	vld [tilespmem:s21+$0x0]  }
0x1ba: {  	v34 =	vld [tilespmem:s21+$0x10]  }
0x1bb: {  	v33 =	vld [tilespmem:s21+$0x20]  }
0x1bc: {  	v32 =	vld [tilespmem:s21+$0x30]  }
0x1bd: {  	v37 =	vld.idx.msk [tilespmem:v36+s14+$0x0], $0xffff  }
.Ltmp6:
0x1be: {  	v31 =	vld [tilespmem:s21+$0x40];
	(pc) =	sbr.rel @p1 .LBB2_11-.Ltmp6, $4  }
0x1bf: {  	v30 =	vld [tilespmem:s21+$0x50]  }
0x1c0: {  	v29 =	vld [tilespmem:s21+$0x60]  }
0x1c1: {  	v28 =	vld [tilespmem:s21+$0x70]  }
0x1c2: {  	s20 =	sadd.s32 $0x2, s20;
	v27 =	vld [tilespmem:s21+$0x400]  }
0x1c3: {  	_ =	sdelay $0x3  }
0x1c4: {  	v25 =	vld.idx.msk [tilespmem:v36+s15+$0x0], $0xffff  }
0x1c5: {  	v38 =	vld [tilespmem:s21+$0x410]  }
0x1c6: {  	v39 =	vld [tilespmem:s21+$0x420]  }
0x1c7: {  	v54 =	vld [tilespmem:s21+$0x430]  }
0x1c8: {  	v41 =	vld [tilespmem:s21+$0x440]  }
0x1c9: {  	v43 =	vld [tilespmem:s21+$0x450]  }
0x1ca: {  	v45 =	vld [tilespmem:s21+$0x460]  }
0x1cb: {  	v52 =	vshll.u32 v37, $0x8;
	v53 =	vshll.u32 v37, $0x7;
	v47 =	vld [tilespmem:s21+$0x470]  }
0x1cc: {  	v61 =	vld [tilespmem:s19+$0x60];
	v36 =	vand.u32 $0xFFFFF800, v52;
	v37 =	vand.u32 $0x380, v53  }
0x1cd: {  	v62 =	vld [tilespmem:s19+$0x70];
	v36 =	vor.u32 v37, v36  }
0x1ce: {  	v63 =	vld [tilespmem:s19+$0x400];
	v40 =	vor.u32 v2, v36  }
0x1cf: {  	v49 =	vld [tilespmem:s19+$0x410];
	v42 =	vor.u32 v7, v36  }
0x1d0: {  	v50 =	vld [tilespmem:s19+$0x420];
	v44 =	vor.u32 v8, v36  }
0x1d1: {  	v51 =	vld [tilespmem:s19+$0x430];
	v46 =	vor.u32 v9, v36;
	v35 =	vmul.f32 v35, v25  }
0x1d2: {  	v53 =	vld [tilespmem:s19+$0x440];
	v48 =	vor.u32 v10, v36;
	v34 =	vmul.f32 v34, v25  }
0x1d3: {  	v55 =	vor.u32 v11, v36;
	v33 =	vmul.f32 v33, v25;
	[tilespmem:v40+s2+$0x0] =	vst.idx.add.f32.msk $0xffff, v35  }
0x1d4: {  	v32 =	vmul.f32 v32, v25;
	[tilespmem:v42+s2+$0x0] =	vst.idx.add.f32.msk $0xffff, v34  }
0x1d5: {  	v56 =	vor.u32 v12, v36;
	v31 =	vmul.f32 v31, v25;
	[tilespmem:v44+s2+$0x0] =	vst.idx.add.f32.msk $0xffff, v33  }
0x1d6: {  	v57 =	vor.u32 v13, v36;
	v30 =	vmul.f32 v30, v25;
	[tilespmem:v46+s2+$0x0] =	vst.idx.add.f32.msk $0xffff, v32  }
0x1d7: {  	[tilespmem:v48+s2+$0x0] =	vst.idx.add.f32.msk $0xffff, v31  }
0x1d8: {  	v58 =	vor.u32 v14, v36;
	v29 =	vmul.f32 v29, v25;
	[tilespmem:v55+s2+$0x0] =	vst.idx.add.f32.msk $0xffff, v30  }
0x1d9: {  	v28 =	vmul.f32 v28, v25;
	v31 =	vor.u32 v15, v36;
	v55 =	vld [tilespmem:s19+$0x450]  }
0x1da: {  	v30 =	vor.u32 v16, v36;
	[tilespmem:v56+s2+$0x0] =	vst.idx.add.f32.msk $0xffff, v29  }
0x1db: {  	v27 =	vmul.f32 v27, v25;
	v29 =	vor.u32 v17, v36;
	[tilespmem:v57+s2+$0x0] =	vst.idx.add.f32.msk $0xffff, v28  }
0x1dc: {  	v59 =	vor.u32 v18, v36;
	v28 =	vmul.f32 v38, v25;
	v57 =	vld [tilespmem:s19+$0x460]  }
0x1dd: {  	v60 =	vor.u32 v19, v36;
	[tilespmem:v58+s2+$0x0] =	vst.idx.add.f32.msk $0xffff, v27;
	v27 =	vmul.f32 v39, v25  }
0x1de: {  	[tilespmem:v31+s2+$0x0] =	vst.idx.add.f32.msk $0xffff, v28;
	v28 =	vmul.f32 v54, v25;
	v31 =	vor.u32 v20, v36  }
0x1df: {  	[tilespmem:v30+s2+$0x0] =	vst.idx.add.f32.msk $0xffff, v27;
	v27 =	vmul.f32 v41, v25;
	v30 =	vor.u32 v21, v36  }
0x1e0: {  	[tilespmem:v29+s2+$0x0] =	vst.idx.add.f32.msk $0xffff, v28;
	v28 =	vmul.f32 v43, v25  }
0x1e1: {  	[tilespmem:v59+s2+$0x0] =	vst.idx.add.f32.msk $0xffff, v27;
	v27 =	vmul.f32 v45, v25  }
0x1e2: {  	v25 =	vmul.f32 v47, v25;
	[tilespmem:v60+s2+$0x0] =	vst.idx.add.f32.msk $0xffff, v28  }
0x1e3: {  	[tilespmem:v31+s2+$0x0] =	vst.idx.add.f32.msk $0xffff, v27  }
0x1e4: {  	v48 =	vshll.u32 v26, $0x8;
	v26 =	vshll.u32 v26, $0x7;
	[tilespmem:v30+s2+$0x0] =	vst.idx.add.f32.msk $0xffff, v25  }
0x1e5: {  	v35 =	vand.u32 $0xFFFFF800, v48;
	v26 =	vand.u32 $0x380, v26;
	v25 =	vld [tilespmem:s19+$0x0]  }
0x1e6: {  	v26 =	vor.u32 v26, v35;
	v27 =	vld [tilespmem:s19+$0x10]  }
0x1e7: {  	v52 =	vor.u32 v2, v26;
	v28 =	vld [tilespmem:s19+$0x20]  }
0x1e8: {  	v54 =	vor.u32 v7, v26;
	v29 =	vld [tilespmem:s19+$0x30]  }
0x1e9: {  	v56 =	vor.u32 v8, v26;
	v30 =	vld [tilespmem:s19+$0x40]  }
0x1ea: {  	v58 =	vor.u32 v9, v26;
	v31 =	vld [tilespmem:s19+$0x50];
	v25 =	vmul.f32 v25, v24  }
0x1eb: {  	v59 =	vld [tilespmem:s19+$0x470];
	v60 =	vor.u32 v10, v26;
	v27 =	vmul.f32 v27, v24  }
0x1ec: {  	v28 =	vmul.f32 v28, v24;
	[tilespmem:v52+s2+$0x0] =	vst.idx.add.f32.msk $0xffff, v25;
	v25 =	vor.u32 v11, v26  }
0x1ed: {  	v29 =	vmul.f32 v29, v24;
	[tilespmem:v54+s2+$0x0] =	vst.idx.add.f32.msk $0xffff, v27;
	v27 =	vor.u32 v12, v26  }
0x1ee: {  	v30 =	vmul.f32 v30, v24;
	[tilespmem:v56+s2+$0x0] =	vst.idx.add.f32.msk $0xffff, v28;
	v28 =	vor.u32 v13, v26  }
0x1ef: {  	v31 =	vmul.f32 v31, v24;
	[tilespmem:v58+s2+$0x0] =	vst.idx.add.f32.msk $0xffff, v29;
	v29 =	vor.u32 v14, v26  }
0x1f0: {  	v32 =	vmul.f32 v61, v24;
	[tilespmem:v60+s2+$0x0] =	vst.idx.add.f32.msk $0xffff, v30;
	v30 =	vor.u32 v15, v26  }
0x1f1: {  	v33 =	vmul.f32 v62, v24;
	[tilespmem:v25+s2+$0x0] =	vst.idx.add.f32.msk $0xffff, v31;
	v25 =	vor.u32 v16, v26  }
0x1f2: {  	v31 =	vmul.f32 v63, v24;
	[tilespmem:v27+s2+$0x0] =	vst.idx.add.f32.msk $0xffff, v32;
	v27 =	vor.u32 v17, v26  }
0x1f3: {  	v61 =	vmul.f32 v49, v24;
	[tilespmem:v28+s2+$0x0] =	vst.idx.add.f32.msk $0xffff, v33;
	v28 =	vor.u32 v18, v26  }
0x1f4: {  	v62 =	vmul.f32 v50, v24;
	[tilespmem:v29+s2+$0x0] =	vst.idx.add.f32.msk $0xffff, v31;
	v29 =	vor.u32 v19, v26  }
0x1f5: {  	v31 =	vmul.f32 v51, v24;
	[tilespmem:v30+s2+$0x0] =	vst.idx.add.f32.msk $0xffff, v61;
	v30 =	vor.u32 v20, v26  }
0x1f6: {  	v63 =	vmul.f32 v53, v24;
	[tilespmem:v25+s2+$0x0] =	vst.idx.add.f32.msk $0xffff, v62;
	v25 =	vor.u32 v21, v26  }
0x1f7: {  	v26 =	vmul.f32 v55, v24;
	[tilespmem:v27+s2+$0x0] =	vst.idx.add.f32.msk $0xffff, v31  }
0x1f8: {  	v27 =	vmul.f32 v57, v24;
	[tilespmem:v28+s2+$0x0] =	vst.idx.add.f32.msk $0xffff, v63  }
0x1f9: {  	v24 =	vmul.f32 v59, v24;
	[tilespmem:v29+s2+$0x0] =	vst.idx.add.f32.msk $0xffff, v26  }
0x1fa: {  	[tilespmem:v30+s2+$0x0] =	vst.idx.add.f32.msk $0xffff, v27  }
0x1fb: {  	[tilespmem:v25+s2+$0x0] =	vst.idx.add.f32.msk $0xffff, v24  }
0x1fc: {  	_ =	swait.ge [sflag:s30], $0x2000  }
0x1fd: {  	[sflag:s30] =	ssyncset.done $0x0  }
0x1fe: {  	[sflag:s30] =	ssyncadd.s32 $0xFFFFE000  }
0x1ff: {  	v24 =	vld @!p0 [tilespmem:s17+$0x14200];
	_ =	sdelay $0x4  }
0x200: {  	v25 =	vshll.u32 @!p0 v24, $0x1  }
0x201: {  	v26 =	vlaneseq.u32 @!p0;
	v24 =	vand.u32 @!p0 $0x7, v24;
	v25 =	vand.u32 @!p0 $0xFFFFFFF0, v25  }
0x202: {  	v27 =	vshrl.u32 @!p0 v26, $0x3;
	v24 =	vor.u32 @!p0 v24, v25;
	v25 =	vand.u32 @!p0 $0x7, v26  }
0x203: {  	v27 =	vmul.u32 @!p0 $0x8, v27;
	v28 =	vperm.xlane @!p0 v24, v25  }
0x204: {  	v26 =	vor.u32 @!p0 $0x8, v26  }
0x205: {  	v24 =	vperm.xlane @!p0 v24, v26;
	v28 =	vadd.s32 @!p0 v27, v28;
	_ =	sdelay $0x1  }
0x206: {  	v24 =	vadd.s32 @!p0 v27, v24;
	_ =	sdelay $0x1  }
0x207: {  	s18 =	simm.s32 @!p0 $0x0;
	s16 =	simm.s32 @!p0 $0x1A800  }
0x208: {  	[tilespmem:s16], [sflag:$0x2] =	stream.indirect_vreg.gather @!p0 [hbm4b:s3+s18], $0x80, v28, vm1, $0xb8;
	[tilespmem:$0x1E880] =	vst v63  }
0x209: {  	s16 =	simm.s32 @!p0 $0x1B000  }
0x20a: {  	[tilespmem:s16], [sflag:$0x2] =	stream.indirect_vreg.gather @!p0 [hbm4b:s3+s18], $0x80, v24, vm1, $0xb8;
	[tilespmem:$0x1E880] =	vst v63  }
0x20b: {  	v24 =	vld @!p0 [tilespmem:s17+$0x14210];
	_ =	sdelay $0x4  }
0x20c: {  	v28 =	vshll.u32 @!p0 v24, $0x1  }
0x20d: {  	v24 =	vand.u32 @!p0 $0x7, v24;
	v28 =	vand.u32 @!p0 $0xFFFFFFF0, v28  }
0x20e: {  	v24 =	vor.u32 @!p0 v24, v28  }
0x20f: {  	s16 =	simm.s32 $0x0;
	v25 =	vperm.xlane @!p0 v24, v25  }
0x210: {  	v24 =	vperm.xlane @!p0 v24, v26;
	v26 =	vmov s16  }
0x211: {  	v26 =	vand.u32 $0x7E, v26;
	v28 =	vadd.s32 @!p0 v27, v25;
	v25 =	vmov s13  }
0x212: {  	v26 =	vor.u32 v25, v26  }
0x213: {  	v24 =	vadd.s32 @!p0 v27, v24;
	v26 =	vbroadcast v26, $0x0;
	_ =	sdelay $0x1  }
0x214: {  	s20 =	simm.s32 $0x1;
	s13 =	simm.s32 @!p0 $0x1B800  }
0x215: {  	[tilespmem:s13], [sflag:$0x2] =	stream.indirect_vreg.gather @!p0 [hbm4b:s3+s18], $0x80, v28, vm1, $0xb8;
	[tilespmem:$0x1E880] =	vst v63  }
0x216: {  	s17 =	simm.s32 @!p0 $0x1C000;
	s21 =	sand.u32 $0x1800, s16;
	v27 =	vmov s20;
	s13 =	simm.s32 $0x80  }
0x217: {  	[tilespmem:s17], [sflag:$0x2] =	stream.indirect_vreg.gather @!p0 [hbm4b:s3+s18], $0x80, v24, vm1, $0xb8;
	v24 =	vand.u32 $0x7F, v27;
	[tilespmem:$0x1E880] =	vst v63  }
0x218: {  	s22 =	sand.u32 $0x380, s13;
	s17 =	sadd.s32 $0x1C800, s21;
	v27 =	vor.u32 v25, v24;
	v24 =	vld.idx.msk [tilespmem:v26+s15+$0x0], $0xffff  }
0x219: {  	v26 =	vld.idx.msk [tilespmem:v26+s14+$0x0], $0xffff;
	s19 =	sor.u32 s22, s17;
	v36 =	vbroadcast v27, $0x0  }
0x21a: {  	v35 =	vld [tilespmem:s19+$0x0]  }
0x21b: {  	v34 =	vld [tilespmem:s19+$0x10]  }
0x21c: {  	v33 =	vld [tilespmem:s19+$0x20]  }
0x21d: {  	v32 =	vld [tilespmem:s19+$0x30]  }
0x21e: {  	v31 =	vld [tilespmem:s19+$0x40]  }
0x21f: {  	v37 =	vld.idx.msk [tilespmem:v36+s14+$0x0], $0xffff  }
0x220: {  	v30 =	vld [tilespmem:s19+$0x50]  }
0x221: {  	s23 =	simm.s32 $0x0;
	v29 =	vld [tilespmem:s19+$0x60]  }
0x222: {  	s18 =	sand.u32 $0x300, s23;
	v28 =	vld [tilespmem:s19+$0x70]  }
0x223: {  	s17 =	sor.u32 s18, s17;
	s18 =	simm.s32 $0x2;
	v27 =	vld [tilespmem:s19+$0x400]  }
.LBB2_13:
0x224: {  	p0 =	slt.u32 s18, $0x1E;
	v36 =	vld.idx.msk [tilespmem:v36+s15+$0x0], $0xffff;
	v38 =	vshll.u32 v37, $0x8;
	v37 =	vshll.u32 v37, $0x7  }
0x225: {  	v39 =	vld [tilespmem:s19+$0x410];
	v38 =	vand.u32 $0xFFFFF800, v38;
	v37 =	vand.u32 $0x380, v37  }
0x226: {  	v40 =	vld [tilespmem:s19+$0x420];
	v37 =	vor.u32 v37, v38  }
0x227: {  	v38 =	vld [tilespmem:s19+$0x430];
	v41 =	vor.u32 v2, v37  }
0x228: {  	v43 =	vor.u32 v7, v37;
	v42 =	vld [tilespmem:s19+$0x440]  }
0x229: {  	v45 =	vor.u32 v8, v37;
	v44 =	vld [tilespmem:s19+$0x450]  }
0x22a: {  	v47 =	vor.u32 v9, v37;
	v35 =	vmul.f32 v35, v36;
	v46 =	vld [tilespmem:s19+$0x460]  }
0x22b: {  	v49 =	vor.u32 v10, v37;
	v34 =	vmul.f32 v34, v36;
	v48 =	vld [tilespmem:s19+$0x470]  }
0x22c: {  	v33 =	vmul.f32 v33, v36;
	[tilespmem:v41+s2+$0x0] =	vst.idx.add.f32.msk $0xffff, v35;
	v35 =	vor.u32 v11, v37  }
0x22d: {  	v32 =	vmul.f32 v32, v36;
	[tilespmem:v43+s2+$0x0] =	vst.idx.add.f32.msk $0xffff, v34;
	v34 =	vor.u32 v12, v37  }
0x22e: {  	v31 =	vmul.f32 v31, v36;
	[tilespmem:v45+s2+$0x0] =	vst.idx.add.f32.msk $0xffff, v33;
	v33 =	vor.u32 v13, v37  }
0x22f: {  	v30 =	vmul.f32 v30, v36;
	[tilespmem:v47+s2+$0x0] =	vst.idx.add.f32.msk $0xffff, v32;
	v32 =	vor.u32 v14, v37  }
0x230: {  	v29 =	vmul.f32 v29, v36;
	[tilespmem:v49+s2+$0x0] =	vst.idx.add.f32.msk $0xffff, v31;
	v31 =	vor.u32 v15, v37  }
0x231: {  	v28 =	vmul.f32 v28, v36;
	[tilespmem:v35+s2+$0x0] =	vst.idx.add.f32.msk $0xffff, v30;
	v30 =	vor.u32 v16, v37  }
0x232: {  	v27 =	vmul.f32 v27, v36;
	[tilespmem:v34+s2+$0x0] =	vst.idx.add.f32.msk $0xffff, v29;
	v29 =	vor.u32 v17, v37  }
0x233: {  	[tilespmem:v33+s2+$0x0] =	vst.idx.add.f32.msk $0xffff, v28;
	v28 =	vmul.f32 v39, v36;
	v33 =	vor.u32 v18, v37  }
0x234: {  	[tilespmem:v32+s2+$0x0] =	vst.idx.add.f32.msk $0xffff, v27;
	v27 =	vmul.f32 v40, v36;
	v32 =	vor.u32 v19, v37  }
0x235: {  	[tilespmem:v31+s2+$0x0] =	vst.idx.add.f32.msk $0xffff, v28;
	v28 =	vmul.f32 v38, v36;
	v31 =	vor.u32 v20, v37  }
0x236: {  	[tilespmem:v30+s2+$0x0] =	vst.idx.add.f32.msk $0xffff, v27;
	v27 =	vmul.f32 v42, v36;
	v30 =	vor.u32 v21, v37  }
0x237: {  	[tilespmem:v29+s2+$0x0] =	vst.idx.add.f32.msk $0xffff, v28;
	v28 =	vmul.f32 v44, v36  }
0x238: {  	[tilespmem:v33+s2+$0x0] =	vst.idx.add.f32.msk $0xffff, v27;
	v27 =	vmul.f32 v46, v36  }
0x239: {  	[tilespmem:v32+s2+$0x0] =	vst.idx.add.f32.msk $0xffff, v28;
	v28 =	vmul.f32 v48, v36  }
0x23a: {  	[tilespmem:v31+s2+$0x0] =	vst.idx.add.f32.msk $0xffff, v27  }
0x23b: {  	[tilespmem:v30+s2+$0x0] =	vst.idx.add.f32.msk $0xffff, v28  }
0x23c: {  	v27 =	vld [tilespmem:s17+$0x0]  }
0x23d: {  	v28 =	vld [tilespmem:s17+$0x10]  }
0x23e: {  	v29 =	vld [tilespmem:s17+$0x20]  }
0x23f: {  	v30 =	vld [tilespmem:s17+$0x30]  }
0x240: {  	v31 =	vld [tilespmem:s17+$0x40]  }
0x241: {  	v32 =	vld [tilespmem:s17+$0x50];
	v27 =	vmul.f32 v27, v24  }
0x242: {  	v33 =	vld [tilespmem:s17+$0x60];
	v28 =	vmul.f32 v28, v24  }
0x243: {  	v34 =	vld [tilespmem:s17+$0x70];
	v29 =	vmul.f32 v29, v24  }
0x244: {  	v36 =	vshll.u32 v26, $0x8;
	v26 =	vshll.u32 v26, $0x7;
	v35 =	vld [tilespmem:s17+$0x400];
	v30 =	vmul.f32 v30, v24  }
0x245: {  	v36 =	vand.u32 $0xFFFFF800, v36;
	v26 =	vand.u32 $0x380, v26;
	v37 =	vld [tilespmem:s17+$0x410];
	v31 =	vmul.f32 v31, v24  }
0x246: {  	v26 =	vor.u32 v26, v36;
	v38 =	vld [tilespmem:s17+$0x420];
	v32 =	vmul.f32 v32, v24  }
0x247: {  	v39 =	vor.u32 v2, v26;
	v36 =	vld [tilespmem:s17+$0x430];
	v33 =	vmul.f32 v33, v24  }
0x248: {  	v41 =	vor.u32 v7, v26;
	v40 =	vld [tilespmem:s17+$0x440];
	v34 =	vmul.f32 v34, v24  }
0x249: {  	v43 =	vor.u32 v8, v26;
	v42 =	vld [tilespmem:s17+$0x450];
	v35 =	vmul.f32 v35, v24  }
0x24a: {  	v45 =	vor.u32 v9, v26;
	v44 =	vld [tilespmem:s17+$0x460];
	v37 =	vmul.f32 v37, v24  }
0x24b: {  	v47 =	vor.u32 v10, v26;
	v46 =	vld [tilespmem:s17+$0x470];
	v38 =	vmul.f32 v38, v24  }
0x24c: {  	[tilespmem:v39+s2+$0x0] =	vst.idx.add.f32.msk $0xffff, v27;
	v27 =	vor.u32 v11, v26;
	v36 =	vmul.f32 v36, v24  }
0x24d: {  	[tilespmem:v41+s2+$0x0] =	vst.idx.add.f32.msk $0xffff, v28;
	v28 =	vor.u32 v12, v26;
	v39 =	vmul.f32 v40, v24  }
0x24e: {  	[tilespmem:v43+s2+$0x0] =	vst.idx.add.f32.msk $0xffff, v29;
	v29 =	vor.u32 v13, v26;
	v40 =	vmul.f32 v42, v24  }
0x24f: {  	[tilespmem:v45+s2+$0x0] =	vst.idx.add.f32.msk $0xffff, v30;
	v30 =	vor.u32 v14, v26;
	v41 =	vmul.f32 v44, v24  }
0x250: {  	[tilespmem:v47+s2+$0x0] =	vst.idx.add.f32.msk $0xffff, v31;
	v31 =	vor.u32 v15, v26;
	v24 =	vmul.f32 v46, v24  }
0x251: {  	[tilespmem:v27+s2+$0x0] =	vst.idx.add.f32.msk $0xffff, v32;
	v27 =	vor.u32 v16, v26  }
0x252: {  	[tilespmem:v28+s2+$0x0] =	vst.idx.add.f32.msk $0xffff, v33;
	v28 =	vor.u32 v17, v26  }
0x253: {  	v32 =	vmov s18;
	[tilespmem:v29+s2+$0x0] =	vst.idx.add.f32.msk $0xffff, v34;
	v29 =	vor.u32 v18, v26  }
0x254: {  	v32 =	vand.u32 $0x7E, v32;
	[tilespmem:v30+s2+$0x0] =	vst.idx.add.f32.msk $0xffff, v35;
	v30 =	vor.u32 v19, v26  }
0x255: {  	v32 =	vor.u32 v25, v32;
	[tilespmem:v31+s2+$0x0] =	vst.idx.add.f32.msk $0xffff, v37;
	v31 =	vor.u32 v20, v26  }
0x256: {  	v32 =	vbroadcast v32, $0x0;
	v26 =	vor.u32 v21, v26;
	[tilespmem:v27+s2+$0x0] =	vst.idx.add.f32.msk $0xffff, v38  }
0x257: {  	[tilespmem:v28+s2+$0x0] =	vst.idx.add.f32.msk $0xffff, v36  }
0x258: {  	s17 =	sadd.s32 $0x1, s18;
	[tilespmem:v29+s2+$0x0] =	vst.idx.add.f32.msk $0xffff, v39  }
0x259: {  	v27 =	vmov s17;
	[tilespmem:v30+s2+$0x0] =	vst.idx.add.f32.msk $0xffff, v40  }
0x25a: {  	s16 =	sadd.s32 $0x200, s16;
	v27 =	vand.u32 $0x7F, v27;
	[tilespmem:v31+s2+$0x0] =	vst.idx.add.f32.msk $0xffff, v41  }
0x25b: {  	s13 =	sadd.s32 $0x100, s13;
	s17 =	sand.u32 $0x1800, s16;
	v27 =	vor.u32 v25, v27;
	[tilespmem:v26+s2+$0x0] =	vst.idx.add.f32.msk $0xffff, v24  }
0x25c: {  	s20 =	sand.u32 $0x380, s13;
	s19 =	sadd.s32 $0xFFFFFF80, s13;
	s17 =	sadd.s32 $0x1C800, s17;
	v36 =	vbroadcast v27, $0x0;
	v24 =	vld.idx.msk [tilespmem:v32+s15+$0x0], $0xffff  }
0x25d: {  	s21 =	sand.u32 $0x300, s19;
	s19 =	sor.u32 s20, s17;
	v26 =	vld.idx.msk [tilespmem:v32+s14+$0x0], $0xffff  }
0x25e: {  	s17 =	sor.u32 s21, s17;
	v35 =	vld [tilespmem:s19+$0x0]  }
0x25f: {  	v34 =	vld [tilespmem:s19+$0x10]  }
0x260: {  	v33 =	vld [tilespmem:s19+$0x20]  }
0x261: {  	v32 =	vld [tilespmem:s19+$0x30]  }
0x262: {  	v37 =	vld.idx.msk [tilespmem:v36+s14+$0x0], $0xffff  }
.Ltmp7:
0x263: {  	v31 =	vld [tilespmem:s19+$0x40];
	(pc) =	sbr.rel @p0 .LBB2_13-.Ltmp7, $4  }
0x264: {  	v30 =	vld [tilespmem:s19+$0x50]  }
0x265: {  	v29 =	vld [tilespmem:s19+$0x60]  }
0x266: {  	v28 =	vld [tilespmem:s19+$0x70]  }
0x267: {  	s18 =	sadd.s32 $0x2, s18;
	v27 =	vld [tilespmem:s19+$0x400]  }
0x268: {  	_ =	sdelay $0x3  }
0x269: {  	v25 =	vld.idx.msk [tilespmem:v36+s15+$0x0], $0xffff  }
0x26a: {  	v38 =	vld [tilespmem:s19+$0x410]  }
0x26b: {  	v39 =	vld [tilespmem:s19+$0x420]  }
0x26c: {  	v63 =	vld [tilespmem:s19+$0x430]  }
0x26d: {  	v41 =	vld [tilespmem:s19+$0x440]  }
0x26e: {  	v61 =	vshll.u32 v37, $0x8;
	v62 =	vshll.u32 v37, $0x7;
	v43 =	vld [tilespmem:s19+$0x450]  }
0x26f: {  	v45 =	vld [tilespmem:s19+$0x460];
	v36 =	vand.u32 $0xFFFFF800, v61;
	v37 =	vand.u32 $0x380, v62  }
0x270: {  	v47 =	vld [tilespmem:s19+$0x470];
	v36 =	vor.u32 v37, v36  }
0x271: {  	v62 =	vld [tilespmem:s17+$0x0];
	v40 =	vor.u32 v2, v36  }
0x272: {  	v42 =	vor.u32 v7, v36;
	v56 =	vmul.f32 v63, v25;
	v63 =	vld [tilespmem:s17+$0x10]  }
0x273: {  	v44 =	vor.u32 v8, v36;
	v58 =	vmul.f32 v41, v25;
	v41 =	vld [tilespmem:s17+$0x450]  }
0x274: {  	v46 =	vor.u32 v9, v36;
	v35 =	vmul.f32 v35, v25;
	v60 =	vmul.f32 v43, v25;
	v43 =	vld [tilespmem:s17+$0x460]  }
0x275: {  	v48 =	vor.u32 v10, v36;
	v34 =	vmul.f32 v34, v25;
	v61 =	vmul.f32 v45, v25;
	v45 =	vld [tilespmem:s17+$0x470]  }
0x276: {  	v33 =	vmul.f32 v33, v25;
	[tilespmem:v40+s2+$0x0] =	vst.idx.add.f32.msk $0xffff, v35  }
0x277: {  	v32 =	vmul.f32 v32, v25;
	v40 =	vor.u32 v11, v36;
	[tilespmem:v42+s2+$0x0] =	vst.idx.add.f32.msk $0xffff, v34  }
0x278: {  	v31 =	vmul.f32 v31, v25;
	v42 =	vor.u32 v12, v36;
	[tilespmem:v44+s2+$0x0] =	vst.idx.add.f32.msk $0xffff, v33  }
0x279: {  	[tilespmem:v46+s2+$0x0] =	vst.idx.add.f32.msk $0xffff, v32  }
0x27a: {  	v30 =	vmul.f32 v30, v25;
	v44 =	vor.u32 v13, v36;
	[tilespmem:v48+s2+$0x0] =	vst.idx.add.f32.msk $0xffff, v31  }
0x27b: {  	v29 =	vmul.f32 v29, v25;
	v48 =	vld [tilespmem:s17+$0x40]  }
0x27c: {  	v46 =	vor.u32 v14, v36;
	[tilespmem:v40+s2+$0x0] =	vst.idx.add.f32.msk $0xffff, v30  }
0x27d: {  	v49 =	vor.u32 v15, v36;
	v28 =	vmul.f32 v28, v25;
	[tilespmem:v42+s2+$0x0] =	vst.idx.add.f32.msk $0xffff, v29  }
0x27e: {  	v29 =	vld [tilespmem:s17+$0x30]  }
0x27f: {  	v27 =	vmul.f32 v27, v25;
	[tilespmem:v44+s2+$0x0] =	vst.idx.add.f32.msk $0xffff, v28  }
0x280: {  	v50 =	vor.u32 v16, v36;
	v52 =	vmul.f32 v38, v25;
	v28 =	vld [tilespmem:s17+$0x20]  }
0x281: {  	[tilespmem:v46+s2+$0x0] =	vst.idx.add.f32.msk $0xffff, v27  }
0x282: {  	v51 =	vor.u32 v17, v36;
	[tilespmem:v49+s2+$0x0] =	vst.idx.add.f32.msk $0xffff, v52  }
0x283: {  	v54 =	vmul.f32 v39, v25;
	v49 =	vld [tilespmem:s17+$0x50]  }
0x284: {  	v53 =	vor.u32 v18, v36;
	v52 =	vld [tilespmem:s17+$0x400]  }
0x285: {  	[tilespmem:v50+s2+$0x0] =	vst.idx.add.f32.msk $0xffff, v54  }
0x286: {  	v55 =	vor.u32 v19, v36;
	v50 =	vld [tilespmem:s17+$0x60]  }
0x287: {  	[tilespmem:v51+s2+$0x0] =	vst.idx.add.f32.msk $0xffff, v56  }
0x288: {  	v57 =	vor.u32 v20, v36;
	v51 =	vld [tilespmem:s17+$0x70]  }
0x289: {  	v54 =	vshll.u32 v26, $0x7;
	[tilespmem:v53+s2+$0x0] =	vst.idx.add.f32.msk $0xffff, v58;
	v53 =	vshll.u32 v26, $0x8  }
0x28a: {  	v59 =	vor.u32 v21, v36;
	v56 =	vld [tilespmem:s17+$0x420];
	v26 =	vand.u32 $0x380, v54;
	v35 =	vand.u32 $0xFFFFF800, v53  }
0x28b: {  	[tilespmem:v55+s2+$0x0] =	vst.idx.add.f32.msk $0xffff, v60;
	v26 =	vor.u32 v26, v35  }
0x28c: {  	v55 =	vld [tilespmem:s17+$0x410];
	v58 =	vor.u32 v2, v26  }
0x28d: {  	v25 =	vmul.f32 v47, v25;
	[tilespmem:v57+s2+$0x0] =	vst.idx.add.f32.msk $0xffff, v61;
	v60 =	vor.u32 v7, v26  }
0x28e: {  	v57 =	vld [tilespmem:s17+$0x430];
	v61 =	vor.u32 v8, v26  }
0x28f: {  	[tilespmem:v59+s2+$0x0] =	vst.idx.add.f32.msk $0xffff, v25;
	v25 =	vmul.f32 v62, v24;
	v62 =	vor.u32 v9, v26  }
0x290: {  	v27 =	vmul.f32 v63, v24;
	v59 =	vld [tilespmem:s17+$0x440];
	v63 =	vor.u32 v10, v26  }
0x291: {  	v28 =	vmul.f32 v28, v24;
	v38 =	vor.u32 v11, v26;
	[tilespmem:v58+s2+$0x0] =	vst.idx.add.f32.msk $0xffff, v25  }
0x292: {  	v29 =	vmul.f32 v29, v24;
	v40 =	vor.u32 v12, v26;
	[tilespmem:v60+s2+$0x0] =	vst.idx.add.f32.msk $0xffff, v27  }
0x293: {  	v30 =	vmul.f32 v48, v24;
	v47 =	vor.u32 v13, v26;
	[tilespmem:v61+s2+$0x0] =	vst.idx.add.f32.msk $0xffff, v28  }
0x294: {  	v31 =	vmul.f32 v49, v24;
	v48 =	vor.u32 v14, v26;
	[tilespmem:v62+s2+$0x0] =	vst.idx.add.f32.msk $0xffff, v29  }
0x295: {  	v32 =	vmul.f32 v50, v24;
	v49 =	vor.u32 v15, v26;
	[tilespmem:v63+s2+$0x0] =	vst.idx.add.f32.msk $0xffff, v30  }
0x296: {  	v50 =	vor.u32 v16, v26;
	v33 =	vmul.f32 v51, v24;
	[tilespmem:v38+s2+$0x0] =	vst.idx.add.f32.msk $0xffff, v31  }
0x297: {  	v51 =	vmul.f32 v52, v24;
	v52 =	vor.u32 v17, v26;
	[tilespmem:v40+s2+$0x0] =	vst.idx.add.f32.msk $0xffff, v32  }
0x298: {  	v54 =	vor.u32 v18, v26;
	v53 =	vmul.f32 v55, v24;
	[tilespmem:v47+s2+$0x0] =	vst.idx.add.f32.msk $0xffff, v33  }
0x299: {  	v55 =	vmul.f32 v56, v24;
	v56 =	vor.u32 v19, v26;
	[tilespmem:v48+s2+$0x0] =	vst.idx.add.f32.msk $0xffff, v51  }
0x29a: {  	s31 =	sadd.s32 $0x1, s31;
	v57 =	vmul.f32 v57, v24;
	v58 =	vor.u32 v20, v26;
	[tilespmem:v49+s2+$0x0] =	vst.idx.add.f32.msk $0xffff, v53  }
0x29b: {  	p0 =	sne.s32 s31, $0x10;
	v59 =	vmul.f32 v59, v24;
	v60 =	vor.u32 v21, v26;
	[tilespmem:v50+s2+$0x0] =	vst.idx.add.f32.msk $0xffff, v55  }
.Ltmp8:
0x29c: {  	v61 =	vmul.f32 v41, v24;
	[tilespmem:v52+s2+$0x0] =	vst.idx.add.f32.msk $0xffff, v57;
	(pc) =	sbr.rel @p0 .LBB2_8-.Ltmp8, $4  }
0x29d: {  	v62 =	vmul.f32 v43, v24;
	[tilespmem:v54+s2+$0x0] =	vst.idx.add.f32.msk $0xffff, v59  }
0x29e: {  	v63 =	vmul.f32 v45, v24;
	[tilespmem:v56+s2+$0x0] =	vst.idx.add.f32.msk $0xffff, v61  }
0x29f: {  	[tilespmem:v58+s2+$0x0] =	vst.idx.add.f32.msk $0xffff, v62  }
0x2a0: {  	[tilespmem:v60+s2+$0x0] =	vst.idx.add.f32.msk $0xffff, v63  }
0x2a1: {  	s9 =	sadd.s32 $0x1, s9  }
0x2a2: {  	p0 =	sne.s32 s9, s1  }
.Ltmp9:
0x2a3: {  	_ = 	snop;
	(pc) =	sbr.rel @p0 .LBB2_5-.Ltmp9, $4  }
.Ltmp10:
0x2a4: {  	_ = 	snop;
	(pc) =	sbr.rel @!p0 .LBB2_16-.Ltmp10, $4  }
0x2a5: {  	_ = 	snop  }
0x2a6: {  	_ = 	snop  }
0x2a7: {  	s0 =	sadd.s32 $0x600, s0  }
0x2a8: {  	_ = 	snop  }
.LBB2_17:
0x2a9: {  	_ =	sfence.sel $0x180000  }
0x2aa: {  	[bflag:$0x0] =	sbarrier.arrive $0xFFFF  }
0x2ab: {  	_ =	strace $0x9000004A  }
0x2ac: {  	s0 =	stileid.u32;
	[bflag:$0x2] =	sbarrier.arrive $0xFFFF  }
0x2ad: {  	p0 =	sne.s32 s0, $0x0;
	s0 =	rddreg [dreg:$0x1]  }
0x2ae: {  	s0 =	sadd.s32 @!p0 $0x100000, s0  }
0x2af: {  	[sflag:s0] =	ssyncadd.tile.s32 @!p0 $0x1;
	_ =	shalt  }
.Lfunc_end2:
_tile_overlayer_lowered:
.L_overlay_start_2:
0x2b0: {  	(tag) =	ssettag $0x2  }
0x2b1: {  	s0 =	rddreg [dreg:$0x0];
	s2 =	stileid.u32  }
0x2b2: {  	s1 =	rddreg [dreg:$0x1];
	p0 =	sne.s32 s2, $0x0  }
0x2b3: {  	s3 =	rddreg [dreg:$0x2];
	[bflag:$0x3] =	sbarrier.arrive $0xFFFF;
	s2 =	simm.s32 @!p0 $0x1C04  }
0x2b4: {  	[timem:s3], [sflag:s2] =	dma.local @!p0 [hbm:s0], s1  }
0x2b5: {  	s0 =	simm.s32 @!p0 $0x4  }
0x2b6: {  	_ =	swait.ge @!p0 [sflag:s0], s1  }
0x2b7: {  	s1 =	ssub.s32 @!p0 $0x0, s1;
	[sflag:s0] =	ssyncset.done @!p0 $0x0  }
0x2b8: {  	[sflag:s0] =	ssyncadd.s32 @!p0 s1  }
0x2b9: {  	[bflag:$0x3] =	sbarrier.arrive $0xFFFF  }
0x2ba: {  	_ =	shalt  }

</sc_bundles>
